<compile_context>
chip_gen: v7x
topology: tpu7x:2x2x1
jax: 0.10.2.dev20260603
libtpu: 0.0.44.dev20260713+nightly
codegen_flags: <defaults>
</compile_context>

<pallas_src>
import functools

import jax
import jax.numpy as jnp
from jax import lax
from jax.experimental import pallas as pl
from jax.experimental.pallas import tpu as pltpu
from jax.experimental.pallas import tpu_sc as plsc

N, E, D = 10000, 320000, 128
NC, NS = 2, 16
NW = NC * NS
NH = N // NC
CH = 128
VR = 16
EPW_A = ((E // NS + CH - 1) // CH) * CH
NCHK_A = EPW_A // CH
EPW_D = ((E // NW + CH - 1) // CH) * CH
NCHK_D = EPW_D // CH
NPH = 5120
RPH = NPH // NS
NDUM = 48
NPAD = 10240
RPS = NPAD // NS



def _make_sc_agg():
    mesh = plsc.VectorSubcoreMesh(core_axis_name="c", subcore_axis_name="s")
    scratch = [
        pltpu.VMEM((NCHK_A, CH), jnp.int32),
        pltpu.VMEM((NCHK_A, CH), jnp.int32),
        pltpu.VMEM((CH,), jnp.int32),
        pltpu.VMEM((CH,), jnp.int32),
        pltpu.VMEM((CH, D), jnp.float32),
        pltpu.VMEM((CH, D), jnp.float32),
        pltpu.VMEM_SHARED((NPH, D), jnp.float32),
        pltpu.SemaphoreType.DMA,
        pltpu.SemaphoreType.DMA,
        pltpu.SemaphoreType.DMA,
        pltpu.SemaphoreType.DMA,
    ]

    def body(h_hbm, srcw, dstw, zrow, out_p, src_v, dst_v, dl0, dl1,
             rw0, rw1, acc_sh, sg0, sg1, ss0, ss1):
        c = lax.axis_index("c")
        s = lax.axis_index("s")
        r0 = s * RPH
        lo = c * NH
        rows = (rw0, rw1)
        dloc = (dl0, dl1)
        sem_g = (sg0, sg1)
        sem_s = (ss0, ss1)
        pltpu.sync_copy(srcw.at[s], src_v)
        pltpu.sync_copy(dstw.at[s], dst_v)
        pltpu.sync_copy(zrow.at[pl.ds(r0, RPH)], acc_sh.at[pl.ds(r0, RPH)])
        plsc.subcore_barrier()

        def remap(j, dv):
            for k in range(CH // VR):
                d = dst_v[j, pl.ds(k * VR, VR)]
                dl = d - lo
                mine = (dl >= 0) & (dl < NH)
                dummy = NH + (j * (CH // VR) + k) % NDUM
                dv[pl.ds(k * VR, VR)] = jnp.where(mine, dl, dummy)

        def wait_scat(p):
            pltpu.make_async_copy(rows[p], acc_sh.at[dloc[p]],
                                  sem_s[p]).wait()

        pltpu.async_copy(h_hbm.at[src_v.at[0]], rw0, sg0)

        def chunk(j, _):
            def it(p):
                pn = 1 - p
                lax.cond(j >= 1, lambda: wait_scat(pn), lambda: None)
                def issue_next():
                    pltpu.async_copy(h_hbm.at[src_v.at[j + 1]], rows[pn],
                                     sem_g[pn])

                lax.cond(j + 1 < NCHK_A, issue_next, lambda: None)
                remap(j, dloc[p])
                pltpu.make_async_copy(h_hbm.at[src_v.at[j]], rows[p],
                                      sem_g[p]).wait()
                pltpu.async_copy(rows[p], acc_sh.at[dloc[p]], sem_s[p],
                                 add=True)

            lax.cond(lax.rem(j, 2) == 0, lambda: it(0), lambda: it(1))
            return 0

        lax.fori_loop(0, NCHK_A, chunk, 0, unroll=False)
        wait_scat((NCHK_A - 1) % 2)
        plsc.subcore_barrier()
        pltpu.sync_copy(acc_sh.at[pl.ds(r0, RPH)], out_p.at[c, pl.ds(r0, RPH)])

    return pl.kernel(body,
                     out_type=jax.ShapeDtypeStruct((NC, NPH, D), jnp.float32),
                     mesh=mesh, scratch_types=scratch, name="sc_segsum")


def _make_sc_deg():
    mesh = plsc.VectorSubcoreMesh(core_axis_name="c", subcore_axis_name="s")
    scratch = [
        pltpu.VMEM((NCHK_D, CH), jnp.int32),
        pltpu.VMEM((NPAD,), jnp.float32),
    ]

    def body(dstw, zdeg, deg_p, dst_v, deg_v):
        c = lax.axis_index("c")
        s = lax.axis_index("s")
        wid = c * NS + s
        pltpu.sync_copy(dstw.at[wid], dst_v)
        pltpu.sync_copy(zdeg, deg_v)
        ones = jnp.ones((VR,), jnp.float32)

        def chunk(j, _):
            for k in range(CH // VR):
                idx = dst_v[j, pl.ds(k * VR, VR)]
                plsc.addupdate_scatter(deg_v, [idx], ones)
            return 0

        lax.fori_loop(0, NCHK_D, chunk, 0, unroll=False)
        pltpu.sync_copy(deg_v, deg_p.at[wid])

    return pl.kernel(body,
                     out_type=jax.ShapeDtypeStruct((NW, NPAD), jnp.float32),
                     mesh=mesh, scratch_types=scratch, name="sc_deg",
                     compiler_params=pltpu.CompilerParams(
                         needs_layout_passes=False))


_sc_agg = _make_sc_agg()
_sc_deg = _make_sc_deg()



RB = 1000
NBH = NH // RB

_SQRT_HALF = 0.7071067811865476


def _gelu(x):
    return 0.5 * x * (1.0 + lax.erf(x * _SQRT_HALF))


RB2 = 1024


def _tc_deginv_body(dg_ref, o_ref):
    dsum = jnp.sum(dg_ref[...], axis=0)
    inv = 1.0 / jnp.maximum(dsum, 1.0)
    o_ref[...] = jnp.broadcast_to(inv, (8, RB2)).T


def _tc_deginv(degs):
    return pl.pallas_call(
        _tc_deginv_body,
        grid=(NPAD // RB2,),
        in_specs=[pl.BlockSpec((NW, RB2), lambda i: (0, i))],
        out_specs=pl.BlockSpec((RB2, 8), lambda i: (i, 0)),
        out_shape=jax.ShapeDtypeStruct((NPAD, 8), jnp.float32),
    )(degs)


def _tc_in_body(x_ref, w_ref, b_ref, o_ref):
    t = jnp.dot(x_ref[...], w_ref[...], preferred_element_type=jnp.float32)
    o_ref[...] = _gelu(t + b_ref[...])


def _tc_in(x, w, b):
    return pl.pallas_call(
        _tc_in_body,
        grid=(N // RB,),
        in_specs=[
            pl.BlockSpec((RB, D), lambda i: (i, 0)),
            pl.BlockSpec((D, D), lambda i: (0, 0)),
            pl.BlockSpec((1, D), lambda i: (0, 0)),
        ],
        out_specs=pl.BlockSpec((RB, D), lambda i: (i, 0)),
        out_shape=jax.ShapeDtypeStruct((N, D), jnp.float32),
    )(x, w, b)


def _tc_layer_body(final, p_ref, dg_ref, h_ref, wl_ref, bl_ref, wr_ref,
                   g_ref, be_ref, *rest):
    if final:
        wo_ref, bo_ref, o_ref = rest
    else:
        (o_ref,) = rest
    agg = p_ref[0]
    mean = agg * dg_ref[:, 0:1]
    t = (jnp.dot(mean, wl_ref[...], preferred_element_type=jnp.float32)
         + jnp.dot(h_ref[...], wr_ref[...], preferred_element_type=jnp.float32)
         + bl_ref[...])
    mu = jnp.mean(t, axis=-1, keepdims=True)
    var = jnp.mean((t - mu) ** 2, axis=-1, keepdims=True)
    y = (t - mu) * lax.rsqrt(var + 1e-5) * g_ref[...] + be_ref[...]
    h_new = _gelu(y) + h_ref[...]
    if final:
        o_ref[...] = (jnp.dot(h_new, wo_ref[...],
                              preferred_element_type=jnp.float32)
                      + bo_ref[...])
    else:
        o_ref[...] = h_new


def _tc_layer(parts, degs, h, wl, bl, wr, g, be, wo=None, bo=None):
    final = wo is not None
    in_specs = [
        pl.BlockSpec((1, RB, D), lambda i: (i // NBH, i % NBH, 0)),
        pl.BlockSpec((RB, 8), lambda i: (i, 0)),
        pl.BlockSpec((RB, D), lambda i: (i, 0)),
        pl.BlockSpec((D, D), lambda i: (0, 0)),
        pl.BlockSpec((1, D), lambda i: (0, 0)),
        pl.BlockSpec((D, D), lambda i: (0, 0)),
        pl.BlockSpec((1, D), lambda i: (0, 0)),
        pl.BlockSpec((1, D), lambda i: (0, 0)),
    ]
    args = [parts, degs, h, wl, bl, wr, g, be]
    if final:
        in_specs += [pl.BlockSpec((D, D), lambda i: (0, 0)),
                     pl.BlockSpec((1, D), lambda i: (0, 0))]
        args += [wo, bo]
    return pl.pallas_call(
        functools.partial(_tc_layer_body, final),
        grid=(N // RB,),
        in_specs=in_specs,
        out_specs=pl.BlockSpec((RB, D), lambda i: (i, 0)),
        out_shape=jax.ShapeDtypeStruct((N, D), jnp.float32),
    )(*args)



def kernel(x, edge_index, W_in, b_in, Wl0, bl0, Wr0, g0, be0, Wl1, bl1, Wr1,
           g1, be1, Wl2, bl2, Wr2, g2, be2, W_out, b_out):
    src, dst = edge_index[0], edge_index[1]
    pad_a = NS * EPW_A - E
    srcw = jnp.concatenate(
        [src, jnp.zeros((pad_a,), jnp.int32)]).reshape(NS, NCHK_A, CH)
    dstw = jnp.concatenate(
        [dst, jnp.full((pad_a,), -1, jnp.int32)]).reshape(NS, NCHK_A, CH)
    pad_d = NW * EPW_D - E
    dstw_d = jnp.concatenate(
        [dst, jnp.full((pad_d,), N, jnp.int32)]).reshape(NW, NCHK_D, CH)
    zrow = jnp.zeros((NPH, D), jnp.float32)
    zdeg = jnp.zeros((NPAD,), jnp.float32)

    h = _tc_in(x, W_in, b_in.reshape(1, D))
    degs = _tc_deginv(_sc_deg(dstw_d, zdeg))
    parts = _sc_agg(h, srcw, dstw, zrow)
    h = _tc_layer(parts, degs, h, Wl0, bl0.reshape(1, D), Wr0,
                  g0.reshape(1, D), be0.reshape(1, D))
    parts = _sc_agg(h, srcw, dstw, zrow)
    h = _tc_layer(parts, degs, h, Wl1, bl1.reshape(1, D), Wr1,
                  g1.reshape(1, D), be1.reshape(1, D))
    parts = _sc_agg(h, srcw, dstw, zrow)
    out = _tc_layer(parts, degs, h, Wl2, bl2.reshape(1, D), Wr2,
                    g2.reshape(1, D), be2.reshape(1, D),
                    W_out, b_out.reshape(1, D))
    return out

# --- scband reference (transcript-rebuilt; emitter-appended) ---
"""Pipeline reference for scband-residual-graph-sage-12893491822681 (READ-ONLY COPY).

The authoritative reference and input builder live on the scoring server;
editing this copy changes nothing except your own understanding.
"""

import jax, jax.numpy as jnp
import numpy as np

N, E, D = 10000, 320000, 128
NUM_LAYERS = 3


def setup_inputs(seed: int = 0) -> dict:
    key = jax.random.key(seed)
    ks = jax.random.split(key, 8 + 6 * NUM_LAYERS)
    inp = {}
    inp["x"] = jax.random.normal(ks[0], (N, D), dtype=jnp.float32)
    inp["edge_index"] = jax.random.randint(ks[1], (2, E), 0, N, dtype=jnp.int32)
    s = 0.05
    inp["W_in"] = jax.random.normal(ks[2], (D, D), dtype=jnp.float32) * s
    inp["b_in"] = jnp.zeros((D,), dtype=jnp.float32)
    for i in range(NUM_LAYERS):
        inp[f"Wl{i}"] = jax.random.normal(ks[3 + 2 * i], (D, D), dtype=jnp.float32) * s
        inp[f"bl{i}"] = jnp.zeros((D,), dtype=jnp.float32)
        inp[f"Wr{i}"] = jax.random.normal(ks[4 + 2 * i], (D, D), dtype=jnp.float32) * s
        inp[f"g{i}"] = jnp.ones((D,), dtype=jnp.float32)
        inp[f"be{i}"] = jnp.zeros((D,), dtype=jnp.float32)
    inp["W_out"] = jax.random.normal(ks[3 + 2 * NUM_LAYERS], (D, D), dtype=jnp.float32) * s
    inp["b_out"] = jnp.zeros((D,), dtype=jnp.float32)
    return inp


def _layer_norm(x, g, b, eps=1e-5):
    mu = jnp.mean(x, axis=-1, keepdims=True)
    var = jnp.mean((x - mu) ** 2, axis=-1, keepdims=True)
    return (x - mu) / jnp.sqrt(var + eps) * g + b


def _sage_conv(h, src, dst, Wl, bl, Wr):
    # PyG SAGEConv: out = lin_l(mean_{j in N(i)} x_j) + lin_r(x_i)
    msg = jnp.take(h, src, axis=0)
    agg = jax.ops.segment_sum(msg, dst, num_segments=N)
    deg = jax.ops.segment_sum(jnp.ones((dst.shape[0],), dtype=h.dtype), dst, num_segments=N)
    mean = agg / jnp.clip(deg, 1.0)[:, None]
    return mean @ Wl + bl + h @ Wr


def reference(x, edge_index, W_in, b_in, Wl0, bl0, Wr0, g0, be0, Wl1, bl1, Wr1, g1, be1, Wl2, bl2, Wr2, g2, be2, W_out, b_out):
    src, dst = edge_index[0], edge_index[1]
    h = jax.nn.gelu(x @ W_in + b_in, approximate=False)
    layers = [(Wl0, bl0, Wr0, g0, be0), (Wl1, bl1, Wr1, g1, be1), (Wl2, bl2, Wr2, g2, be2)]
    for Wl, bl, Wr, g, be in layers:
        identity = h
        h2 = _sage_conv(h, src, dst, Wl, bl, Wr)
        h2 = _layer_norm(h2, g, be)
        h2 = jax.nn.gelu(h2, approximate=False)
        # dropout is identity in eval mode
        h = h2 + identity
    return h @ W_out + b_out

if __name__ == "__main__":
    import jax
    _d = setup_inputs()
    print(jax.jit(kernel)(*tuple(_d.values())))

</pallas_src>

<mosaic_0001>
#map = affine_map<(d0, d1) -> (0, 0)>
#map1 = affine_map<(d0, d1) -> (0, 0, 0)>
module attributes {stable_mosaic.version = 14 : i64} {
  func.func @sc_segsum(%arg0: i32, %arg1: i32, %arg2: memref<10000x128xf32, #tpu.memory_space<hbm>>, %arg3: memref<16x157x128xi32, #tpu.memory_space<hbm>>, %arg4: memref<16x157x128xi32, #tpu.memory_space<hbm>>, %arg5: memref<5120x128xf32, #tpu.memory_space<hbm>>, %arg6: memref<2x5120x128xf32, #tpu.memory_space<hbm>>, %arg7: memref<157x128xi32, #tpu.memory_space<vmem>>, %arg8: memref<157x128xi32, #tpu.memory_space<vmem>>, %arg9: memref<128xi32, #tpu.memory_space<vmem>>, %arg10: memref<128xi32, #tpu.memory_space<vmem>>, %arg11: memref<128x128xf32, #tpu.memory_space<vmem>>, %arg12: memref<128x128xf32, #tpu.memory_space<vmem>>, %arg13: memref<5120x128xf32, #tpu.memory_space<vmem_shared>>, %arg14: memref<!tpu.dma_semaphore, #tpu.memory_space<semaphore_mem>>, %arg15: memref<!tpu.dma_semaphore, #tpu.memory_space<semaphore_mem>>, %arg16: memref<!tpu.dma_semaphore, #tpu.memory_space<semaphore_mem>>, %arg17: memref<!tpu.dma_semaphore, #tpu.memory_space<semaphore_mem>>) attributes {dimension_semantics = [#tpu.dimension_semantics<core_parallel>, #tpu.dimension_semantics<subcore_parallel>], iteration_bounds = array<i64: 2, 16>, scalar_prefetch = 0 : i64, scratch_operands = 11 : i64, tpu.core_type = #tpu.core_type<sc_vector_subcore>, window_params = [{transform_indices = #map}, {transform_indices = #map1}, {transform_indices = #map1}, {transform_indices = #map}, {transform_indices = #map1}]} {
    %mul3A = arith.constant 320 : i32
    %mul3A_0 = arith.muli %arg1, %mul3A : i32
    %mul3A_1 = arith.constant 5000 : i32
    %mul3A_2 = arith.muli %arg0, %mul3A_1 : i32
    "tpu.region"() ({
      %run_scoped3A = tpu.sem_alloc : memref<!tpu.dma_semaphore, #tpu.memory_space<semaphore_mem>>
      %dma_start3A_18 = arith.constant 0 : i32
      %dma_start3A_19 = arith.constant 0 : i32
      %dma_start3A_20 = tpu.memref_slice %arg3[%arg1, %dma_start3A_18, %dma_start3A_19] : memref<16x157x128xi32, #tpu.memory_space<hbm>> -> memref<1x157x128xi32, #tpu.memory_space<hbm>>
      %dma_start3A_21 = tpu.memref_squeeze %dma_start3A_20 : memref<1x157x128xi32, #tpu.memory_space<hbm>> -> memref<157x128xi32, #tpu.memory_space<hbm>>
      %dma_start3A_22 = arith.constant 0 : i32
      %dma_start3A_23 = arith.constant 0 : i32
      %dma_start3A_24 = tpu.memref_slice %arg3[%arg1, %dma_start3A_22, %dma_start3A_23] : memref<16x157x128xi32, #tpu.memory_space<hbm>> -> memref<1x157x128xi32, #tpu.memory_space<hbm>>
      %dma_start3A_25 = tpu.memref_squeeze %dma_start3A_24 : memref<1x157x128xi32, #tpu.memory_space<hbm>> -> memref<157x128xi32, #tpu.memory_space<hbm>>
      tpu.enqueue_dma source(%dma_start3A_25 : memref<157x128xi32, #tpu.memory_space<hbm>>) target(%arg7 : memref<157x128xi32, #tpu.memory_space<vmem>>) target_semaphore(%run_scoped3A : memref<!tpu.dma_semaphore, #tpu.memory_space<semaphore_mem>>)
      %dma_wait3A_26 = arith.constant 0 : i32
      %dma_wait3A_27 = arith.constant 0 : i32
      %dma_wait3A_28 = tpu.memref_slice %arg3[%arg1, %dma_wait3A_26, %dma_wait3A_27] : memref<16x157x128xi32, #tpu.memory_space<hbm>> -> memref<1x157x128xi32, #tpu.memory_space<hbm>>
      %dma_wait3A_29 = tpu.memref_squeeze %dma_wait3A_28 : memref<1x157x128xi32, #tpu.memory_space<hbm>> -> memref<157x128xi32, #tpu.memory_space<hbm>>
      %dma_wait3A_30 = arith.constant 0 : i32
      %dma_wait3A_31 = arith.constant 0 : i32
      %dma_wait3A_32 = tpu.memref_slice %arg3[%arg1, %dma_wait3A_30, %dma_wait3A_31] : memref<16x157x128xi32, #tpu.memory_space<hbm>> -> memref<1x157x128xi32, #tpu.memory_space<hbm>>
      %dma_wait3A_33 = tpu.memref_squeeze %dma_wait3A_32 : memref<1x157x128xi32, #tpu.memory_space<hbm>> -> memref<157x128xi32, #tpu.memory_space<hbm>>
      tpu.wait_dma2 semaphore(%run_scoped3A : memref<!tpu.dma_semaphore, #tpu.memory_space<semaphore_mem>>) src(%dma_wait3A_33 : memref<157x128xi32, #tpu.memory_space<hbm>>) dst(%arg7 : memref<157x128xi32, #tpu.memory_space<vmem>>)
      tpu.yield
    }) : () -> ()
    "tpu.region"() ({
      %run_scoped3A = tpu.sem_alloc : memref<!tpu.dma_semaphore, #tpu.memory_space<semaphore_mem>>
      %dma_start3A_18 = arith.constant 0 : i32
      %dma_start3A_19 = arith.constant 0 : i32
      %dma_start3A_20 = tpu.memref_slice %arg4[%arg1, %dma_start3A_18, %dma_start3A_19] : memref<16x157x128xi32, #tpu.memory_space<hbm>> -> memref<1x157x128xi32, #tpu.memory_space<hbm>>
      %dma_start3A_21 = tpu.memref_squeeze %dma_start3A_20 : memref<1x157x128xi32, #tpu.memory_space<hbm>> -> memref<157x128xi32, #tpu.memory_space<hbm>>
      %dma_start3A_22 = arith.constant 0 : i32
      %dma_start3A_23 = arith.constant 0 : i32
      %dma_start3A_24 = tpu.memref_slice %arg4[%arg1, %dma_start3A_22, %dma_start3A_23] : memref<16x157x128xi32, #tpu.memory_space<hbm>> -> memref<1x157x128xi32, #tpu.memory_space<hbm>>
      %dma_start3A_25 = tpu.memref_squeeze %dma_start3A_24 : memref<1x157x128xi32, #tpu.memory_space<hbm>> -> memref<157x128xi32, #tpu.memory_space<hbm>>
      tpu.enqueue_dma source(%dma_start3A_25 : memref<157x128xi32, #tpu.memory_space<hbm>>) target(%arg8 : memref<157x128xi32, #tpu.memory_space<vmem>>) target_semaphore(%run_scoped3A : memref<!tpu.dma_semaphore, #tpu.memory_space<semaphore_mem>>)
      %dma_wait3A_26 = arith.constant 0 : i32
      %dma_wait3A_27 = arith.constant 0 : i32
      %dma_wait3A_28 = tpu.memref_slice %arg4[%arg1, %dma_wait3A_26, %dma_wait3A_27] : memref<16x157x128xi32, #tpu.memory_space<hbm>> -> memref<1x157x128xi32, #tpu.memory_space<hbm>>
      %dma_wait3A_29 = tpu.memref_squeeze %dma_wait3A_28 : memref<1x157x128xi32, #tpu.memory_space<hbm>> -> memref<157x128xi32, #tpu.memory_space<hbm>>
      %dma_wait3A_30 = arith.constant 0 : i32
      %dma_wait3A_31 = arith.constant 0 : i32
      %dma_wait3A_32 = tpu.memref_slice %arg4[%arg1, %dma_wait3A_30, %dma_wait3A_31] : memref<16x157x128xi32, #tpu.memory_space<hbm>> -> memref<1x157x128xi32, #tpu.memory_space<hbm>>
      %dma_wait3A_33 = tpu.memref_squeeze %dma_wait3A_32 : memref<1x157x128xi32, #tpu.memory_space<hbm>> -> memref<157x128xi32, #tpu.memory_space<hbm>>
      tpu.wait_dma2 semaphore(%run_scoped3A : memref<!tpu.dma_semaphore, #tpu.memory_space<semaphore_mem>>) src(%dma_wait3A_33 : memref<157x128xi32, #tpu.memory_space<hbm>>) dst(%arg8 : memref<157x128xi32, #tpu.memory_space<vmem>>)
      tpu.yield
    }) : () -> ()
    "tpu.region"() ({
      %run_scoped3A = tpu.sem_alloc : memref<!tpu.dma_semaphore, #tpu.memory_space<semaphore_mem>>
      %dma_start3A_18 = arith.constant 0 : i32
      %dma_start3A_19 = tpu.memref_slice %arg13[%mul3A_0, %dma_start3A_18] : memref<5120x128xf32, #tpu.memory_space<vmem_shared>> -> memref<320x128xf32, #tpu.memory_space<vmem_shared>>
      %dma_start3A_20 = arith.constant 0 : i32
      %dma_start3A_21 = tpu.memref_slice %arg5[%mul3A_0, %dma_start3A_20] : memref<5120x128xf32, #tpu.memory_space<hbm>> -> memref<320x128xf32, #tpu.memory_space<hbm>>
      tpu.enqueue_dma source(%dma_start3A_21 : memref<320x128xf32, #tpu.memory_space<hbm>>) target(%dma_start3A_19 : memref<320x128xf32, #tpu.memory_space<vmem_shared>>) target_semaphore(%run_scoped3A : memref<!tpu.dma_semaphore, #tpu.memory_space<semaphore_mem>>)
      %dma_wait3A_22 = arith.constant 0 : i32
      %dma_wait3A_23 = tpu.memref_slice %arg13[%mul3A_0, %dma_wait3A_22] : memref<5120x128xf32, #tpu.memory_space<vmem_shared>> -> memref<320x128xf32, #tpu.memory_space<vmem_shared>>
      %dma_wait3A_24 = arith.constant 0 : i32
      %dma_wait3A_25 = tpu.memref_slice %arg5[%mul3A_0, %dma_wait3A_24] : memref<5120x128xf32, #tpu.memory_space<hbm>> -> memref<320x128xf32, #tpu.memory_space<hbm>>
      tpu.wait_dma2 semaphore(%run_scoped3A : memref<!tpu.dma_semaphore, #tpu.memory_space<semaphore_mem>>) src(%dma_wait3A_25 : memref<320x128xf32, #tpu.memory_space<hbm>>) dst(%dma_wait3A_23 : memref<320x128xf32, #tpu.memory_space<vmem_shared>>)
      tpu.yield
    }) : () -> ()
    %barrier3A = arith.constant 0 : index
    tpu.barrier barrier_id(%barrier3A)
    %dma_start3A = arith.constant 0 : i32
    %dma_start3A_3 = arith.constant 0 : i32
    %dma_start3A_4 = tpu.memref_slice %arg7[%dma_start3A, %dma_start3A_3] : memref<157x128xi32, #tpu.memory_space<vmem>> -> memref<1x128xi32, #tpu.memory_space<vmem>>
    %dma_start3A_5 = tpu.memref_squeeze %dma_start3A_4 : memref<1x128xi32, #tpu.memory_space<vmem>> -> memref<128xi32, #tpu.memory_space<vmem>>
    %dma_start3A_6 = arith.constant 0 : i32
    %dma_start3A_7 = arith.constant 0 : i32
    %dma_start3A_8 = tpu.memref_slice %arg2[%dma_start3A_6, %dma_start3A_7] : memref<10000x128xf32, #tpu.memory_space<hbm>> -> memref<10000x128xf32, #tpu.memory_space<hbm>>
    tpu.enqueue_indirect_dma source(%dma_start3A_8 : memref<10000x128xf32, #tpu.memory_space<hbm>>) target(%arg11 : memref<128x128xf32, #tpu.memory_space<vmem>>) offsets(%dma_start3A_5 : memref<128xi32, #tpu.memory_space<vmem>>) semaphore(%arg14 : memref<!tpu.dma_semaphore, #tpu.memory_space<semaphore_mem>>)
    %scan3A = arith.constant 0 : i32
    %scan3A_9 = arith.constant 0 : i32
    %scan3A_10 = arith.constant 157 : i32
    %scan3A_11 = arith.addi %scan3A_9, %scan3A_10 : i32
    %scan3A_12 = arith.constant 1 : i32
    %scan3A_13 = scf.for %scan3A_18 = %scan3A_9 to %scan3A_11 step %scan3A_12 iter_args(%scan3A_19 = %scan3A) -> (i32)  : i32 {
      %rem3A = arith.constant 2 : i32
      %rem3A_20 = arith.remsi %scan3A_18, %rem3A : i32
      %eq3A = arith.constant 0 : i32
      %eq3A_21 = arith.cmpi eq, %rem3A_20, %eq3A : i32
      %convert_element_type3A = arith.extui %eq3A_21 : i1 to i32
      %cond3A = arith.constant 0 : i32
      %cond3A_22 = arith.cmpi ne, %convert_element_type3A, %cond3A : i32
      scf.if %cond3A_22 {
        %ge3A = arith.constant 1 : i32
        %ge3A_24 = arith.cmpi sge, %scan3A_18, %ge3A : i32
        %convert_element_type3A_25 = arith.extui %ge3A_24 : i1 to i32
        %cond3A_26 = arith.constant 0 : i32
        %cond3A_27 = arith.cmpi ne, %convert_element_type3A_25, %cond3A_26 : i32
        scf.if %cond3A_27 {
          %dma_wait3A_362 = arith.constant 0 : i32
          %dma_wait3A_363 = arith.constant 0 : i32
          %dma_wait3A_364 = tpu.memref_slice %arg13[%dma_wait3A_362, %dma_wait3A_363] : memref<5120x128xf32, #tpu.memory_space<vmem_shared>> -> memref<5120x128xf32, #tpu.memory_space<vmem_shared>>
          tpu.wait_indirect_dma semaphore(%arg17 : memref<!tpu.dma_semaphore, #tpu.memory_space<semaphore_mem>>) src(%arg12 : memref<128x128xf32, #tpu.memory_space<vmem>>) dst(%dma_wait3A_364 : memref<5120x128xf32, #tpu.memory_space<vmem_shared>>)
        } else {
        }
        %add3A = arith.constant 1 : i32
        %add3A_28 = arith.addi %scan3A_18, %add3A : i32
        %lt3A = arith.constant 157 : i32
        %lt3A_29 = arith.cmpi slt, %add3A_28, %lt3A : i32
        %convert_element_type3A_30 = arith.extui %lt3A_29 : i1 to i32
        %cond3A_31 = arith.constant 0 : i32
        %cond3A_32 = arith.cmpi ne, %convert_element_type3A_30, %cond3A_31 : i32
        scf.if %cond3A_32 {
          %add3A_362 = arith.constant 1 : i32
          %add3A_363 = arith.addi %scan3A_18, %add3A_362 : i32
          %dma_start3A_364 = arith.constant 0 : i32
          %dma_start3A_365 = tpu.memref_slice %arg7[%add3A_363, %dma_start3A_364] : memref<157x128xi32, #tpu.memory_space<vmem>> -> memref<1x128xi32, #tpu.memory_space<vmem>>
          %dma_start3A_366 = tpu.memref_squeeze %dma_start3A_365 : memref<1x128xi32, #tpu.memory_space<vmem>> -> memref<128xi32, #tpu.memory_space<vmem>>
          %dma_start3A_367 = arith.constant 0 : i32
          %dma_start3A_368 = arith.constant 0 : i32
          %dma_start3A_369 = tpu.memref_slice %arg2[%dma_start3A_367, %dma_start3A_368] : memref<10000x128xf32, #tpu.memory_space<hbm>> -> memref<10000x128xf32, #tpu.memory_space<hbm>>
          tpu.enqueue_indirect_dma source(%dma_start3A_369 : memref<10000x128xf32, #tpu.memory_space<hbm>>) target(%arg12 : memref<128x128xf32, #tpu.memory_space<vmem>>) offsets(%dma_start3A_366 : memref<128xi32, #tpu.memory_space<vmem>>) semaphore(%arg15 : memref<!tpu.dma_semaphore, #tpu.memory_space<semaphore_mem>>)
        } else {
        }
        %get3A = arith.index_cast %scan3A_18 : i32 to index
        %get3A_33 = arith.constant 0 : index
        %get3A_34 = tpu.vector_load %arg8[%get3A, %get3A_33] {strides = array<i32>} : memref<157x128xi32, #tpu.memory_space<vmem>>, vector<1x16xi32>,
        %get3A_35 = vector.shape_cast %get3A_34 : vector<1x16xi32> to vector<16xi32>
        %sub3A = vector.broadcast %mul3A_2 : i32 to vector<16xi32>
        %sub3A_36 = arith.subi %get3A_35, %sub3A : vector<16xi32>
        %ge3A_37 = arith.constant 0 : i32
        %ge3A_38 = vector.broadcast %ge3A_37 : i32 to vector<16xi32>
        %ge3A_39 = arith.cmpi sge, %sub3A_36, %ge3A_38 : vector<16xi32>
        %lt3A_40 = arith.constant 5000 : i32
        %lt3A_41 = vector.broadcast %lt3A_40 : i32 to vector<16xi32>
        %lt3A_42 = arith.cmpi slt, %sub3A_36, %lt3A_41 : vector<16xi32>
        %and3A = arith.andi %ge3A_39, %lt3A_42 : vector<16xi1>
        %mul3A_43 = arith.constant 8 : i32
        %mul3A_44 = arith.muli %scan3A_18, %mul3A_43 : i32
        %add3A_45 = arith.constant 0 : i32
        %add3A_46 = arith.addi %mul3A_44, %add3A_45 : i32
        %jit3A = arith.constant 48 : i32
        %eq3A_47 = arith.constant 0 : i32
        %eq3A_48 = arith.cmpi eq, %jit3A, %eq3A_47 : i32
        %jit3A_49 = arith.constant 1 : i32
        %select_n3A = arith.select %eq3A_48, %jit3A_49, %jit3A : i32
        %rem3A_50 = arith.remsi %add3A_46, %select_n3A : i32
        %ne3A = arith.constant 0 : i32
        %ne3A_51 = arith.cmpi ne, %rem3A_50, %ne3A : i32
        %lt3A_52 = arith.constant 0 : i32
        %lt3A_53 = arith.cmpi slt, %rem3A_50, %lt3A_52 : i32
        %lt3A_54 = arith.constant 0 : i32
        %lt3A_55 = arith.cmpi slt, %select_n3A, %lt3A_54 : i32
        %ne3A_56 = arith.xori %lt3A_53, %lt3A_55 : i1
        %and3A_57 = arith.andi %ne3A_56, %ne3A_51 : i1
        %add3A_58 = arith.addi %rem3A_50, %select_n3A : i32
        %select_n3A_59 = arith.select %and3A_57, %add3A_58, %rem3A_50 : i32
        %add3A_60 = arith.constant 5000 : i32
        %add3A_61 = arith.addi %add3A_60, %select_n3A_59 : i32
        %broadcast_in_dim3A = vector.broadcast %add3A_61 : i32 to vector<16xi32>
        %select_n3A_62 = arith.select %and3A, %sub3A_36, %broadcast_in_dim3A : vector<16xi1>, vector<16xi32>
        %swap3A = arith.constant 0 : index
        %swap3A_63 = tpu.vector_load %arg9[%swap3A] {strides = array<i32>} : memref<128xi32, #tpu.memory_space<vmem>>, vector<16xi32>,
        %swap3A_64 = vector.shape_cast %swap3A_63 : vector<16xi32> to vector<16xi32>
        %swap3A_65 = vector.shape_cast %select_n3A_62 : vector<16xi32> to vector<16xi32>
        tpu.vector_store %arg9[%swap3A], %swap3A_65 {strides = array<i32>} : memref<128xi32, #tpu.memory_space<vmem>>, vector<16xi32>,
        %get3A_66 = arith.index_cast %scan3A_18 : i32 to index
        %get3A_67 = arith.constant 16 : index
        %get3A_68 = tpu.vector_load %arg8[%get3A_66, %get3A_67] {strides = array<i32>} : memref<157x128xi32, #tpu.memory_space<vmem>>, vector<1x16xi32>,
        %get3A_69 = vector.shape_cast %get3A_68 : vector<1x16xi32> to vector<16xi32>
        %sub3A_70 = vector.broadcast %mul3A_2 : i32 to vector<16xi32>
        %sub3A_71 = arith.subi %get3A_69, %sub3A_70 : vector<16xi32>
        %ge3A_72 = arith.constant 0 : i32
        %ge3A_73 = vector.broadcast %ge3A_72 : i32 to vector<16xi32>
        %ge3A_74 = arith.cmpi sge, %sub3A_71, %ge3A_73 : vector<16xi32>
        %lt3A_75 = arith.constant 5000 : i32
        %lt3A_76 = vector.broadcast %lt3A_75 : i32 to vector<16xi32>
        %lt3A_77 = arith.cmpi slt, %sub3A_71, %lt3A_76 : vector<16xi32>
        %and3A_78 = arith.andi %ge3A_74, %lt3A_77 : vector<16xi1>
        %mul3A_79 = arith.constant 8 : i32
        %mul3A_80 = arith.muli %scan3A_18, %mul3A_79 : i32
        %add3A_81 = arith.constant 1 : i32
        %add3A_82 = arith.addi %mul3A_80, %add3A_81 : i32
        %jit3A_83 = arith.constant 48 : i32
        %eq3A_84 = arith.constant 0 : i32
        %eq3A_85 = arith.cmpi eq, %jit3A_83, %eq3A_84 : i32
        %jit3A_86 = arith.constant 1 : i32
        %select_n3A_87 = arith.select %eq3A_85, %jit3A_86, %jit3A_83 : i32
        %rem3A_88 = arith.remsi %add3A_82, %select_n3A_87 : i32
        %ne3A_89 = arith.constant 0 : i32
        %ne3A_90 = arith.cmpi ne, %rem3A_88, %ne3A_89 : i32
        %lt3A_91 = arith.constant 0 : i32
        %lt3A_92 = arith.cmpi slt, %rem3A_88, %lt3A_91 : i32
        %lt3A_93 = arith.constant 0 : i32
        %lt3A_94 = arith.cmpi slt, %select_n3A_87, %lt3A_93 : i32
        %ne3A_95 = arith.xori %lt3A_92, %lt3A_94 : i1
        %and3A_96 = arith.andi %ne3A_95, %ne3A_90 : i1
        %add3A_97 = arith.addi %rem3A_88, %select_n3A_87 : i32
        %select_n3A_98 = arith.select %and3A_96, %add3A_97, %rem3A_88 : i32
        %add3A_99 = arith.constant 5000 : i32
        %add3A_100 = arith.addi %add3A_99, %select_n3A_98 : i32
        %broadcast_in_dim3A_101 = vector.broadcast %add3A_100 : i32 to vector<16xi32>
        %select_n3A_102 = arith.select %and3A_78, %sub3A_71, %broadcast_in_dim3A_101 : vector<16xi1>, vector<16xi32>
        %swap3A_103 = arith.constant 16 : index
        %swap3A_104 = tpu.vector_load %arg9[%swap3A_103] {strides = array<i32>} : memref<128xi32, #tpu.memory_space<vmem>>, vector<16xi32>,
        %swap3A_105 = vector.shape_cast %swap3A_104 : vector<16xi32> to vector<16xi32>
        %swap3A_106 = vector.shape_cast %select_n3A_102 : vector<16xi32> to vector<16xi32>
        tpu.vector_store %arg9[%swap3A_103], %swap3A_106 {strides = array<i32>} : memref<128xi32, #tpu.memory_space<vmem>>, vector<16xi32>,
        %get3A_107 = arith.index_cast %scan3A_18 : i32 to index
        %get3A_108 = arith.constant 32 : index
        %get3A_109 = tpu.vector_load %arg8[%get3A_107, %get3A_108] {strides = array<i32>} : memref<157x128xi32, #tpu.memory_space<vmem>>, vector<1x16xi32>,
        %get3A_110 = vector.shape_cast %get3A_109 : vector<1x16xi32> to vector<16xi32>
        %sub3A_111 = vector.broadcast %mul3A_2 : i32 to vector<16xi32>
        %sub3A_112 = arith.subi %get3A_110, %sub3A_111 : vector<16xi32>
        %ge3A_113 = arith.constant 0 : i32
        %ge3A_114 = vector.broadcast %ge3A_113 : i32 to vector<16xi32>
        %ge3A_115 = arith.cmpi sge, %sub3A_112, %ge3A_114 : vector<16xi32>
        %lt3A_116 = arith.constant 5000 : i32
        %lt3A_117 = vector.broadcast %lt3A_116 : i32 to vector<16xi32>
        %lt3A_118 = arith.cmpi slt, %sub3A_112, %lt3A_117 : vector<16xi32>
        %and3A_119 = arith.andi %ge3A_115, %lt3A_118 : vector<16xi1>
        %mul3A_120 = arith.constant 8 : i32
        %mul3A_121 = arith.muli %scan3A_18, %mul3A_120 : i32
        %add3A_122 = arith.constant 2 : i32
        %add3A_123 = arith.addi %mul3A_121, %add3A_122 : i32
        %jit3A_124 = arith.constant 48 : i32
        %eq3A_125 = arith.constant 0 : i32
        %eq3A_126 = arith.cmpi eq, %jit3A_124, %eq3A_125 : i32
        %jit3A_127 = arith.constant 1 : i32
        %select_n3A_128 = arith.select %eq3A_126, %jit3A_127, %jit3A_124 : i32
        %rem3A_129 = arith.remsi %add3A_123, %select_n3A_128 : i32
        %ne3A_130 = arith.constant 0 : i32
        %ne3A_131 = arith.cmpi ne, %rem3A_129, %ne3A_130 : i32
        %lt3A_132 = arith.constant 0 : i32
        %lt3A_133 = arith.cmpi slt, %rem3A_129, %lt3A_132 : i32
        %lt3A_134 = arith.constant 0 : i32
        %lt3A_135 = arith.cmpi slt, %select_n3A_128, %lt3A_134 : i32
        %ne3A_136 = arith.xori %lt3A_133, %lt3A_135 : i1
        %and3A_137 = arith.andi %ne3A_136, %ne3A_131 : i1
        %add3A_138 = arith.addi %rem3A_129, %select_n3A_128 : i32
        %select_n3A_139 = arith.select %and3A_137, %add3A_138, %rem3A_129 : i32
        %add3A_140 = arith.constant 5000 : i32
        %add3A_141 = arith.addi %add3A_140, %select_n3A_139 : i32
        %broadcast_in_dim3A_142 = vector.broadcast %add3A_141 : i32 to vector<16xi32>
        %select_n3A_143 = arith.select %and3A_119, %sub3A_112, %broadcast_in_dim3A_142 : vector<16xi1>, vector<16xi32>
        %swap3A_144 = arith.constant 32 : index
        %swap3A_145 = tpu.vector_load %arg9[%swap3A_144] {strides = array<i32>} : memref<128xi32, #tpu.memory_space<vmem>>, vector<16xi32>,
        %swap3A_146 = vector.shape_cast %swap3A_145 : vector<16xi32> to vector<16xi32>
        %swap3A_147 = vector.shape_cast %select_n3A_143 : vector<16xi32> to vector<16xi32>
        tpu.vector_store %arg9[%swap3A_144], %swap3A_147 {strides = array<i32>} : memref<128xi32, #tpu.memory_space<vmem>>, vector<16xi32>,
        %get3A_148 = arith.index_cast %scan3A_18 : i32 to index
        %get3A_149 = arith.constant 48 : index
        %get3A_150 = tpu.vector_load %arg8[%get3A_148, %get3A_149] {strides = array<i32>} : memref<157x128xi32, #tpu.memory_space<vmem>>, vector<1x16xi32>,
        %get3A_151 = vector.shape_cast %get3A_150 : vector<1x16xi32> to vector<16xi32>
        %sub3A_152 = vector.broadcast %mul3A_2 : i32 to vector<16xi32>
        %sub3A_153 = arith.subi %get3A_151, %sub3A_152 : vector<16xi32>
        %ge3A_154 = arith.constant 0 : i32
        %ge3A_155 = vector.broadcast %ge3A_154 : i32 to vector<16xi32>
        %ge3A_156 = arith.cmpi sge, %sub3A_153, %ge3A_155 : vector<16xi32>
        %lt3A_157 = arith.constant 5000 : i32
        %lt3A_158 = vector.broadcast %lt3A_157 : i32 to vector<16xi32>
        %lt3A_159 = arith.cmpi slt, %sub3A_153, %lt3A_158 : vector<16xi32>
        %and3A_160 = arith.andi %ge3A_156, %lt3A_159 : vector<16xi1>
        %mul3A_161 = arith.constant 8 : i32
        %mul3A_162 = arith.muli %scan3A_18, %mul3A_161 : i32
        %add3A_163 = arith.constant 3 : i32
        %add3A_164 = arith.addi %mul3A_162, %add3A_163 : i32
        %jit3A_165 = arith.constant 48 : i32
        %eq3A_166 = arith.constant 0 : i32
        %eq3A_167 = arith.cmpi eq, %jit3A_165, %eq3A_166 : i32
        %jit3A_168 = arith.constant 1 : i32
        %select_n3A_169 = arith.select %eq3A_167, %jit3A_168, %jit3A_165 : i32
        %rem3A_170 = arith.remsi %add3A_164, %select_n3A_169 : i32
        %ne3A_171 = arith.constant 0 : i32
        %ne3A_172 = arith.cmpi ne, %rem3A_170, %ne3A_171 : i32
        %lt3A_173 = arith.constant 0 : i32
        %lt3A_174 = arith.cmpi slt, %rem3A_170, %lt3A_173 : i32
        %lt3A_175 = arith.constant 0 : i32
        %lt3A_176 = arith.cmpi slt, %select_n3A_169, %lt3A_175 : i32
        %ne3A_177 = arith.xori %lt3A_174, %lt3A_176 : i1
        %and3A_178 = arith.andi %ne3A_177, %ne3A_172 : i1
        %add3A_179 = arith.addi %rem3A_170, %select_n3A_169 : i32
        %select_n3A_180 = arith.select %and3A_178, %add3A_179, %rem3A_170 : i32
        %add3A_181 = arith.constant 5000 : i32
        %add3A_182 = arith.addi %add3A_181, %select_n3A_180 : i32
        %broadcast_in_dim3A_183 = vector.broadcast %add3A_182 : i32 to vector<16xi32>
        %select_n3A_184 = arith.select %and3A_160, %sub3A_153, %broadcast_in_dim3A_183 : vector<16xi1>, vector<16xi32>
        %swap3A_185 = arith.constant 48 : index
        %swap3A_186 = tpu.vector_load %arg9[%swap3A_185] {strides = array<i32>} : memref<128xi32, #tpu.memory_space<vmem>>, vector<16xi32>,
        %swap3A_187 = vector.shape_cast %swap3A_186 : vector<16xi32> to vector<16xi32>
        %swap3A_188 = vector.shape_cast %select_n3A_184 : vector<16xi32> to vector<16xi32>
        tpu.vector_store %arg9[%swap3A_185], %swap3A_188 {strides = array<i32>} : memref<128xi32, #tpu.memory_space<vmem>>, vector<16xi32>,
        %get3A_189 = arith.index_cast %scan3A_18 : i32 to index
        %get3A_190 = arith.constant 64 : index
        %get3A_191 = tpu.vector_load %arg8[%get3A_189, %get3A_190] {strides = array<i32>} : memref<157x128xi32, #tpu.memory_space<vmem>>, vector<1x16xi32>,
        %get3A_192 = vector.shape_cast %get3A_191 : vector<1x16xi32> to vector<16xi32>
        %sub3A_193 = vector.broadcast %mul3A_2 : i32 to vector<16xi32>
        %sub3A_194 = arith.subi %get3A_192, %sub3A_193 : vector<16xi32>
        %ge3A_195 = arith.constant 0 : i32
        %ge3A_196 = vector.broadcast %ge3A_195 : i32 to vector<16xi32>
        %ge3A_197 = arith.cmpi sge, %sub3A_194, %ge3A_196 : vector<16xi32>
        %lt3A_198 = arith.constant 5000 : i32
        %lt3A_199 = vector.broadcast %lt3A_198 : i32 to vector<16xi32>
        %lt3A_200 = arith.cmpi slt, %sub3A_194, %lt3A_199 : vector<16xi32>
        %and3A_201 = arith.andi %ge3A_197, %lt3A_200 : vector<16xi1>
        %mul3A_202 = arith.constant 8 : i32
        %mul3A_203 = arith.muli %scan3A_18, %mul3A_202 : i32
        %add3A_204 = arith.constant 4 : i32
        %add3A_205 = arith.addi %mul3A_203, %add3A_204 : i32
        %jit3A_206 = arith.constant 48 : i32
        %eq3A_207 = arith.constant 0 : i32
        %eq3A_208 = arith.cmpi eq, %jit3A_206, %eq3A_207 : i32
        %jit3A_209 = arith.constant 1 : i32
        %select_n3A_210 = arith.select %eq3A_208, %jit3A_209, %jit3A_206 : i32
        %rem3A_211 = arith.remsi %add3A_205, %select_n3A_210 : i32
        %ne3A_212 = arith.constant 0 : i32
        %ne3A_213 = arith.cmpi ne, %rem3A_211, %ne3A_212 : i32
        %lt3A_214 = arith.constant 0 : i32
        %lt3A_215 = arith.cmpi slt, %rem3A_211, %lt3A_214 : i32
        %lt3A_216 = arith.constant 0 : i32
        %lt3A_217 = arith.cmpi slt, %select_n3A_210, %lt3A_216 : i32
        %ne3A_218 = arith.xori %lt3A_215, %lt3A_217 : i1
        %and3A_219 = arith.andi %ne3A_218, %ne3A_213 : i1
        %add3A_220 = arith.addi %rem3A_211, %select_n3A_210 : i32
        %select_n3A_221 = arith.select %and3A_219, %add3A_220, %rem3A_211 : i32
        %add3A_222 = arith.constant 5000 : i32
        %add3A_223 = arith.addi %add3A_222, %select_n3A_221 : i32
        %broadcast_in_dim3A_224 = vector.broadcast %add3A_223 : i32 to vector<16xi32>
        %select_n3A_225 = arith.select %and3A_201, %sub3A_194, %broadcast_in_dim3A_224 : vector<16xi1>, vector<16xi32>
        %swap3A_226 = arith.constant 64 : index
        %swap3A_227 = tpu.vector_load %arg9[%swap3A_226] {strides = array<i32>} : memref<128xi32, #tpu.memory_space<vmem>>, vector<16xi32>,
        %swap3A_228 = vector.shape_cast %swap3A_227 : vector<16xi32> to vector<16xi32>
        %swap3A_229 = vector.shape_cast %select_n3A_225 : vector<16xi32> to vector<16xi32>
        tpu.vector_store %arg9[%swap3A_226], %swap3A_229 {strides = array<i32>} : memref<128xi32, #tpu.memory_space<vmem>>, vector<16xi32>,
        %get3A_230 = arith.index_cast %scan3A_18 : i32 to index
        %get3A_231 = arith.constant 80 : index
        %get3A_232 = tpu.vector_load %arg8[%get3A_230, %get3A_231] {strides = array<i32>} : memref<157x128xi32, #tpu.memory_space<vmem>>, vector<1x16xi32>,
        %get3A_233 = vector.shape_cast %get3A_232 : vector<1x16xi32> to vector<16xi32>
        %sub3A_234 = vector.broadcast %mul3A_2 : i32 to vector<16xi32>
        %sub3A_235 = arith.subi %get3A_233, %sub3A_234 : vector<16xi32>
        %ge3A_236 = arith.constant 0 : i32
        %ge3A_237 = vector.broadcast %ge3A_236 : i32 to vector<16xi32>
        %ge3A_238 = arith.cmpi sge, %sub3A_235, %ge3A_237 : vector<16xi32>
        %lt3A_239 = arith.constant 5000 : i32
        %lt3A_240 = vector.broadcast %lt3A_239 : i32 to vector<16xi32>
        %lt3A_241 = arith.cmpi slt, %sub3A_235, %lt3A_240 : vector<16xi32>
        %and3A_242 = arith.andi %ge3A_238, %lt3A_241 : vector<16xi1>
        %mul3A_243 = arith.constant 8 : i32
        %mul3A_244 = arith.muli %scan3A_18, %mul3A_243 : i32
        %add3A_245 = arith.constant 5 : i32
        %add3A_246 = arith.addi %mul3A_244, %add3A_245 : i32
        %jit3A_247 = arith.constant 48 : i32
        %eq3A_248 = arith.constant 0 : i32
        %eq3A_249 = arith.cmpi eq, %jit3A_247, %eq3A_248 : i32
        %jit3A_250 = arith.constant 1 : i32
        %select_n3A_251 = arith.select %eq3A_249, %jit3A_250, %jit3A_247 : i32
        %rem3A_252 = arith.remsi %add3A_246, %select_n3A_251 : i32
        %ne3A_253 = arith.constant 0 : i32
        %ne3A_254 = arith.cmpi ne, %rem3A_252, %ne3A_253 : i32
        %lt3A_255 = arith.constant 0 : i32
        %lt3A_256 = arith.cmpi slt, %rem3A_252, %lt3A_255 : i32
        %lt3A_257 = arith.constant 0 : i32
        %lt3A_258 = arith.cmpi slt, %select_n3A_251, %lt3A_257 : i32
        %ne3A_259 = arith.xori %lt3A_256, %lt3A_258 : i1
        %and3A_260 = arith.andi %ne3A_259, %ne3A_254 : i1
        %add3A_261 = arith.addi %rem3A_252, %select_n3A_251 : i32
        %select_n3A_262 = arith.select %and3A_260, %add3A_261, %rem3A_252 : i32
        %add3A_263 = arith.constant 5000 : i32
        %add3A_264 = arith.addi %add3A_263, %select_n3A_262 : i32
        %broadcast_in_dim3A_265 = vector.broadcast %add3A_264 : i32 to vector<16xi32>
        %select_n3A_266 = arith.select %and3A_242, %sub3A_235, %broadcast_in_dim3A_265 : vector<16xi1>, vector<16xi32>
        %swap3A_267 = arith.constant 80 : index
        %swap3A_268 = tpu.vector_load %arg9[%swap3A_267] {strides = array<i32>} : memref<128xi32, #tpu.memory_space<vmem>>, vector<16xi32>,
        %swap3A_269 = vector.shape_cast %swap3A_268 : vector<16xi32> to vector<16xi32>
        %swap3A_270 = vector.shape_cast %select_n3A_266 : vector<16xi32> to vector<16xi32>
        tpu.vector_store %arg9[%swap3A_267], %swap3A_270 {strides = array<i32>} : memref<128xi32, #tpu.memory_space<vmem>>, vector<16xi32>,
        %get3A_271 = arith.index_cast %scan3A_18 : i32 to index
        %get3A_272 = arith.constant 96 : index
        %get3A_273 = tpu.vector_load %arg8[%get3A_271, %get3A_272] {strides = array<i32>} : memref<157x128xi32, #tpu.memory_space<vmem>>, vector<1x16xi32>,
        %get3A_274 = vector.shape_cast %get3A_273 : vector<1x16xi32> to vector<16xi32>
        %sub3A_275 = vector.broadcast %mul3A_2 : i32 to vector<16xi32>
        %sub3A_276 = arith.subi %get3A_274, %sub3A_275 : vector<16xi32>
        %ge3A_277 = arith.constant 0 : i32
        %ge3A_278 = vector.broadcast %ge3A_277 : i32 to vector<16xi32>
        %ge3A_279 = arith.cmpi sge, %sub3A_276, %ge3A_278 : vector<16xi32>
        %lt3A_280 = arith.constant 5000 : i32
        %lt3A_281 = vector.broadcast %lt3A_280 : i32 to vector<16xi32>
        %lt3A_282 = arith.cmpi slt, %sub3A_276, %lt3A_281 : vector<16xi32>
        %and3A_283 = arith.andi %ge3A_279, %lt3A_282 : vector<16xi1>
        %mul3A_284 = arith.constant 8 : i32
        %mul3A_285 = arith.muli %scan3A_18, %mul3A_284 : i32
        %add3A_286 = arith.constant 6 : i32
        %add3A_287 = arith.addi %mul3A_285, %add3A_286 : i32
        %jit3A_288 = arith.constant 48 : i32
        %eq3A_289 = arith.constant 0 : i32
        %eq3A_290 = arith.cmpi eq, %jit3A_288, %eq3A_289 : i32
        %jit3A_291 = arith.constant 1 : i32
        %select_n3A_292 = arith.select %eq3A_290, %jit3A_291, %jit3A_288 : i32
        %rem3A_293 = arith.remsi %add3A_287, %select_n3A_292 : i32
        %ne3A_294 = arith.constant 0 : i32
        %ne3A_295 = arith.cmpi ne, %rem3A_293, %ne3A_294 : i32
        %lt3A_296 = arith.constant 0 : i32
        %lt3A_297 = arith.cmpi slt, %rem3A_293, %lt3A_296 : i32
        %lt3A_298 = arith.constant 0 : i32
        %lt3A_299 = arith.cmpi slt, %select_n3A_292, %lt3A_298 : i32
        %ne3A_300 = arith.xori %lt3A_297, %lt3A_299 : i1
        %and3A_301 = arith.andi %ne3A_300, %ne3A_295 : i1
        %add3A_302 = arith.addi %rem3A_293, %select_n3A_292 : i32
        %select_n3A_303 = arith.select %and3A_301, %add3A_302, %rem3A_293 : i32
        %add3A_304 = arith.constant 5000 : i32
        %add3A_305 = arith.addi %add3A_304, %select_n3A_303 : i32
        %broadcast_in_dim3A_306 = vector.broadcast %add3A_305 : i32 to vector<16xi32>
        %select_n3A_307 = arith.select %and3A_283, %sub3A_276, %broadcast_in_dim3A_306 : vector<16xi1>, vector<16xi32>
        %swap3A_308 = arith.constant 96 : index
        %swap3A_309 = tpu.vector_load %arg9[%swap3A_308] {strides = array<i32>} : memref<128xi32, #tpu.memory_space<vmem>>, vector<16xi32>,
        %swap3A_310 = vector.shape_cast %swap3A_309 : vector<16xi32> to vector<16xi32>
        %swap3A_311 = vector.shape_cast %select_n3A_307 : vector<16xi32> to vector<16xi32>
        tpu.vector_store %arg9[%swap3A_308], %swap3A_311 {strides = array<i32>} : memref<128xi32, #tpu.memory_space<vmem>>, vector<16xi32>,
        %get3A_312 = arith.index_cast %scan3A_18 : i32 to index
        %get3A_313 = arith.constant 112 : index
        %get3A_314 = tpu.vector_load %arg8[%get3A_312, %get3A_313] {strides = array<i32>} : memref<157x128xi32, #tpu.memory_space<vmem>>, vector<1x16xi32>,
        %get3A_315 = vector.shape_cast %get3A_314 : vector<1x16xi32> to vector<16xi32>
        %sub3A_316 = vector.broadcast %mul3A_2 : i32 to vector<16xi32>
        %sub3A_317 = arith.subi %get3A_315, %sub3A_316 : vector<16xi32>
        %ge3A_318 = arith.constant 0 : i32
        %ge3A_319 = vector.broadcast %ge3A_318 : i32 to vector<16xi32>
        %ge3A_320 = arith.cmpi sge, %sub3A_317, %ge3A_319 : vector<16xi32>
        %lt3A_321 = arith.constant 5000 : i32
        %lt3A_322 = vector.broadcast %lt3A_321 : i32 to vector<16xi32>
        %lt3A_323 = arith.cmpi slt, %sub3A_317, %lt3A_322 : vector<16xi32>
        %and3A_324 = arith.andi %ge3A_320, %lt3A_323 : vector<16xi1>
        %mul3A_325 = arith.constant 8 : i32
        %mul3A_326 = arith.muli %scan3A_18, %mul3A_325 : i32
        %add3A_327 = arith.constant 7 : i32
        %add3A_328 = arith.addi %mul3A_326, %add3A_327 : i32
        %jit3A_329 = arith.constant 48 : i32
        %eq3A_330 = arith.constant 0 : i32
        %eq3A_331 = arith.cmpi eq, %jit3A_329, %eq3A_330 : i32
        %jit3A_332 = arith.constant 1 : i32
        %select_n3A_333 = arith.select %eq3A_331, %jit3A_332, %jit3A_329 : i32
        %rem3A_334 = arith.remsi %add3A_328, %select_n3A_333 : i32
        %ne3A_335 = arith.constant 0 : i32
        %ne3A_336 = arith.cmpi ne, %rem3A_334, %ne3A_335 : i32
        %lt3A_337 = arith.constant 0 : i32
        %lt3A_338 = arith.cmpi slt, %rem3A_334, %lt3A_337 : i32
        %lt3A_339 = arith.constant 0 : i32
        %lt3A_340 = arith.cmpi slt, %select_n3A_333, %lt3A_339 : i32
        %ne3A_341 = arith.xori %lt3A_338, %lt3A_340 : i1
        %and3A_342 = arith.andi %ne3A_341, %ne3A_336 : i1
        %add3A_343 = arith.addi %rem3A_334, %select_n3A_333 : i32
        %select_n3A_344 = arith.select %and3A_342, %add3A_343, %rem3A_334 : i32
        %add3A_345 = arith.constant 5000 : i32
        %add3A_346 = arith.addi %add3A_345, %select_n3A_344 : i32
        %broadcast_in_dim3A_347 = vector.broadcast %add3A_346 : i32 to vector<16xi32>
        %select_n3A_348 = arith.select %and3A_324, %sub3A_317, %broadcast_in_dim3A_347 : vector<16xi1>, vector<16xi32>
        %swap3A_349 = arith.constant 112 : index
        %swap3A_350 = tpu.vector_load %arg9[%swap3A_349] {strides = array<i32>} : memref<128xi32, #tpu.memory_space<vmem>>, vector<16xi32>,
        %swap3A_351 = vector.shape_cast %swap3A_350 : vector<16xi32> to vector<16xi32>
        %swap3A_352 = vector.shape_cast %select_n3A_348 : vector<16xi32> to vector<16xi32>
        tpu.vector_store %arg9[%swap3A_349], %swap3A_352 {strides = array<i32>} : memref<128xi32, #tpu.memory_space<vmem>>, vector<16xi32>,
        %dma_wait3A_353 = arith.constant 0 : i32
        %dma_wait3A_354 = tpu.memref_slice %arg7[%scan3A_18, %dma_wait3A_353] : memref<157x128xi32, #tpu.memory_space<vmem>> -> memref<1x128xi32, #tpu.memory_space<vmem>>
        %dma_wait3A_355 = tpu.memref_squeeze %dma_wait3A_354 : memref<1x128xi32, #tpu.memory_space<vmem>> -> memref<128xi32, #tpu.memory_space<vmem>>
        %dma_wait3A_356 = arith.constant 0 : i32
        %dma_wait3A_357 = arith.constant 0 : i32
        %dma_wait3A_358 = tpu.memref_slice %arg2[%dma_wait3A_356, %dma_wait3A_357] : memref<10000x128xf32, #tpu.memory_space<hbm>> -> memref<10000x128xf32, #tpu.memory_space<hbm>>
        tpu.wait_indirect_dma semaphore(%arg14 : memref<!tpu.dma_semaphore, #tpu.memory_space<semaphore_mem>>) src(%dma_wait3A_358 : memref<10000x128xf32, #tpu.memory_space<hbm>>) dst(%arg11 : memref<128x128xf32, #tpu.memory_space<vmem>>)
        %dma_start3A_359 = arith.constant 0 : i32
        %dma_start3A_360 = arith.constant 0 : i32
        %dma_start3A_361 = tpu.memref_slice %arg13[%dma_start3A_359, %dma_start3A_360] : memref<5120x128xf32, #tpu.memory_space<vmem_shared>> -> memref<5120x128xf32, #tpu.memory_space<vmem_shared>>
        tpu.enqueue_indirect_dma source(%arg11 : memref<128x128xf32, #tpu.memory_space<vmem>>) target(%dma_start3A_361 : memref<5120x128xf32, #tpu.memory_space<vmem_shared>>) offsets(%arg9 : memref<128xi32, #tpu.memory_space<vmem>>) semaphore(%arg16 : memref<!tpu.dma_semaphore, #tpu.memory_space<semaphore_mem>>) {add = true}
      } else {
        %ge3A = arith.constant 1 : i32
        %ge3A_24 = arith.cmpi sge, %scan3A_18, %ge3A : i32
        %convert_element_type3A_25 = arith.extui %ge3A_24 : i1 to i32
        %cond3A_26 = arith.constant 0 : i32
        %cond3A_27 = arith.cmpi ne, %convert_element_type3A_25, %cond3A_26 : i32
        scf.if %cond3A_27 {
          %dma_wait3A_362 = arith.constant 0 : i32
          %dma_wait3A_363 = arith.constant 0 : i32
          %dma_wait3A_364 = tpu.memref_slice %arg13[%dma_wait3A_362, %dma_wait3A_363] : memref<5120x128xf32, #tpu.memory_space<vmem_shared>> -> memref<5120x128xf32, #tpu.memory_space<vmem_shared>>
          tpu.wait_indirect_dma semaphore(%arg16 : memref<!tpu.dma_semaphore, #tpu.memory_space<semaphore_mem>>) src(%arg11 : memref<128x128xf32, #tpu.memory_space<vmem>>) dst(%dma_wait3A_364 : memref<5120x128xf32, #tpu.memory_space<vmem_shared>>)
        } else {
        }
        %add3A = arith.constant 1 : i32
        %add3A_28 = arith.addi %scan3A_18, %add3A : i32
        %lt3A = arith.constant 157 : i32
        %lt3A_29 = arith.cmpi slt, %add3A_28, %lt3A : i32
        %convert_element_type3A_30 = arith.extui %lt3A_29 : i1 to i32
        %cond3A_31 = arith.constant 0 : i32
        %cond3A_32 = arith.cmpi ne, %convert_element_type3A_30, %cond3A_31 : i32
        scf.if %cond3A_32 {
          %add3A_362 = arith.constant 1 : i32
          %add3A_363 = arith.addi %scan3A_18, %add3A_362 : i32
          %dma_start3A_364 = arith.constant 0 : i32
          %dma_start3A_365 = tpu.memref_slice %arg7[%add3A_363, %dma_start3A_364] : memref<157x128xi32, #tpu.memory_space<vmem>> -> memref<1x128xi32, #tpu.memory_space<vmem>>
          %dma_start3A_366 = tpu.memref_squeeze %dma_start3A_365 : memref<1x128xi32, #tpu.memory_space<vmem>> -> memref<128xi32, #tpu.memory_space<vmem>>
          %dma_start3A_367 = arith.constant 0 : i32
          %dma_start3A_368 = arith.constant 0 : i32
          %dma_start3A_369 = tpu.memref_slice %arg2[%dma_start3A_367, %dma_start3A_368] : memref<10000x128xf32, #tpu.memory_space<hbm>> -> memref<10000x128xf32, #tpu.memory_space<hbm>>
          tpu.enqueue_indirect_dma source(%dma_start3A_369 : memref<10000x128xf32, #tpu.memory_space<hbm>>) target(%arg11 : memref<128x128xf32, #tpu.memory_space<vmem>>) offsets(%dma_start3A_366 : memref<128xi32, #tpu.memory_space<vmem>>) semaphore(%arg14 : memref<!tpu.dma_semaphore, #tpu.memory_space<semaphore_mem>>)
        } else {
        }
        %get3A = arith.index_cast %scan3A_18 : i32 to index
        %get3A_33 = arith.constant 0 : index
        %get3A_34 = tpu.vector_load %arg8[%get3A, %get3A_33] {strides = array<i32>} : memref<157x128xi32, #tpu.memory_space<vmem>>, vector<1x16xi32>,
        %get3A_35 = vector.shape_cast %get3A_34 : vector<1x16xi32> to vector<16xi32>
        %sub3A = vector.broadcast %mul3A_2 : i32 to vector<16xi32>
        %sub3A_36 = arith.subi %get3A_35, %sub3A : vector<16xi32>
        %ge3A_37 = arith.constant 0 : i32
        %ge3A_38 = vector.broadcast %ge3A_37 : i32 to vector<16xi32>
        %ge3A_39 = arith.cmpi sge, %sub3A_36, %ge3A_38 : vector<16xi32>
        %lt3A_40 = arith.constant 5000 : i32
        %lt3A_41 = vector.broadcast %lt3A_40 : i32 to vector<16xi32>
        %lt3A_42 = arith.cmpi slt, %sub3A_36, %lt3A_41 : vector<16xi32>
        %and3A = arith.andi %ge3A_39, %lt3A_42 : vector<16xi1>
        %mul3A_43 = arith.constant 8 : i32
        %mul3A_44 = arith.muli %scan3A_18, %mul3A_43 : i32
        %add3A_45 = arith.constant 0 : i32
        %add3A_46 = arith.addi %mul3A_44, %add3A_45 : i32
        %jit3A = arith.constant 48 : i32
        %eq3A_47 = arith.constant 0 : i32
        %eq3A_48 = arith.cmpi eq, %jit3A, %eq3A_47 : i32
        %jit3A_49 = arith.constant 1 : i32
        %select_n3A = arith.select %eq3A_48, %jit3A_49, %jit3A : i32
        %rem3A_50 = arith.remsi %add3A_46, %select_n3A : i32
        %ne3A = arith.constant 0 : i32
        %ne3A_51 = arith.cmpi ne, %rem3A_50, %ne3A : i32
        %lt3A_52 = arith.constant 0 : i32
        %lt3A_53 = arith.cmpi slt, %rem3A_50, %lt3A_52 : i32
        %lt3A_54 = arith.constant 0 : i32
        %lt3A_55 = arith.cmpi slt, %select_n3A, %lt3A_54 : i32
        %ne3A_56 = arith.xori %lt3A_53, %lt3A_55 : i1
        %and3A_57 = arith.andi %ne3A_56, %ne3A_51 : i1
        %add3A_58 = arith.addi %rem3A_50, %select_n3A : i32
        %select_n3A_59 = arith.select %and3A_57, %add3A_58, %rem3A_50 : i32
        %add3A_60 = arith.constant 5000 : i32
        %add3A_61 = arith.addi %add3A_60, %select_n3A_59 : i32
        %broadcast_in_dim3A = vector.broadcast %add3A_61 : i32 to vector<16xi32>
        %select_n3A_62 = arith.select %and3A, %sub3A_36, %broadcast_in_dim3A : vector<16xi1>, vector<16xi32>
        %swap3A = arith.constant 0 : index
        %swap3A_63 = tpu.vector_load %arg10[%swap3A] {strides = array<i32>} : memref<128xi32, #tpu.memory_space<vmem>>, vector<16xi32>,
        %swap3A_64 = vector.shape_cast %swap3A_63 : vector<16xi32> to vector<16xi32>
        %swap3A_65 = vector.shape_cast %select_n3A_62 : vector<16xi32> to vector<16xi32>
        tpu.vector_store %arg10[%swap3A], %swap3A_65 {strides = array<i32>} : memref<128xi32, #tpu.memory_space<vmem>>, vector<16xi32>,
        %get3A_66 = arith.index_cast %scan3A_18 : i32 to index
        %get3A_67 = arith.constant 16 : index
        %get3A_68 = tpu.vector_load %arg8[%get3A_66, %get3A_67] {strides = array<i32>} : memref<157x128xi32, #tpu.memory_space<vmem>>, vector<1x16xi32>,
        %get3A_69 = vector.shape_cast %get3A_68 : vector<1x16xi32> to vector<16xi32>
        %sub3A_70 = vector.broadcast %mul3A_2 : i32 to vector<16xi32>
        %sub3A_71 = arith.subi %get3A_69, %sub3A_70 : vector<16xi32>
        %ge3A_72 = arith.constant 0 : i32
        %ge3A_73 = vector.broadcast %ge3A_72 : i32 to vector<16xi32>
        %ge3A_74 = arith.cmpi sge, %sub3A_71, %ge3A_73 : vector<16xi32>
        %lt3A_75 = arith.constant 5000 : i32
        %lt3A_76 = vector.broadcast %lt3A_75 : i32 to vector<16xi32>
        %lt3A_77 = arith.cmpi slt, %sub3A_71, %lt3A_76 : vector<16xi32>
        %and3A_78 = arith.andi %ge3A_74, %lt3A_77 : vector<16xi1>
        %mul3A_79 = arith.constant 8 : i32
        %mul3A_80 = arith.muli %scan3A_18, %mul3A_79 : i32
        %add3A_81 = arith.constant 1 : i32
        %add3A_82 = arith.addi %mul3A_80, %add3A_81 : i32
        %jit3A_83 = arith.constant 48 : i32
        %eq3A_84 = arith.constant 0 : i32
        %eq3A_85 = arith.cmpi eq, %jit3A_83, %eq3A_84 : i32
        %jit3A_86 = arith.constant 1 : i32
        %select_n3A_87 = arith.select %eq3A_85, %jit3A_86, %jit3A_83 : i32
        %rem3A_88 = arith.remsi %add3A_82, %select_n3A_87 : i32
        %ne3A_89 = arith.constant 0 : i32
        %ne3A_90 = arith.cmpi ne, %rem3A_88, %ne3A_89 : i32
        %lt3A_91 = arith.constant 0 : i32
        %lt3A_92 = arith.cmpi slt, %rem3A_88, %lt3A_91 : i32
        %lt3A_93 = arith.constant 0 : i32
        %lt3A_94 = arith.cmpi slt, %select_n3A_87, %lt3A_93 : i32
        %ne3A_95 = arith.xori %lt3A_92, %lt3A_94 : i1
        %and3A_96 = arith.andi %ne3A_95, %ne3A_90 : i1
        %add3A_97 = arith.addi %rem3A_88, %select_n3A_87 : i32
        %select_n3A_98 = arith.select %and3A_96, %add3A_97, %rem3A_88 : i32
        %add3A_99 = arith.constant 5000 : i32
        %add3A_100 = arith.addi %add3A_99, %select_n3A_98 : i32
        %broadcast_in_dim3A_101 = vector.broadcast %add3A_100 : i32 to vector<16xi32>
        %select_n3A_102 = arith.select %and3A_78, %sub3A_71, %broadcast_in_dim3A_101 : vector<16xi1>, vector<16xi32>
        %swap3A_103 = arith.constant 16 : index
        %swap3A_104 = tpu.vector_load %arg10[%swap3A_103] {strides = array<i32>} : memref<128xi32, #tpu.memory_space<vmem>>, vector<16xi32>,
        %swap3A_105 = vector.shape_cast %swap3A_104 : vector<16xi32> to vector<16xi32>
        %swap3A_106 = vector.shape_cast %select_n3A_102 : vector<16xi32> to vector<16xi32>
        tpu.vector_store %arg10[%swap3A_103], %swap3A_106 {strides = array<i32>} : memref<128xi32, #tpu.memory_space<vmem>>, vector<16xi32>,
        %get3A_107 = arith.index_cast %scan3A_18 : i32 to index
        %get3A_108 = arith.constant 32 : index
        %get3A_109 = tpu.vector_load %arg8[%get3A_107, %get3A_108] {strides = array<i32>} : memref<157x128xi32, #tpu.memory_space<vmem>>, vector<1x16xi32>,
        %get3A_110 = vector.shape_cast %get3A_109 : vector<1x16xi32> to vector<16xi32>
        %sub3A_111 = vector.broadcast %mul3A_2 : i32 to vector<16xi32>
        %sub3A_112 = arith.subi %get3A_110, %sub3A_111 : vector<16xi32>
        %ge3A_113 = arith.constant 0 : i32
        %ge3A_114 = vector.broadcast %ge3A_113 : i32 to vector<16xi32>
        %ge3A_115 = arith.cmpi sge, %sub3A_112, %ge3A_114 : vector<16xi32>
        %lt3A_116 = arith.constant 5000 : i32
        %lt3A_117 = vector.broadcast %lt3A_116 : i32 to vector<16xi32>
        %lt3A_118 = arith.cmpi slt, %sub3A_112, %lt3A_117 : vector<16xi32>
        %and3A_119 = arith.andi %ge3A_115, %lt3A_118 : vector<16xi1>
        %mul3A_120 = arith.constant 8 : i32
        %mul3A_121 = arith.muli %scan3A_18, %mul3A_120 : i32
        %add3A_122 = arith.constant 2 : i32
        %add3A_123 = arith.addi %mul3A_121, %add3A_122 : i32
        %jit3A_124 = arith.constant 48 : i32
        %eq3A_125 = arith.constant 0 : i32
        %eq3A_126 = arith.cmpi eq, %jit3A_124, %eq3A_125 : i32
        %jit3A_127 = arith.constant 1 : i32
        %select_n3A_128 = arith.select %eq3A_126, %jit3A_127, %jit3A_124 : i32
        %rem3A_129 = arith.remsi %add3A_123, %select_n3A_128 : i32
        %ne3A_130 = arith.constant 0 : i32
        %ne3A_131 = arith.cmpi ne, %rem3A_129, %ne3A_130 : i32
        %lt3A_132 = arith.constant 0 : i32
        %lt3A_133 = arith.cmpi slt, %rem3A_129, %lt3A_132 : i32
        %lt3A_134 = arith.constant 0 : i32
        %lt3A_135 = arith.cmpi slt, %select_n3A_128, %lt3A_134 : i32
        %ne3A_136 = arith.xori %lt3A_133, %lt3A_135 : i1
        %and3A_137 = arith.andi %ne3A_136, %ne3A_131 : i1
        %add3A_138 = arith.addi %rem3A_129, %select_n3A_128 : i32
        %select_n3A_139 = arith.select %and3A_137, %add3A_138, %rem3A_129 : i32
        %add3A_140 = arith.constant 5000 : i32
        %add3A_141 = arith.addi %add3A_140, %select_n3A_139 : i32
        %broadcast_in_dim3A_142 = vector.broadcast %add3A_141 : i32 to vector<16xi32>
        %select_n3A_143 = arith.select %and3A_119, %sub3A_112, %broadcast_in_dim3A_142 : vector<16xi1>, vector<16xi32>
        %swap3A_144 = arith.constant 32 : index
        %swap3A_145 = tpu.vector_load %arg10[%swap3A_144] {strides = array<i32>} : memref<128xi32, #tpu.memory_space<vmem>>, vector<16xi32>,
        %swap3A_146 = vector.shape_cast %swap3A_145 : vector<16xi32> to vector<16xi32>
        %swap3A_147 = vector.shape_cast %select_n3A_143 : vector<16xi32> to vector<16xi32>
        tpu.vector_store %arg10[%swap3A_144], %swap3A_147 {strides = array<i32>} : memref<128xi32, #tpu.memory_space<vmem>>, vector<16xi32>,
        %get3A_148 = arith.index_cast %scan3A_18 : i32 to index
        %get3A_149 = arith.constant 48 : index
        %get3A_150 = tpu.vector_load %arg8[%get3A_148, %get3A_149] {strides = array<i32>} : memref<157x128xi32, #tpu.memory_space<vmem>>, vector<1x16xi32>,
        %get3A_151 = vector.shape_cast %get3A_150 : vector<1x16xi32> to vector<16xi32>
        %sub3A_152 = vector.broadcast %mul3A_2 : i32 to vector<16xi32>
        %sub3A_153 = arith.subi %get3A_151, %sub3A_152 : vector<16xi32>
        %ge3A_154 = arith.constant 0 : i32
        %ge3A_155 = vector.broadcast %ge3A_154 : i32 to vector<16xi32>
        %ge3A_156 = arith.cmpi sge, %sub3A_153, %ge3A_155 : vector<16xi32>
        %lt3A_157 = arith.constant 5000 : i32
        %lt3A_158 = vector.broadcast %lt3A_157 : i32 to vector<16xi32>
        %lt3A_159 = arith.cmpi slt, %sub3A_153, %lt3A_158 : vector<16xi32>
        %and3A_160 = arith.andi %ge3A_156, %lt3A_159 : vector<16xi1>
        %mul3A_161 = arith.constant 8 : i32
        %mul3A_162 = arith.muli %scan3A_18, %mul3A_161 : i32
        %add3A_163 = arith.constant 3 : i32
        %add3A_164 = arith.addi %mul3A_162, %add3A_163 : i32
        %jit3A_165 = arith.constant 48 : i32
        %eq3A_166 = arith.constant 0 : i32
        %eq3A_167 = arith.cmpi eq, %jit3A_165, %eq3A_166 : i32
        %jit3A_168 = arith.constant 1 : i32
        %select_n3A_169 = arith.select %eq3A_167, %jit3A_168, %jit3A_165 : i32
        %rem3A_170 = arith.remsi %add3A_164, %select_n3A_169 : i32
        %ne3A_171 = arith.constant 0 : i32
        %ne3A_172 = arith.cmpi ne, %rem3A_170, %ne3A_171 : i32
        %lt3A_173 = arith.constant 0 : i32
        %lt3A_174 = arith.cmpi slt, %rem3A_170, %lt3A_173 : i32
        %lt3A_175 = arith.constant 0 : i32
        %lt3A_176 = arith.cmpi slt, %select_n3A_169, %lt3A_175 : i32
        %ne3A_177 = arith.xori %lt3A_174, %lt3A_176 : i1
        %and3A_178 = arith.andi %ne3A_177, %ne3A_172 : i1
        %add3A_179 = arith.addi %rem3A_170, %select_n3A_169 : i32
        %select_n3A_180 = arith.select %and3A_178, %add3A_179, %rem3A_170 : i32
        %add3A_181 = arith.constant 5000 : i32
        %add3A_182 = arith.addi %add3A_181, %select_n3A_180 : i32
        %broadcast_in_dim3A_183 = vector.broadcast %add3A_182 : i32 to vector<16xi32>
        %select_n3A_184 = arith.select %and3A_160, %sub3A_153, %broadcast_in_dim3A_183 : vector<16xi1>, vector<16xi32>
        %swap3A_185 = arith.constant 48 : index
        %swap3A_186 = tpu.vector_load %arg10[%swap3A_185] {strides = array<i32>} : memref<128xi32, #tpu.memory_space<vmem>>, vector<16xi32>,
        %swap3A_187 = vector.shape_cast %swap3A_186 : vector<16xi32> to vector<16xi32>
        %swap3A_188 = vector.shape_cast %select_n3A_184 : vector<16xi32> to vector<16xi32>
        tpu.vector_store %arg10[%swap3A_185], %swap3A_188 {strides = array<i32>} : memref<128xi32, #tpu.memory_space<vmem>>, vector<16xi32>,
        %get3A_189 = arith.index_cast %scan3A_18 : i32 to index
        %get3A_190 = arith.constant 64 : index
        %get3A_191 = tpu.vector_load %arg8[%get3A_189, %get3A_190] {strides = array<i32>} : memref<157x128xi32, #tpu.memory_space<vmem>>, vector<1x16xi32>,
        %get3A_192 = vector.shape_cast %get3A_191 : vector<1x16xi32> to vector<16xi32>
        %sub3A_193 = vector.broadcast %mul3A_2 : i32 to vector<16xi32>
        %sub3A_194 = arith.subi %get3A_192, %sub3A_193 : vector<16xi32>
        %ge3A_195 = arith.constant 0 : i32
        %ge3A_196 = vector.broadcast %ge3A_195 : i32 to vector<16xi32>
        %ge3A_197 = arith.cmpi sge, %sub3A_194, %ge3A_196 : vector<16xi32>
        %lt3A_198 = arith.constant 5000 : i32
        %lt3A_199 = vector.broadcast %lt3A_198 : i32 to vector<16xi32>
        %lt3A_200 = arith.cmpi slt, %sub3A_194, %lt3A_199 : vector<16xi32>
        %and3A_201 = arith.andi %ge3A_197, %lt3A_200 : vector<16xi1>
        %mul3A_202 = arith.constant 8 : i32
        %mul3A_203 = arith.muli %scan3A_18, %mul3A_202 : i32
        %add3A_204 = arith.constant 4 : i32
        %add3A_205 = arith.addi %mul3A_203, %add3A_204 : i32
        %jit3A_206 = arith.constant 48 : i32
        %eq3A_207 = arith.constant 0 : i32
        %eq3A_208 = arith.cmpi eq, %jit3A_206, %eq3A_207 : i32
        %jit3A_209 = arith.constant 1 : i32
        %select_n3A_210 = arith.select %eq3A_208, %jit3A_209, %jit3A_206 : i32
        %rem3A_211 = arith.remsi %add3A_205, %select_n3A_210 : i32
        %ne3A_212 = arith.constant 0 : i32
        %ne3A_213 = arith.cmpi ne, %rem3A_211, %ne3A_212 : i32
        %lt3A_214 = arith.constant 0 : i32
        %lt3A_215 = arith.cmpi slt, %rem3A_211, %lt3A_214 : i32
        %lt3A_216 = arith.constant 0 : i32
        %lt3A_217 = arith.cmpi slt, %select_n3A_210, %lt3A_216 : i32
        %ne3A_218 = arith.xori %lt3A_215, %lt3A_217 : i1
        %and3A_219 = arith.andi %ne3A_218, %ne3A_213 : i1
        %add3A_220 = arith.addi %rem3A_211, %select_n3A_210 : i32
        %select_n3A_221 = arith.select %and3A_219, %add3A_220, %rem3A_211 : i32
        %add3A_222 = arith.constant 5000 : i32
        %add3A_223 = arith.addi %add3A_222, %select_n3A_221 : i32
        %broadcast_in_dim3A_224 = vector.broadcast %add3A_223 : i32 to vector<16xi32>
        %select_n3A_225 = arith.select %and3A_201, %sub3A_194, %broadcast_in_dim3A_224 : vector<16xi1>, vector<16xi32>
        %swap3A_226 = arith.constant 64 : index
        %swap3A_227 = tpu.vector_load %arg10[%swap3A_226] {strides = array<i32>} : memref<128xi32, #tpu.memory_space<vmem>>, vector<16xi32>,
        %swap3A_228 = vector.shape_cast %swap3A_227 : vector<16xi32> to vector<16xi32>
        %swap3A_229 = vector.shape_cast %select_n3A_225 : vector<16xi32> to vector<16xi32>
        tpu.vector_store %arg10[%swap3A_226], %swap3A_229 {strides = array<i32>} : memref<128xi32, #tpu.memory_space<vmem>>, vector<16xi32>,
        %get3A_230 = arith.index_cast %scan3A_18 : i32 to index
        %get3A_231 = arith.constant 80 : index
        %get3A_232 = tpu.vector_load %arg8[%get3A_230, %get3A_231] {strides = array<i32>} : memref<157x128xi32, #tpu.memory_space<vmem>>, vector<1x16xi32>,
        %get3A_233 = vector.shape_cast %get3A_232 : vector<1x16xi32> to vector<16xi32>
        %sub3A_234 = vector.broadcast %mul3A_2 : i32 to vector<16xi32>
        %sub3A_235 = arith.subi %get3A_233, %sub3A_234 : vector<16xi32>
        %ge3A_236 = arith.constant 0 : i32
        %ge3A_237 = vector.broadcast %ge3A_236 : i32 to vector<16xi32>
        %ge3A_238 = arith.cmpi sge, %sub3A_235, %ge3A_237 : vector<16xi32>
        %lt3A_239 = arith.constant 5000 : i32
        %lt3A_240 = vector.broadcast %lt3A_239 : i32 to vector<16xi32>
        %lt3A_241 = arith.cmpi slt, %sub3A_235, %lt3A_240 : vector<16xi32>
        %and3A_242 = arith.andi %ge3A_238, %lt3A_241 : vector<16xi1>
        %mul3A_243 = arith.constant 8 : i32
        %mul3A_244 = arith.muli %scan3A_18, %mul3A_243 : i32
        %add3A_245 = arith.constant 5 : i32
        %add3A_246 = arith.addi %mul3A_244, %add3A_245 : i32
        %jit3A_247 = arith.constant 48 : i32
        %eq3A_248 = arith.constant 0 : i32
        %eq3A_249 = arith.cmpi eq, %jit3A_247, %eq3A_248 : i32
        %jit3A_250 = arith.constant 1 : i32
        %select_n3A_251 = arith.select %eq3A_249, %jit3A_250, %jit3A_247 : i32
        %rem3A_252 = arith.remsi %add3A_246, %select_n3A_251 : i32
        %ne3A_253 = arith.constant 0 : i32
        %ne3A_254 = arith.cmpi ne, %rem3A_252, %ne3A_253 : i32
        %lt3A_255 = arith.constant 0 : i32
        %lt3A_256 = arith.cmpi slt, %rem3A_252, %lt3A_255 : i32
        %lt3A_257 = arith.constant 0 : i32
        %lt3A_258 = arith.cmpi slt, %select_n3A_251, %lt3A_257 : i32
        %ne3A_259 = arith.xori %lt3A_256, %lt3A_258 : i1
        %and3A_260 = arith.andi %ne3A_259, %ne3A_254 : i1
        %add3A_261 = arith.addi %rem3A_252, %select_n3A_251 : i32
        %select_n3A_262 = arith.select %and3A_260, %add3A_261, %rem3A_252 : i32
        %add3A_263 = arith.constant 5000 : i32
        %add3A_264 = arith.addi %add3A_263, %select_n3A_262 : i32
        %broadcast_in_dim3A_265 = vector.broadcast %add3A_264 : i32 to vector<16xi32>
        %select_n3A_266 = arith.select %and3A_242, %sub3A_235, %broadcast_in_dim3A_265 : vector<16xi1>, vector<16xi32>
        %swap3A_267 = arith.constant 80 : index
        %swap3A_268 = tpu.vector_load %arg10[%swap3A_267] {strides = array<i32>} : memref<128xi32, #tpu.memory_space<vmem>>, vector<16xi32>,
        %swap3A_269 = vector.shape_cast %swap3A_268 : vector<16xi32> to vector<16xi32>
        %swap3A_270 = vector.shape_cast %select_n3A_266 : vector<16xi32> to vector<16xi32>
        tpu.vector_store %arg10[%swap3A_267], %swap3A_270 {strides = array<i32>} : memref<128xi32, #tpu.memory_space<vmem>>, vector<16xi32>,
        %get3A_271 = arith.index_cast %scan3A_18 : i32 to index
        %get3A_272 = arith.constant 96 : index
        %get3A_273 = tpu.vector_load %arg8[%get3A_271, %get3A_272] {strides = array<i32>} : memref<157x128xi32, #tpu.memory_space<vmem>>, vector<1x16xi32>,
        %get3A_274 = vector.shape_cast %get3A_273 : vector<1x16xi32> to vector<16xi32>
        %sub3A_275 = vector.broadcast %mul3A_2 : i32 to vector<16xi32>
        %sub3A_276 = arith.subi %get3A_274, %sub3A_275 : vector<16xi32>
        %ge3A_277 = arith.constant 0 : i32
        %ge3A_278 = vector.broadcast %ge3A_277 : i32 to vector<16xi32>
        %ge3A_279 = arith.cmpi sge, %sub3A_276, %ge3A_278 : vector<16xi32>
        %lt3A_280 = arith.constant 5000 : i32
        %lt3A_281 = vector.broadcast %lt3A_280 : i32 to vector<16xi32>
        %lt3A_282 = arith.cmpi slt, %sub3A_276, %lt3A_281 : vector<16xi32>
        %and3A_283 = arith.andi %ge3A_279, %lt3A_282 : vector<16xi1>
        %mul3A_284 = arith.constant 8 : i32
        %mul3A_285 = arith.muli %scan3A_18, %mul3A_284 : i32
        %add3A_286 = arith.constant 6 : i32
        %add3A_287 = arith.addi %mul3A_285, %add3A_286 : i32
        %jit3A_288 = arith.constant 48 : i32
        %eq3A_289 = arith.constant 0 : i32
        %eq3A_290 = arith.cmpi eq, %jit3A_288, %eq3A_289 : i32
        %jit3A_291 = arith.constant 1 : i32
        %select_n3A_292 = arith.select %eq3A_290, %jit3A_291, %jit3A_288 : i32
        %rem3A_293 = arith.remsi %add3A_287, %select_n3A_292 : i32
        %ne3A_294 = arith.constant 0 : i32
        %ne3A_295 = arith.cmpi ne, %rem3A_293, %ne3A_294 : i32
        %lt3A_296 = arith.constant 0 : i32
        %lt3A_297 = arith.cmpi slt, %rem3A_293, %lt3A_296 : i32
        %lt3A_298 = arith.constant 0 : i32
        %lt3A_299 = arith.cmpi slt, %select_n3A_292, %lt3A_298 : i32
        %ne3A_300 = arith.xori %lt3A_297, %lt3A_299 : i1
        %and3A_301 = arith.andi %ne3A_300, %ne3A_295 : i1
        %add3A_302 = arith.addi %rem3A_293, %select_n3A_292 : i32
        %select_n3A_303 = arith.select %and3A_301, %add3A_302, %rem3A_293 : i32
        %add3A_304 = arith.constant 5000 : i32
        %add3A_305 = arith.addi %add3A_304, %select_n3A_303 : i32
        %broadcast_in_dim3A_306 = vector.broadcast %add3A_305 : i32 to vector<16xi32>
        %select_n3A_307 = arith.select %and3A_283, %sub3A_276, %broadcast_in_dim3A_306 : vector<16xi1>, vector<16xi32>
        %swap3A_308 = arith.constant 96 : index
        %swap3A_309 = tpu.vector_load %arg10[%swap3A_308] {strides = array<i32>} : memref<128xi32, #tpu.memory_space<vmem>>, vector<16xi32>,
        %swap3A_310 = vector.shape_cast %swap3A_309 : vector<16xi32> to vector<16xi32>
        %swap3A_311 = vector.shape_cast %select_n3A_307 : vector<16xi32> to vector<16xi32>
        tpu.vector_store %arg10[%swap3A_308], %swap3A_311 {strides = array<i32>} : memref<128xi32, #tpu.memory_space<vmem>>, vector<16xi32>,
        %get3A_312 = arith.index_cast %scan3A_18 : i32 to index
        %get3A_313 = arith.constant 112 : index
        %get3A_314 = tpu.vector_load %arg8[%get3A_312, %get3A_313] {strides = array<i32>} : memref<157x128xi32, #tpu.memory_space<vmem>>, vector<1x16xi32>,
        %get3A_315 = vector.shape_cast %get3A_314 : vector<1x16xi32> to vector<16xi32>
        %sub3A_316 = vector.broadcast %mul3A_2 : i32 to vector<16xi32>
        %sub3A_317 = arith.subi %get3A_315, %sub3A_316 : vector<16xi32>
        %ge3A_318 = arith.constant 0 : i32
        %ge3A_319 = vector.broadcast %ge3A_318 : i32 to vector<16xi32>
        %ge3A_320 = arith.cmpi sge, %sub3A_317, %ge3A_319 : vector<16xi32>
        %lt3A_321 = arith.constant 5000 : i32
        %lt3A_322 = vector.broadcast %lt3A_321 : i32 to vector<16xi32>
        %lt3A_323 = arith.cmpi slt, %sub3A_317, %lt3A_322 : vector<16xi32>
        %and3A_324 = arith.andi %ge3A_320, %lt3A_323 : vector<16xi1>
        %mul3A_325 = arith.constant 8 : i32
        %mul3A_326 = arith.muli %scan3A_18, %mul3A_325 : i32
        %add3A_327 = arith.constant 7 : i32
        %add3A_328 = arith.addi %mul3A_326, %add3A_327 : i32
        %jit3A_329 = arith.constant 48 : i32
        %eq3A_330 = arith.constant 0 : i32
        %eq3A_331 = arith.cmpi eq, %jit3A_329, %eq3A_330 : i32
        %jit3A_332 = arith.constant 1 : i32
        %select_n3A_333 = arith.select %eq3A_331, %jit3A_332, %jit3A_329 : i32
        %rem3A_334 = arith.remsi %add3A_328, %select_n3A_333 : i32
        %ne3A_335 = arith.constant 0 : i32
        %ne3A_336 = arith.cmpi ne, %rem3A_334, %ne3A_335 : i32
        %lt3A_337 = arith.constant 0 : i32
        %lt3A_338 = arith.cmpi slt, %rem3A_334, %lt3A_337 : i32
        %lt3A_339 = arith.constant 0 : i32
        %lt3A_340 = arith.cmpi slt, %select_n3A_333, %lt3A_339 : i32
        %ne3A_341 = arith.xori %lt3A_338, %lt3A_340 : i1
        %and3A_342 = arith.andi %ne3A_341, %ne3A_336 : i1
        %add3A_343 = arith.addi %rem3A_334, %select_n3A_333 : i32
        %select_n3A_344 = arith.select %and3A_342, %add3A_343, %rem3A_334 : i32
        %add3A_345 = arith.constant 5000 : i32
        %add3A_346 = arith.addi %add3A_345, %select_n3A_344 : i32
        %broadcast_in_dim3A_347 = vector.broadcast %add3A_346 : i32 to vector<16xi32>
        %select_n3A_348 = arith.select %and3A_324, %sub3A_317, %broadcast_in_dim3A_347 : vector<16xi1>, vector<16xi32>
        %swap3A_349 = arith.constant 112 : index
        %swap3A_350 = tpu.vector_load %arg10[%swap3A_349] {strides = array<i32>} : memref<128xi32, #tpu.memory_space<vmem>>, vector<16xi32>,
        %swap3A_351 = vector.shape_cast %swap3A_350 : vector<16xi32> to vector<16xi32>
        %swap3A_352 = vector.shape_cast %select_n3A_348 : vector<16xi32> to vector<16xi32>
        tpu.vector_store %arg10[%swap3A_349], %swap3A_352 {strides = array<i32>} : memref<128xi32, #tpu.memory_space<vmem>>, vector<16xi32>,
        %dma_wait3A_353 = arith.constant 0 : i32
        %dma_wait3A_354 = tpu.memref_slice %arg7[%scan3A_18, %dma_wait3A_353] : memref<157x128xi32, #tpu.memory_space<vmem>> -> memref<1x128xi32, #tpu.memory_space<vmem>>
        %dma_wait3A_355 = tpu.memref_squeeze %dma_wait3A_354 : memref<1x128xi32, #tpu.memory_space<vmem>> -> memref<128xi32, #tpu.memory_space<vmem>>
        %dma_wait3A_356 = arith.constant 0 : i32
        %dma_wait3A_357 = arith.constant 0 : i32
        %dma_wait3A_358 = tpu.memref_slice %arg2[%dma_wait3A_356, %dma_wait3A_357] : memref<10000x128xf32, #tpu.memory_space<hbm>> -> memref<10000x128xf32, #tpu.memory_space<hbm>>
        tpu.wait_indirect_dma semaphore(%arg15 : memref<!tpu.dma_semaphore, #tpu.memory_space<semaphore_mem>>) src(%dma_wait3A_358 : memref<10000x128xf32, #tpu.memory_space<hbm>>) dst(%arg12 : memref<128x128xf32, #tpu.memory_space<vmem>>)
        %dma_start3A_359 = arith.constant 0 : i32
        %dma_start3A_360 = arith.constant 0 : i32
        %dma_start3A_361 = tpu.memref_slice %arg13[%dma_start3A_359, %dma_start3A_360] : memref<5120x128xf32, #tpu.memory_space<vmem_shared>> -> memref<5120x128xf32, #tpu.memory_space<vmem_shared>>
        tpu.enqueue_indirect_dma source(%arg12 : memref<128x128xf32, #tpu.memory_space<vmem>>) target(%dma_start3A_361 : memref<5120x128xf32, #tpu.memory_space<vmem_shared>>) offsets(%arg10 : memref<128xi32, #tpu.memory_space<vmem>>) semaphore(%arg17 : memref<!tpu.dma_semaphore, #tpu.memory_space<semaphore_mem>>) {add = true}
      }
      %scan3A_23 = arith.constant 0 : i32
      scf.yield %scan3A_23 : i32
    }
    %scan3A_14 = arith.constant 157 : i32
    %dma_wait3A = arith.constant 0 : i32
    %dma_wait3A_15 = arith.constant 0 : i32
    %dma_wait3A_16 = tpu.memref_slice %arg13[%dma_wait3A, %dma_wait3A_15] : memref<5120x128xf32, #tpu.memory_space<vmem_shared>> -> memref<5120x128xf32, #tpu.memory_space<vmem_shared>>
    tpu.wait_indirect_dma semaphore(%arg16 : memref<!tpu.dma_semaphore, #tpu.memory_space<semaphore_mem>>) src(%arg11 : memref<128x128xf32, #tpu.memory_space<vmem>>) dst(%dma_wait3A_16 : memref<5120x128xf32, #tpu.memory_space<vmem_shared>>)
    %barrier3A_17 = arith.constant 0 : index
    tpu.barrier barrier_id(%barrier3A_17)
    "tpu.region"() ({
      %run_scoped3A = tpu.sem_alloc : memref<!tpu.dma_semaphore, #tpu.memory_space<semaphore_mem>>
      %dma_start3A_18 = arith.constant 0 : i32
      %dma_start3A_19 = tpu.memref_slice %arg6[%arg0, %mul3A_0, %dma_start3A_18] : memref<2x5120x128xf32, #tpu.memory_space<hbm>> -> memref<1x320x128xf32, #tpu.memory_space<hbm>>
      %dma_start3A_20 = tpu.memref_squeeze %dma_start3A_19 : memref<1x320x128xf32, #tpu.memory_space<hbm>> -> memref<320x128xf32, #tpu.memory_space<hbm>>
      %dma_start3A_21 = arith.constant 0 : i32
      %dma_start3A_22 = tpu.memref_slice %arg13[%mul3A_0, %dma_start3A_21] : memref<5120x128xf32, #tpu.memory_space<vmem_shared>> -> memref<320x128xf32, #tpu.memory_space<vmem_shared>>
      tpu.enqueue_dma source(%dma_start3A_22 : memref<320x128xf32, #tpu.memory_space<vmem_shared>>) target(%dma_start3A_20 : memref<320x128xf32, #tpu.memory_space<hbm>>) target_semaphore(%run_scoped3A : memref<!tpu.dma_semaphore, #tpu.memory_space<semaphore_mem>>)
      %dma_wait3A_23 = arith.constant 0 : i32
      %dma_wait3A_24 = tpu.memref_slice %arg6[%arg0, %mul3A_0, %dma_wait3A_23] : memref<2x5120x128xf32, #tpu.memory_space<hbm>> -> memref<1x320x128xf32, #tpu.memory_space<hbm>>
      %dma_wait3A_25 = tpu.memref_squeeze %dma_wait3A_24 : memref<1x320x128xf32, #tpu.memory_space<hbm>> -> memref<320x128xf32, #tpu.memory_space<hbm>>
      %dma_wait3A_26 = arith.constant 0 : i32
      %dma_wait3A_27 = tpu.memref_slice %arg13[%mul3A_0, %dma_wait3A_26] : memref<5120x128xf32, #tpu.memory_space<vmem_shared>> -> memref<320x128xf32, #tpu.memory_space<vmem_shared>>
      tpu.wait_dma2 semaphore(%run_scoped3A : memref<!tpu.dma_semaphore, #tpu.memory_space<semaphore_mem>>) src(%dma_wait3A_27 : memref<320x128xf32, #tpu.memory_space<vmem_shared>>) dst(%dma_wait3A_25 : memref<320x128xf32, #tpu.memory_space<hbm>>)
      tpu.yield
    }) : () -> ()
    return
  }
}

#map = affine_map<(d0, d1) -> (0, 0)>
#map1 = affine_map<(d0, d1) -> (0, 0, 0)>
module attributes {stable_mosaic.version = 14 : i64} {
  func.func @sc_segsum(%arg0: i32, %arg1: i32, %arg2: memref<10000x128xf32, #tpu.memory_space<hbm>>, %arg3: memref<16x157x128xi32, #tpu.memory_space<hbm>>, %arg4: memref<16x157x128xi32, #tpu.memory_space<hbm>>, %arg5: memref<5120x128xf32, #tpu.memory_space<hbm>>, %arg6: memref<2x5120x128xf32, #tpu.memory_space<hbm>>, %arg7: memref<157x128xi32, #tpu.memory_space<vmem>>, %arg8: memref<157x128xi32, #tpu.memory_space<vmem>>, %arg9: memref<128xi32, #tpu.memory_space<vmem>>, %arg10: memref<128xi32, #tpu.memory_space<vmem>>, %arg11: memref<128x128xf32, #tpu.memory_space<vmem>>, %arg12: memref<128x128xf32, #tpu.memory_space<vmem>>, %arg13: memref<5120x128xf32, #tpu.memory_space<vmem_shared>>, %arg14: memref<!tpu.dma_semaphore, #tpu.memory_space<semaphore_mem>>, %arg15: memref<!tpu.dma_semaphore, #tpu.memory_space<semaphore_mem>>, %arg16: memref<!tpu.dma_semaphore, #tpu.memory_space<semaphore_mem>>, %arg17: memref<!tpu.dma_semaphore, #tpu.memory_space<semaphore_mem>>) attributes {dimension_semantics = [#tpu.dimension_semantics<core_parallel>, #tpu.dimension_semantics<subcore_parallel>], iteration_bounds = array<i64: 2, 16>, scalar_prefetch = 0 : i64, scratch_operands = 11 : i64, tpu.core_type = #tpu.core_type<sc_vector_subcore>, window_params = [{transform_indices = #map}, {transform_indices = #map1}, {transform_indices = #map1}, {transform_indices = #map}, {transform_indices = #map1}]} {
    %mul3A = arith.constant 320 : i32
    %mul3A_0 = arith.muli %arg1, %mul3A : i32
    %mul3A_1 = arith.constant 5000 : i32
    %mul3A_2 = arith.muli %arg0, %mul3A_1 : i32
    "tpu.region"() ({
      %run_scoped3A = tpu.sem_alloc : memref<!tpu.dma_semaphore, #tpu.memory_space<semaphore_mem>>
      %dma_start3A_18 = arith.constant 0 : i32
      %dma_start3A_19 = arith.constant 0 : i32
      %dma_start3A_20 = tpu.memref_slice %arg3[%arg1, %dma_start3A_18, %dma_start3A_19] : memref<16x157x128xi32, #tpu.memory_space<hbm>> -> memref<1x157x128xi32, #tpu.memory_space<hbm>>
      %dma_start3A_21 = tpu.memref_squeeze %dma_start3A_20 : memref<1x157x128xi32, #tpu.memory_space<hbm>> -> memref<157x128xi32, #tpu.memory_space<hbm>>
      %dma_start3A_22 = arith.constant 0 : i32
      %dma_start3A_23 = arith.constant 0 : i32
      %dma_start3A_24 = tpu.memref_slice %arg3[%arg1, %dma_start3A_22, %dma_start3A_23] : memref<16x157x128xi32, #tpu.memory_space<hbm>> -> memref<1x157x128xi32, #tpu.memory_space<hbm>>
      %dma_start3A_25 = tpu.memref_squeeze %dma_start3A_24 : memref<1x157x128xi32, #tpu.memory_space<hbm>> -> memref<157x128xi32, #tpu.memory_space<hbm>>
      tpu.enqueue_dma source(%dma_start3A_25 : memref<157x128xi32, #tpu.memory_space<hbm>>) target(%arg7 : memref<157x128xi32, #tpu.memory_space<vmem>>) target_semaphore(%run_scoped3A : memref<!tpu.dma_semaphore, #tpu.memory_space<semaphore_mem>>)
      %dma_wait3A_26 = arith.constant 0 : i32
      %dma_wait3A_27 = arith.constant 0 : i32
      %dma_wait3A_28 = tpu.memref_slice %arg3[%arg1, %dma_wait3A_26, %dma_wait3A_27] : memref<16x157x128xi32, #tpu.memory_space<hbm>> -> memref<1x157x128xi32, #tpu.memory_space<hbm>>
      %dma_wait3A_29 = tpu.memref_squeeze %dma_wait3A_28 : memref<1x157x128xi32, #tpu.memory_space<hbm>> -> memref<157x128xi32, #tpu.memory_space<hbm>>
      %dma_wait3A_30 = arith.constant 0 : i32
      %dma_wait3A_31 = arith.constant 0 : i32
      %dma_wait3A_32 = tpu.memref_slice %arg3[%arg1, %dma_wait3A_30, %dma_wait3A_31] : memref<16x157x128xi32, #tpu.memory_space<hbm>> -> memref<1x157x128xi32, #tpu.memory_space<hbm>>
      %dma_wait3A_33 = tpu.memref_squeeze %dma_wait3A_32 : memref<1x157x128xi32, #tpu.memory_space<hbm>> -> memref<157x128xi32, #tpu.memory_space<hbm>>
      tpu.wait_dma2 semaphore(%run_scoped3A : memref<!tpu.dma_semaphore, #tpu.memory_space<semaphore_mem>>) src(%dma_wait3A_33 : memref<157x128xi32, #tpu.memory_space<hbm>>) dst(%arg7 : memref<157x128xi32, #tpu.memory_space<vmem>>)
      tpu.yield
    }) : () -> ()
    "tpu.region"() ({
      %run_scoped3A = tpu.sem_alloc : memref<!tpu.dma_semaphore, #tpu.memory_space<semaphore_mem>>
      %dma_start3A_18 = arith.constant 0 : i32
      %dma_start3A_19 = arith.constant 0 : i32
      %dma_start3A_20 = tpu.memref_slice %arg4[%arg1, %dma_start3A_18, %dma_start3A_19] : memref<16x157x128xi32, #tpu.memory_space<hbm>> -> memref<1x157x128xi32, #tpu.memory_space<hbm>>
      %dma_start3A_21 = tpu.memref_squeeze %dma_start3A_20 : memref<1x157x128xi32, #tpu.memory_space<hbm>> -> memref<157x128xi32, #tpu.memory_space<hbm>>
      %dma_start3A_22 = arith.constant 0 : i32
      %dma_start3A_23 = arith.constant 0 : i32
      %dma_start3A_24 = tpu.memref_slice %arg4[%arg1, %dma_start3A_22, %dma_start3A_23] : memref<16x157x128xi32, #tpu.memory_space<hbm>> -> memref<1x157x128xi32, #tpu.memory_space<hbm>>
      %dma_start3A_25 = tpu.memref_squeeze %dma_start3A_24 : memref<1x157x128xi32, #tpu.memory_space<hbm>> -> memref<157x128xi32, #tpu.memory_space<hbm>>
      tpu.enqueue_dma source(%dma_start3A_25 : memref<157x128xi32, #tpu.memory_space<hbm>>) target(%arg8 : memref<157x128xi32, #tpu.memory_space<vmem>>) target_semaphore(%run_scoped3A : memref<!tpu.dma_semaphore, #tpu.memory_space<semaphore_mem>>)
      %dma_wait3A_26 = arith.constant 0 : i32
      %dma_wait3A_27 = arith.constant 0 : i32
      %dma_wait3A_28 = tpu.memref_slice %arg4[%arg1, %dma_wait3A_26, %dma_wait3A_27] : memref<16x157x128xi32, #tpu.memory_space<hbm>> -> memref<1x157x128xi32, #tpu.memory_space<hbm>>
      %dma_wait3A_29 = tpu.memref_squeeze %dma_wait3A_28 : memref<1x157x128xi32, #tpu.memory_space<hbm>> -> memref<157x128xi32, #tpu.memory_space<hbm>>
      %dma_wait3A_30 = arith.constant 0 : i32
      %dma_wait3A_31 = arith.constant 0 : i32
      %dma_wait3A_32 = tpu.memref_slice %arg4[%arg1, %dma_wait3A_30, %dma_wait3A_31] : memref<16x157x128xi32, #tpu.memory_space<hbm>> -> memref<1x157x128xi32, #tpu.memory_space<hbm>>
      %dma_wait3A_33 = tpu.memref_squeeze %dma_wait3A_32 : memref<1x157x128xi32, #tpu.memory_space<hbm>> -> memref<157x128xi32, #tpu.memory_space<hbm>>
      tpu.wait_dma2 semaphore(%run_scoped3A : memref<!tpu.dma_semaphore, #tpu.memory_space<semaphore_mem>>) src(%dma_wait3A_33 : memref<157x128xi32, #tpu.memory_space<hbm>>) dst(%arg8 : memref<157x128xi32, #tpu.memory_space<vmem>>)
      tpu.yield
    }) : () -> ()
    "tpu.region"() ({
      %run_scoped3A = tpu.sem_alloc : memref<!tpu.dma_semaphore, #tpu.memory_space<semaphore_mem>>
      %dma_start3A_18 = arith.constant 0 : i32
      %dma_start3A_19 = tpu.memref_slice %arg13[%mul3A_0, %dma_start3A_18] : memref<5120x128xf32, #tpu.memory_space<vmem_shared>> -> memref<320x128xf32, #tpu.memory_space<vmem_shared>>
      %dma_start3A_20 = arith.constant 0 : i32
      %dma_start3A_21 = tpu.memref_slice %arg5[%mul3A_0, %dma_start3A_20] : memref<5120x128xf32, #tpu.memory_space<hbm>> -> memref<320x128xf32, #tpu.memory_space<hbm>>
      tpu.enqueue_dma source(%dma_start3A_21 : memref<320x128xf32, #tpu.memory_space<hbm>>) target(%dma_start3A_19 : memref<320x128xf32, #tpu.memory_space<vmem_shared>>) target_semaphore(%run_scoped3A : memref<!tpu.dma_semaphore, #tpu.memory_space<semaphore_mem>>)
      %dma_wait3A_22 = arith.constant 0 : i32
      %dma_wait3A_23 = tpu.memref_slice %arg13[%mul3A_0, %dma_wait3A_22] : memref<5120x128xf32, #tpu.memory_space<vmem_shared>> -> memref<320x128xf32, #tpu.memory_space<vmem_shared>>
      %dma_wait3A_24 = arith.constant 0 : i32
      %dma_wait3A_25 = tpu.memref_slice %arg5[%mul3A_0, %dma_wait3A_24] : memref<5120x128xf32, #tpu.memory_space<hbm>> -> memref<320x128xf32, #tpu.memory_space<hbm>>
      tpu.wait_dma2 semaphore(%run_scoped3A : memref<!tpu.dma_semaphore, #tpu.memory_space<semaphore_mem>>) src(%dma_wait3A_25 : memref<320x128xf32, #tpu.memory_space<hbm>>) dst(%dma_wait3A_23 : memref<320x128xf32, #tpu.memory_space<vmem_shared>>)
      tpu.yield
    }) : () -> ()
    %barrier3A = arith.constant 0 : index
    tpu.barrier barrier_id(%barrier3A)
    %dma_start3A = arith.constant 0 : i32
    %dma_start3A_3 = arith.constant 0 : i32
    %dma_start3A_4 = tpu.memref_slice %arg7[%dma_start3A, %dma_start3A_3] : memref<157x128xi32, #tpu.memory_space<vmem>> -> memref<1x128xi32, #tpu.memory_space<vmem>>
    %dma_start3A_5 = tpu.memref_squeeze %dma_start3A_4 : memref<1x128xi32, #tpu.memory_space<vmem>> -> memref<128xi32, #tpu.memory_space<vmem>>
    %dma_start3A_6 = arith.constant 0 : i32
    %dma_start3A_7 = arith.constant 0 : i32
    %dma_start3A_8 = tpu.memref_slice %arg2[%dma_start3A_6, %dma_start3A_7] : memref<10000x128xf32, #tpu.memory_space<hbm>> -> memref<10000x128xf32, #tpu.memory_space<hbm>>
    tpu.enqueue_indirect_dma source(%dma_start3A_8 : memref<10000x128xf32, #tpu.memory_space<hbm>>) target(%arg11 : memref<128x128xf32, #tpu.memory_space<vmem>>) offsets(%dma_start3A_5 : memref<128xi32, #tpu.memory_space<vmem>>) semaphore(%arg14 : memref<!tpu.dma_semaphore, #tpu.memory_space<semaphore_mem>>)
    %scan3A = arith.constant 0 : i32
    %scan3A_9 = arith.constant 0 : i32
    %scan3A_10 = arith.constant 157 : i32
    %scan3A_11 = arith.addi %scan3A_9, %scan3A_10 : i32
    %scan3A_12 = arith.constant 1 : i32
    %scan3A_13 = scf.for %scan3A_18 = %scan3A_9 to %scan3A_11 step %scan3A_12 iter_args(%scan3A_19 = %scan3A) -> (i32)  : i32 {
      %rem3A = arith.constant 2 : i32
      %rem3A_20 = arith.remsi %scan3A_18, %rem3A : i32
      %eq3A = arith.constant 0 : i32
      %eq3A_21 = arith.cmpi eq, %rem3A_20, %eq3A : i32
      %convert_element_type3A = arith.extui %eq3A_21 : i1 to i32
      %cond3A = arith.constant 0 : i32
      %cond3A_22 = arith.cmpi ne, %convert_element_type3A, %cond3A : i32
      scf.if %cond3A_22 {
        %ge3A = arith.constant 1 : i32
        %ge3A_24 = arith.cmpi sge, %scan3A_18, %ge3A : i32
        %convert_element_type3A_25 = arith.extui %ge3A_24 : i1 to i32
        %cond3A_26 = arith.constant 0 : i32
        %cond3A_27 = arith.cmpi ne, %convert_element_type3A_25, %cond3A_26 : i32
        scf.if %cond3A_27 {
          %dma_wait3A_362 = arith.constant 0 : i32
          %dma_wait3A_363 = arith.constant 0 : i32
          %dma_wait3A_364 = tpu.memref_slice %arg13[%dma_wait3A_362, %dma_wait3A_363] : memref<5120x128xf32, #tpu.memory_space<vmem_shared>> -> memref<5120x128xf32, #tpu.memory_space<vmem_shared>>
          tpu.wait_indirect_dma semaphore(%arg17 : memref<!tpu.dma_semaphore, #tpu.memory_space<semaphore_mem>>) src(%arg12 : memref<128x128xf32, #tpu.memory_space<vmem>>) dst(%dma_wait3A_364 : memref<5120x128xf32, #tpu.memory_space<vmem_shared>>)
        } else {
        }
        %add3A = arith.constant 1 : i32
        %add3A_28 = arith.addi %scan3A_18, %add3A : i32
        %lt3A = arith.constant 157 : i32
        %lt3A_29 = arith.cmpi slt, %add3A_28, %lt3A : i32
        %convert_element_type3A_30 = arith.extui %lt3A_29 : i1 to i32
        %cond3A_31 = arith.constant 0 : i32
        %cond3A_32 = arith.cmpi ne, %convert_element_type3A_30, %cond3A_31 : i32
        scf.if %cond3A_32 {
          %add3A_362 = arith.constant 1 : i32
          %add3A_363 = arith.addi %scan3A_18, %add3A_362 : i32
          %dma_start3A_364 = arith.constant 0 : i32
          %dma_start3A_365 = tpu.memref_slice %arg7[%add3A_363, %dma_start3A_364] : memref<157x128xi32, #tpu.memory_space<vmem>> -> memref<1x128xi32, #tpu.memory_space<vmem>>
          %dma_start3A_366 = tpu.memref_squeeze %dma_start3A_365 : memref<1x128xi32, #tpu.memory_space<vmem>> -> memref<128xi32, #tpu.memory_space<vmem>>
          %dma_start3A_367 = arith.constant 0 : i32
          %dma_start3A_368 = arith.constant 0 : i32
          %dma_start3A_369 = tpu.memref_slice %arg2[%dma_start3A_367, %dma_start3A_368] : memref<10000x128xf32, #tpu.memory_space<hbm>> -> memref<10000x128xf32, #tpu.memory_space<hbm>>
          tpu.enqueue_indirect_dma source(%dma_start3A_369 : memref<10000x128xf32, #tpu.memory_space<hbm>>) target(%arg12 : memref<128x128xf32, #tpu.memory_space<vmem>>) offsets(%dma_start3A_366 : memref<128xi32, #tpu.memory_space<vmem>>) semaphore(%arg15 : memref<!tpu.dma_semaphore, #tpu.memory_space<semaphore_mem>>)
        } else {
        }
        %get3A = arith.index_cast %scan3A_18 : i32 to index
        %get3A_33 = arith.constant 0 : index
        %get3A_34 = tpu.vector_load %arg8[%get3A, %get3A_33] {strides = array<i32>} : memref<157x128xi32, #tpu.memory_space<vmem>>, vector<1x16xi32>,
        %get3A_35 = vector.shape_cast %get3A_34 : vector<1x16xi32> to vector<16xi32>
        %sub3A = vector.broadcast %mul3A_2 : i32 to vector<16xi32>
        %sub3A_36 = arith.subi %get3A_35, %sub3A : vector<16xi32>
        %ge3A_37 = arith.constant 0 : i32
        %ge3A_38 = vector.broadcast %ge3A_37 : i32 to vector<16xi32>
        %ge3A_39 = arith.cmpi sge, %sub3A_36, %ge3A_38 : vector<16xi32>
        %lt3A_40 = arith.constant 5000 : i32
        %lt3A_41 = vector.broadcast %lt3A_40 : i32 to vector<16xi32>
        %lt3A_42 = arith.cmpi slt, %sub3A_36, %lt3A_41 : vector<16xi32>
        %and3A = arith.andi %ge3A_39, %lt3A_42 : vector<16xi1>
        %mul3A_43 = arith.constant 8 : i32
        %mul3A_44 = arith.muli %scan3A_18, %mul3A_43 : i32
        %add3A_45 = arith.constant 0 : i32
        %add3A_46 = arith.addi %mul3A_44, %add3A_45 : i32
        %jit3A = arith.constant 48 : i32
        %eq3A_47 = arith.constant 0 : i32
        %eq3A_48 = arith.cmpi eq, %jit3A, %eq3A_47 : i32
        %jit3A_49 = arith.constant 1 : i32
        %select_n3A = arith.select %eq3A_48, %jit3A_49, %jit3A : i32
        %rem3A_50 = arith.remsi %add3A_46, %select_n3A : i32
        %ne3A = arith.constant 0 : i32
        %ne3A_51 = arith.cmpi ne, %rem3A_50, %ne3A : i32
        %lt3A_52 = arith.constant 0 : i32
        %lt3A_53 = arith.cmpi slt, %rem3A_50, %lt3A_52 : i32
        %lt3A_54 = arith.constant 0 : i32
        %lt3A_55 = arith.cmpi slt, %select_n3A, %lt3A_54 : i32
        %ne3A_56 = arith.xori %lt3A_53, %lt3A_55 : i1
        %and3A_57 = arith.andi %ne3A_56, %ne3A_51 : i1
        %add3A_58 = arith.addi %rem3A_50, %select_n3A : i32
        %select_n3A_59 = arith.select %and3A_57, %add3A_58, %rem3A_50 : i32
        %add3A_60 = arith.constant 5000 : i32
        %add3A_61 = arith.addi %add3A_60, %select_n3A_59 : i32
        %broadcast_in_dim3A = vector.broadcast %add3A_61 : i32 to vector<16xi32>
        %select_n3A_62 = arith.select %and3A, %sub3A_36, %broadcast_in_dim3A : vector<16xi1>, vector<16xi32>
        %swap3A = arith.constant 0 : index
        %swap3A_63 = tpu.vector_load %arg9[%swap3A] {strides = array<i32>} : memref<128xi32, #tpu.memory_space<vmem>>, vector<16xi32>,
        %swap3A_64 = vector.shape_cast %swap3A_63 : vector<16xi32> to vector<16xi32>
        %swap3A_65 = vector.shape_cast %select_n3A_62 : vector<16xi32> to vector<16xi32>
        tpu.vector_store %arg9[%swap3A], %swap3A_65 {strides = array<i32>} : memref<128xi32, #tpu.memory_space<vmem>>, vector<16xi32>,
        %get3A_66 = arith.index_cast %scan3A_18 : i32 to index
        %get3A_67 = arith.constant 16 : index
        %get3A_68 = tpu.vector_load %arg8[%get3A_66, %get3A_67] {strides = array<i32>} : memref<157x128xi32, #tpu.memory_space<vmem>>, vector<1x16xi32>,
        %get3A_69 = vector.shape_cast %get3A_68 : vector<1x16xi32> to vector<16xi32>
        %sub3A_70 = vector.broadcast %mul3A_2 : i32 to vector<16xi32>
        %sub3A_71 = arith.subi %get3A_69, %sub3A_70 : vector<16xi32>
        %ge3A_72 = arith.constant 0 : i32
        %ge3A_73 = vector.broadcast %ge3A_72 : i32 to vector<16xi32>
        %ge3A_74 = arith.cmpi sge, %sub3A_71, %ge3A_73 : vector<16xi32>
        %lt3A_75 = arith.constant 5000 : i32
        %lt3A_76 = vector.broadcast %lt3A_75 : i32 to vector<16xi32>
        %lt3A_77 = arith.cmpi slt, %sub3A_71, %lt3A_76 : vector<16xi32>
        %and3A_78 = arith.andi %ge3A_74, %lt3A_77 : vector<16xi1>
        %mul3A_79 = arith.constant 8 : i32
        %mul3A_80 = arith.muli %scan3A_18, %mul3A_79 : i32
        %add3A_81 = arith.constant 1 : i32
        %add3A_82 = arith.addi %mul3A_80, %add3A_81 : i32
        %jit3A_83 = arith.constant 48 : i32
        %eq3A_84 = arith.constant 0 : i32
        %eq3A_85 = arith.cmpi eq, %jit3A_83, %eq3A_84 : i32
        %jit3A_86 = arith.constant 1 : i32
        %select_n3A_87 = arith.select %eq3A_85, %jit3A_86, %jit3A_83 : i32
        %rem3A_88 = arith.remsi %add3A_82, %select_n3A_87 : i32
        %ne3A_89 = arith.constant 0 : i32
        %ne3A_90 = arith.cmpi ne, %rem3A_88, %ne3A_89 : i32
        %lt3A_91 = arith.constant 0 : i32
        %lt3A_92 = arith.cmpi slt, %rem3A_88, %lt3A_91 : i32
        %lt3A_93 = arith.constant 0 : i32
        %lt3A_94 = arith.cmpi slt, %select_n3A_87, %lt3A_93 : i32
        %ne3A_95 = arith.xori %lt3A_92, %lt3A_94 : i1
        %and3A_96 = arith.andi %ne3A_95, %ne3A_90 : i1
        %add3A_97 = arith.addi %rem3A_88, %select_n3A_87 : i32
        %select_n3A_98 = arith.select %and3A_96, %add3A_97, %rem3A_88 : i32
        %add3A_99 = arith.constant 5000 : i32
        %add3A_100 = arith.addi %add3A_99, %select_n3A_98 : i32
        %broadcast_in_dim3A_101 = vector.broadcast %add3A_100 : i32 to vector<16xi32>
        %select_n3A_102 = arith.select %and3A_78, %sub3A_71, %broadcast_in_dim3A_101 : vector<16xi1>, vector<16xi32>
        %swap3A_103 = arith.constant 16 : index
        %swap3A_104 = tpu.vector_load %arg9[%swap3A_103] {strides = array<i32>} : memref<128xi32, #tpu.memory_space<vmem>>, vector<16xi32>,
        %swap3A_105 = vector.shape_cast %swap3A_104 : vector<16xi32> to vector<16xi32>
        %swap3A_106 = vector.shape_cast %select_n3A_102 : vector<16xi32> to vector<16xi32>
        tpu.vector_store %arg9[%swap3A_103], %swap3A_106 {strides = array<i32>} : memref<128xi32, #tpu.memory_space<vmem>>, vector<16xi32>,
        %get3A_107 = arith.index_cast %scan3A_18 : i32 to index
        %get3A_108 = arith.constant 32 : index
        %get3A_109 = tpu.vector_load %arg8[%get3A_107, %get3A_108] {strides = array<i32>} : memref<157x128xi32, #tpu.memory_space<vmem>>, vector<1x16xi32>,
        %get3A_110 = vector.shape_cast %get3A_109 : vector<1x16xi32> to vector<16xi32>
        %sub3A_111 = vector.broadcast %mul3A_2 : i32 to vector<16xi32>
        %sub3A_112 = arith.subi %get3A_110, %sub3A_111 : vector<16xi32>
        %ge3A_113 = arith.constant 0 : i32
        %ge3A_114 = vector.broadcast %ge3A_113 : i32 to vector<16xi32>
        %ge3A_115 = arith.cmpi sge, %sub3A_112, %ge3A_114 : vector<16xi32>
        %lt3A_116 = arith.constant 5000 : i32
        %lt3A_117 = vector.broadcast %lt3A_116 : i32 to vector<16xi32>
        %lt3A_118 = arith.cmpi slt, %sub3A_112, %lt3A_117 : vector<16xi32>
        %and3A_119 = arith.andi %ge3A_115, %lt3A_118 : vector<16xi1>
        %mul3A_120 = arith.constant 8 : i32
        %mul3A_121 = arith.muli %scan3A_18, %mul3A_120 : i32
        %add3A_122 = arith.constant 2 : i32
        %add3A_123 = arith.addi %mul3A_121, %add3A_122 : i32
        %jit3A_124 = arith.constant 48 : i32
        %eq3A_125 = arith.constant 0 : i32
        %eq3A_126 = arith.cmpi eq, %jit3A_124, %eq3A_125 : i32
        %jit3A_127 = arith.constant 1 : i32
        %select_n3A_128 = arith.select %eq3A_126, %jit3A_127, %jit3A_124 : i32
        %rem3A_129 = arith.remsi %add3A_123, %select_n3A_128 : i32
        %ne3A_130 = arith.constant 0 : i32
        %ne3A_131 = arith.cmpi ne, %rem3A_129, %ne3A_130 : i32
        %lt3A_132 = arith.constant 0 : i32
        %lt3A_133 = arith.cmpi slt, %rem3A_129, %lt3A_132 : i32
        %lt3A_134 = arith.constant 0 : i32
        %lt3A_135 = arith.cmpi slt, %select_n3A_128, %lt3A_134 : i32
        %ne3A_136 = arith.xori %lt3A_133, %lt3A_135 : i1
        %and3A_137 = arith.andi %ne3A_136, %ne3A_131 : i1
        %add3A_138 = arith.addi %rem3A_129, %select_n3A_128 : i32
        %select_n3A_139 = arith.select %and3A_137, %add3A_138, %rem3A_129 : i32
        %add3A_140 = arith.constant 5000 : i32
        %add3A_141 = arith.addi %add3A_140, %select_n3A_139 : i32
        %broadcast_in_dim3A_142 = vector.broadcast %add3A_141 : i32 to vector<16xi32>
        %select_n3A_143 = arith.select %and3A_119, %sub3A_112, %broadcast_in_dim3A_142 : vector<16xi1>, vector<16xi32>
        %swap3A_144 = arith.constant 32 : index
        %swap3A_145 = tpu.vector_load %arg9[%swap3A_144] {strides = array<i32>} : memref<128xi32, #tpu.memory_space<vmem>>, vector<16xi32>,
        %swap3A_146 = vector.shape_cast %swap3A_145 : vector<16xi32> to vector<16xi32>
        %swap3A_147 = vector.shape_cast %select_n3A_143 : vector<16xi32> to vector<16xi32>
        tpu.vector_store %arg9[%swap3A_144], %swap3A_147 {strides = array<i32>} : memref<128xi32, #tpu.memory_space<vmem>>, vector<16xi32>,
        %get3A_148 = arith.index_cast %scan3A_18 : i32 to index
        %get3A_149 = arith.constant 48 : index
        %get3A_150 = tpu.vector_load %arg8[%get3A_148, %get3A_149] {strides = array<i32>} : memref<157x128xi32, #tpu.memory_space<vmem>>, vector<1x16xi32>,
        %get3A_151 = vector.shape_cast %get3A_150 : vector<1x16xi32> to vector<16xi32>
        %sub3A_152 = vector.broadcast %mul3A_2 : i32 to vector<16xi32>
        %sub3A_153 = arith.subi %get3A_151, %sub3A_152 : vector<16xi32>
        %ge3A_154 = arith.constant 0 : i32
        %ge3A_155 = vector.broadcast %ge3A_154 : i32 to vector<16xi32>
        %ge3A_156 = arith.cmpi sge, %sub3A_153, %ge3A_155 : vector<16xi32>
        %lt3A_157 = arith.constant 5000 : i32
        %lt3A_158 = vector.broadcast %lt3A_157 : i32 to vector<16xi32>
        %lt3A_159 = arith.cmpi slt, %sub3A_153, %lt3A_158 : vector<16xi32>
        %and3A_160 = arith.andi %ge3A_156, %lt3A_159 : vector<16xi1>
        %mul3A_161 = arith.constant 8 : i32
        %mul3A_162 = arith.muli %scan3A_18, %mul3A_161 : i32
        %add3A_163 = arith.constant 3 : i32
        %add3A_164 = arith.addi %mul3A_162, %add3A_163 : i32
        %jit3A_165 = arith.constant 48 : i32
        %eq3A_166 = arith.constant 0 : i32
        %eq3A_167 = arith.cmpi eq, %jit3A_165, %eq3A_166 : i32
        %jit3A_168 = arith.constant 1 : i32
        %select_n3A_169 = arith.select %eq3A_167, %jit3A_168, %jit3A_165 : i32
        %rem3A_170 = arith.remsi %add3A_164, %select_n3A_169 : i32
        %ne3A_171 = arith.constant 0 : i32
        %ne3A_172 = arith.cmpi ne, %rem3A_170, %ne3A_171 : i32
        %lt3A_173 = arith.constant 0 : i32
        %lt3A_174 = arith.cmpi slt, %rem3A_170, %lt3A_173 : i32
        %lt3A_175 = arith.constant 0 : i32
        %lt3A_176 = arith.cmpi slt, %select_n3A_169, %lt3A_175 : i32
        %ne3A_177 = arith.xori %lt3A_174, %lt3A_176 : i1
        %and3A_178 = arith.andi %ne3A_177, %ne3A_172 : i1
        %add3A_179 = arith.addi %rem3A_170, %select_n3A_169 : i32
        %select_n3A_180 = arith.select %and3A_178, %add3A_179, %rem3A_170 : i32
        %add3A_181 = arith.constant 5000 : i32
        %add3A_182 = arith.addi %add3A_181, %select_n3A_180 : i32
        %broadcast_in_dim3A_183 = vector.broadcast %add3A_182 : i32 to vector<16xi32>
        %select_n3A_184 = arith.select %and3A_160, %sub3A_153, %broadcast_in_dim3A_183 : vector<16xi1>, vector<16xi32>
        %swap3A_185 = arith.constant 48 : index
        %swap3A_186 = tpu.vector_load %arg9[%swap3A_185] {strides = array<i32>} : memref<128xi32, #tpu.memory_space<vmem>>, vector<16xi32>,
        %swap3A_187 = vector.shape_cast %swap3A_186 : vector<16xi32> to vector<16xi32>
        %swap3A_188 = vector.shape_cast %select_n3A_184 : vector<16xi32> to vector<16xi32>
        tpu.vector_store %arg9[%swap3A_185], %swap3A_188 {strides = array<i32>} : memref<128xi32, #tpu.memory_space<vmem>>, vector<16xi32>,
        %get3A_189 = arith.index_cast %scan3A_18 : i32 to index
        %get3A_190 = arith.constant 64 : index
        %get3A_191 = tpu.vector_load %arg8[%get3A_189, %get3A_190] {strides = array<i32>} : memref<157x128xi32, #tpu.memory_space<vmem>>, vector<1x16xi32>,
        %get3A_192 = vector.shape_cast %get3A_191 : vector<1x16xi32> to vector<16xi32>
        %sub3A_193 = vector.broadcast %mul3A_2 : i32 to vector<16xi32>
        %sub3A_194 = arith.subi %get3A_192, %sub3A_193 : vector<16xi32>
        %ge3A_195 = arith.constant 0 : i32
        %ge3A_196 = vector.broadcast %ge3A_195 : i32 to vector<16xi32>
        %ge3A_197 = arith.cmpi sge, %sub3A_194, %ge3A_196 : vector<16xi32>
        %lt3A_198 = arith.constant 5000 : i32
        %lt3A_199 = vector.broadcast %lt3A_198 : i32 to vector<16xi32>
        %lt3A_200 = arith.cmpi slt, %sub3A_194, %lt3A_199 : vector<16xi32>
        %and3A_201 = arith.andi %ge3A_197, %lt3A_200 : vector<16xi1>
        %mul3A_202 = arith.constant 8 : i32
        %mul3A_203 = arith.muli %scan3A_18, %mul3A_202 : i32
        %add3A_204 = arith.constant 4 : i32
        %add3A_205 = arith.addi %mul3A_203, %add3A_204 : i32
        %jit3A_206 = arith.constant 48 : i32
        %eq3A_207 = arith.constant 0 : i32
        %eq3A_208 = arith.cmpi eq, %jit3A_206, %eq3A_207 : i32
        %jit3A_209 = arith.constant 1 : i32
        %select_n3A_210 = arith.select %eq3A_208, %jit3A_209, %jit3A_206 : i32
        %rem3A_211 = arith.remsi %add3A_205, %select_n3A_210 : i32
        %ne3A_212 = arith.constant 0 : i32
        %ne3A_213 = arith.cmpi ne, %rem3A_211, %ne3A_212 : i32
        %lt3A_214 = arith.constant 0 : i32
        %lt3A_215 = arith.cmpi slt, %rem3A_211, %lt3A_214 : i32
        %lt3A_216 = arith.constant 0 : i32
        %lt3A_217 = arith.cmpi slt, %select_n3A_210, %lt3A_216 : i32
        %ne3A_218 = arith.xori %lt3A_215, %lt3A_217 : i1
        %and3A_219 = arith.andi %ne3A_218, %ne3A_213 : i1
        %add3A_220 = arith.addi %rem3A_211, %select_n3A_210 : i32
        %select_n3A_221 = arith.select %and3A_219, %add3A_220, %rem3A_211 : i32
        %add3A_222 = arith.constant 5000 : i32
        %add3A_223 = arith.addi %add3A_222, %select_n3A_221 : i32
        %broadcast_in_dim3A_224 = vector.broadcast %add3A_223 : i32 to vector<16xi32>
        %select_n3A_225 = arith.select %and3A_201, %sub3A_194, %broadcast_in_dim3A_224 : vector<16xi1>, vector<16xi32>
        %swap3A_226 = arith.constant 64 : index
        %swap3A_227 = tpu.vector_load %arg9[%swap3A_226] {strides = array<i32>} : memref<128xi32, #tpu.memory_space<vmem>>, vector<16xi32>,
        %swap3A_228 = vector.shape_cast %swap3A_227 : vector<16xi32> to vector<16xi32>
        %swap3A_229 = vector.shape_cast %select_n3A_225 : vector<16xi32> to vector<16xi32>
        tpu.vector_store %arg9[%swap3A_226], %swap3A_229 {strides = array<i32>} : memref<128xi32, #tpu.memory_space<vmem>>, vector<16xi32>,
        %get3A_230 = arith.index_cast %scan3A_18 : i32 to index
        %get3A_231 = arith.constant 80 : index
        %get3A_232 = tpu.vector_load %arg8[%get3A_230, %get3A_231] {strides = array<i32>} : memref<157x128xi32, #tpu.memory_space<vmem>>, vector<1x16xi32>,
        %get3A_233 = vector.shape_cast %get3A_232 : vector<1x16xi32> to vector<16xi32>
        %sub3A_234 = vector.broadcast %mul3A_2 : i32 to vector<16xi32>
        %sub3A_235 = arith.subi %get3A_233, %sub3A_234 : vector<16xi32>
        %ge3A_236 = arith.constant 0 : i32
        %ge3A_237 = vector.broadcast %ge3A_236 : i32 to vector<16xi32>
        %ge3A_238 = arith.cmpi sge, %sub3A_235, %ge3A_237 : vector<16xi32>
        %lt3A_239 = arith.constant 5000 : i32
        %lt3A_240 = vector.broadcast %lt3A_239 : i32 to vector<16xi32>
        %lt3A_241 = arith.cmpi slt, %sub3A_235, %lt3A_240 : vector<16xi32>
        %and3A_242 = arith.andi %ge3A_238, %lt3A_241 : vector<16xi1>
        %mul3A_243 = arith.constant 8 : i32
        %mul3A_244 = arith.muli %scan3A_18, %mul3A_243 : i32
        %add3A_245 = arith.constant 5 : i32
        %add3A_246 = arith.addi %mul3A_244, %add3A_245 : i32
        %jit3A_247 = arith.constant 48 : i32
        %eq3A_248 = arith.constant 0 : i32
        %eq3A_249 = arith.cmpi eq, %jit3A_247, %eq3A_248 : i32
        %jit3A_250 = arith.constant 1 : i32
        %select_n3A_251 = arith.select %eq3A_249, %jit3A_250, %jit3A_247 : i32
        %rem3A_252 = arith.remsi %add3A_246, %select_n3A_251 : i32
        %ne3A_253 = arith.constant 0 : i32
        %ne3A_254 = arith.cmpi ne, %rem3A_252, %ne3A_253 : i32
        %lt3A_255 = arith.constant 0 : i32
        %lt3A_256 = arith.cmpi slt, %rem3A_252, %lt3A_255 : i32
        %lt3A_257 = arith.constant 0 : i32
        %lt3A_258 = arith.cmpi slt, %select_n3A_251, %lt3A_257 : i32
        %ne3A_259 = arith.xori %lt3A_256, %lt3A_258 : i1
        %and3A_260 = arith.andi %ne3A_259, %ne3A_254 : i1
        %add3A_261 = arith.addi %rem3A_252, %select_n3A_251 : i32
        %select_n3A_262 = arith.select %and3A_260, %add3A_261, %rem3A_252 : i32
        %add3A_263 = arith.constant 5000 : i32
        %add3A_264 = arith.addi %add3A_263, %select_n3A_262 : i32
        %broadcast_in_dim3A_265 = vector.broadcast %add3A_264 : i32 to vector<16xi32>
        %select_n3A_266 = arith.select %and3A_242, %sub3A_235, %broadcast_in_dim3A_265 : vector<16xi1>, vector<16xi32>
        %swap3A_267 = arith.constant 80 : index
        %swap3A_268 = tpu.vector_load %arg9[%swap3A_267] {strides = array<i32>} : memref<128xi32, #tpu.memory_space<vmem>>, vector<16xi32>,
        %swap3A_269 = vector.shape_cast %swap3A_268 : vector<16xi32> to vector<16xi32>
        %swap3A_270 = vector.shape_cast %select_n3A_266 : vector<16xi32> to vector<16xi32>
        tpu.vector_store %arg9[%swap3A_267], %swap3A_270 {strides = array<i32>} : memref<128xi32, #tpu.memory_space<vmem>>, vector<16xi32>,
        %get3A_271 = arith.index_cast %scan3A_18 : i32 to index
        %get3A_272 = arith.constant 96 : index
        %get3A_273 = tpu.vector_load %arg8[%get3A_271, %get3A_272] {strides = array<i32>} : memref<157x128xi32, #tpu.memory_space<vmem>>, vector<1x16xi32>,
        %get3A_274 = vector.shape_cast %get3A_273 : vector<1x16xi32> to vector<16xi32>
        %sub3A_275 = vector.broadcast %mul3A_2 : i32 to vector<16xi32>
        %sub3A_276 = arith.subi %get3A_274, %sub3A_275 : vector<16xi32>
        %ge3A_277 = arith.constant 0 : i32
        %ge3A_278 = vector.broadcast %ge3A_277 : i32 to vector<16xi32>
        %ge3A_279 = arith.cmpi sge, %sub3A_276, %ge3A_278 : vector<16xi32>
        %lt3A_280 = arith.constant 5000 : i32
        %lt3A_281 = vector.broadcast %lt3A_280 : i32 to vector<16xi32>
        %lt3A_282 = arith.cmpi slt, %sub3A_276, %lt3A_281 : vector<16xi32>
        %and3A_283 = arith.andi %ge3A_279, %lt3A_282 : vector<16xi1>
        %mul3A_284 = arith.constant 8 : i32
        %mul3A_285 = arith.muli %scan3A_18, %mul3A_284 : i32
        %add3A_286 = arith.constant 6 : i32
        %add3A_287 = arith.addi %mul3A_285, %add3A_286 : i32
        %jit3A_288 = arith.constant 48 : i32
        %eq3A_289 = arith.constant 0 : i32
        %eq3A_290 = arith.cmpi eq, %jit3A_288, %eq3A_289 : i32
        %jit3A_291 = arith.constant 1 : i32
        %select_n3A_292 = arith.select %eq3A_290, %jit3A_291, %jit3A_288 : i32
        %rem3A_293 = arith.remsi %add3A_287, %select_n3A_292 : i32
        %ne3A_294 = arith.constant 0 : i32
        %ne3A_295 = arith.cmpi ne, %rem3A_293, %ne3A_294 : i32
        %lt3A_296 = arith.constant 0 : i32
        %lt3A_297 = arith.cmpi slt, %rem3A_293, %lt3A_296 : i32
        %lt3A_298 = arith.constant 0 : i32
        %lt3A_299 = arith.cmpi slt, %select_n3A_292, %lt3A_298 : i32
        %ne3A_300 = arith.xori %lt3A_297, %lt3A_299 : i1
        %and3A_301 = arith.andi %ne3A_300, %ne3A_295 : i1
        %add3A_302 = arith.addi %rem3A_293, %select_n3A_292 : i32
        %select_n3A_303 = arith.select %and3A_301, %add3A_302, %rem3A_293 : i32
        %add3A_304 = arith.constant 5000 : i32
        %add3A_305 = arith.addi %add3A_304, %select_n3A_303 : i32
        %broadcast_in_dim3A_306 = vector.broadcast %add3A_305 : i32 to vector<16xi32>
        %select_n3A_307 = arith.select %and3A_283, %sub3A_276, %broadcast_in_dim3A_306 : vector<16xi1>, vector<16xi32>
        %swap3A_308 = arith.constant 96 : index
        %swap3A_309 = tpu.vector_load %arg9[%swap3A_308] {strides = array<i32>} : memref<128xi32, #tpu.memory_space<vmem>>, vector<16xi32>,
        %swap3A_310 = vector.shape_cast %swap3A_309 : vector<16xi32> to vector<16xi32>
        %swap3A_311 = vector.shape_cast %select_n3A_307 : vector<16xi32> to vector<16xi32>
        tpu.vector_store %arg9[%swap3A_308], %swap3A_311 {strides = array<i32>} : memref<128xi32, #tpu.memory_space<vmem>>, vector<16xi32>,
        %get3A_312 = arith.index_cast %scan3A_18 : i32 to index
        %get3A_313 = arith.constant 112 : index
        %get3A_314 = tpu.vector_load %arg8[%get3A_312, %get3A_313] {strides = array<i32>} : memref<157x128xi32, #tpu.memory_space<vmem>>, vector<1x16xi32>,
        %get3A_315 = vector.shape_cast %get3A_314 : vector<1x16xi32> to vector<16xi32>
        %sub3A_316 = vector.broadcast %mul3A_2 : i32 to vector<16xi32>
        %sub3A_317 = arith.subi %get3A_315, %sub3A_316 : vector<16xi32>
        %ge3A_318 = arith.constant 0 : i32
        %ge3A_319 = vector.broadcast %ge3A_318 : i32 to vector<16xi32>
        %ge3A_320 = arith.cmpi sge, %sub3A_317, %ge3A_319 : vector<16xi32>
        %lt3A_321 = arith.constant 5000 : i32
        %lt3A_322 = vector.broadcast %lt3A_321 : i32 to vector<16xi32>
        %lt3A_323 = arith.cmpi slt, %sub3A_317, %lt3A_322 : vector<16xi32>
        %and3A_324 = arith.andi %ge3A_320, %lt3A_323 : vector<16xi1>
        %mul3A_325 = arith.constant 8 : i32
        %mul3A_326 = arith.muli %scan3A_18, %mul3A_325 : i32
        %add3A_327 = arith.constant 7 : i32
        %add3A_328 = arith.addi %mul3A_326, %add3A_327 : i32
        %jit3A_329 = arith.constant 48 : i32
        %eq3A_330 = arith.constant 0 : i32
        %eq3A_331 = arith.cmpi eq, %jit3A_329, %eq3A_330 : i32
        %jit3A_332 = arith.constant 1 : i32
        %select_n3A_333 = arith.select %eq3A_331, %jit3A_332, %jit3A_329 : i32
        %rem3A_334 = arith.remsi %add3A_328, %select_n3A_333 : i32
        %ne3A_335 = arith.constant 0 : i32
        %ne3A_336 = arith.cmpi ne, %rem3A_334, %ne3A_335 : i32
        %lt3A_337 = arith.constant 0 : i32
        %lt3A_338 = arith.cmpi slt, %rem3A_334, %lt3A_337 : i32
        %lt3A_339 = arith.constant 0 : i32
        %lt3A_340 = arith.cmpi slt, %select_n3A_333, %lt3A_339 : i32
        %ne3A_341 = arith.xori %lt3A_338, %lt3A_340 : i1
        %and3A_342 = arith.andi %ne3A_341, %ne3A_336 : i1
        %add3A_343 = arith.addi %rem3A_334, %select_n3A_333 : i32
        %select_n3A_344 = arith.select %and3A_342, %add3A_343, %rem3A_334 : i32
        %add3A_345 = arith.constant 5000 : i32
        %add3A_346 = arith.addi %add3A_345, %select_n3A_344 : i32
        %broadcast_in_dim3A_347 = vector.broadcast %add3A_346 : i32 to vector<16xi32>
        %select_n3A_348 = arith.select %and3A_324, %sub3A_317, %broadcast_in_dim3A_347 : vector<16xi1>, vector<16xi32>
        %swap3A_349 = arith.constant 112 : index
        %swap3A_350 = tpu.vector_load %arg9[%swap3A_349] {strides = array<i32>} : memref<128xi32, #tpu.memory_space<vmem>>, vector<16xi32>,
        %swap3A_351 = vector.shape_cast %swap3A_350 : vector<16xi32> to vector<16xi32>
        %swap3A_352 = vector.shape_cast %select_n3A_348 : vector<16xi32> to vector<16xi32>
        tpu.vector_store %arg9[%swap3A_349], %swap3A_352 {strides = array<i32>} : memref<128xi32, #tpu.memory_space<vmem>>, vector<16xi32>,
        %dma_wait3A_353 = arith.constant 0 : i32
        %dma_wait3A_354 = tpu.memref_slice %arg7[%scan3A_18, %dma_wait3A_353] : memref<157x128xi32, #tpu.memory_space<vmem>> -> memref<1x128xi32, #tpu.memory_space<vmem>>
        %dma_wait3A_355 = tpu.memref_squeeze %dma_wait3A_354 : memref<1x128xi32, #tpu.memory_space<vmem>> -> memref<128xi32, #tpu.memory_space<vmem>>
        %dma_wait3A_356 = arith.constant 0 : i32
        %dma_wait3A_357 = arith.constant 0 : i32
        %dma_wait3A_358 = tpu.memref_slice %arg2[%dma_wait3A_356, %dma_wait3A_357] : memref<10000x128xf32, #tpu.memory_space<hbm>> -> memref<10000x128xf32, #tpu.memory_space<hbm>>
        tpu.wait_indirect_dma semaphore(%arg14 : memref<!tpu.dma_semaphore, #tpu.memory_space<semaphore_mem>>) src(%dma_wait3A_358 : memref<10000x128xf32, #tpu.memory_space<hbm>>) dst(%arg11 : memref<128x128xf32, #tpu.memory_space<vmem>>)
        %dma_start3A_359 = arith.constant 0 : i32
        %dma_start3A_360 = arith.constant 0 : i32
        %dma_start3A_361 = tpu.memref_slice %arg13[%dma_start3A_359, %dma_start3A_360] : memref<5120x128xf32, #tpu.memory_space<vmem_shared>> -> memref<5120x128xf32, #tpu.memory_space<vmem_shared>>
        tpu.enqueue_indirect_dma source(%arg11 : memref<128x128xf32, #tpu.memory_space<vmem>>) target(%dma_start3A_361 : memref<5120x128xf32, #tpu.memory_space<vmem_shared>>) offsets(%arg9 : memref<128xi32, #tpu.memory_space<vmem>>) semaphore(%arg16 : memref<!tpu.dma_semaphore, #tpu.memory_space<semaphore_mem>>) {add = true}
      } else {
        %ge3A = arith.constant 1 : i32
        %ge3A_24 = arith.cmpi sge, %scan3A_18, %ge3A : i32
        %convert_element_type3A_25 = arith.extui %ge3A_24 : i1 to i32
        %cond3A_26 = arith.constant 0 : i32
        %cond3A_27 = arith.cmpi ne, %convert_element_type3A_25, %cond3A_26 : i32
        scf.if %cond3A_27 {
          %dma_wait3A_362 = arith.constant 0 : i32
          %dma_wait3A_363 = arith.constant 0 : i32
          %dma_wait3A_364 = tpu.memref_slice %arg13[%dma_wait3A_362, %dma_wait3A_363] : memref<5120x128xf32, #tpu.memory_space<vmem_shared>> -> memref<5120x128xf32, #tpu.memory_space<vmem_shared>>
          tpu.wait_indirect_dma semaphore(%arg16 : memref<!tpu.dma_semaphore, #tpu.memory_space<semaphore_mem>>) src(%arg11 : memref<128x128xf32, #tpu.memory_space<vmem>>) dst(%dma_wait3A_364 : memref<5120x128xf32, #tpu.memory_space<vmem_shared>>)
        } else {
        }
        %add3A = arith.constant 1 : i32
        %add3A_28 = arith.addi %scan3A_18, %add3A : i32
        %lt3A = arith.constant 157 : i32
        %lt3A_29 = arith.cmpi slt, %add3A_28, %lt3A : i32
        %convert_element_type3A_30 = arith.extui %lt3A_29 : i1 to i32
        %cond3A_31 = arith.constant 0 : i32
        %cond3A_32 = arith.cmpi ne, %convert_element_type3A_30, %cond3A_31 : i32
        scf.if %cond3A_32 {
          %add3A_362 = arith.constant 1 : i32
          %add3A_363 = arith.addi %scan3A_18, %add3A_362 : i32
          %dma_start3A_364 = arith.constant 0 : i32
          %dma_start3A_365 = tpu.memref_slice %arg7[%add3A_363, %dma_start3A_364] : memref<157x128xi32, #tpu.memory_space<vmem>> -> memref<1x128xi32, #tpu.memory_space<vmem>>
          %dma_start3A_366 = tpu.memref_squeeze %dma_start3A_365 : memref<1x128xi32, #tpu.memory_space<vmem>> -> memref<128xi32, #tpu.memory_space<vmem>>
          %dma_start3A_367 = arith.constant 0 : i32
          %dma_start3A_368 = arith.constant 0 : i32
          %dma_start3A_369 = tpu.memref_slice %arg2[%dma_start3A_367, %dma_start3A_368] : memref<10000x128xf32, #tpu.memory_space<hbm>> -> memref<10000x128xf32, #tpu.memory_space<hbm>>
          tpu.enqueue_indirect_dma source(%dma_start3A_369 : memref<10000x128xf32, #tpu.memory_space<hbm>>) target(%arg11 : memref<128x128xf32, #tpu.memory_space<vmem>>) offsets(%dma_start3A_366 : memref<128xi32, #tpu.memory_space<vmem>>) semaphore(%arg14 : memref<!tpu.dma_semaphore, #tpu.memory_space<semaphore_mem>>)
        } else {
        }
        %get3A = arith.index_cast %scan3A_18 : i32 to index
        %get3A_33 = arith.constant 0 : index
        %get3A_34 = tpu.vector_load %arg8[%get3A, %get3A_33] {strides = array<i32>} : memref<157x128xi32, #tpu.memory_space<vmem>>, vector<1x16xi32>,
        %get3A_35 = vector.shape_cast %get3A_34 : vector<1x16xi32> to vector<16xi32>
        %sub3A = vector.broadcast %mul3A_2 : i32 to vector<16xi32>
        %sub3A_36 = arith.subi %get3A_35, %sub3A : vector<16xi32>
        %ge3A_37 = arith.constant 0 : i32
        %ge3A_38 = vector.broadcast %ge3A_37 : i32 to vector<16xi32>
        %ge3A_39 = arith.cmpi sge, %sub3A_36, %ge3A_38 : vector<16xi32>
        %lt3A_40 = arith.constant 5000 : i32
        %lt3A_41 = vector.broadcast %lt3A_40 : i32 to vector<16xi32>
        %lt3A_42 = arith.cmpi slt, %sub3A_36, %lt3A_41 : vector<16xi32>
        %and3A = arith.andi %ge3A_39, %lt3A_42 : vector<16xi1>
        %mul3A_43 = arith.constant 8 : i32
        %mul3A_44 = arith.muli %scan3A_18, %mul3A_43 : i32
        %add3A_45 = arith.constant 0 : i32
        %add3A_46 = arith.addi %mul3A_44, %add3A_45 : i32
        %jit3A = arith.constant 48 : i32
        %eq3A_47 = arith.constant 0 : i32
        %eq3A_48 = arith.cmpi eq, %jit3A, %eq3A_47 : i32
        %jit3A_49 = arith.constant 1 : i32
        %select_n3A = arith.select %eq3A_48, %jit3A_49, %jit3A : i32
        %rem3A_50 = arith.remsi %add3A_46, %select_n3A : i32
        %ne3A = arith.constant 0 : i32
        %ne3A_51 = arith.cmpi ne, %rem3A_50, %ne3A : i32
        %lt3A_52 = arith.constant 0 : i32
        %lt3A_53 = arith.cmpi slt, %rem3A_50, %lt3A_52 : i32
        %lt3A_54 = arith.constant 0 : i32
        %lt3A_55 = arith.cmpi slt, %select_n3A, %lt3A_54 : i32
        %ne3A_56 = arith.xori %lt3A_53, %lt3A_55 : i1
        %and3A_57 = arith.andi %ne3A_56, %ne3A_51 : i1
        %add3A_58 = arith.addi %rem3A_50, %select_n3A : i32
        %select_n3A_59 = arith.select %and3A_57, %add3A_58, %rem3A_50 : i32
        %add3A_60 = arith.constant 5000 : i32
        %add3A_61 = arith.addi %add3A_60, %select_n3A_59 : i32
        %broadcast_in_dim3A = vector.broadcast %add3A_61 : i32 to vector<16xi32>
        %select_n3A_62 = arith.select %and3A, %sub3A_36, %broadcast_in_dim3A : vector<16xi1>, vector<16xi32>
        %swap3A = arith.constant 0 : index
        %swap3A_63 = tpu.vector_load %arg10[%swap3A] {strides = array<i32>} : memref<128xi32, #tpu.memory_space<vmem>>, vector<16xi32>,
        %swap3A_64 = vector.shape_cast %swap3A_63 : vector<16xi32> to vector<16xi32>
        %swap3A_65 = vector.shape_cast %select_n3A_62 : vector<16xi32> to vector<16xi32>
        tpu.vector_store %arg10[%swap3A], %swap3A_65 {strides = array<i32>} : memref<128xi32, #tpu.memory_space<vmem>>, vector<16xi32>,
        %get3A_66 = arith.index_cast %scan3A_18 : i32 to index
        %get3A_67 = arith.constant 16 : index
        %get3A_68 = tpu.vector_load %arg8[%get3A_66, %get3A_67] {strides = array<i32>} : memref<157x128xi32, #tpu.memory_space<vmem>>, vector<1x16xi32>,
        %get3A_69 = vector.shape_cast %get3A_68 : vector<1x16xi32> to vector<16xi32>
        %sub3A_70 = vector.broadcast %mul3A_2 : i32 to vector<16xi32>
        %sub3A_71 = arith.subi %get3A_69, %sub3A_70 : vector<16xi32>
        %ge3A_72 = arith.constant 0 : i32
        %ge3A_73 = vector.broadcast %ge3A_72 : i32 to vector<16xi32>
        %ge3A_74 = arith.cmpi sge, %sub3A_71, %ge3A_73 : vector<16xi32>
        %lt3A_75 = arith.constant 5000 : i32
        %lt3A_76 = vector.broadcast %lt3A_75 : i32 to vector<16xi32>
        %lt3A_77 = arith.cmpi slt, %sub3A_71, %lt3A_76 : vector<16xi32>
        %and3A_78 = arith.andi %ge3A_74, %lt3A_77 : vector<16xi1>
        %mul3A_79 = arith.constant 8 : i32
        %mul3A_80 = arith.muli %scan3A_18, %mul3A_79 : i32
        %add3A_81 = arith.constant 1 : i32
        %add3A_82 = arith.addi %mul3A_80, %add3A_81 : i32
        %jit3A_83 = arith.constant 48 : i32
        %eq3A_84 = arith.constant 0 : i32
        %eq3A_85 = arith.cmpi eq, %jit3A_83, %eq3A_84 : i32
        %jit3A_86 = arith.constant 1 : i32
        %select_n3A_87 = arith.select %eq3A_85, %jit3A_86, %jit3A_83 : i32
        %rem3A_88 = arith.remsi %add3A_82, %select_n3A_87 : i32
        %ne3A_89 = arith.constant 0 : i32
        %ne3A_90 = arith.cmpi ne, %rem3A_88, %ne3A_89 : i32
        %lt3A_91 = arith.constant 0 : i32
        %lt3A_92 = arith.cmpi slt, %rem3A_88, %lt3A_91 : i32
        %lt3A_93 = arith.constant 0 : i32
        %lt3A_94 = arith.cmpi slt, %select_n3A_87, %lt3A_93 : i32
        %ne3A_95 = arith.xori %lt3A_92, %lt3A_94 : i1
        %and3A_96 = arith.andi %ne3A_95, %ne3A_90 : i1
        %add3A_97 = arith.addi %rem3A_88, %select_n3A_87 : i32
        %select_n3A_98 = arith.select %and3A_96, %add3A_97, %rem3A_88 : i32
        %add3A_99 = arith.constant 5000 : i32
        %add3A_100 = arith.addi %add3A_99, %select_n3A_98 : i32
        %broadcast_in_dim3A_101 = vector.broadcast %add3A_100 : i32 to vector<16xi32>
        %select_n3A_102 = arith.select %and3A_78, %sub3A_71, %broadcast_in_dim3A_101 : vector<16xi1>, vector<16xi32>
        %swap3A_103 = arith.constant 16 : index
        %swap3A_104 = tpu.vector_load %arg10[%swap3A_103] {strides = array<i32>} : memref<128xi32, #tpu.memory_space<vmem>>, vector<16xi32>,
        %swap3A_105 = vector.shape_cast %swap3A_104 : vector<16xi32> to vector<16xi32>
        %swap3A_106 = vector.shape_cast %select_n3A_102 : vector<16xi32> to vector<16xi32>
        tpu.vector_store %arg10[%swap3A_103], %swap3A_106 {strides = array<i32>} : memref<128xi32, #tpu.memory_space<vmem>>, vector<16xi32>,
        %get3A_107 = arith.index_cast %scan3A_18 : i32 to index
        %get3A_108 = arith.constant 32 : index
        %get3A_109 = tpu.vector_load %arg8[%get3A_107, %get3A_108] {strides = array<i32>} : memref<157x128xi32, #tpu.memory_space<vmem>>, vector<1x16xi32>,
        %get3A_110 = vector.shape_cast %get3A_109 : vector<1x16xi32> to vector<16xi32>
        %sub3A_111 = vector.broadcast %mul3A_2 : i32 to vector<16xi32>
        %sub3A_112 = arith.subi %get3A_110, %sub3A_111 : vector<16xi32>
        %ge3A_113 = arith.constant 0 : i32
        %ge3A_114 = vector.broadcast %ge3A_113 : i32 to vector<16xi32>
        %ge3A_115 = arith.cmpi sge, %sub3A_112, %ge3A_114 : vector<16xi32>
        %lt3A_116 = arith.constant 5000 : i32
        %lt3A_117 = vector.broadcast %lt3A_116 : i32 to vector<16xi32>
        %lt3A_118 = arith.cmpi slt, %sub3A_112, %lt3A_117 : vector<16xi32>
        %and3A_119 = arith.andi %ge3A_115, %lt3A_118 : vector<16xi1>
        %mul3A_120 = arith.constant 8 : i32
        %mul3A_121 = arith.muli %scan3A_18, %mul3A_120 : i32
        %add3A_122 = arith.constant 2 : i32
        %add3A_123 = arith.addi %mul3A_121, %add3A_122 : i32
        %jit3A_124 = arith.constant 48 : i32
        %eq3A_125 = arith.constant 0 : i32
        %eq3A_126 = arith.cmpi eq, %jit3A_124, %eq3A_125 : i32
        %jit3A_127 = arith.constant 1 : i32
        %select_n3A_128 = arith.select %eq3A_126, %jit3A_127, %jit3A_124 : i32
        %rem3A_129 = arith.remsi %add3A_123, %select_n3A_128 : i32
        %ne3A_130 = arith.constant 0 : i32
        %ne3A_131 = arith.cmpi ne, %rem3A_129, %ne3A_130 : i32
        %lt3A_132 = arith.constant 0 : i32
        %lt3A_133 = arith.cmpi slt, %rem3A_129, %lt3A_132 : i32
        %lt3A_134 = arith.constant 0 : i32
        %lt3A_135 = arith.cmpi slt, %select_n3A_128, %lt3A_134 : i32
        %ne3A_136 = arith.xori %lt3A_133, %lt3A_135 : i1
        %and3A_137 = arith.andi %ne3A_136, %ne3A_131 : i1
        %add3A_138 = arith.addi %rem3A_129, %select_n3A_128 : i32
        %select_n3A_139 = arith.select %and3A_137, %add3A_138, %rem3A_129 : i32
        %add3A_140 = arith.constant 5000 : i32
        %add3A_141 = arith.addi %add3A_140, %select_n3A_139 : i32
        %broadcast_in_dim3A_142 = vector.broadcast %add3A_141 : i32 to vector<16xi32>
        %select_n3A_143 = arith.select %and3A_119, %sub3A_112, %broadcast_in_dim3A_142 : vector<16xi1>, vector<16xi32>
        %swap3A_144 = arith.constant 32 : index
        %swap3A_145 = tpu.vector_load %arg10[%swap3A_144] {strides = array<i32>} : memref<128xi32, #tpu.memory_space<vmem>>, vector<16xi32>,
        %swap3A_146 = vector.shape_cast %swap3A_145 : vector<16xi32> to vector<16xi32>
        %swap3A_147 = vector.shape_cast %select_n3A_143 : vector<16xi32> to vector<16xi32>
        tpu.vector_store %arg10[%swap3A_144], %swap3A_147 {strides = array<i32>} : memref<128xi32, #tpu.memory_space<vmem>>, vector<16xi32>,
        %get3A_148 = arith.index_cast %scan3A_18 : i32 to index
        %get3A_149 = arith.constant 48 : index
        %get3A_150 = tpu.vector_load %arg8[%get3A_148, %get3A_149] {strides = array<i32>} : memref<157x128xi32, #tpu.memory_space<vmem>>, vector<1x16xi32>,
        %get3A_151 = vector.shape_cast %get3A_150 : vector<1x16xi32> to vector<16xi32>
        %sub3A_152 = vector.broadcast %mul3A_2 : i32 to vector<16xi32>
        %sub3A_153 = arith.subi %get3A_151, %sub3A_152 : vector<16xi32>
        %ge3A_154 = arith.constant 0 : i32
        %ge3A_155 = vector.broadcast %ge3A_154 : i32 to vector<16xi32>
        %ge3A_156 = arith.cmpi sge, %sub3A_153, %ge3A_155 : vector<16xi32>
        %lt3A_157 = arith.constant 5000 : i32
        %lt3A_158 = vector.broadcast %lt3A_157 : i32 to vector<16xi32>
        %lt3A_159 = arith.cmpi slt, %sub3A_153, %lt3A_158 : vector<16xi32>
        %and3A_160 = arith.andi %ge3A_156, %lt3A_159 : vector<16xi1>
        %mul3A_161 = arith.constant 8 : i32
        %mul3A_162 = arith.muli %scan3A_18, %mul3A_161 : i32
        %add3A_163 = arith.constant 3 : i32
        %add3A_164 = arith.addi %mul3A_162, %add3A_163 : i32
        %jit3A_165 = arith.constant 48 : i32
        %eq3A_166 = arith.constant 0 : i32
        %eq3A_167 = arith.cmpi eq, %jit3A_165, %eq3A_166 : i32
        %jit3A_168 = arith.constant 1 : i32
        %select_n3A_169 = arith.select %eq3A_167, %jit3A_168, %jit3A_165 : i32
        %rem3A_170 = arith.remsi %add3A_164, %select_n3A_169 : i32
        %ne3A_171 = arith.constant 0 : i32
        %ne3A_172 = arith.cmpi ne, %rem3A_170, %ne3A_171 : i32
        %lt3A_173 = arith.constant 0 : i32
        %lt3A_174 = arith.cmpi slt, %rem3A_170, %lt3A_173 : i32
        %lt3A_175 = arith.constant 0 : i32
        %lt3A_176 = arith.cmpi slt, %select_n3A_169, %lt3A_175 : i32
        %ne3A_177 = arith.xori %lt3A_174, %lt3A_176 : i1
        %and3A_178 = arith.andi %ne3A_177, %ne3A_172 : i1
        %add3A_179 = arith.addi %rem3A_170, %select_n3A_169 : i32
        %select_n3A_180 = arith.select %and3A_178, %add3A_179, %rem3A_170 : i32
        %add3A_181 = arith.constant 5000 : i32
        %add3A_182 = arith.addi %add3A_181, %select_n3A_180 : i32
        %broadcast_in_dim3A_183 = vector.broadcast %add3A_182 : i32 to vector<16xi32>
        %select_n3A_184 = arith.select %and3A_160, %sub3A_153, %broadcast_in_dim3A_183 : vector<16xi1>, vector<16xi32>
        %swap3A_185 = arith.constant 48 : index
        %swap3A_186 = tpu.vector_load %arg10[%swap3A_185] {strides = array<i32>} : memref<128xi32, #tpu.memory_space<vmem>>, vector<16xi32>,
        %swap3A_187 = vector.shape_cast %swap3A_186 : vector<16xi32> to vector<16xi32>
        %swap3A_188 = vector.shape_cast %select_n3A_184 : vector<16xi32> to vector<16xi32>
        tpu.vector_store %arg10[%swap3A_185], %swap3A_188 {strides = array<i32>} : memref<128xi32, #tpu.memory_space<vmem>>, vector<16xi32>,
        %get3A_189 = arith.index_cast %scan3A_18 : i32 to index
        %get3A_190 = arith.constant 64 : index
        %get3A_191 = tpu.vector_load %arg8[%get3A_189, %get3A_190] {strides = array<i32>} : memref<157x128xi32, #tpu.memory_space<vmem>>, vector<1x16xi32>,
        %get3A_192 = vector.shape_cast %get3A_191 : vector<1x16xi32> to vector<16xi32>
        %sub3A_193 = vector.broadcast %mul3A_2 : i32 to vector<16xi32>
        %sub3A_194 = arith.subi %get3A_192, %sub3A_193 : vector<16xi32>
        %ge3A_195 = arith.constant 0 : i32
        %ge3A_196 = vector.broadcast %ge3A_195 : i32 to vector<16xi32>
        %ge3A_197 = arith.cmpi sge, %sub3A_194, %ge3A_196 : vector<16xi32>
        %lt3A_198 = arith.constant 5000 : i32
        %lt3A_199 = vector.broadcast %lt3A_198 : i32 to vector<16xi32>
        %lt3A_200 = arith.cmpi slt, %sub3A_194, %lt3A_199 : vector<16xi32>
        %and3A_201 = arith.andi %ge3A_197, %lt3A_200 : vector<16xi1>
        %mul3A_202 = arith.constant 8 : i32
        %mul3A_203 = arith.muli %scan3A_18, %mul3A_202 : i32
        %add3A_204 = arith.constant 4 : i32
        %add3A_205 = arith.addi %mul3A_203, %add3A_204 : i32
        %jit3A_206 = arith.constant 48 : i32
        %eq3A_207 = arith.constant 0 : i32
        %eq3A_208 = arith.cmpi eq, %jit3A_206, %eq3A_207 : i32
        %jit3A_209 = arith.constant 1 : i32
        %select_n3A_210 = arith.select %eq3A_208, %jit3A_209, %jit3A_206 : i32
        %rem3A_211 = arith.remsi %add3A_205, %select_n3A_210 : i32
        %ne3A_212 = arith.constant 0 : i32
        %ne3A_213 = arith.cmpi ne, %rem3A_211, %ne3A_212 : i32
        %lt3A_214 = arith.constant 0 : i32
        %lt3A_215 = arith.cmpi slt, %rem3A_211, %lt3A_214 : i32
        %lt3A_216 = arith.constant 0 : i32
        %lt3A_217 = arith.cmpi slt, %select_n3A_210, %lt3A_216 : i32
        %ne3A_218 = arith.xori %lt3A_215, %lt3A_217 : i1
        %and3A_219 = arith.andi %ne3A_218, %ne3A_213 : i1
        %add3A_220 = arith.addi %rem3A_211, %select_n3A_210 : i32
        %select_n3A_221 = arith.select %and3A_219, %add3A_220, %rem3A_211 : i32
        %add3A_222 = arith.constant 5000 : i32
        %add3A_223 = arith.addi %add3A_222, %select_n3A_221 : i32
        %broadcast_in_dim3A_224 = vector.broadcast %add3A_223 : i32 to vector<16xi32>
        %select_n3A_225 = arith.select %and3A_201, %sub3A_194, %broadcast_in_dim3A_224 : vector<16xi1>, vector<16xi32>
        %swap3A_226 = arith.constant 64 : index
        %swap3A_227 = tpu.vector_load %arg10[%swap3A_226] {strides = array<i32>} : memref<128xi32, #tpu.memory_space<vmem>>, vector<16xi32>,
        %swap3A_228 = vector.shape_cast %swap3A_227 : vector<16xi32> to vector<16xi32>
        %swap3A_229 = vector.shape_cast %select_n3A_225 : vector<16xi32> to vector<16xi32>
        tpu.vector_store %arg10[%swap3A_226], %swap3A_229 {strides = array<i32>} : memref<128xi32, #tpu.memory_space<vmem>>, vector<16xi32>,
        %get3A_230 = arith.index_cast %scan3A_18 : i32 to index
        %get3A_231 = arith.constant 80 : index
        %get3A_232 = tpu.vector_load %arg8[%get3A_230, %get3A_231] {strides = array<i32>} : memref<157x128xi32, #tpu.memory_space<vmem>>, vector<1x16xi32>,
        %get3A_233 = vector.shape_cast %get3A_232 : vector<1x16xi32> to vector<16xi32>
        %sub3A_234 = vector.broadcast %mul3A_2 : i32 to vector<16xi32>
        %sub3A_235 = arith.subi %get3A_233, %sub3A_234 : vector<16xi32>
        %ge3A_236 = arith.constant 0 : i32
        %ge3A_237 = vector.broadcast %ge3A_236 : i32 to vector<16xi32>
        %ge3A_238 = arith.cmpi sge, %sub3A_235, %ge3A_237 : vector<16xi32>
        %lt3A_239 = arith.constant 5000 : i32
        %lt3A_240 = vector.broadcast %lt3A_239 : i32 to vector<16xi32>
        %lt3A_241 = arith.cmpi slt, %sub3A_235, %lt3A_240 : vector<16xi32>
        %and3A_242 = arith.andi %ge3A_238, %lt3A_241 : vector<16xi1>
        %mul3A_243 = arith.constant 8 : i32
        %mul3A_244 = arith.muli %scan3A_18, %mul3A_243 : i32
        %add3A_245 = arith.constant 5 : i32
        %add3A_246 = arith.addi %mul3A_244, %add3A_245 : i32
        %jit3A_247 = arith.constant 48 : i32
        %eq3A_248 = arith.constant 0 : i32
        %eq3A_249 = arith.cmpi eq, %jit3A_247, %eq3A_248 : i32
        %jit3A_250 = arith.constant 1 : i32
        %select_n3A_251 = arith.select %eq3A_249, %jit3A_250, %jit3A_247 : i32
        %rem3A_252 = arith.remsi %add3A_246, %select_n3A_251 : i32
        %ne3A_253 = arith.constant 0 : i32
        %ne3A_254 = arith.cmpi ne, %rem3A_252, %ne3A_253 : i32
        %lt3A_255 = arith.constant 0 : i32
        %lt3A_256 = arith.cmpi slt, %rem3A_252, %lt3A_255 : i32
        %lt3A_257 = arith.constant 0 : i32
        %lt3A_258 = arith.cmpi slt, %select_n3A_251, %lt3A_257 : i32
        %ne3A_259 = arith.xori %lt3A_256, %lt3A_258 : i1
        %and3A_260 = arith.andi %ne3A_259, %ne3A_254 : i1
        %add3A_261 = arith.addi %rem3A_252, %select_n3A_251 : i32
        %select_n3A_262 = arith.select %and3A_260, %add3A_261, %rem3A_252 : i32
        %add3A_263 = arith.constant 5000 : i32
        %add3A_264 = arith.addi %add3A_263, %select_n3A_262 : i32
        %broadcast_in_dim3A_265 = vector.broadcast %add3A_264 : i32 to vector<16xi32>
        %select_n3A_266 = arith.select %and3A_242, %sub3A_235, %broadcast_in_dim3A_265 : vector<16xi1>, vector<16xi32>
        %swap3A_267 = arith.constant 80 : index
        %swap3A_268 = tpu.vector_load %arg10[%swap3A_267] {strides = array<i32>} : memref<128xi32, #tpu.memory_space<vmem>>, vector<16xi32>,
        %swap3A_269 = vector.shape_cast %swap3A_268 : vector<16xi32> to vector<16xi32>
        %swap3A_270 = vector.shape_cast %select_n3A_266 : vector<16xi32> to vector<16xi32>
        tpu.vector_store %arg10[%swap3A_267], %swap3A_270 {strides = array<i32>} : memref<128xi32, #tpu.memory_space<vmem>>, vector<16xi32>,
        %get3A_271 = arith.index_cast %scan3A_18 : i32 to index
        %get3A_272 = arith.constant 96 : index
        %get3A_273 = tpu.vector_load %arg8[%get3A_271, %get3A_272] {strides = array<i32>} : memref<157x128xi32, #tpu.memory_space<vmem>>, vector<1x16xi32>,
        %get3A_274 = vector.shape_cast %get3A_273 : vector<1x16xi32> to vector<16xi32>
        %sub3A_275 = vector.broadcast %mul3A_2 : i32 to vector<16xi32>
        %sub3A_276 = arith.subi %get3A_274, %sub3A_275 : vector<16xi32>
        %ge3A_277 = arith.constant 0 : i32
        %ge3A_278 = vector.broadcast %ge3A_277 : i32 to vector<16xi32>
        %ge3A_279 = arith.cmpi sge, %sub3A_276, %ge3A_278 : vector<16xi32>
        %lt3A_280 = arith.constant 5000 : i32
        %lt3A_281 = vector.broadcast %lt3A_280 : i32 to vector<16xi32>
        %lt3A_282 = arith.cmpi slt, %sub3A_276, %lt3A_281 : vector<16xi32>
        %and3A_283 = arith.andi %ge3A_279, %lt3A_282 : vector<16xi1>
        %mul3A_284 = arith.constant 8 : i32
        %mul3A_285 = arith.muli %scan3A_18, %mul3A_284 : i32
        %add3A_286 = arith.constant 6 : i32
        %add3A_287 = arith.addi %mul3A_285, %add3A_286 : i32
        %jit3A_288 = arith.constant 48 : i32
        %eq3A_289 = arith.constant 0 : i32
        %eq3A_290 = arith.cmpi eq, %jit3A_288, %eq3A_289 : i32
        %jit3A_291 = arith.constant 1 : i32
        %select_n3A_292 = arith.select %eq3A_290, %jit3A_291, %jit3A_288 : i32
        %rem3A_293 = arith.remsi %add3A_287, %select_n3A_292 : i32
        %ne3A_294 = arith.constant 0 : i32
        %ne3A_295 = arith.cmpi ne, %rem3A_293, %ne3A_294 : i32
        %lt3A_296 = arith.constant 0 : i32
        %lt3A_297 = arith.cmpi slt, %rem3A_293, %lt3A_296 : i32
        %lt3A_298 = arith.constant 0 : i32
        %lt3A_299 = arith.cmpi slt, %select_n3A_292, %lt3A_298 : i32
        %ne3A_300 = arith.xori %lt3A_297, %lt3A_299 : i1
        %and3A_301 = arith.andi %ne3A_300, %ne3A_295 : i1
        %add3A_302 = arith.addi %rem3A_293, %select_n3A_292 : i32
        %select_n3A_303 = arith.select %and3A_301, %add3A_302, %rem3A_293 : i32
        %add3A_304 = arith.constant 5000 : i32
        %add3A_305 = arith.addi %add3A_304, %select_n3A_303 : i32
        %broadcast_in_dim3A_306 = vector.broadcast %add3A_305 : i32 to vector<16xi32>
        %select_n3A_307 = arith.select %and3A_283, %sub3A_276, %broadcast_in_dim3A_306 : vector<16xi1>, vector<16xi32>
        %swap3A_308 = arith.constant 96 : index
        %swap3A_309 = tpu.vector_load %arg10[%swap3A_308] {strides = array<i32>} : memref<128xi32, #tpu.memory_space<vmem>>, vector<16xi32>,
        %swap3A_310 = vector.shape_cast %swap3A_309 : vector<16xi32> to vector<16xi32>
        %swap3A_311 = vector.shape_cast %select_n3A_307 : vector<16xi32> to vector<16xi32>
        tpu.vector_store %arg10[%swap3A_308], %swap3A_311 {strides = array<i32>} : memref<128xi32, #tpu.memory_space<vmem>>, vector<16xi32>,
        %get3A_312 = arith.index_cast %scan3A_18 : i32 to index
        %get3A_313 = arith.constant 112 : index
        %get3A_314 = tpu.vector_load %arg8[%get3A_312, %get3A_313] {strides = array<i32>} : memref<157x128xi32, #tpu.memory_space<vmem>>, vector<1x16xi32>,
        %get3A_315 = vector.shape_cast %get3A_314 : vector<1x16xi32> to vector<16xi32>
        %sub3A_316 = vector.broadcast %mul3A_2 : i32 to vector<16xi32>
        %sub3A_317 = arith.subi %get3A_315, %sub3A_316 : vector<16xi32>
        %ge3A_318 = arith.constant 0 : i32
        %ge3A_319 = vector.broadcast %ge3A_318 : i32 to vector<16xi32>
        %ge3A_320 = arith.cmpi sge, %sub3A_317, %ge3A_319 : vector<16xi32>
        %lt3A_321 = arith.constant 5000 : i32
        %lt3A_322 = vector.broadcast %lt3A_321 : i32 to vector<16xi32>
        %lt3A_323 = arith.cmpi slt, %sub3A_317, %lt3A_322 : vector<16xi32>
        %and3A_324 = arith.andi %ge3A_320, %lt3A_323 : vector<16xi1>
        %mul3A_325 = arith.constant 8 : i32
        %mul3A_326 = arith.muli %scan3A_18, %mul3A_325 : i32
        %add3A_327 = arith.constant 7 : i32
        %add3A_328 = arith.addi %mul3A_326, %add3A_327 : i32
        %jit3A_329 = arith.constant 48 : i32
        %eq3A_330 = arith.constant 0 : i32
        %eq3A_331 = arith.cmpi eq, %jit3A_329, %eq3A_330 : i32
        %jit3A_332 = arith.constant 1 : i32
        %select_n3A_333 = arith.select %eq3A_331, %jit3A_332, %jit3A_329 : i32
        %rem3A_334 = arith.remsi %add3A_328, %select_n3A_333 : i32
        %ne3A_335 = arith.constant 0 : i32
        %ne3A_336 = arith.cmpi ne, %rem3A_334, %ne3A_335 : i32
        %lt3A_337 = arith.constant 0 : i32
        %lt3A_338 = arith.cmpi slt, %rem3A_334, %lt3A_337 : i32
        %lt3A_339 = arith.constant 0 : i32
        %lt3A_340 = arith.cmpi slt, %select_n3A_333, %lt3A_339 : i32
        %ne3A_341 = arith.xori %lt3A_338, %lt3A_340 : i1
        %and3A_342 = arith.andi %ne3A_341, %ne3A_336 : i1
        %add3A_343 = arith.addi %rem3A_334, %select_n3A_333 : i32
        %select_n3A_344 = arith.select %and3A_342, %add3A_343, %rem3A_334 : i32
        %add3A_345 = arith.constant 5000 : i32
        %add3A_346 = arith.addi %add3A_345, %select_n3A_344 : i32
        %broadcast_in_dim3A_347 = vector.broadcast %add3A_346 : i32 to vector<16xi32>
        %select_n3A_348 = arith.select %and3A_324, %sub3A_317, %broadcast_in_dim3A_347 : vector<16xi1>, vector<16xi32>
        %swap3A_349 = arith.constant 112 : index
        %swap3A_350 = tpu.vector_load %arg10[%swap3A_349] {strides = array<i32>} : memref<128xi32, #tpu.memory_space<vmem>>, vector<16xi32>,
        %swap3A_351 = vector.shape_cast %swap3A_350 : vector<16xi32> to vector<16xi32>
        %swap3A_352 = vector.shape_cast %select_n3A_348 : vector<16xi32> to vector<16xi32>
        tpu.vector_store %arg10[%swap3A_349], %swap3A_352 {strides = array<i32>} : memref<128xi32, #tpu.memory_space<vmem>>, vector<16xi32>,
        %dma_wait3A_353 = arith.constant 0 : i32
        %dma_wait3A_354 = tpu.memref_slice %arg7[%scan3A_18, %dma_wait3A_353] : memref<157x128xi32, #tpu.memory_space<vmem>> -> memref<1x128xi32, #tpu.memory_space<vmem>>
        %dma_wait3A_355 = tpu.memref_squeeze %dma_wait3A_354 : memref<1x128xi32, #tpu.memory_space<vmem>> -> memref<128xi32, #tpu.memory_space<vmem>>
        %dma_wait3A_356 = arith.constant 0 : i32
        %dma_wait3A_357 = arith.constant 0 : i32
        %dma_wait3A_358 = tpu.memref_slice %arg2[%dma_wait3A_356, %dma_wait3A_357] : memref<10000x128xf32, #tpu.memory_space<hbm>> -> memref<10000x128xf32, #tpu.memory_space<hbm>>
        tpu.wait_indirect_dma semaphore(%arg15 : memref<!tpu.dma_semaphore, #tpu.memory_space<semaphore_mem>>) src(%dma_wait3A_358 : memref<10000x128xf32, #tpu.memory_space<hbm>>) dst(%arg12 : memref<128x128xf32, #tpu.memory_space<vmem>>)
        %dma_start3A_359 = arith.constant 0 : i32
        %dma_start3A_360 = arith.constant 0 : i32
        %dma_start3A_361 = tpu.memref_slice %arg13[%dma_start3A_359, %dma_start3A_360] : memref<5120x128xf32, #tpu.memory_space<vmem_shared>> -> memref<5120x128xf32, #tpu.memory_space<vmem_shared>>
        tpu.enqueue_indirect_dma source(%arg12 : memref<128x128xf32, #tpu.memory_space<vmem>>) target(%dma_start3A_361 : memref<5120x128xf32, #tpu.memory_space<vmem_shared>>) offsets(%arg10 : memref<128xi32, #tpu.memory_space<vmem>>) semaphore(%arg17 : memref<!tpu.dma_semaphore, #tpu.memory_space<semaphore_mem>>) {add = true}
      }
      %scan3A_23 = arith.constant 0 : i32
      scf.yield %scan3A_23 : i32
    }
    %scan3A_14 = arith.constant 157 : i32
    %dma_wait3A = arith.constant 0 : i32
    %dma_wait3A_15 = arith.constant 0 : i32
    %dma_wait3A_16 = tpu.memref_slice %arg13[%dma_wait3A, %dma_wait3A_15] : memref<5120x128xf32, #tpu.memory_space<vmem_shared>> -> memref<5120x128xf32, #tpu.memory_space<vmem_shared>>
    tpu.wait_indirect_dma semaphore(%arg16 : memref<!tpu.dma_semaphore, #tpu.memory_space<semaphore_mem>>) src(%arg11 : memref<128x128xf32, #tpu.memory_space<vmem>>) dst(%dma_wait3A_16 : memref<5120x128xf32, #tpu.memory_space<vmem_shared>>)
    %barrier3A_17 = arith.constant 0 : index
    tpu.barrier barrier_id(%barrier3A_17)
    "tpu.region"() ({
      %run_scoped3A = tpu.sem_alloc : memref<!tpu.dma_semaphore, #tpu.memory_space<semaphore_mem>>
      %dma_start3A_18 = arith.constant 0 : i32
      %dma_start3A_19 = tpu.memref_slice %arg6[%arg0, %mul3A_0, %dma_start3A_18] : memref<2x5120x128xf32, #tpu.memory_space<hbm>> -> memref<1x320x128xf32, #tpu.memory_space<hbm>>
      %dma_start3A_20 = tpu.memref_squeeze %dma_start3A_19 : memref<1x320x128xf32, #tpu.memory_space<hbm>> -> memref<320x128xf32, #tpu.memory_space<hbm>>
      %dma_start3A_21 = arith.constant 0 : i32
      %dma_start3A_22 = tpu.memref_slice %arg13[%mul3A_0, %dma_start3A_21] : memref<5120x128xf32, #tpu.memory_space<vmem_shared>> -> memref<320x128xf32, #tpu.memory_space<vmem_shared>>
      tpu.enqueue_dma source(%dma_start3A_22 : memref<320x128xf32, #tpu.memory_space<vmem_shared>>) target(%dma_start3A_20 : memref<320x128xf32, #tpu.memory_space<hbm>>) target_semaphore(%run_scoped3A : memref<!tpu.dma_semaphore, #tpu.memory_space<semaphore_mem>>)
      %dma_wait3A_23 = arith.constant 0 : i32
      %dma_wait3A_24 = tpu.memref_slice %arg6[%arg0, %mul3A_0, %dma_wait3A_23] : memref<2x5120x128xf32, #tpu.memory_space<hbm>> -> memref<1x320x128xf32, #tpu.memory_space<hbm>>
      %dma_wait3A_25 = tpu.memref_squeeze %dma_wait3A_24 : memref<1x320x128xf32, #tpu.memory_space<hbm>> -> memref<320x128xf32, #tpu.memory_space<hbm>>
      %dma_wait3A_26 = arith.constant 0 : i32
      %dma_wait3A_27 = tpu.memref_slice %arg13[%mul3A_0, %dma_wait3A_26] : memref<5120x128xf32, #tpu.memory_space<vmem_shared>> -> memref<320x128xf32, #tpu.memory_space<vmem_shared>>
      tpu.wait_dma2 semaphore(%run_scoped3A : memref<!tpu.dma_semaphore, #tpu.memory_space<semaphore_mem>>) src(%dma_wait3A_27 : memref<320x128xf32, #tpu.memory_space<vmem_shared>>) dst(%dma_wait3A_25 : memref<320x128xf32, #tpu.memory_space<hbm>>)
      tpu.yield
    }) : () -> ()
    return
  }
}

#map = affine_map<(d0, d1) -> (0, 0, 0)>
#map1 = affine_map<(d0, d1) -> (0)>
#map2 = affine_map<(d0, d1) -> (0, 0)>
module attributes {stable_mosaic.version = 14 : i64} {
  func.func @sc_deg(%arg0: i32, %arg1: i32, %arg2: memref<32x79x128xi32, #tpu.memory_space<hbm>>, %arg3: memref<10240xf32, #tpu.memory_space<hbm>>, %arg4: memref<32x10240xf32, #tpu.memory_space<hbm>>, %arg5: memref<79x128xi32, #tpu.memory_space<vmem>>, %arg6: memref<10240xf32, #tpu.memory_space<vmem>>) attributes {dimension_semantics = [#tpu.dimension_semantics<core_parallel>, #tpu.dimension_semantics<subcore_parallel>], iteration_bounds = array<i64: 2, 16>, scalar_prefetch = 0 : i64, scratch_operands = 2 : i64, tpu.core_type = #tpu.core_type<sc_vector_subcore>, window_params = [{transform_indices = #map}, {transform_indices = #map1}, {transform_indices = #map2}]} {
    %mul3A = arith.constant 16 : i32
    %mul3A_0 = arith.muli %arg0, %mul3A : i32
    %add3A = arith.addi %mul3A_0, %arg1 : i32
    "tpu.region"() ({
      %run_scoped3A = tpu.sem_alloc : memref<!tpu.dma_semaphore, #tpu.memory_space<semaphore_mem>>
      %dma_start3A = arith.constant 0 : i32
      %dma_start3A_8 = arith.constant 0 : i32
      %dma_start3A_9 = tpu.memref_slice %arg2[%add3A, %dma_start3A, %dma_start3A_8] : memref<32x79x128xi32, #tpu.memory_space<hbm>> -> memref<1x79x128xi32, #tpu.memory_space<hbm>>
      %dma_start3A_10 = tpu.memref_squeeze %dma_start3A_9 : memref<1x79x128xi32, #tpu.memory_space<hbm>> -> memref<79x128xi32, #tpu.memory_space<hbm>>
      %dma_start3A_11 = arith.constant 0 : i32
      %dma_start3A_12 = arith.constant 0 : i32
      %dma_start3A_13 = tpu.memref_slice %arg2[%add3A, %dma_start3A_11, %dma_start3A_12] : memref<32x79x128xi32, #tpu.memory_space<hbm>> -> memref<1x79x128xi32, #tpu.memory_space<hbm>>
      %dma_start3A_14 = tpu.memref_squeeze %dma_start3A_13 : memref<1x79x128xi32, #tpu.memory_space<hbm>> -> memref<79x128xi32, #tpu.memory_space<hbm>>
      tpu.enqueue_dma source(%dma_start3A_14 : memref<79x128xi32, #tpu.memory_space<hbm>>) target(%arg5 : memref<79x128xi32, #tpu.memory_space<vmem>>) target_semaphore(%run_scoped3A : memref<!tpu.dma_semaphore, #tpu.memory_space<semaphore_mem>>)
      %dma_wait3A = arith.constant 0 : i32
      %dma_wait3A_15 = arith.constant 0 : i32
      %dma_wait3A_16 = tpu.memref_slice %arg2[%add3A, %dma_wait3A, %dma_wait3A_15] : memref<32x79x128xi32, #tpu.memory_space<hbm>> -> memref<1x79x128xi32, #tpu.memory_space<hbm>>
      %dma_wait3A_17 = tpu.memref_squeeze %dma_wait3A_16 : memref<1x79x128xi32, #tpu.memory_space<hbm>> -> memref<79x128xi32, #tpu.memory_space<hbm>>
      %dma_wait3A_18 = arith.constant 0 : i32
      %dma_wait3A_19 = arith.constant 0 : i32
      %dma_wait3A_20 = tpu.memref_slice %arg2[%add3A, %dma_wait3A_18, %dma_wait3A_19] : memref<32x79x128xi32, #tpu.memory_space<hbm>> -> memref<1x79x128xi32, #tpu.memory_space<hbm>>
      %dma_wait3A_21 = tpu.memref_squeeze %dma_wait3A_20 : memref<1x79x128xi32, #tpu.memory_space<hbm>> -> memref<79x128xi32, #tpu.memory_space<hbm>>
      tpu.wait_dma2 semaphore(%run_scoped3A : memref<!tpu.dma_semaphore, #tpu.memory_space<semaphore_mem>>) src(%dma_wait3A_21 : memref<79x128xi32, #tpu.memory_space<hbm>>) dst(%arg5 : memref<79x128xi32, #tpu.memory_space<vmem>>)
      tpu.yield
    }) : () -> ()
    "tpu.region"() ({
      %run_scoped3A = tpu.sem_alloc : memref<!tpu.dma_semaphore, #tpu.memory_space<semaphore_mem>>
      tpu.enqueue_dma source(%arg3 : memref<10240xf32, #tpu.memory_space<hbm>>) target(%arg6 : memref<10240xf32, #tpu.memory_space<vmem>>) target_semaphore(%run_scoped3A : memref<!tpu.dma_semaphore, #tpu.memory_space<semaphore_mem>>)
      tpu.wait_dma2 semaphore(%run_scoped3A : memref<!tpu.dma_semaphore, #tpu.memory_space<semaphore_mem>>) src(%arg3 : memref<10240xf32, #tpu.memory_space<hbm>>) dst(%arg6 : memref<10240xf32, #tpu.memory_space<vmem>>)
      tpu.yield
    }) : () -> ()
    %broadcast_in_dim3A = arith.constant 1.000000e+00 : f32
    %broadcast_in_dim3A_1 = vector.broadcast %broadcast_in_dim3A : f32 to vector<16xf32>
    %scan3A = arith.constant 0 : i32
    %scan3A_2 = arith.constant 0 : i32
    %scan3A_3 = arith.constant 79 : i32
    %scan3A_4 = arith.addi %scan3A_2, %scan3A_3 : i32
    %scan3A_5 = arith.constant 1 : i32
    %scan3A_6 = scf.for %scan3A_8 = %scan3A_2 to %scan3A_4 step %scan3A_5 iter_args(%scan3A_9 = %scan3A) -> (i32)  : i32 {
      %get3A = arith.index_cast %scan3A_8 : i32 to index
      %get3A_10 = arith.constant 0 : index
      %get3A_11 = tpu.vector_load %arg5[%get3A, %get3A_10] {strides = array<i32>} : memref<79x128xi32, #tpu.memory_space<vmem>>, vector<16xi32>,
      tpu.vector_store_idx %arg6[%get3A_11], %broadcast_in_dim3A_1 {add = true} : memref<10240xf32, #tpu.memory_space<vmem>>[vector<16xi32>], vector<16xf32>,
      %get3A_12 = arith.index_cast %scan3A_8 : i32 to index
      %get3A_13 = arith.constant 16 : index
      %get3A_14 = tpu.vector_load %arg5[%get3A_12, %get3A_13] {strides = array<i32>} : memref<79x128xi32, #tpu.memory_space<vmem>>, vector<16xi32>,
      tpu.vector_store_idx %arg6[%get3A_14], %broadcast_in_dim3A_1 {add = true} : memref<10240xf32, #tpu.memory_space<vmem>>[vector<16xi32>], vector<16xf32>,
      %get3A_15 = arith.index_cast %scan3A_8 : i32 to index
      %get3A_16 = arith.constant 32 : index
      %get3A_17 = tpu.vector_load %arg5[%get3A_15, %get3A_16] {strides = array<i32>} : memref<79x128xi32, #tpu.memory_space<vmem>>, vector<16xi32>,
      tpu.vector_store_idx %arg6[%get3A_17], %broadcast_in_dim3A_1 {add = true} : memref<10240xf32, #tpu.memory_space<vmem>>[vector<16xi32>], vector<16xf32>,
      %get3A_18 = arith.index_cast %scan3A_8 : i32 to index
      %get3A_19 = arith.constant 48 : index
      %get3A_20 = tpu.vector_load %arg5[%get3A_18, %get3A_19] {strides = array<i32>} : memref<79x128xi32, #tpu.memory_space<vmem>>, vector<16xi32>,
      tpu.vector_store_idx %arg6[%get3A_20], %broadcast_in_dim3A_1 {add = true} : memref<10240xf32, #tpu.memory_space<vmem>>[vector<16xi32>], vector<16xf32>,
      %get3A_21 = arith.index_cast %scan3A_8 : i32 to index
      %get3A_22 = arith.constant 64 : index
      %get3A_23 = tpu.vector_load %arg5[%get3A_21, %get3A_22] {strides = array<i32>} : memref<79x128xi32, #tpu.memory_space<vmem>>, vector<16xi32>,
      tpu.vector_store_idx %arg6[%get3A_23], %broadcast_in_dim3A_1 {add = true} : memref<10240xf32, #tpu.memory_space<vmem>>[vector<16xi32>], vector<16xf32>,
      %get3A_24 = arith.index_cast %scan3A_8 : i32 to index
      %get3A_25 = arith.constant 80 : index
      %get3A_26 = tpu.vector_load %arg5[%get3A_24, %get3A_25] {strides = array<i32>} : memref<79x128xi32, #tpu.memory_space<vmem>>, vector<16xi32>,
      tpu.vector_store_idx %arg6[%get3A_26], %broadcast_in_dim3A_1 {add = true} : memref<10240xf32, #tpu.memory_space<vmem>>[vector<16xi32>], vector<16xf32>,
      %get3A_27 = arith.index_cast %scan3A_8 : i32 to index
      %get3A_28 = arith.constant 96 : index
      %get3A_29 = tpu.vector_load %arg5[%get3A_27, %get3A_28] {strides = array<i32>} : memref<79x128xi32, #tpu.memory_space<vmem>>, vector<16xi32>,
      tpu.vector_store_idx %arg6[%get3A_29], %broadcast_in_dim3A_1 {add = true} : memref<10240xf32, #tpu.memory_space<vmem>>[vector<16xi32>], vector<16xf32>,
      %get3A_30 = arith.index_cast %scan3A_8 : i32 to index
      %get3A_31 = arith.constant 112 : index
      %get3A_32 = tpu.vector_load %arg5[%get3A_30, %get3A_31] {strides = array<i32>} : memref<79x128xi32, #tpu.memory_space<vmem>>, vector<16xi32>,
      tpu.vector_store_idx %arg6[%get3A_32], %broadcast_in_dim3A_1 {add = true} : memref<10240xf32, #tpu.memory_space<vmem>>[vector<16xi32>], vector<16xf32>,
      %scan3A_33 = arith.constant 0 : i32
      scf.yield %scan3A_33 : i32
    }
    %scan3A_7 = arith.constant 79 : i32
    "tpu.region"() ({
      %run_scoped3A = tpu.sem_alloc : memref<!tpu.dma_semaphore, #tpu.memory_space<semaphore_mem>>
      %dma_start3A = arith.constant 0 : i32
      %dma_start3A_8 = tpu.memref_slice %arg4[%add3A, %dma_start3A] : memref<32x10240xf32, #tpu.memory_space<hbm>> -> memref<1x10240xf32, #tpu.memory_space<hbm>>
      %dma_start3A_9 = tpu.memref_squeeze %dma_start3A_8 : memref<1x10240xf32, #tpu.memory_space<hbm>> -> memref<10240xf32, #tpu.memory_space<hbm>>
      %dma_start3A_10 = arith.constant 0 : i32
      %dma_start3A_11 = tpu.memref_slice %arg4[%add3A, %dma_start3A_10] : memref<32x10240xf32, #tpu.memory_space<hbm>> -> memref<1x10240xf32, #tpu.memory_space<hbm>>
      %dma_start3A_12 = tpu.memref_squeeze %dma_start3A_11 : memref<1x10240xf32, #tpu.memory_space<hbm>> -> memref<10240xf32, #tpu.memory_space<hbm>>
      tpu.enqueue_dma source(%arg6 : memref<10240xf32, #tpu.memory_space<vmem>>) target(%dma_start3A_12 : memref<10240xf32, #tpu.memory_space<hbm>>) target_semaphore(%run_scoped3A : memref<!tpu.dma_semaphore, #tpu.memory_space<semaphore_mem>>)
      %dma_wait3A = arith.constant 0 : i32
      %dma_wait3A_13 = tpu.memref_slice %arg4[%add3A, %dma_wait3A] : memref<32x10240xf32, #tpu.memory_space<hbm>> -> memref<1x10240xf32, #tpu.memory_space<hbm>>
      %dma_wait3A_14 = tpu.memref_squeeze %dma_wait3A_13 : memref<1x10240xf32, #tpu.memory_space<hbm>> -> memref<10240xf32, #tpu.memory_space<hbm>>
      %dma_wait3A_15 = arith.constant 0 : i32
      %dma_wait3A_16 = tpu.memref_slice %arg4[%add3A, %dma_wait3A_15] : memref<32x10240xf32, #tpu.memory_space<hbm>> -> memref<1x10240xf32, #tpu.memory_space<hbm>>
      %dma_wait3A_17 = tpu.memref_squeeze %dma_wait3A_16 : memref<1x10240xf32, #tpu.memory_space<hbm>> -> memref<10240xf32, #tpu.memory_space<hbm>>
      tpu.wait_dma2 semaphore(%run_scoped3A : memref<!tpu.dma_semaphore, #tpu.memory_space<semaphore_mem>>) src(%arg6 : memref<10240xf32, #tpu.memory_space<vmem>>) dst(%dma_wait3A_17 : memref<10240xf32, #tpu.memory_space<hbm>>)
      tpu.yield
    }) : () -> ()
    return
  }
}

#map = affine_map<(d0, d1) -> (0, 0)>
#map1 = affine_map<(d0, d1) -> (0, 0, 0)>
module attributes {stable_mosaic.version = 14 : i64} {
  func.func @sc_segsum(%arg0: i32, %arg1: i32, %arg2: memref<10000x128xf32, #tpu.memory_space<hbm>>, %arg3: memref<16x157x128xi32, #tpu.memory_space<hbm>>, %arg4: memref<16x157x128xi32, #tpu.memory_space<hbm>>, %arg5: memref<5120x128xf32, #tpu.memory_space<hbm>>, %arg6: memref<2x5120x128xf32, #tpu.memory_space<hbm>>, %arg7: memref<157x128xi32, #tpu.memory_space<vmem>>, %arg8: memref<157x128xi32, #tpu.memory_space<vmem>>, %arg9: memref<128xi32, #tpu.memory_space<vmem>>, %arg10: memref<128xi32, #tpu.memory_space<vmem>>, %arg11: memref<128x128xf32, #tpu.memory_space<vmem>>, %arg12: memref<128x128xf32, #tpu.memory_space<vmem>>, %arg13: memref<5120x128xf32, #tpu.memory_space<vmem_shared>>, %arg14: memref<!tpu.dma_semaphore, #tpu.memory_space<semaphore_mem>>, %arg15: memref<!tpu.dma_semaphore, #tpu.memory_space<semaphore_mem>>, %arg16: memref<!tpu.dma_semaphore, #tpu.memory_space<semaphore_mem>>, %arg17: memref<!tpu.dma_semaphore, #tpu.memory_space<semaphore_mem>>) attributes {dimension_semantics = [#tpu.dimension_semantics<core_parallel>, #tpu.dimension_semantics<subcore_parallel>], iteration_bounds = array<i64: 2, 16>, scalar_prefetch = 0 : i64, scratch_operands = 11 : i64, tpu.core_type = #tpu.core_type<sc_vector_subcore>, window_params = [{transform_indices = #map}, {transform_indices = #map1}, {transform_indices = #map1}, {transform_indices = #map}, {transform_indices = #map1}]} {
    %mul3A = arith.constant 320 : i32
    %mul3A_0 = arith.muli %arg1, %mul3A : i32
    %mul3A_1 = arith.constant 5000 : i32
    %mul3A_2 = arith.muli %arg0, %mul3A_1 : i32
    "tpu.region"() ({
      %run_scoped3A = tpu.sem_alloc : memref<!tpu.dma_semaphore, #tpu.memory_space<semaphore_mem>>
      %dma_start3A_18 = arith.constant 0 : i32
      %dma_start3A_19 = arith.constant 0 : i32
      %dma_start3A_20 = tpu.memref_slice %arg3[%arg1, %dma_start3A_18, %dma_start3A_19] : memref<16x157x128xi32, #tpu.memory_space<hbm>> -> memref<1x157x128xi32, #tpu.memory_space<hbm>>
      %dma_start3A_21 = tpu.memref_squeeze %dma_start3A_20 : memref<1x157x128xi32, #tpu.memory_space<hbm>> -> memref<157x128xi32, #tpu.memory_space<hbm>>
      %dma_start3A_22 = arith.constant 0 : i32
      %dma_start3A_23 = arith.constant 0 : i32
      %dma_start3A_24 = tpu.memref_slice %arg3[%arg1, %dma_start3A_22, %dma_start3A_23] : memref<16x157x128xi32, #tpu.memory_space<hbm>> -> memref<1x157x128xi32, #tpu.memory_space<hbm>>
      %dma_start3A_25 = tpu.memref_squeeze %dma_start3A_24 : memref<1x157x128xi32, #tpu.memory_space<hbm>> -> memref<157x128xi32, #tpu.memory_space<hbm>>
      tpu.enqueue_dma source(%dma_start3A_25 : memref<157x128xi32, #tpu.memory_space<hbm>>) target(%arg7 : memref<157x128xi32, #tpu.memory_space<vmem>>) target_semaphore(%run_scoped3A : memref<!tpu.dma_semaphore, #tpu.memory_space<semaphore_mem>>)
      %dma_wait3A_26 = arith.constant 0 : i32
      %dma_wait3A_27 = arith.constant 0 : i32
      %dma_wait3A_28 = tpu.memref_slice %arg3[%arg1, %dma_wait3A_26, %dma_wait3A_27] : memref<16x157x128xi32, #tpu.memory_space<hbm>> -> memref<1x157x128xi32, #tpu.memory_space<hbm>>
      %dma_wait3A_29 = tpu.memref_squeeze %dma_wait3A_28 : memref<1x157x128xi32, #tpu.memory_space<hbm>> -> memref<157x128xi32, #tpu.memory_space<hbm>>
      %dma_wait3A_30 = arith.constant 0 : i32
      %dma_wait3A_31 = arith.constant 0 : i32
      %dma_wait3A_32 = tpu.memref_slice %arg3[%arg1, %dma_wait3A_30, %dma_wait3A_31] : memref<16x157x128xi32, #tpu.memory_space<hbm>> -> memref<1x157x128xi32, #tpu.memory_space<hbm>>
      %dma_wait3A_33 = tpu.memref_squeeze %dma_wait3A_32 : memref<1x157x128xi32, #tpu.memory_space<hbm>> -> memref<157x128xi32, #tpu.memory_space<hbm>>
      tpu.wait_dma2 semaphore(%run_scoped3A : memref<!tpu.dma_semaphore, #tpu.memory_space<semaphore_mem>>) src(%dma_wait3A_33 : memref<157x128xi32, #tpu.memory_space<hbm>>) dst(%arg7 : memref<157x128xi32, #tpu.memory_space<vmem>>)
      tpu.yield
    }) : () -> ()
    "tpu.region"() ({
      %run_scoped3A = tpu.sem_alloc : memref<!tpu.dma_semaphore, #tpu.memory_space<semaphore_mem>>
      %dma_start3A_18 = arith.constant 0 : i32
      %dma_start3A_19 = arith.constant 0 : i32
      %dma_start3A_20 = tpu.memref_slice %arg4[%arg1, %dma_start3A_18, %dma_start3A_19] : memref<16x157x128xi32, #tpu.memory_space<hbm>> -> memref<1x157x128xi32, #tpu.memory_space<hbm>>
      %dma_start3A_21 = tpu.memref_squeeze %dma_start3A_20 : memref<1x157x128xi32, #tpu.memory_space<hbm>> -> memref<157x128xi32, #tpu.memory_space<hbm>>
      %dma_start3A_22 = arith.constant 0 : i32
      %dma_start3A_23 = arith.constant 0 : i32
      %dma_start3A_24 = tpu.memref_slice %arg4[%arg1, %dma_start3A_22, %dma_start3A_23] : memref<16x157x128xi32, #tpu.memory_space<hbm>> -> memref<1x157x128xi32, #tpu.memory_space<hbm>>
      %dma_start3A_25 = tpu.memref_squeeze %dma_start3A_24 : memref<1x157x128xi32, #tpu.memory_space<hbm>> -> memref<157x128xi32, #tpu.memory_space<hbm>>
      tpu.enqueue_dma source(%dma_start3A_25 : memref<157x128xi32, #tpu.memory_space<hbm>>) target(%arg8 : memref<157x128xi32, #tpu.memory_space<vmem>>) target_semaphore(%run_scoped3A : memref<!tpu.dma_semaphore, #tpu.memory_space<semaphore_mem>>)
      %dma_wait3A_26 = arith.constant 0 : i32
      %dma_wait3A_27 = arith.constant 0 : i32
      %dma_wait3A_28 = tpu.memref_slice %arg4[%arg1, %dma_wait3A_26, %dma_wait3A_27] : memref<16x157x128xi32, #tpu.memory_space<hbm>> -> memref<1x157x128xi32, #tpu.memory_space<hbm>>
      %dma_wait3A_29 = tpu.memref_squeeze %dma_wait3A_28 : memref<1x157x128xi32, #tpu.memory_space<hbm>> -> memref<157x128xi32, #tpu.memory_space<hbm>>
      %dma_wait3A_30 = arith.constant 0 : i32
      %dma_wait3A_31 = arith.constant 0 : i32
      %dma_wait3A_32 = tpu.memref_slice %arg4[%arg1, %dma_wait3A_30, %dma_wait3A_31] : memref<16x157x128xi32, #tpu.memory_space<hbm>> -> memref<1x157x128xi32, #tpu.memory_space<hbm>>
      %dma_wait3A_33 = tpu.memref_squeeze %dma_wait3A_32 : memref<1x157x128xi32, #tpu.memory_space<hbm>> -> memref<157x128xi32, #tpu.memory_space<hbm>>
      tpu.wait_dma2 semaphore(%run_scoped3A : memref<!tpu.dma_semaphore, #tpu.memory_space<semaphore_mem>>) src(%dma_wait3A_33 : memref<157x128xi32, #tpu.memory_space<hbm>>) dst(%arg8 : memref<157x128xi32, #tpu.memory_space<vmem>>)
      tpu.yield
    }) : () -> ()
    "tpu.region"() ({
      %run_scoped3A = tpu.sem_alloc : memref<!tpu.dma_semaphore, #tpu.memory_space<semaphore_mem>>
      %dma_start3A_18 = arith.constant 0 : i32
      %dma_start3A_19 = tpu.memref_slice %arg13[%mul3A_0, %dma_start3A_18] : memref<5120x128xf32, #tpu.memory_space<vmem_shared>> -> memref<320x128xf32, #tpu.memory_space<vmem_shared>>
      %dma_start3A_20 = arith.constant 0 : i32
      %dma_start3A_21 = tpu.memref_slice %arg5[%mul3A_0, %dma_start3A_20] : memref<5120x128xf32, #tpu.memory_space<hbm>> -> memref<320x128xf32, #tpu.memory_space<hbm>>
      tpu.enqueue_dma source(%dma_start3A_21 : memref<320x128xf32, #tpu.memory_space<hbm>>) target(%dma_start3A_19 : memref<320x128xf32, #tpu.memory_space<vmem_shared>>) target_semaphore(%run_scoped3A : memref<!tpu.dma_semaphore, #tpu.memory_space<semaphore_mem>>)
      %dma_wait3A_22 = arith.constant 0 : i32
      %dma_wait3A_23 = tpu.memref_slice %arg13[%mul3A_0, %dma_wait3A_22] : memref<5120x128xf32, #tpu.memory_space<vmem_shared>> -> memref<320x128xf32, #tpu.memory_space<vmem_shared>>
      %dma_wait3A_24 = arith.constant 0 : i32
      %dma_wait3A_25 = tpu.memref_slice %arg5[%mul3A_0, %dma_wait3A_24] : memref<5120x128xf32, #tpu.memory_space<hbm>> -> memref<320x128xf32, #tpu.memory_space<hbm>>
      tpu.wait_dma2 semaphore(%run_scoped3A : memref<!tpu.dma_semaphore, #tpu.memory_space<semaphore_mem>>) src(%dma_wait3A_25 : memref<320x128xf32, #tpu.memory_space<hbm>>) dst(%dma_wait3A_23 : memref<320x128xf32, #tpu.memory_space<vmem_shared>>)
      tpu.yield
    }) : () -> ()
    %barrier3A = arith.constant 0 : index
    tpu.barrier barrier_id(%barrier3A)
    %dma_start3A = arith.constant 0 : i32
    %dma_start3A_3 = arith.constant 0 : i32
    %dma_start3A_4 = tpu.memref_slice %arg7[%dma_start3A, %dma_start3A_3] : memref<157x128xi32, #tpu.memory_space<vmem>> -> memref<1x128xi32, #tpu.memory_space<vmem>>
    %dma_start3A_5 = tpu.memref_squeeze %dma_start3A_4 : memref<1x128xi32, #tpu.memory_space<vmem>> -> memref<128xi32, #tpu.memory_space<vmem>>
    %dma_start3A_6 = arith.constant 0 : i32
    %dma_start3A_7 = arith.constant 0 : i32
    %dma_start3A_8 = tpu.memref_slice %arg2[%dma_start3A_6, %dma_start3A_7] : memref<10000x128xf32, #tpu.memory_space<hbm>> -> memref<10000x128xf32, #tpu.memory_space<hbm>>
    tpu.enqueue_indirect_dma source(%dma_start3A_8 : memref<10000x128xf32, #tpu.memory_space<hbm>>) target(%arg11 : memref<128x128xf32, #tpu.memory_space<vmem>>) offsets(%dma_start3A_5 : memref<128xi32, #tpu.memory_space<vmem>>) semaphore(%arg14 : memref<!tpu.dma_semaphore, #tpu.memory_space<semaphore_mem>>)
    %scan3A = arith.constant 0 : i32
    %scan3A_9 = arith.constant 0 : i32
    %scan3A_10 = arith.constant 157 : i32
    %scan3A_11 = arith.addi %scan3A_9, %scan3A_10 : i32
    %scan3A_12 = arith.constant 1 : i32
    %scan3A_13 = scf.for %scan3A_18 = %scan3A_9 to %scan3A_11 step %scan3A_12 iter_args(%scan3A_19 = %scan3A) -> (i32)  : i32 {
      %rem3A = arith.constant 2 : i32
      %rem3A_20 = arith.remsi %scan3A_18, %rem3A : i32
      %eq3A = arith.constant 0 : i32
      %eq3A_21 = arith.cmpi eq, %rem3A_20, %eq3A : i32
      %convert_element_type3A = arith.extui %eq3A_21 : i1 to i32
      %cond3A = arith.constant 0 : i32
      %cond3A_22 = arith.cmpi ne, %convert_element_type3A, %cond3A : i32
      scf.if %cond3A_22 {
        %ge3A = arith.constant 1 : i32
        %ge3A_24 = arith.cmpi sge, %scan3A_18, %ge3A : i32
        %convert_element_type3A_25 = arith.extui %ge3A_24 : i1 to i32
        %cond3A_26 = arith.constant 0 : i32
        %cond3A_27 = arith.cmpi ne, %convert_element_type3A_25, %cond3A_26 : i32
        scf.if %cond3A_27 {
          %dma_wait3A_362 = arith.constant 0 : i32
          %dma_wait3A_363 = arith.constant 0 : i32
          %dma_wait3A_364 = tpu.memref_slice %arg13[%dma_wait3A_362, %dma_wait3A_363] : memref<5120x128xf32, #tpu.memory_space<vmem_shared>> -> memref<5120x128xf32, #tpu.memory_space<vmem_shared>>
          tpu.wait_indirect_dma semaphore(%arg17 : memref<!tpu.dma_semaphore, #tpu.memory_space<semaphore_mem>>) src(%arg12 : memref<128x128xf32, #tpu.memory_space<vmem>>) dst(%dma_wait3A_364 : memref<5120x128xf32, #tpu.memory_space<vmem_shared>>)
        } else {
        }
        %add3A = arith.constant 1 : i32
        %add3A_28 = arith.addi %scan3A_18, %add3A : i32
        %lt3A = arith.constant 157 : i32
        %lt3A_29 = arith.cmpi slt, %add3A_28, %lt3A : i32
        %convert_element_type3A_30 = arith.extui %lt3A_29 : i1 to i32
        %cond3A_31 = arith.constant 0 : i32
        %cond3A_32 = arith.cmpi ne, %convert_element_type3A_30, %cond3A_31 : i32
        scf.if %cond3A_32 {
          %add3A_362 = arith.constant 1 : i32
          %add3A_363 = arith.addi %scan3A_18, %add3A_362 : i32
          %dma_start3A_364 = arith.constant 0 : i32
          %dma_start3A_365 = tpu.memref_slice %arg7[%add3A_363, %dma_start3A_364] : memref<157x128xi32, #tpu.memory_space<vmem>> -> memref<1x128xi32, #tpu.memory_space<vmem>>
          %dma_start3A_366 = tpu.memref_squeeze %dma_start3A_365 : memref<1x128xi32, #tpu.memory_space<vmem>> -> memref<128xi32, #tpu.memory_space<vmem>>
          %dma_start3A_367 = arith.constant 0 : i32
          %dma_start3A_368 = arith.constant 0 : i32
          %dma_start3A_369 = tpu.memref_slice %arg2[%dma_start3A_367, %dma_start3A_368] : memref<10000x128xf32, #tpu.memory_space<hbm>> -> memref<10000x128xf32, #tpu.memory_space<hbm>>
          tpu.enqueue_indirect_dma source(%dma_start3A_369 : memref<10000x128xf32, #tpu.memory_space<hbm>>) target(%arg12 : memref<128x128xf32, #tpu.memory_space<vmem>>) offsets(%dma_start3A_366 : memref<128xi32, #tpu.memory_space<vmem>>) semaphore(%arg15 : memref<!tpu.dma_semaphore, #tpu.memory_space<semaphore_mem>>)
        } else {
        }
        %get3A = arith.index_cast %scan3A_18 : i32 to index
        %get3A_33 = arith.constant 0 : index
        %get3A_34 = tpu.vector_load %arg8[%get3A, %get3A_33] {strides = array<i32>} : memref<157x128xi32, #tpu.memory_space<vmem>>, vector<1x16xi32>,
        %get3A_35 = vector.shape_cast %get3A_34 : vector<1x16xi32> to vector<16xi32>
        %sub3A = vector.broadcast %mul3A_2 : i32 to vector<16xi32>
        %sub3A_36 = arith.subi %get3A_35, %sub3A : vector<16xi32>
        %ge3A_37 = arith.constant 0 : i32
        %ge3A_38 = vector.broadcast %ge3A_37 : i32 to vector<16xi32>
        %ge3A_39 = arith.cmpi sge, %sub3A_36, %ge3A_38 : vector<16xi32>
        %lt3A_40 = arith.constant 5000 : i32
        %lt3A_41 = vector.broadcast %lt3A_40 : i32 to vector<16xi32>
        %lt3A_42 = arith.cmpi slt, %sub3A_36, %lt3A_41 : vector<16xi32>
        %and3A = arith.andi %ge3A_39, %lt3A_42 : vector<16xi1>
        %mul3A_43 = arith.constant 8 : i32
        %mul3A_44 = arith.muli %scan3A_18, %mul3A_43 : i32
        %add3A_45 = arith.constant 0 : i32
        %add3A_46 = arith.addi %mul3A_44, %add3A_45 : i32
        %jit3A = arith.constant 48 : i32
        %eq3A_47 = arith.constant 0 : i32
        %eq3A_48 = arith.cmpi eq, %jit3A, %eq3A_47 : i32
        %jit3A_49 = arith.constant 1 : i32
        %select_n3A = arith.select %eq3A_48, %jit3A_49, %jit3A : i32
        %rem3A_50 = arith.remsi %add3A_46, %select_n3A : i32
        %ne3A = arith.constant 0 : i32
        %ne3A_51 = arith.cmpi ne, %rem3A_50, %ne3A : i32
        %lt3A_52 = arith.constant 0 : i32
        %lt3A_53 = arith.cmpi slt, %rem3A_50, %lt3A_52 : i32
        %lt3A_54 = arith.constant 0 : i32
        %lt3A_55 = arith.cmpi slt, %select_n3A, %lt3A_54 : i32
        %ne3A_56 = arith.xori %lt3A_53, %lt3A_55 : i1
        %and3A_57 = arith.andi %ne3A_56, %ne3A_51 : i1
        %add3A_58 = arith.addi %rem3A_50, %select_n3A : i32
        %select_n3A_59 = arith.select %and3A_57, %add3A_58, %rem3A_50 : i32
        %add3A_60 = arith.constant 5000 : i32
        %add3A_61 = arith.addi %add3A_60, %select_n3A_59 : i32
        %broadcast_in_dim3A = vector.broadcast %add3A_61 : i32 to vector<16xi32>
        %select_n3A_62 = arith.select %and3A, %sub3A_36, %broadcast_in_dim3A : vector<16xi1>, vector<16xi32>
        %swap3A = arith.constant 0 : index
        %swap3A_63 = tpu.vector_load %arg9[%swap3A] {strides = array<i32>} : memref<128xi32, #tpu.memory_space<vmem>>, vector<16xi32>,
        %swap3A_64 = vector.shape_cast %swap3A_63 : vector<16xi32> to vector<16xi32>
        %swap3A_65 = vector.shape_cast %select_n3A_62 : vector<16xi32> to vector<16xi32>
        tpu.vector_store %arg9[%swap3A], %swap3A_65 {strides = array<i32>} : memref<128xi32, #tpu.memory_space<vmem>>, vector<16xi32>,
        %get3A_66 = arith.index_cast %scan3A_18 : i32 to index
        %get3A_67 = arith.constant 16 : index
        %get3A_68 = tpu.vector_load %arg8[%get3A_66, %get3A_67] {strides = array<i32>} : memref<157x128xi32, #tpu.memory_space<vmem>>, vector<1x16xi32>,
        %get3A_69 = vector.shape_cast %get3A_68 : vector<1x16xi32> to vector<16xi32>
        %sub3A_70 = vector.broadcast %mul3A_2 : i32 to vector<16xi32>
        %sub3A_71 = arith.subi %get3A_69, %sub3A_70 : vector<16xi32>
        %ge3A_72 = arith.constant 0 : i32
        %ge3A_73 = vector.broadcast %ge3A_72 : i32 to vector<16xi32>
        %ge3A_74 = arith.cmpi sge, %sub3A_71, %ge3A_73 : vector<16xi32>
        %lt3A_75 = arith.constant 5000 : i32
        %lt3A_76 = vector.broadcast %lt3A_75 : i32 to vector<16xi32>
        %lt3A_77 = arith.cmpi slt, %sub3A_71, %lt3A_76 : vector<16xi32>
        %and3A_78 = arith.andi %ge3A_74, %lt3A_77 : vector<16xi1>
        %mul3A_79 = arith.constant 8 : i32
        %mul3A_80 = arith.muli %scan3A_18, %mul3A_79 : i32
        %add3A_81 = arith.constant 1 : i32
        %add3A_82 = arith.addi %mul3A_80, %add3A_81 : i32
        %jit3A_83 = arith.constant 48 : i32
        %eq3A_84 = arith.constant 0 : i32
        %eq3A_85 = arith.cmpi eq, %jit3A_83, %eq3A_84 : i32
        %jit3A_86 = arith.constant 1 : i32
        %select_n3A_87 = arith.select %eq3A_85, %jit3A_86, %jit3A_83 : i32
        %rem3A_88 = arith.remsi %add3A_82, %select_n3A_87 : i32
        %ne3A_89 = arith.constant 0 : i32
        %ne3A_90 = arith.cmpi ne, %rem3A_88, %ne3A_89 : i32
        %lt3A_91 = arith.constant 0 : i32
        %lt3A_92 = arith.cmpi slt, %rem3A_88, %lt3A_91 : i32
        %lt3A_93 = arith.constant 0 : i32
        %lt3A_94 = arith.cmpi slt, %select_n3A_87, %lt3A_93 : i32
        %ne3A_95 = arith.xori %lt3A_92, %lt3A_94 : i1
        %and3A_96 = arith.andi %ne3A_95, %ne3A_90 : i1
        %add3A_97 = arith.addi %rem3A_88, %select_n3A_87 : i32
        %select_n3A_98 = arith.select %and3A_96, %add3A_97, %rem3A_88 : i32
        %add3A_99 = arith.constant 5000 : i32
        %add3A_100 = arith.addi %add3A_99, %select_n3A_98 : i32
        %broadcast_in_dim3A_101 = vector.broadcast %add3A_100 : i32 to vector<16xi32>
        %select_n3A_102 = arith.select %and3A_78, %sub3A_71, %broadcast_in_dim3A_101 : vector<16xi1>, vector<16xi32>
        %swap3A_103 = arith.constant 16 : index
        %swap3A_104 = tpu.vector_load %arg9[%swap3A_103] {strides = array<i32>} : memref<128xi32, #tpu.memory_space<vmem>>, vector<16xi32>,
        %swap3A_105 = vector.shape_cast %swap3A_104 : vector<16xi32> to vector<16xi32>
        %swap3A_106 = vector.shape_cast %select_n3A_102 : vector<16xi32> to vector<16xi32>
        tpu.vector_store %arg9[%swap3A_103], %swap3A_106 {strides = array<i32>} : memref<128xi32, #tpu.memory_space<vmem>>, vector<16xi32>,
        %get3A_107 = arith.index_cast %scan3A_18 : i32 to index
        %get3A_108 = arith.constant 32 : index
        %get3A_109 = tpu.vector_load %arg8[%get3A_107, %get3A_108] {strides = array<i32>} : memref<157x128xi32, #tpu.memory_space<vmem>>, vector<1x16xi32>,
        %get3A_110 = vector.shape_cast %get3A_109 : vector<1x16xi32> to vector<16xi32>
        %sub3A_111 = vector.broadcast %mul3A_2 : i32 to vector<16xi32>
        %sub3A_112 = arith.subi %get3A_110, %sub3A_111 : vector<16xi32>
        %ge3A_113 = arith.constant 0 : i32
        %ge3A_114 = vector.broadcast %ge3A_113 : i32 to vector<16xi32>
        %ge3A_115 = arith.cmpi sge, %sub3A_112, %ge3A_114 : vector<16xi32>
        %lt3A_116 = arith.constant 5000 : i32
        %lt3A_117 = vector.broadcast %lt3A_116 : i32 to vector<16xi32>
        %lt3A_118 = arith.cmpi slt, %sub3A_112, %lt3A_117 : vector<16xi32>
        %and3A_119 = arith.andi %ge3A_115, %lt3A_118 : vector<16xi1>
        %mul3A_120 = arith.constant 8 : i32
        %mul3A_121 = arith.muli %scan3A_18, %mul3A_120 : i32
        %add3A_122 = arith.constant 2 : i32
        %add3A_123 = arith.addi %mul3A_121, %add3A_122 : i32
        %jit3A_124 = arith.constant 48 : i32
        %eq3A_125 = arith.constant 0 : i32
        %eq3A_126 = arith.cmpi eq, %jit3A_124, %eq3A_125 : i32
        %jit3A_127 = arith.constant 1 : i32
        %select_n3A_128 = arith.select %eq3A_126, %jit3A_127, %jit3A_124 : i32
        %rem3A_129 = arith.remsi %add3A_123, %select_n3A_128 : i32
        %ne3A_130 = arith.constant 0 : i32
        %ne3A_131 = arith.cmpi ne, %rem3A_129, %ne3A_130 : i32
        %lt3A_132 = arith.constant 0 : i32
        %lt3A_133 = arith.cmpi slt, %rem3A_129, %lt3A_132 : i32
        %lt3A_134 = arith.constant 0 : i32
        %lt3A_135 = arith.cmpi slt, %select_n3A_128, %lt3A_134 : i32
        %ne3A_136 = arith.xori %lt3A_133, %lt3A_135 : i1
        %and3A_137 = arith.andi %ne3A_136, %ne3A_131 : i1
        %add3A_138 = arith.addi %rem3A_129, %select_n3A_128 : i32
        %select_n3A_139 = arith.select %and3A_137, %add3A_138, %rem3A_129 : i32
        %add3A_140 = arith.constant 5000 : i32
        %add3A_141 = arith.addi %add3A_140, %select_n3A_139 : i32
        %broadcast_in_dim3A_142 = vector.broadcast %add3A_141 : i32 to vector<16xi32>
        %select_n3A_143 = arith.select %and3A_119, %sub3A_112, %broadcast_in_dim3A_142 : vector<16xi1>, vector<16xi32>
        %swap3A_144 = arith.constant 32 : index
        %swap3A_145 = tpu.vector_load %arg9[%swap3A_144] {strides = array<i32>} : memref<128xi32, #tpu.memory_space<vmem>>, vector<16xi32>,
        %swap3A_146 = vector.shape_cast %swap3A_145 : vector<16xi32> to vector<16xi32>
        %swap3A_147 = vector.shape_cast %select_n3A_143 : vector<16xi32> to vector<16xi32>
        tpu.vector_store %arg9[%swap3A_144], %swap3A_147 {strides = array<i32>} : memref<128xi32, #tpu.memory_space<vmem>>, vector<16xi32>,
        %get3A_148 = arith.index_cast %scan3A_18 : i32 to index
        %get3A_149 = arith.constant 48 : index
        %get3A_150 = tpu.vector_load %arg8[%get3A_148, %get3A_149] {strides = array<i32>} : memref<157x128xi32, #tpu.memory_space<vmem>>, vector<1x16xi32>,
        %get3A_151 = vector.shape_cast %get3A_150 : vector<1x16xi32> to vector<16xi32>
        %sub3A_152 = vector.broadcast %mul3A_2 : i32 to vector<16xi32>
        %sub3A_153 = arith.subi %get3A_151, %sub3A_152 : vector<16xi32>
        %ge3A_154 = arith.constant 0 : i32
        %ge3A_155 = vector.broadcast %ge3A_154 : i32 to vector<16xi32>
        %ge3A_156 = arith.cmpi sge, %sub3A_153, %ge3A_155 : vector<16xi32>
        %lt3A_157 = arith.constant 5000 : i32
        %lt3A_158 = vector.broadcast %lt3A_157 : i32 to vector<16xi32>
        %lt3A_159 = arith.cmpi slt, %sub3A_153, %lt3A_158 : vector<16xi32>
        %and3A_160 = arith.andi %ge3A_156, %lt3A_159 : vector<16xi1>
        %mul3A_161 = arith.constant 8 : i32
        %mul3A_162 = arith.muli %scan3A_18, %mul3A_161 : i32
        %add3A_163 = arith.constant 3 : i32
        %add3A_164 = arith.addi %mul3A_162, %add3A_163 : i32
        %jit3A_165 = arith.constant 48 : i32
        %eq3A_166 = arith.constant 0 : i32
        %eq3A_167 = arith.cmpi eq, %jit3A_165, %eq3A_166 : i32
        %jit3A_168 = arith.constant 1 : i32
        %select_n3A_169 = arith.select %eq3A_167, %jit3A_168, %jit3A_165 : i32
        %rem3A_170 = arith.remsi %add3A_164, %select_n3A_169 : i32
        %ne3A_171 = arith.constant 0 : i32
        %ne3A_172 = arith.cmpi ne, %rem3A_170, %ne3A_171 : i32
        %lt3A_173 = arith.constant 0 : i32
        %lt3A_174 = arith.cmpi slt, %rem3A_170, %lt3A_173 : i32
        %lt3A_175 = arith.constant 0 : i32
        %lt3A_176 = arith.cmpi slt, %select_n3A_169, %lt3A_175 : i32
        %ne3A_177 = arith.xori %lt3A_174, %lt3A_176 : i1
        %and3A_178 = arith.andi %ne3A_177, %ne3A_172 : i1
        %add3A_179 = arith.addi %rem3A_170, %select_n3A_169 : i32
        %select_n3A_180 = arith.select %and3A_178, %add3A_179, %rem3A_170 : i32
        %add3A_181 = arith.constant 5000 : i32
        %add3A_182 = arith.addi %add3A_181, %select_n3A_180 : i32
        %broadcast_in_dim3A_183 = vector.broadcast %add3A_182 : i32 to vector<16xi32>
        %select_n3A_184 = arith.select %and3A_160, %sub3A_153, %broadcast_in_dim3A_183 : vector<16xi1>, vector<16xi32>
        %swap3A_185 = arith.constant 48 : index
        %swap3A_186 = tpu.vector_load %arg9[%swap3A_185] {strides = array<i32>} : memref<128xi32, #tpu.memory_space<vmem>>, vector<16xi32>,
        %swap3A_187 = vector.shape_cast %swap3A_186 : vector<16xi32> to vector<16xi32>
        %swap3A_188 = vector.shape_cast %select_n3A_184 : vector<16xi32> to vector<16xi32>
        tpu.vector_store %arg9[%swap3A_185], %swap3A_188 {strides = array<i32>} : memref<128xi32, #tpu.memory_space<vmem>>, vector<16xi32>,
        %get3A_189 = arith.index_cast %scan3A_18 : i32 to index
        %get3A_190 = arith.constant 64 : index
        %get3A_191 = tpu.vector_load %arg8[%get3A_189, %get3A_190] {strides = array<i32>} : memref<157x128xi32, #tpu.memory_space<vmem>>, vector<1x16xi32>,
        %get3A_192 = vector.shape_cast %get3A_191 : vector<1x16xi32> to vector<16xi32>
        %sub3A_193 = vector.broadcast %mul3A_2 : i32 to vector<16xi32>
        %sub3A_194 = arith.subi %get3A_192, %sub3A_193 : vector<16xi32>
        %ge3A_195 = arith.constant 0 : i32
        %ge3A_196 = vector.broadcast %ge3A_195 : i32 to vector<16xi32>
        %ge3A_197 = arith.cmpi sge, %sub3A_194, %ge3A_196 : vector<16xi32>
        %lt3A_198 = arith.constant 5000 : i32
        %lt3A_199 = vector.broadcast %lt3A_198 : i32 to vector<16xi32>
        %lt3A_200 = arith.cmpi slt, %sub3A_194, %lt3A_199 : vector<16xi32>
        %and3A_201 = arith.andi %ge3A_197, %lt3A_200 : vector<16xi1>
        %mul3A_202 = arith.constant 8 : i32
        %mul3A_203 = arith.muli %scan3A_18, %mul3A_202 : i32
        %add3A_204 = arith.constant 4 : i32
        %add3A_205 = arith.addi %mul3A_203, %add3A_204 : i32
        %jit3A_206 = arith.constant 48 : i32
        %eq3A_207 = arith.constant 0 : i32
        %eq3A_208 = arith.cmpi eq, %jit3A_206, %eq3A_207 : i32
        %jit3A_209 = arith.constant 1 : i32
        %select_n3A_210 = arith.select %eq3A_208, %jit3A_209, %jit3A_206 : i32
        %rem3A_211 = arith.remsi %add3A_205, %select_n3A_210 : i32
        %ne3A_212 = arith.constant 0 : i32
        %ne3A_213 = arith.cmpi ne, %rem3A_211, %ne3A_212 : i32
        %lt3A_214 = arith.constant 0 : i32
        %lt3A_215 = arith.cmpi slt, %rem3A_211, %lt3A_214 : i32
        %lt3A_216 = arith.constant 0 : i32
        %lt3A_217 = arith.cmpi slt, %select_n3A_210, %lt3A_216 : i32
        %ne3A_218 = arith.xori %lt3A_215, %lt3A_217 : i1
        %and3A_219 = arith.andi %ne3A_218, %ne3A_213 : i1
        %add3A_220 = arith.addi %rem3A_211, %select_n3A_210 : i32
        %select_n3A_221 = arith.select %and3A_219, %add3A_220, %rem3A_211 : i32
        %add3A_222 = arith.constant 5000 : i32
        %add3A_223 = arith.addi %add3A_222, %select_n3A_221 : i32
        %broadcast_in_dim3A_224 = vector.broadcast %add3A_223 : i32 to vector<16xi32>
        %select_n3A_225 = arith.select %and3A_201, %sub3A_194, %broadcast_in_dim3A_224 : vector<16xi1>, vector<16xi32>
        %swap3A_226 = arith.constant 64 : index
        %swap3A_227 = tpu.vector_load %arg9[%swap3A_226] {strides = array<i32>} : memref<128xi32, #tpu.memory_space<vmem>>, vector<16xi32>,
        %swap3A_228 = vector.shape_cast %swap3A_227 : vector<16xi32> to vector<16xi32>
        %swap3A_229 = vector.shape_cast %select_n3A_225 : vector<16xi32> to vector<16xi32>
        tpu.vector_store %arg9[%swap3A_226], %swap3A_229 {strides = array<i32>} : memref<128xi32, #tpu.memory_space<vmem>>, vector<16xi32>,
        %get3A_230 = arith.index_cast %scan3A_18 : i32 to index
        %get3A_231 = arith.constant 80 : index
        %get3A_232 = tpu.vector_load %arg8[%get3A_230, %get3A_231] {strides = array<i32>} : memref<157x128xi32, #tpu.memory_space<vmem>>, vector<1x16xi32>,
        %get3A_233 = vector.shape_cast %get3A_232 : vector<1x16xi32> to vector<16xi32>
        %sub3A_234 = vector.broadcast %mul3A_2 : i32 to vector<16xi32>
        %sub3A_235 = arith.subi %get3A_233, %sub3A_234 : vector<16xi32>
        %ge3A_236 = arith.constant 0 : i32
        %ge3A_237 = vector.broadcast %ge3A_236 : i32 to vector<16xi32>
        %ge3A_238 = arith.cmpi sge, %sub3A_235, %ge3A_237 : vector<16xi32>
        %lt3A_239 = arith.constant 5000 : i32
        %lt3A_240 = vector.broadcast %lt3A_239 : i32 to vector<16xi32>
        %lt3A_241 = arith.cmpi slt, %sub3A_235, %lt3A_240 : vector<16xi32>
        %and3A_242 = arith.andi %ge3A_238, %lt3A_241 : vector<16xi1>
        %mul3A_243 = arith.constant 8 : i32
        %mul3A_244 = arith.muli %scan3A_18, %mul3A_243 : i32
        %add3A_245 = arith.constant 5 : i32
        %add3A_246 = arith.addi %mul3A_244, %add3A_245 : i32
        %jit3A_247 = arith.constant 48 : i32
        %eq3A_248 = arith.constant 0 : i32
        %eq3A_249 = arith.cmpi eq, %jit3A_247, %eq3A_248 : i32
        %jit3A_250 = arith.constant 1 : i32
        %select_n3A_251 = arith.select %eq3A_249, %jit3A_250, %jit3A_247 : i32
        %rem3A_252 = arith.remsi %add3A_246, %select_n3A_251 : i32
        %ne3A_253 = arith.constant 0 : i32
        %ne3A_254 = arith.cmpi ne, %rem3A_252, %ne3A_253 : i32
        %lt3A_255 = arith.constant 0 : i32
        %lt3A_256 = arith.cmpi slt, %rem3A_252, %lt3A_255 : i32
        %lt3A_257 = arith.constant 0 : i32
        %lt3A_258 = arith.cmpi slt, %select_n3A_251, %lt3A_257 : i32
        %ne3A_259 = arith.xori %lt3A_256, %lt3A_258 : i1
        %and3A_260 = arith.andi %ne3A_259, %ne3A_254 : i1
        %add3A_261 = arith.addi %rem3A_252, %select_n3A_251 : i32
        %select_n3A_262 = arith.select %and3A_260, %add3A_261, %rem3A_252 : i32
        %add3A_263 = arith.constant 5000 : i32
        %add3A_264 = arith.addi %add3A_263, %select_n3A_262 : i32
        %broadcast_in_dim3A_265 = vector.broadcast %add3A_264 : i32 to vector<16xi32>
        %select_n3A_266 = arith.select %and3A_242, %sub3A_235, %broadcast_in_dim3A_265 : vector<16xi1>, vector<16xi32>
        %swap3A_267 = arith.constant 80 : index
        %swap3A_268 = tpu.vector_load %arg9[%swap3A_267] {strides = array<i32>} : memref<128xi32, #tpu.memory_space<vmem>>, vector<16xi32>,
        %swap3A_269 = vector.shape_cast %swap3A_268 : vector<16xi32> to vector<16xi32>
        %swap3A_270 = vector.shape_cast %select_n3A_266 : vector<16xi32> to vector<16xi32>
        tpu.vector_store %arg9[%swap3A_267], %swap3A_270 {strides = array<i32>} : memref<128xi32, #tpu.memory_space<vmem>>, vector<16xi32>,
        %get3A_271 = arith.index_cast %scan3A_18 : i32 to index
        %get3A_272 = arith.constant 96 : index
        %get3A_273 = tpu.vector_load %arg8[%get3A_271, %get3A_272] {strides = array<i32>} : memref<157x128xi32, #tpu.memory_space<vmem>>, vector<1x16xi32>,
        %get3A_274 = vector.shape_cast %get3A_273 : vector<1x16xi32> to vector<16xi32>
        %sub3A_275 = vector.broadcast %mul3A_2 : i32 to vector<16xi32>
        %sub3A_276 = arith.subi %get3A_274, %sub3A_275 : vector<16xi32>
        %ge3A_277 = arith.constant 0 : i32
        %ge3A_278 = vector.broadcast %ge3A_277 : i32 to vector<16xi32>
        %ge3A_279 = arith.cmpi sge, %sub3A_276, %ge3A_278 : vector<16xi32>
        %lt3A_280 = arith.constant 5000 : i32
        %lt3A_281 = vector.broadcast %lt3A_280 : i32 to vector<16xi32>
        %lt3A_282 = arith.cmpi slt, %sub3A_276, %lt3A_281 : vector<16xi32>
        %and3A_283 = arith.andi %ge3A_279, %lt3A_282 : vector<16xi1>
        %mul3A_284 = arith.constant 8 : i32
        %mul3A_285 = arith.muli %scan3A_18, %mul3A_284 : i32
        %add3A_286 = arith.constant 6 : i32
        %add3A_287 = arith.addi %mul3A_285, %add3A_286 : i32
        %jit3A_288 = arith.constant 48 : i32
        %eq3A_289 = arith.constant 0 : i32
        %eq3A_290 = arith.cmpi eq, %jit3A_288, %eq3A_289 : i32
        %jit3A_291 = arith.constant 1 : i32
        %select_n3A_292 = arith.select %eq3A_290, %jit3A_291, %jit3A_288 : i32
        %rem3A_293 = arith.remsi %add3A_287, %select_n3A_292 : i32
        %ne3A_294 = arith.constant 0 : i32
        %ne3A_295 = arith.cmpi ne, %rem3A_293, %ne3A_294 : i32
        %lt3A_296 = arith.constant 0 : i32
        %lt3A_297 = arith.cmpi slt, %rem3A_293, %lt3A_296 : i32
        %lt3A_298 = arith.constant 0 : i32
        %lt3A_299 = arith.cmpi slt, %select_n3A_292, %lt3A_298 : i32
        %ne3A_300 = arith.xori %lt3A_297, %lt3A_299 : i1
        %and3A_301 = arith.andi %ne3A_300, %ne3A_295 : i1
        %add3A_302 = arith.addi %rem3A_293, %select_n3A_292 : i32
        %select_n3A_303 = arith.select %and3A_301, %add3A_302, %rem3A_293 : i32
        %add3A_304 = arith.constant 5000 : i32
        %add3A_305 = arith.addi %add3A_304, %select_n3A_303 : i32
        %broadcast_in_dim3A_306 = vector.broadcast %add3A_305 : i32 to vector<16xi32>
        %select_n3A_307 = arith.select %and3A_283, %sub3A_276, %broadcast_in_dim3A_306 : vector<16xi1>, vector<16xi32>
        %swap3A_308 = arith.constant 96 : index
        %swap3A_309 = tpu.vector_load %arg9[%swap3A_308] {strides = array<i32>} : memref<128xi32, #tpu.memory_space<vmem>>, vector<16xi32>,
        %swap3A_310 = vector.shape_cast %swap3A_309 : vector<16xi32> to vector<16xi32>
        %swap3A_311 = vector.shape_cast %select_n3A_307 : vector<16xi32> to vector<16xi32>
        tpu.vector_store %arg9[%swap3A_308], %swap3A_311 {strides = array<i32>} : memref<128xi32, #tpu.memory_space<vmem>>, vector<16xi32>,
        %get3A_312 = arith.index_cast %scan3A_18 : i32 to index
        %get3A_313 = arith.constant 112 : index
        %get3A_314 = tpu.vector_load %arg8[%get3A_312, %get3A_313] {strides = array<i32>} : memref<157x128xi32, #tpu.memory_space<vmem>>, vector<1x16xi32>,
        %get3A_315 = vector.shape_cast %get3A_314 : vector<1x16xi32> to vector<16xi32>
        %sub3A_316 = vector.broadcast %mul3A_2 : i32 to vector<16xi32>
        %sub3A_317 = arith.subi %get3A_315, %sub3A_316 : vector<16xi32>
        %ge3A_318 = arith.constant 0 : i32
        %ge3A_319 = vector.broadcast %ge3A_318 : i32 to vector<16xi32>
        %ge3A_320 = arith.cmpi sge, %sub3A_317, %ge3A_319 : vector<16xi32>
        %lt3A_321 = arith.constant 5000 : i32
        %lt3A_322 = vector.broadcast %lt3A_321 : i32 to vector<16xi32>
        %lt3A_323 = arith.cmpi slt, %sub3A_317, %lt3A_322 : vector<16xi32>
        %and3A_324 = arith.andi %ge3A_320, %lt3A_323 : vector<16xi1>
        %mul3A_325 = arith.constant 8 : i32
        %mul3A_326 = arith.muli %scan3A_18, %mul3A_325 : i32
        %add3A_327 = arith.constant 7 : i32
        %add3A_328 = arith.addi %mul3A_326, %add3A_327 : i32
        %jit3A_329 = arith.constant 48 : i32
        %eq3A_330 = arith.constant 0 : i32
        %eq3A_331 = arith.cmpi eq, %jit3A_329, %eq3A_330 : i32
        %jit3A_332 = arith.constant 1 : i32
        %select_n3A_333 = arith.select %eq3A_331, %jit3A_332, %jit3A_329 : i32
        %rem3A_334 = arith.remsi %add3A_328, %select_n3A_333 : i32
        %ne3A_335 = arith.constant 0 : i32
        %ne3A_336 = arith.cmpi ne, %rem3A_334, %ne3A_335 : i32
        %lt3A_337 = arith.constant 0 : i32
        %lt3A_338 = arith.cmpi slt, %rem3A_334, %lt3A_337 : i32
        %lt3A_339 = arith.constant 0 : i32
        %lt3A_340 = arith.cmpi slt, %select_n3A_333, %lt3A_339 : i32
        %ne3A_341 = arith.xori %lt3A_338, %lt3A_340 : i1
        %and3A_342 = arith.andi %ne3A_341, %ne3A_336 : i1
        %add3A_343 = arith.addi %rem3A_334, %select_n3A_333 : i32
        %select_n3A_344 = arith.select %and3A_342, %add3A_343, %rem3A_334 : i32
        %add3A_345 = arith.constant 5000 : i32
        %add3A_346 = arith.addi %add3A_345, %select_n3A_344 : i32
        %broadcast_in_dim3A_347 = vector.broadcast %add3A_346 : i32 to vector<16xi32>
        %select_n3A_348 = arith.select %and3A_324, %sub3A_317, %broadcast_in_dim3A_347 : vector<16xi1>, vector<16xi32>
        %swap3A_349 = arith.constant 112 : index
        %swap3A_350 = tpu.vector_load %arg9[%swap3A_349] {strides = array<i32>} : memref<128xi32, #tpu.memory_space<vmem>>, vector<16xi32>,
        %swap3A_351 = vector.shape_cast %swap3A_350 : vector<16xi32> to vector<16xi32>
        %swap3A_352 = vector.shape_cast %select_n3A_348 : vector<16xi32> to vector<16xi32>
        tpu.vector_store %arg9[%swap3A_349], %swap3A_352 {strides = array<i32>} : memref<128xi32, #tpu.memory_space<vmem>>, vector<16xi32>,
        %dma_wait3A_353 = arith.constant 0 : i32
        %dma_wait3A_354 = tpu.memref_slice %arg7[%scan3A_18, %dma_wait3A_353] : memref<157x128xi32, #tpu.memory_space<vmem>> -> memref<1x128xi32, #tpu.memory_space<vmem>>
        %dma_wait3A_355 = tpu.memref_squeeze %dma_wait3A_354 : memref<1x128xi32, #tpu.memory_space<vmem>> -> memref<128xi32, #tpu.memory_space<vmem>>
        %dma_wait3A_356 = arith.constant 0 : i32
        %dma_wait3A_357 = arith.constant 0 : i32
        %dma_wait3A_358 = tpu.memref_slice %arg2[%dma_wait3A_356, %dma_wait3A_357] : memref<10000x128xf32, #tpu.memory_space<hbm>> -> memref<10000x128xf32, #tpu.memory_space<hbm>>
        tpu.wait_indirect_dma semaphore(%arg14 : memref<!tpu.dma_semaphore, #tpu.memory_space<semaphore_mem>>) src(%dma_wait3A_358 : memref<10000x128xf32, #tpu.memory_space<hbm>>) dst(%arg11 : memref<128x128xf32, #tpu.memory_space<vmem>>)
        %dma_start3A_359 = arith.constant 0 : i32
        %dma_start3A_360 = arith.constant 0 : i32
        %dma_start3A_361 = tpu.memref_slice %arg13[%dma_start3A_359, %dma_start3A_360] : memref<5120x128xf32, #tpu.memory_space<vmem_shared>> -> memref<5120x128xf32, #tpu.memory_space<vmem_shared>>
        tpu.enqueue_indirect_dma source(%arg11 : memref<128x128xf32, #tpu.memory_space<vmem>>) target(%dma_start3A_361 : memref<5120x128xf32, #tpu.memory_space<vmem_shared>>) offsets(%arg9 : memref<128xi32, #tpu.memory_space<vmem>>) semaphore(%arg16 : memref<!tpu.dma_semaphore, #tpu.memory_space<semaphore_mem>>) {add = true}
      } else {
        %ge3A = arith.constant 1 : i32
        %ge3A_24 = arith.cmpi sge, %scan3A_18, %ge3A : i32
        %convert_element_type3A_25 = arith.extui %ge3A_24 : i1 to i32
        %cond3A_26 = arith.constant 0 : i32
        %cond3A_27 = arith.cmpi ne, %convert_element_type3A_25, %cond3A_26 : i32
        scf.if %cond3A_27 {
          %dma_wait3A_362 = arith.constant 0 : i32
          %dma_wait3A_363 = arith.constant 0 : i32
          %dma_wait3A_364 = tpu.memref_slice %arg13[%dma_wait3A_362, %dma_wait3A_363] : memref<5120x128xf32, #tpu.memory_space<vmem_shared>> -> memref<5120x128xf32, #tpu.memory_space<vmem_shared>>
          tpu.wait_indirect_dma semaphore(%arg16 : memref<!tpu.dma_semaphore, #tpu.memory_space<semaphore_mem>>) src(%arg11 : memref<128x128xf32, #tpu.memory_space<vmem>>) dst(%dma_wait3A_364 : memref<5120x128xf32, #tpu.memory_space<vmem_shared>>)
        } else {
        }
        %add3A = arith.constant 1 : i32
        %add3A_28 = arith.addi %scan3A_18, %add3A : i32
        %lt3A = arith.constant 157 : i32
        %lt3A_29 = arith.cmpi slt, %add3A_28, %lt3A : i32
        %convert_element_type3A_30 = arith.extui %lt3A_29 : i1 to i32
        %cond3A_31 = arith.constant 0 : i32
        %cond3A_32 = arith.cmpi ne, %convert_element_type3A_30, %cond3A_31 : i32
        scf.if %cond3A_32 {
          %add3A_362 = arith.constant 1 : i32
          %add3A_363 = arith.addi %scan3A_18, %add3A_362 : i32
          %dma_start3A_364 = arith.constant 0 : i32
          %dma_start3A_365 = tpu.memref_slice %arg7[%add3A_363, %dma_start3A_364] : memref<157x128xi32, #tpu.memory_space<vmem>> -> memref<1x128xi32, #tpu.memory_space<vmem>>
          %dma_start3A_366 = tpu.memref_squeeze %dma_start3A_365 : memref<1x128xi32, #tpu.memory_space<vmem>> -> memref<128xi32, #tpu.memory_space<vmem>>
          %dma_start3A_367 = arith.constant 0 : i32
          %dma_start3A_368 = arith.constant 0 : i32
          %dma_start3A_369 = tpu.memref_slice %arg2[%dma_start3A_367, %dma_start3A_368] : memref<10000x128xf32, #tpu.memory_space<hbm>> -> memref<10000x128xf32, #tpu.memory_space<hbm>>
          tpu.enqueue_indirect_dma source(%dma_start3A_369 : memref<10000x128xf32, #tpu.memory_space<hbm>>) target(%arg11 : memref<128x128xf32, #tpu.memory_space<vmem>>) offsets(%dma_start3A_366 : memref<128xi32, #tpu.memory_space<vmem>>) semaphore(%arg14 : memref<!tpu.dma_semaphore, #tpu.memory_space<semaphore_mem>>)
        } else {
        }
        %get3A = arith.index_cast %scan3A_18 : i32 to index
        %get3A_33 = arith.constant 0 : index
        %get3A_34 = tpu.vector_load %arg8[%get3A, %get3A_33] {strides = array<i32>} : memref<157x128xi32, #tpu.memory_space<vmem>>, vector<1x16xi32>,
        %get3A_35 = vector.shape_cast %get3A_34 : vector<1x16xi32> to vector<16xi32>
        %sub3A = vector.broadcast %mul3A_2 : i32 to vector<16xi32>
        %sub3A_36 = arith.subi %get3A_35, %sub3A : vector<16xi32>
        %ge3A_37 = arith.constant 0 : i32
        %ge3A_38 = vector.broadcast %ge3A_37 : i32 to vector<16xi32>
        %ge3A_39 = arith.cmpi sge, %sub3A_36, %ge3A_38 : vector<16xi32>
        %lt3A_40 = arith.constant 5000 : i32
        %lt3A_41 = vector.broadcast %lt3A_40 : i32 to vector<16xi32>
        %lt3A_42 = arith.cmpi slt, %sub3A_36, %lt3A_41 : vector<16xi32>
        %and3A = arith.andi %ge3A_39, %lt3A_42 : vector<16xi1>
        %mul3A_43 = arith.constant 8 : i32
        %mul3A_44 = arith.muli %scan3A_18, %mul3A_43 : i32
        %add3A_45 = arith.constant 0 : i32
        %add3A_46 = arith.addi %mul3A_44, %add3A_45 : i32
        %jit3A = arith.constant 48 : i32
        %eq3A_47 = arith.constant 0 : i32
        %eq3A_48 = arith.cmpi eq, %jit3A, %eq3A_47 : i32
        %jit3A_49 = arith.constant 1 : i32
        %select_n3A = arith.select %eq3A_48, %jit3A_49, %jit3A : i32
        %rem3A_50 = arith.remsi %add3A_46, %select_n3A : i32
        %ne3A = arith.constant 0 : i32
        %ne3A_51 = arith.cmpi ne, %rem3A_50, %ne3A : i32
        %lt3A_52 = arith.constant 0 : i32
        %lt3A_53 = arith.cmpi slt, %rem3A_50, %lt3A_52 : i32
        %lt3A_54 = arith.constant 0 : i32
        %lt3A_55 = arith.cmpi slt, %select_n3A, %lt3A_54 : i32
        %ne3A_56 = arith.xori %lt3A_53, %lt3A_55 : i1
        %and3A_57 = arith.andi %ne3A_56, %ne3A_51 : i1
        %add3A_58 = arith.addi %rem3A_50, %select_n3A : i32
        %select_n3A_59 = arith.select %and3A_57, %add3A_58, %rem3A_50 : i32
        %add3A_60 = arith.constant 5000 : i32
        %add3A_61 = arith.addi %add3A_60, %select_n3A_59 : i32
        %broadcast_in_dim3A = vector.broadcast %add3A_61 : i32 to vector<16xi32>
        %select_n3A_62 = arith.select %and3A, %sub3A_36, %broadcast_in_dim3A : vector<16xi1>, vector<16xi32>
        %swap3A = arith.constant 0 : index
        %swap3A_63 = tpu.vector_load %arg10[%swap3A] {strides = array<i32>} : memref<128xi32, #tpu.memory_space<vmem>>, vector<16xi32>,
        %swap3A_64 = vector.shape_cast %swap3A_63 : vector<16xi32> to vector<16xi32>
        %swap3A_65 = vector.shape_cast %select_n3A_62 : vector<16xi32> to vector<16xi32>
        tpu.vector_store %arg10[%swap3A], %swap3A_65 {strides = array<i32>} : memref<128xi32, #tpu.memory_space<vmem>>, vector<16xi32>,
        %get3A_66 = arith.index_cast %scan3A_18 : i32 to index
        %get3A_67 = arith.constant 16 : index
        %get3A_68 = tpu.vector_load %arg8[%get3A_66, %get3A_67] {strides = array<i32>} : memref<157x128xi32, #tpu.memory_space<vmem>>, vector<1x16xi32>,
        %get3A_69 = vector.shape_cast %get3A_68 : vector<1x16xi32> to vector<16xi32>
        %sub3A_70 = vector.broadcast %mul3A_2 : i32 to vector<16xi32>
        %sub3A_71 = arith.subi %get3A_69, %sub3A_70 : vector<16xi32>
        %ge3A_72 = arith.constant 0 : i32
        %ge3A_73 = vector.broadcast %ge3A_72 : i32 to vector<16xi32>
        %ge3A_74 = arith.cmpi sge, %sub3A_71, %ge3A_73 : vector<16xi32>
        %lt3A_75 = arith.constant 5000 : i32
        %lt3A_76 = vector.broadcast %lt3A_75 : i32 to vector<16xi32>
        %lt3A_77 = arith.cmpi slt, %sub3A_71, %lt3A_76 : vector<16xi32>
        %and3A_78 = arith.andi %ge3A_74, %lt3A_77 : vector<16xi1>
        %mul3A_79 = arith.constant 8 : i32
        %mul3A_80 = arith.muli %scan3A_18, %mul3A_79 : i32
        %add3A_81 = arith.constant 1 : i32
        %add3A_82 = arith.addi %mul3A_80, %add3A_81 : i32
        %jit3A_83 = arith.constant 48 : i32
        %eq3A_84 = arith.constant 0 : i32
        %eq3A_85 = arith.cmpi eq, %jit3A_83, %eq3A_84 : i32
        %jit3A_86 = arith.constant 1 : i32
        %select_n3A_87 = arith.select %eq3A_85, %jit3A_86, %jit3A_83 : i32
        %rem3A_88 = arith.remsi %add3A_82, %select_n3A_87 : i32
        %ne3A_89 = arith.constant 0 : i32
        %ne3A_90 = arith.cmpi ne, %rem3A_88, %ne3A_89 : i32
        %lt3A_91 = arith.constant 0 : i32
        %lt3A_92 = arith.cmpi slt, %rem3A_88, %lt3A_91 : i32
        %lt3A_93 = arith.constant 0 : i32
        %lt3A_94 = arith.cmpi slt, %select_n3A_87, %lt3A_93 : i32
        %ne3A_95 = arith.xori %lt3A_92, %lt3A_94 : i1
        %and3A_96 = arith.andi %ne3A_95, %ne3A_90 : i1
        %add3A_97 = arith.addi %rem3A_88, %select_n3A_87 : i32
        %select_n3A_98 = arith.select %and3A_96, %add3A_97, %rem3A_88 : i32
        %add3A_99 = arith.constant 5000 : i32
        %add3A_100 = arith.addi %add3A_99, %select_n3A_98 : i32
        %broadcast_in_dim3A_101 = vector.broadcast %add3A_100 : i32 to vector<16xi32>
        %select_n3A_102 = arith.select %and3A_78, %sub3A_71, %broadcast_in_dim3A_101 : vector<16xi1>, vector<16xi32>
        %swap3A_103 = arith.constant 16 : index
        %swap3A_104 = tpu.vector_load %arg10[%swap3A_103] {strides = array<i32>} : memref<128xi32, #tpu.memory_space<vmem>>, vector<16xi32>,
        %swap3A_105 = vector.shape_cast %swap3A_104 : vector<16xi32> to vector<16xi32>
        %swap3A_106 = vector.shape_cast %select_n3A_102 : vector<16xi32> to vector<16xi32>
        tpu.vector_store %arg10[%swap3A_103], %swap3A_106 {strides = array<i32>} : memref<128xi32, #tpu.memory_space<vmem>>, vector<16xi32>,
        %get3A_107 = arith.index_cast %scan3A_18 : i32 to index
        %get3A_108 = arith.constant 32 : index
        %get3A_109 = tpu.vector_load %arg8[%get3A_107, %get3A_108] {strides = array<i32>} : memref<157x128xi32, #tpu.memory_space<vmem>>, vector<1x16xi32>,
        %get3A_110 = vector.shape_cast %get3A_109 : vector<1x16xi32> to vector<16xi32>
        %sub3A_111 = vector.broadcast %mul3A_2 : i32 to vector<16xi32>
        %sub3A_112 = arith.subi %get3A_110, %sub3A_111 : vector<16xi32>
        %ge3A_113 = arith.constant 0 : i32
        %ge3A_114 = vector.broadcast %ge3A_113 : i32 to vector<16xi32>
        %ge3A_115 = arith.cmpi sge, %sub3A_112, %ge3A_114 : vector<16xi32>
        %lt3A_116 = arith.constant 5000 : i32
        %lt3A_117 = vector.broadcast %lt3A_116 : i32 to vector<16xi32>
        %lt3A_118 = arith.cmpi slt, %sub3A_112, %lt3A_117 : vector<16xi32>
        %and3A_119 = arith.andi %ge3A_115, %lt3A_118 : vector<16xi1>
        %mul3A_120 = arith.constant 8 : i32
        %mul3A_121 = arith.muli %scan3A_18, %mul3A_120 : i32
        %add3A_122 = arith.constant 2 : i32
        %add3A_123 = arith.addi %mul3A_121, %add3A_122 : i32
        %jit3A_124 = arith.constant 48 : i32
        %eq3A_125 = arith.constant 0 : i32
        %eq3A_126 = arith.cmpi eq, %jit3A_124, %eq3A_125 : i32
        %jit3A_127 = arith.constant 1 : i32
        %select_n3A_128 = arith.select %eq3A_126, %jit3A_127, %jit3A_124 : i32
        %rem3A_129 = arith.remsi %add3A_123, %select_n3A_128 : i32
        %ne3A_130 = arith.constant 0 : i32
        %ne3A_131 = arith.cmpi ne, %rem3A_129, %ne3A_130 : i32
        %lt3A_132 = arith.constant 0 : i32
        %lt3A_133 = arith.cmpi slt, %rem3A_129, %lt3A_132 : i32
        %lt3A_134 = arith.constant 0 : i32
        %lt3A_135 = arith.cmpi slt, %select_n3A_128, %lt3A_134 : i32
        %ne3A_136 = arith.xori %lt3A_133, %lt3A_135 : i1
        %and3A_137 = arith.andi %ne3A_136, %ne3A_131 : i1
        %add3A_138 = arith.addi %rem3A_129, %select_n3A_128 : i32
        %select_n3A_139 = arith.select %and3A_137, %add3A_138, %rem3A_129 : i32
        %add3A_140 = arith.constant 5000 : i32
        %add3A_141 = arith.addi %add3A_140, %select_n3A_139 : i32
        %broadcast_in_dim3A_142 = vector.broadcast %add3A_141 : i32 to vector<16xi32>
        %select_n3A_143 = arith.select %and3A_119, %sub3A_112, %broadcast_in_dim3A_142 : vector<16xi1>, vector<16xi32>
        %swap3A_144 = arith.constant 32 : index
        %swap3A_145 = tpu.vector_load %arg10[%swap3A_144] {strides = array<i32>} : memref<128xi32, #tpu.memory_space<vmem>>, vector<16xi32>,
        %swap3A_146 = vector.shape_cast %swap3A_145 : vector<16xi32> to vector<16xi32>
        %swap3A_147 = vector.shape_cast %select_n3A_143 : vector<16xi32> to vector<16xi32>
        tpu.vector_store %arg10[%swap3A_144], %swap3A_147 {strides = array<i32>} : memref<128xi32, #tpu.memory_space<vmem>>, vector<16xi32>,
        %get3A_148 = arith.index_cast %scan3A_18 : i32 to index
        %get3A_149 = arith.constant 48 : index
        %get3A_150 = tpu.vector_load %arg8[%get3A_148, %get3A_149] {strides = array<i32>} : memref<157x128xi32, #tpu.memory_space<vmem>>, vector<1x16xi32>,
        %get3A_151 = vector.shape_cast %get3A_150 : vector<1x16xi32> to vector<16xi32>
        %sub3A_152 = vector.broadcast %mul3A_2 : i32 to vector<16xi32>
        %sub3A_153 = arith.subi %get3A_151, %sub3A_152 : vector<16xi32>
        %ge3A_154 = arith.constant 0 : i32
        %ge3A_155 = vector.broadcast %ge3A_154 : i32 to vector<16xi32>
        %ge3A_156 = arith.cmpi sge, %sub3A_153, %ge3A_155 : vector<16xi32>
        %lt3A_157 = arith.constant 5000 : i32
        %lt3A_158 = vector.broadcast %lt3A_157 : i32 to vector<16xi32>
        %lt3A_159 = arith.cmpi slt, %sub3A_153, %lt3A_158 : vector<16xi32>
        %and3A_160 = arith.andi %ge3A_156, %lt3A_159 : vector<16xi1>
        %mul3A_161 = arith.constant 8 : i32
        %mul3A_162 = arith.muli %scan3A_18, %mul3A_161 : i32
        %add3A_163 = arith.constant 3 : i32
        %add3A_164 = arith.addi %mul3A_162, %add3A_163 : i32
        %jit3A_165 = arith.constant 48 : i32
        %eq3A_166 = arith.constant 0 : i32
        %eq3A_167 = arith.cmpi eq, %jit3A_165, %eq3A_166 : i32
        %jit3A_168 = arith.constant 1 : i32
        %select_n3A_169 = arith.select %eq3A_167, %jit3A_168, %jit3A_165 : i32
        %rem3A_170 = arith.remsi %add3A_164, %select_n3A_169 : i32
        %ne3A_171 = arith.constant 0 : i32
        %ne3A_172 = arith.cmpi ne, %rem3A_170, %ne3A_171 : i32
        %lt3A_173 = arith.constant 0 : i32
        %lt3A_174 = arith.cmpi slt, %rem3A_170, %lt3A_173 : i32
        %lt3A_175 = arith.constant 0 : i32
        %lt3A_176 = arith.cmpi slt, %select_n3A_169, %lt3A_175 : i32
        %ne3A_177 = arith.xori %lt3A_174, %lt3A_176 : i1
        %and3A_178 = arith.andi %ne3A_177, %ne3A_172 : i1
        %add3A_179 = arith.addi %rem3A_170, %select_n3A_169 : i32
        %select_n3A_180 = arith.select %and3A_178, %add3A_179, %rem3A_170 : i32
        %add3A_181 = arith.constant 5000 : i32
        %add3A_182 = arith.addi %add3A_181, %select_n3A_180 : i32
        %broadcast_in_dim3A_183 = vector.broadcast %add3A_182 : i32 to vector<16xi32>
        %select_n3A_184 = arith.select %and3A_160, %sub3A_153, %broadcast_in_dim3A_183 : vector<16xi1>, vector<16xi32>
        %swap3A_185 = arith.constant 48 : index
        %swap3A_186 = tpu.vector_load %arg10[%swap3A_185] {strides = array<i32>} : memref<128xi32, #tpu.memory_space<vmem>>, vector<16xi32>,
        %swap3A_187 = vector.shape_cast %swap3A_186 : vector<16xi32> to vector<16xi32>
        %swap3A_188 = vector.shape_cast %select_n3A_184 : vector<16xi32> to vector<16xi32>
        tpu.vector_store %arg10[%swap3A_185], %swap3A_188 {strides = array<i32>} : memref<128xi32, #tpu.memory_space<vmem>>, vector<16xi32>,
        %get3A_189 = arith.index_cast %scan3A_18 : i32 to index
        %get3A_190 = arith.constant 64 : index
        %get3A_191 = tpu.vector_load %arg8[%get3A_189, %get3A_190] {strides = array<i32>} : memref<157x128xi32, #tpu.memory_space<vmem>>, vector<1x16xi32>,
        %get3A_192 = vector.shape_cast %get3A_191 : vector<1x16xi32> to vector<16xi32>
        %sub3A_193 = vector.broadcast %mul3A_2 : i32 to vector<16xi32>
        %sub3A_194 = arith.subi %get3A_192, %sub3A_193 : vector<16xi32>
        %ge3A_195 = arith.constant 0 : i32
        %ge3A_196 = vector.broadcast %ge3A_195 : i32 to vector<16xi32>
        %ge3A_197 = arith.cmpi sge, %sub3A_194, %ge3A_196 : vector<16xi32>
        %lt3A_198 = arith.constant 5000 : i32
        %lt3A_199 = vector.broadcast %lt3A_198 : i32 to vector<16xi32>
        %lt3A_200 = arith.cmpi slt, %sub3A_194, %lt3A_199 : vector<16xi32>
        %and3A_201 = arith.andi %ge3A_197, %lt3A_200 : vector<16xi1>
        %mul3A_202 = arith.constant 8 : i32
        %mul3A_203 = arith.muli %scan3A_18, %mul3A_202 : i32
        %add3A_204 = arith.constant 4 : i32
        %add3A_205 = arith.addi %mul3A_203, %add3A_204 : i32
        %jit3A_206 = arith.constant 48 : i32
        %eq3A_207 = arith.constant 0 : i32
        %eq3A_208 = arith.cmpi eq, %jit3A_206, %eq3A_207 : i32
        %jit3A_209 = arith.constant 1 : i32
        %select_n3A_210 = arith.select %eq3A_208, %jit3A_209, %jit3A_206 : i32
        %rem3A_211 = arith.remsi %add3A_205, %select_n3A_210 : i32
        %ne3A_212 = arith.constant 0 : i32
        %ne3A_213 = arith.cmpi ne, %rem3A_211, %ne3A_212 : i32
        %lt3A_214 = arith.constant 0 : i32
        %lt3A_215 = arith.cmpi slt, %rem3A_211, %lt3A_214 : i32
        %lt3A_216 = arith.constant 0 : i32
        %lt3A_217 = arith.cmpi slt, %select_n3A_210, %lt3A_216 : i32
        %ne3A_218 = arith.xori %lt3A_215, %lt3A_217 : i1
        %and3A_219 = arith.andi %ne3A_218, %ne3A_213 : i1
        %add3A_220 = arith.addi %rem3A_211, %select_n3A_210 : i32
        %select_n3A_221 = arith.select %and3A_219, %add3A_220, %rem3A_211 : i32
        %add3A_222 = arith.constant 5000 : i32
        %add3A_223 = arith.addi %add3A_222, %select_n3A_221 : i32
        %broadcast_in_dim3A_224 = vector.broadcast %add3A_223 : i32 to vector<16xi32>
        %select_n3A_225 = arith.select %and3A_201, %sub3A_194, %broadcast_in_dim3A_224 : vector<16xi1>, vector<16xi32>
        %swap3A_226 = arith.constant 64 : index
        %swap3A_227 = tpu.vector_load %arg10[%swap3A_226] {strides = array<i32>} : memref<128xi32, #tpu.memory_space<vmem>>, vector<16xi32>,
        %swap3A_228 = vector.shape_cast %swap3A_227 : vector<16xi32> to vector<16xi32>
        %swap3A_229 = vector.shape_cast %select_n3A_225 : vector<16xi32> to vector<16xi32>
        tpu.vector_store %arg10[%swap3A_226], %swap3A_229 {strides = array<i32>} : memref<128xi32, #tpu.memory_space<vmem>>, vector<16xi32>,
        %get3A_230 = arith.index_cast %scan3A_18 : i32 to index
        %get3A_231 = arith.constant 80 : index
        %get3A_232 = tpu.vector_load %arg8[%get3A_230, %get3A_231] {strides = array<i32>} : memref<157x128xi32, #tpu.memory_space<vmem>>, vector<1x16xi32>,
        %get3A_233 = vector.shape_cast %get3A_232 : vector<1x16xi32> to vector<16xi32>
        %sub3A_234 = vector.broadcast %mul3A_2 : i32 to vector<16xi32>
        %sub3A_235 = arith.subi %get3A_233, %sub3A_234 : vector<16xi32>
        %ge3A_236 = arith.constant 0 : i32
        %ge3A_237 = vector.broadcast %ge3A_236 : i32 to vector<16xi32>
        %ge3A_238 = arith.cmpi sge, %sub3A_235, %ge3A_237 : vector<16xi32>
        %lt3A_239 = arith.constant 5000 : i32
        %lt3A_240 = vector.broadcast %lt3A_239 : i32 to vector<16xi32>
        %lt3A_241 = arith.cmpi slt, %sub3A_235, %lt3A_240 : vector<16xi32>
        %and3A_242 = arith.andi %ge3A_238, %lt3A_241 : vector<16xi1>
        %mul3A_243 = arith.constant 8 : i32
        %mul3A_244 = arith.muli %scan3A_18, %mul3A_243 : i32
        %add3A_245 = arith.constant 5 : i32
        %add3A_246 = arith.addi %mul3A_244, %add3A_245 : i32
        %jit3A_247 = arith.constant 48 : i32
        %eq3A_248 = arith.constant 0 : i32
        %eq3A_249 = arith.cmpi eq, %jit3A_247, %eq3A_248 : i32
        %jit3A_250 = arith.constant 1 : i32
        %select_n3A_251 = arith.select %eq3A_249, %jit3A_250, %jit3A_247 : i32
        %rem3A_252 = arith.remsi %add3A_246, %select_n3A_251 : i32
        %ne3A_253 = arith.constant 0 : i32
        %ne3A_254 = arith.cmpi ne, %rem3A_252, %ne3A_253 : i32
        %lt3A_255 = arith.constant 0 : i32
        %lt3A_256 = arith.cmpi slt, %rem3A_252, %lt3A_255 : i32
        %lt3A_257 = arith.constant 0 : i32
        %lt3A_258 = arith.cmpi slt, %select_n3A_251, %lt3A_257 : i32
        %ne3A_259 = arith.xori %lt3A_256, %lt3A_258 : i1
        %and3A_260 = arith.andi %ne3A_259, %ne3A_254 : i1
        %add3A_261 = arith.addi %rem3A_252, %select_n3A_251 : i32
        %select_n3A_262 = arith.select %and3A_260, %add3A_261, %rem3A_252 : i32
        %add3A_263 = arith.constant 5000 : i32
        %add3A_264 = arith.addi %add3A_263, %select_n3A_262 : i32
        %broadcast_in_dim3A_265 = vector.broadcast %add3A_264 : i32 to vector<16xi32>
        %select_n3A_266 = arith.select %and3A_242, %sub3A_235, %broadcast_in_dim3A_265 : vector<16xi1>, vector<16xi32>
        %swap3A_267 = arith.constant 80 : index
        %swap3A_268 = tpu.vector_load %arg10[%swap3A_267] {strides = array<i32>} : memref<128xi32, #tpu.memory_space<vmem>>, vector<16xi32>,
        %swap3A_269 = vector.shape_cast %swap3A_268 : vector<16xi32> to vector<16xi32>
        %swap3A_270 = vector.shape_cast %select_n3A_266 : vector<16xi32> to vector<16xi32>
        tpu.vector_store %arg10[%swap3A_267], %swap3A_270 {strides = array<i32>} : memref<128xi32, #tpu.memory_space<vmem>>, vector<16xi32>,
        %get3A_271 = arith.index_cast %scan3A_18 : i32 to index
        %get3A_272 = arith.constant 96 : index
        %get3A_273 = tpu.vector_load %arg8[%get3A_271, %get3A_272] {strides = array<i32>} : memref<157x128xi32, #tpu.memory_space<vmem>>, vector<1x16xi32>,
        %get3A_274 = vector.shape_cast %get3A_273 : vector<1x16xi32> to vector<16xi32>
        %sub3A_275 = vector.broadcast %mul3A_2 : i32 to vector<16xi32>
        %sub3A_276 = arith.subi %get3A_274, %sub3A_275 : vector<16xi32>
        %ge3A_277 = arith.constant 0 : i32
        %ge3A_278 = vector.broadcast %ge3A_277 : i32 to vector<16xi32>
        %ge3A_279 = arith.cmpi sge, %sub3A_276, %ge3A_278 : vector<16xi32>
        %lt3A_280 = arith.constant 5000 : i32
        %lt3A_281 = vector.broadcast %lt3A_280 : i32 to vector<16xi32>
        %lt3A_282 = arith.cmpi slt, %sub3A_276, %lt3A_281 : vector<16xi32>
        %and3A_283 = arith.andi %ge3A_279, %lt3A_282 : vector<16xi1>
        %mul3A_284 = arith.constant 8 : i32
        %mul3A_285 = arith.muli %scan3A_18, %mul3A_284 : i32
        %add3A_286 = arith.constant 6 : i32
        %add3A_287 = arith.addi %mul3A_285, %add3A_286 : i32
        %jit3A_288 = arith.constant 48 : i32
        %eq3A_289 = arith.constant 0 : i32
        %eq3A_290 = arith.cmpi eq, %jit3A_288, %eq3A_289 : i32
        %jit3A_291 = arith.constant 1 : i32
        %select_n3A_292 = arith.select %eq3A_290, %jit3A_291, %jit3A_288 : i32
        %rem3A_293 = arith.remsi %add3A_287, %select_n3A_292 : i32
        %ne3A_294 = arith.constant 0 : i32
        %ne3A_295 = arith.cmpi ne, %rem3A_293, %ne3A_294 : i32
        %lt3A_296 = arith.constant 0 : i32
        %lt3A_297 = arith.cmpi slt, %rem3A_293, %lt3A_296 : i32
        %lt3A_298 = arith.constant 0 : i32
        %lt3A_299 = arith.cmpi slt, %select_n3A_292, %lt3A_298 : i32
        %ne3A_300 = arith.xori %lt3A_297, %lt3A_299 : i1
        %and3A_301 = arith.andi %ne3A_300, %ne3A_295 : i1
        %add3A_302 = arith.addi %rem3A_293, %select_n3A_292 : i32
        %select_n3A_303 = arith.select %and3A_301, %add3A_302, %rem3A_293 : i32
        %add3A_304 = arith.constant 5000 : i32
        %add3A_305 = arith.addi %add3A_304, %select_n3A_303 : i32
        %broadcast_in_dim3A_306 = vector.broadcast %add3A_305 : i32 to vector<16xi32>
        %select_n3A_307 = arith.select %and3A_283, %sub3A_276, %broadcast_in_dim3A_306 : vector<16xi1>, vector<16xi32>
        %swap3A_308 = arith.constant 96 : index
        %swap3A_309 = tpu.vector_load %arg10[%swap3A_308] {strides = array<i32>} : memref<128xi32, #tpu.memory_space<vmem>>, vector<16xi32>,
        %swap3A_310 = vector.shape_cast %swap3A_309 : vector<16xi32> to vector<16xi32>
        %swap3A_311 = vector.shape_cast %select_n3A_307 : vector<16xi32> to vector<16xi32>
        tpu.vector_store %arg10[%swap3A_308], %swap3A_311 {strides = array<i32>} : memref<128xi32, #tpu.memory_space<vmem>>, vector<16xi32>,
        %get3A_312 = arith.index_cast %scan3A_18 : i32 to index
        %get3A_313 = arith.constant 112 : index
        %get3A_314 = tpu.vector_load %arg8[%get3A_312, %get3A_313] {strides = array<i32>} : memref<157x128xi32, #tpu.memory_space<vmem>>, vector<1x16xi32>,
        %get3A_315 = vector.shape_cast %get3A_314 : vector<1x16xi32> to vector<16xi32>
        %sub3A_316 = vector.broadcast %mul3A_2 : i32 to vector<16xi32>
        %sub3A_317 = arith.subi %get3A_315, %sub3A_316 : vector<16xi32>
        %ge3A_318 = arith.constant 0 : i32
        %ge3A_319 = vector.broadcast %ge3A_318 : i32 to vector<16xi32>
        %ge3A_320 = arith.cmpi sge, %sub3A_317, %ge3A_319 : vector<16xi32>
        %lt3A_321 = arith.constant 5000 : i32
        %lt3A_322 = vector.broadcast %lt3A_321 : i32 to vector<16xi32>
        %lt3A_323 = arith.cmpi slt, %sub3A_317, %lt3A_322 : vector<16xi32>
        %and3A_324 = arith.andi %ge3A_320, %lt3A_323 : vector<16xi1>
        %mul3A_325 = arith.constant 8 : i32
        %mul3A_326 = arith.muli %scan3A_18, %mul3A_325 : i32
        %add3A_327 = arith.constant 7 : i32
        %add3A_328 = arith.addi %mul3A_326, %add3A_327 : i32
        %jit3A_329 = arith.constant 48 : i32
        %eq3A_330 = arith.constant 0 : i32
        %eq3A_331 = arith.cmpi eq, %jit3A_329, %eq3A_330 : i32
        %jit3A_332 = arith.constant 1 : i32
        %select_n3A_333 = arith.select %eq3A_331, %jit3A_332, %jit3A_329 : i32
        %rem3A_334 = arith.remsi %add3A_328, %select_n3A_333 : i32
        %ne3A_335 = arith.constant 0 : i32
        %ne3A_336 = arith.cmpi ne, %rem3A_334, %ne3A_335 : i32
        %lt3A_337 = arith.constant 0 : i32
        %lt3A_338 = arith.cmpi slt, %rem3A_334, %lt3A_337 : i32
        %lt3A_339 = arith.constant 0 : i32
        %lt3A_340 = arith.cmpi slt, %select_n3A_333, %lt3A_339 : i32
        %ne3A_341 = arith.xori %lt3A_338, %lt3A_340 : i1
        %and3A_342 = arith.andi %ne3A_341, %ne3A_336 : i1
        %add3A_343 = arith.addi %rem3A_334, %select_n3A_333 : i32
        %select_n3A_344 = arith.select %and3A_342, %add3A_343, %rem3A_334 : i32
        %add3A_345 = arith.constant 5000 : i32
        %add3A_346 = arith.addi %add3A_345, %select_n3A_344 : i32
        %broadcast_in_dim3A_347 = vector.broadcast %add3A_346 : i32 to vector<16xi32>
        %select_n3A_348 = arith.select %and3A_324, %sub3A_317, %broadcast_in_dim3A_347 : vector<16xi1>, vector<16xi32>
        %swap3A_349 = arith.constant 112 : index
        %swap3A_350 = tpu.vector_load %arg10[%swap3A_349] {strides = array<i32>} : memref<128xi32, #tpu.memory_space<vmem>>, vector<16xi32>,
        %swap3A_351 = vector.shape_cast %swap3A_350 : vector<16xi32> to vector<16xi32>
        %swap3A_352 = vector.shape_cast %select_n3A_348 : vector<16xi32> to vector<16xi32>
        tpu.vector_store %arg10[%swap3A_349], %swap3A_352 {strides = array<i32>} : memref<128xi32, #tpu.memory_space<vmem>>, vector<16xi32>,
        %dma_wait3A_353 = arith.constant 0 : i32
        %dma_wait3A_354 = tpu.memref_slice %arg7[%scan3A_18, %dma_wait3A_353] : memref<157x128xi32, #tpu.memory_space<vmem>> -> memref<1x128xi32, #tpu.memory_space<vmem>>
        %dma_wait3A_355 = tpu.memref_squeeze %dma_wait3A_354 : memref<1x128xi32, #tpu.memory_space<vmem>> -> memref<128xi32, #tpu.memory_space<vmem>>
        %dma_wait3A_356 = arith.constant 0 : i32
        %dma_wait3A_357 = arith.constant 0 : i32
        %dma_wait3A_358 = tpu.memref_slice %arg2[%dma_wait3A_356, %dma_wait3A_357] : memref<10000x128xf32, #tpu.memory_space<hbm>> -> memref<10000x128xf32, #tpu.memory_space<hbm>>
        tpu.wait_indirect_dma semaphore(%arg15 : memref<!tpu.dma_semaphore, #tpu.memory_space<semaphore_mem>>) src(%dma_wait3A_358 : memref<10000x128xf32, #tpu.memory_space<hbm>>) dst(%arg12 : memref<128x128xf32, #tpu.memory_space<vmem>>)
        %dma_start3A_359 = arith.constant 0 : i32
        %dma_start3A_360 = arith.constant 0 : i32
        %dma_start3A_361 = tpu.memref_slice %arg13[%dma_start3A_359, %dma_start3A_360] : memref<5120x128xf32, #tpu.memory_space<vmem_shared>> -> memref<5120x128xf32, #tpu.memory_space<vmem_shared>>
        tpu.enqueue_indirect_dma source(%arg12 : memref<128x128xf32, #tpu.memory_space<vmem>>) target(%dma_start3A_361 : memref<5120x128xf32, #tpu.memory_space<vmem_shared>>) offsets(%arg10 : memref<128xi32, #tpu.memory_space<vmem>>) semaphore(%arg17 : memref<!tpu.dma_semaphore, #tpu.memory_space<semaphore_mem>>) {add = true}
      }
      %scan3A_23 = arith.constant 0 : i32
      scf.yield %scan3A_23 : i32
    }
    %scan3A_14 = arith.constant 157 : i32
    %dma_wait3A = arith.constant 0 : i32
    %dma_wait3A_15 = arith.constant 0 : i32
    %dma_wait3A_16 = tpu.memref_slice %arg13[%dma_wait3A, %dma_wait3A_15] : memref<5120x128xf32, #tpu.memory_space<vmem_shared>> -> memref<5120x128xf32, #tpu.memory_space<vmem_shared>>
    tpu.wait_indirect_dma semaphore(%arg16 : memref<!tpu.dma_semaphore, #tpu.memory_space<semaphore_mem>>) src(%arg11 : memref<128x128xf32, #tpu.memory_space<vmem>>) dst(%dma_wait3A_16 : memref<5120x128xf32, #tpu.memory_space<vmem_shared>>)
    %barrier3A_17 = arith.constant 0 : index
    tpu.barrier barrier_id(%barrier3A_17)
    "tpu.region"() ({
      %run_scoped3A = tpu.sem_alloc : memref<!tpu.dma_semaphore, #tpu.memory_space<semaphore_mem>>
      %dma_start3A_18 = arith.constant 0 : i32
      %dma_start3A_19 = tpu.memref_slice %arg6[%arg0, %mul3A_0, %dma_start3A_18] : memref<2x5120x128xf32, #tpu.memory_space<hbm>> -> memref<1x320x128xf32, #tpu.memory_space<hbm>>
      %dma_start3A_20 = tpu.memref_squeeze %dma_start3A_19 : memref<1x320x128xf32, #tpu.memory_space<hbm>> -> memref<320x128xf32, #tpu.memory_space<hbm>>
      %dma_start3A_21 = arith.constant 0 : i32
      %dma_start3A_22 = tpu.memref_slice %arg13[%mul3A_0, %dma_start3A_21] : memref<5120x128xf32, #tpu.memory_space<vmem_shared>> -> memref<320x128xf32, #tpu.memory_space<vmem_shared>>
      tpu.enqueue_dma source(%dma_start3A_22 : memref<320x128xf32, #tpu.memory_space<vmem_shared>>) target(%dma_start3A_20 : memref<320x128xf32, #tpu.memory_space<hbm>>) target_semaphore(%run_scoped3A : memref<!tpu.dma_semaphore, #tpu.memory_space<semaphore_mem>>)
      %dma_wait3A_23 = arith.constant 0 : i32
      %dma_wait3A_24 = tpu.memref_slice %arg6[%arg0, %mul3A_0, %dma_wait3A_23] : memref<2x5120x128xf32, #tpu.memory_space<hbm>> -> memref<1x320x128xf32, #tpu.memory_space<hbm>>
      %dma_wait3A_25 = tpu.memref_squeeze %dma_wait3A_24 : memref<1x320x128xf32, #tpu.memory_space<hbm>> -> memref<320x128xf32, #tpu.memory_space<hbm>>
      %dma_wait3A_26 = arith.constant 0 : i32
      %dma_wait3A_27 = tpu.memref_slice %arg13[%mul3A_0, %dma_wait3A_26] : memref<5120x128xf32, #tpu.memory_space<vmem_shared>> -> memref<320x128xf32, #tpu.memory_space<vmem_shared>>
      tpu.wait_dma2 semaphore(%run_scoped3A : memref<!tpu.dma_semaphore, #tpu.memory_space<semaphore_mem>>) src(%dma_wait3A_27 : memref<320x128xf32, #tpu.memory_space<vmem_shared>>) dst(%dma_wait3A_25 : memref<320x128xf32, #tpu.memory_space<hbm>>)
      tpu.yield
    }) : () -> ()
    return
  }
}

module attributes {stable_mosaic.version = 14 : i64} {
  func.func @_tc_in_body(%arg0: i32, %arg1: memref<1000x128xf32, #tpu.memory_space<vmem>>, %arg2: memref<128x128xf32, #tpu.memory_space<vmem>>, %arg3: memref<1x128xf32, #tpu.memory_space<vmem>>, %arg4: memref<1000x128xf32, #tpu.memory_space<vmem>>) attributes {dimension_semantics = [#tpu.dimension_semantics<arbitrary>], iteration_bounds = array<i64: 10>, scalar_prefetch = 0 : i64, scratch_operands = 0 : i64, tpu.core_type = #tpu.core_type<tc>, window_params = [{transform_indices = @transform_0, window_bounds = array<i64: 1000, 128>}, {pipeline_mode = #tpu.pipeline_mode<synchronous>, transform_indices = @transform_1, window_bounds = array<i64: 128, 128>}, {pipeline_mode = #tpu.pipeline_mode<synchronous>, transform_indices = @transform_2, window_bounds = array<i64: 1, 128>}, {transform_indices = @transform_3, window_bounds = array<i64: 1000, 128>}]} {
    %get3A = arith.constant 0 : index
    %get3A_0 = arith.constant 0 : index
    %get3A_1 = vector.load %arg1[%get3A, %get3A_0] : memref<1000x128xf32, #tpu.memory_space<vmem>>, vector<1000x128xf32>
    %get3A_2 = arith.constant 0 : index
    %get3A_3 = arith.constant 0 : index
    %get3A_4 = vector.load %arg2[%get3A_2, %get3A_3] : memref<128x128xf32, #tpu.memory_space<vmem>>, vector<128x128xf32>
    %dot_general3A = arith.constant dense<0.000000e+00> : vector<1000x128xf32>
    %dot_general3A_5 = tpu.matmul %get3A_1, %get3A_4, %dot_general3A {dimension_numbers = #tpu.dot_dimension_numbers<[1], [0], [0], [1], [0, 0, 1, 1], [], []>, transpose_lhs_hint = false} : vector<1000x128xf32>, vector<128x128xf32>, vector<1000x128xf32> -> vector<1000x128xf32>
    %get3A_6 = arith.constant 0 : index
    %get3A_7 = arith.constant 0 : index
    %get3A_8 = vector.load %arg3[%get3A_6, %get3A_7] : memref<1x128xf32, #tpu.memory_space<vmem>>, vector<1x128xf32>
    %add3A = vector.broadcast %get3A_8 : vector<1x128xf32> to vector<1000x128xf32>
    %add3A_9 = arith.addf %dot_general3A_5, %add3A : vector<1000x128xf32>
    %mul3A = arith.constant 5.000000e-01 : f32
    %mul3A_10 = vector.broadcast %mul3A : f32 to vector<1000x128xf32>
    %mul3A_11 = arith.mulf %mul3A_10, %add3A_9 : vector<1000x128xf32>
    %mul3A_12 = arith.constant 0.707106769 : f32
    %mul3A_13 = vector.broadcast %mul3A_12 : f32 to vector<1000x128xf32>
    %mul3A_14 = arith.mulf %add3A_9, %mul3A_13 : vector<1000x128xf32>
    %erf3A = math.erf %mul3A_14 : vector<1000x128xf32>
    %add3A_15 = arith.constant 1.000000e+00 : f32
    %add3A_16 = vector.broadcast %add3A_15 : f32 to vector<1000x128xf32>
    %add3A_17 = arith.addf %add3A_16, %erf3A : vector<1000x128xf32>
    %mul3A_18 = arith.mulf %mul3A_11, %add3A_17 : vector<1000x128xf32>
    %swap3A = arith.constant 0 : index
    %swap3A_19 = arith.constant 0 : index
    %swap3A_20 = vector.load %arg4[%swap3A, %swap3A_19] : memref<1000x128xf32, #tpu.memory_space<vmem>>, vector<1000x128xf32>
    tpu.vector_store %arg4[%swap3A, %swap3A_19], %mul3A_18 {strides = array<i32>} : memref<1000x128xf32, #tpu.memory_space<vmem>>, vector<1000x128xf32>,
    return
  }
  func.func @transform_0(%arg0: i32) -> (i32, i32) {
    %c0_i32 = arith.constant 0 : i32
    %c0_i32_0 = arith.constant 0 : i32
    return %arg0, %c0_i32 : i32, i32
  }
  func.func @transform_1(%arg0: i32) -> (i32, i32) {
    %c0_i32 = arith.constant 0 : i32
    %c0_i32_0 = arith.constant 0 : i32
    %c0_i32_1 = arith.constant 0 : i32
    return %c0_i32, %c0_i32_0 : i32, i32
  }
  func.func @transform_2(%arg0: i32) -> (i32, i32) {
    %c0_i32 = arith.constant 0 : i32
    %c0_i32_0 = arith.constant 0 : i32
    %c0_i32_1 = arith.constant 0 : i32
    return %c0_i32, %c0_i32_0 : i32, i32
  }
  func.func @transform_3(%arg0: i32) -> (i32, i32) {
    %c0_i32 = arith.constant 0 : i32
    %c0_i32_0 = arith.constant 0 : i32
    return %arg0, %c0_i32 : i32, i32
  }
}

module attributes {stable_mosaic.version = 14 : i64} {
  func.func @_tc_layer_body(%arg0: i32, %arg1: memref<1x1000x128xf32, #tpu.memory_space<vmem>>, %arg2: memref<1000x8xf32, #tpu.memory_space<vmem>>, %arg3: memref<1000x128xf32, #tpu.memory_space<vmem>>, %arg4: memref<128x128xf32, #tpu.memory_space<vmem>>, %arg5: memref<1x128xf32, #tpu.memory_space<vmem>>, %arg6: memref<128x128xf32, #tpu.memory_space<vmem>>, %arg7: memref<1x128xf32, #tpu.memory_space<vmem>>, %arg8: memref<1x128xf32, #tpu.memory_space<vmem>>, %arg9: memref<1000x128xf32, #tpu.memory_space<vmem>>) attributes {dimension_semantics = [#tpu.dimension_semantics<arbitrary>], iteration_bounds = array<i64: 10>, scalar_prefetch = 0 : i64, scratch_operands = 0 : i64, tpu.core_type = #tpu.core_type<tc>, window_params = [{transform_indices = @transform_0, window_bounds = array<i64: 1, 1000, 128>}, {transform_indices = @transform_1, window_bounds = array<i64: 1000, 8>}, {transform_indices = @transform_2, window_bounds = array<i64: 1000, 128>}, {pipeline_mode = #tpu.pipeline_mode<synchronous>, transform_indices = @transform_3, window_bounds = array<i64: 128, 128>}, {pipeline_mode = #tpu.pipeline_mode<synchronous>, transform_indices = @transform_4, window_bounds = array<i64: 1, 128>}, {pipeline_mode = #tpu.pipeline_mode<synchronous>, transform_indices = @transform_5, window_bounds = array<i64: 128, 128>}, {pipeline_mode = #tpu.pipeline_mode<synchronous>, transform_indices = @transform_6, window_bounds = array<i64: 1, 128>}, {pipeline_mode = #tpu.pipeline_mode<synchronous>, transform_indices = @transform_7, window_bounds = array<i64: 1, 128>}, {transform_indices = @transform_8, window_bounds = array<i64: 1000, 128>}]} {
    %get3A = arith.constant 0 : index
    %get3A_0 = arith.constant 0 : index
    %get3A_1 = arith.constant 0 : index
    %get3A_2 = vector.load %arg1[%get3A, %get3A_0, %get3A_1] : memref<1x1000x128xf32, #tpu.memory_space<vmem>>, vector<1x1000x128xf32>
    %get3A_3 = vector.shape_cast %get3A_2 : vector<1x1000x128xf32> to vector<1000x128xf32>
    %get3A_4 = arith.constant 0 : index
    %get3A_5 = arith.constant 0 : index
    %get3A_6 = vector.load %arg2[%get3A_4, %get3A_5] : memref<1000x8xf32, #tpu.memory_space<vmem>>, vector<1000x1xf32>
    %mul3A = vector.broadcast %get3A_6 : vector<1000x1xf32> to vector<1000x128xf32>
    %mul3A_7 = arith.mulf %get3A_3, %mul3A : vector<1000x128xf32>
    %get3A_8 = arith.constant 0 : index
    %get3A_9 = arith.constant 0 : index
    %get3A_10 = vector.load %arg4[%get3A_8, %get3A_9] : memref<128x128xf32, #tpu.memory_space<vmem>>, vector<128x128xf32>
    %dot_general3A = arith.constant dense<0.000000e+00> : vector<1000x128xf32>
    %dot_general3A_11 = tpu.matmul %mul3A_7, %get3A_10, %dot_general3A {dimension_numbers = #tpu.dot_dimension_numbers<[1], [0], [0], [1], [0, 0, 1, 1], [], []>, transpose_lhs_hint = false} : vector<1000x128xf32>, vector<128x128xf32>, vector<1000x128xf32> -> vector<1000x128xf32>
    %get3A_12 = arith.constant 0 : index
    %get3A_13 = arith.constant 0 : index
    %get3A_14 = vector.load %arg3[%get3A_12, %get3A_13] : memref<1000x128xf32, #tpu.memory_space<vmem>>, vector<1000x128xf32>
    %get3A_15 = arith.constant 0 : index
    %get3A_16 = arith.constant 0 : index
    %get3A_17 = vector.load %arg6[%get3A_15, %get3A_16] : memref<128x128xf32, #tpu.memory_space<vmem>>, vector<128x128xf32>
    %dot_general3A_18 = arith.constant dense<0.000000e+00> : vector<1000x128xf32>
    %dot_general3A_19 = tpu.matmul %get3A_14, %get3A_17, %dot_general3A_18 {dimension_numbers = #tpu.dot_dimension_numbers<[1], [0], [0], [1], [0, 0, 1, 1], [], []>, transpose_lhs_hint = false} : vector<1000x128xf32>, vector<128x128xf32>, vector<1000x128xf32> -> vector<1000x128xf32>
    %add3A = arith.addf %dot_general3A_11, %dot_general3A_19 : vector<1000x128xf32>
    %get3A_20 = arith.constant 0 : index
    %get3A_21 = arith.constant 0 : index
    %get3A_22 = vector.load %arg5[%get3A_20, %get3A_21] : memref<1x128xf32, #tpu.memory_space<vmem>>, vector<1x128xf32>
    %add3A_23 = vector.broadcast %get3A_22 : vector<1x128xf32> to vector<1000x128xf32>
    %add3A_24 = arith.addf %add3A, %add3A_23 : vector<1000x128xf32>
    %reduce_sum3A = arith.constant dense<0.000000e+00> : vector<1000xf32>
    %reduce_sum3A_25 = vector.multi_reduction <add>, %add3A_24, %reduce_sum3A [1] : vector<1000x128xf32> to vector<1000xf32>
    %broadcast_in_dim3A = vector.shape_cast %reduce_sum3A_25 : vector<1000xf32> to vector<1000x1xf32>
    %div3A = arith.constant 1.280000e+02 : f32
    %div3A_26 = vector.broadcast %div3A : f32 to vector<1000x1xf32>
    %div3A_27 = arith.divf %broadcast_in_dim3A, %div3A_26 : vector<1000x1xf32>
    %sub3A = vector.broadcast %div3A_27 : vector<1000x1xf32> to vector<1000x128xf32>
    %sub3A_28 = arith.subf %add3A_24, %sub3A : vector<1000x128xf32>
    %integer_pow3A = arith.mulf %sub3A_28, %sub3A_28 : vector<1000x128xf32>
    %reduce_sum3A_29 = arith.constant dense<0.000000e+00> : vector<1000xf32>
    %reduce_sum3A_30 = vector.multi_reduction <add>, %integer_pow3A, %reduce_sum3A_29 [1] : vector<1000x128xf32> to vector<1000xf32>
    %broadcast_in_dim3A_31 = vector.shape_cast %reduce_sum3A_30 : vector<1000xf32> to vector<1000x1xf32>
    %div3A_32 = arith.constant 1.280000e+02 : f32
    %div3A_33 = vector.broadcast %div3A_32 : f32 to vector<1000x1xf32>
    %div3A_34 = arith.divf %broadcast_in_dim3A_31, %div3A_33 : vector<1000x1xf32>
    %sub3A_35 = vector.broadcast %div3A_27 : vector<1000x1xf32> to vector<1000x128xf32>
    %sub3A_36 = arith.subf %add3A_24, %sub3A_35 : vector<1000x128xf32>
    %add3A_37 = arith.constant 9.99999974E-6 : f32
    %add3A_38 = vector.broadcast %add3A_37 : f32 to vector<1000x1xf32>
    %add3A_39 = arith.addf %div3A_34, %add3A_38 : vector<1000x1xf32>
    %rsqrt3A = math.rsqrt %add3A_39 : vector<1000x1xf32>
    %mul3A_40 = vector.broadcast %rsqrt3A : vector<1000x1xf32> to vector<1000x128xf32>
    %mul3A_41 = arith.mulf %sub3A_36, %mul3A_40 : vector<1000x128xf32>
    %get3A_42 = arith.constant 0 : index
    %get3A_43 = arith.constant 0 : index
    %get3A_44 = vector.load %arg7[%get3A_42, %get3A_43] : memref<1x128xf32, #tpu.memory_space<vmem>>, vector<1x128xf32>
    %mul3A_45 = vector.broadcast %get3A_44 : vector<1x128xf32> to vector<1000x128xf32>
    %mul3A_46 = arith.mulf %mul3A_41, %mul3A_45 : vector<1000x128xf32>
    %get3A_47 = arith.constant 0 : index
    %get3A_48 = arith.constant 0 : index
    %get3A_49 = vector.load %arg8[%get3A_47, %get3A_48] : memref<1x128xf32, #tpu.memory_space<vmem>>, vector<1x128xf32>
    %add3A_50 = vector.broadcast %get3A_49 : vector<1x128xf32> to vector<1000x128xf32>
    %add3A_51 = arith.addf %mul3A_46, %add3A_50 : vector<1000x128xf32>
    %mul3A_52 = arith.constant 5.000000e-01 : f32
    %mul3A_53 = vector.broadcast %mul3A_52 : f32 to vector<1000x128xf32>
    %mul3A_54 = arith.mulf %mul3A_53, %add3A_51 : vector<1000x128xf32>
    %mul3A_55 = arith.constant 0.707106769 : f32
    %mul3A_56 = vector.broadcast %mul3A_55 : f32 to vector<1000x128xf32>
    %mul3A_57 = arith.mulf %add3A_51, %mul3A_56 : vector<1000x128xf32>
    %erf3A = math.erf %mul3A_57 : vector<1000x128xf32>
    %add3A_58 = arith.constant 1.000000e+00 : f32
    %add3A_59 = vector.broadcast %add3A_58 : f32 to vector<1000x128xf32>
    %add3A_60 = arith.addf %add3A_59, %erf3A : vector<1000x128xf32>
    %mul3A_61 = arith.mulf %mul3A_54, %add3A_60 : vector<1000x128xf32>
    %get3A_62 = arith.constant 0 : index
    %get3A_63 = arith.constant 0 : index
    %get3A_64 = vector.load %arg3[%get3A_62, %get3A_63] : memref<1000x128xf32, #tpu.memory_space<vmem>>, vector<1000x128xf32>
    %add3A_65 = arith.addf %mul3A_61, %get3A_64 : vector<1000x128xf32>
    %swap3A = arith.constant 0 : index
    %swap3A_66 = arith.constant 0 : index
    %swap3A_67 = vector.load %arg9[%swap3A, %swap3A_66] : memref<1000x128xf32, #tpu.memory_space<vmem>>, vector<1000x128xf32>
    tpu.vector_store %arg9[%swap3A, %swap3A_66], %add3A_65 {strides = array<i32>} : memref<1000x128xf32, #tpu.memory_space<vmem>>, vector<1000x128xf32>,
    return
  }
  func.func @transform_0(%arg0: i32) -> (i32, i32, i32) {
    %jit3A = arith.constant 5 : i32
    %div3A = arith.divsi %arg0, %jit3A : i32
    %sign3A = arith.constant 0 : i32
    %sign3A_0 = arith.cmpi sgt, %arg0, %sign3A : i32
    %sign3A_1 = arith.extui %sign3A_0 : i1 to i32
    %sign3A_2 = arith.constant 0 : i32
    %sign3A_3 = arith.cmpi slt, %arg0, %sign3A_2 : i32
    %sign3A_4 = arith.extui %sign3A_3 : i1 to i32
    %sign3A_5 = arith.subi %sign3A_1, %sign3A_4 : i32
    %sign3A_6 = arith.constant 0 : i32
    %sign3A_7 = arith.cmpi sgt, %jit3A, %sign3A_6 : i32
    %sign3A_8 = arith.extui %sign3A_7 : i1 to i32
    %sign3A_9 = arith.constant 0 : i32
    %sign3A_10 = arith.cmpi slt, %jit3A, %sign3A_9 : i32
    %sign3A_11 = arith.extui %sign3A_10 : i1 to i32
    %sign3A_12 = arith.subi %sign3A_8, %sign3A_11 : i32
    %ne3A = arith.cmpi ne, %sign3A_5, %sign3A_12 : i32
    %rem3A = arith.remsi %arg0, %jit3A : i32
    %ne3A_13 = arith.constant 0 : i32
    %ne3A_14 = arith.cmpi ne, %rem3A, %ne3A_13 : i32
    %and3A = arith.andi %ne3A, %ne3A_14 : i1
    %sub3A = arith.constant 1 : i32
    %sub3A_15 = arith.subi %div3A, %sub3A : i32
    %select_n3A = arith.select %and3A, %sub3A_15, %div3A : i32
    %jit3A_16 = arith.constant 5 : i32
    %eq3A = arith.constant 0 : i32
    %eq3A_17 = arith.cmpi eq, %jit3A_16, %eq3A : i32
    %jit3A_18 = arith.constant 1 : i32
    %select_n3A_19 = arith.select %eq3A_17, %jit3A_18, %jit3A_16 : i32
    %rem3A_20 = arith.remsi %arg0, %select_n3A_19 : i32
    %ne3A_21 = arith.constant 0 : i32
    %ne3A_22 = arith.cmpi ne, %rem3A_20, %ne3A_21 : i32
    %lt3A = arith.constant 0 : i32
    %lt3A_23 = arith.cmpi slt, %rem3A_20, %lt3A : i32
    %lt3A_24 = arith.constant 0 : i32
    %lt3A_25 = arith.cmpi slt, %select_n3A_19, %lt3A_24 : i32
    %ne3A_26 = arith.xori %lt3A_23, %lt3A_25 : i1
    %and3A_27 = arith.andi %ne3A_26, %ne3A_22 : i1
    %add3A = arith.addi %rem3A_20, %select_n3A_19 : i32
    %select_n3A_28 = arith.select %and3A_27, %add3A, %rem3A_20 : i32
    %c0_i32 = arith.constant 0 : i32
    %c0_i32_29 = arith.constant 0 : i32
    return %select_n3A, %select_n3A_28, %c0_i32 : i32, i32, i32
  }
  func.func @transform_1(%arg0: i32) -> (i32, i32) {
    %c0_i32 = arith.constant 0 : i32
    %c0_i32_0 = arith.constant 0 : i32
    return %arg0, %c0_i32 : i32, i32
  }
  func.func @transform_2(%arg0: i32) -> (i32, i32) {
    %c0_i32 = arith.constant 0 : i32
    %c0_i32_0 = arith.constant 0 : i32
    return %arg0, %c0_i32 : i32, i32
  }
  func.func @transform_3(%arg0: i32) -> (i32, i32) {
    %c0_i32 = arith.constant 0 : i32
    %c0_i32_0 = arith.constant 0 : i32
    %c0_i32_1 = arith.constant 0 : i32
    return %c0_i32, %c0_i32_0 : i32, i32
  }
  func.func @transform_4(%arg0: i32) -> (i32, i32) {
    %c0_i32 = arith.constant 0 : i32
    %c0_i32_0 = arith.constant 0 : i32
    %c0_i32_1 = arith.constant 0 : i32
    return %c0_i32, %c0_i32_0 : i32, i32
  }
  func.func @transform_5(%arg0: i32) -> (i32, i32) {
    %c0_i32 = arith.constant 0 : i32
    %c0_i32_0 = arith.constant 0 : i32
    %c0_i32_1 = arith.constant 0 : i32
    return %c0_i32, %c0_i32_0 : i32, i32
  }
  func.func @transform_6(%arg0: i32) -> (i32, i32) {
    %c0_i32 = arith.constant 0 : i32
    %c0_i32_0 = arith.constant 0 : i32
    %c0_i32_1 = arith.constant 0 : i32
    return %c0_i32, %c0_i32_0 : i32, i32
  }
  func.func @transform_7(%arg0: i32) -> (i32, i32) {
    %c0_i32 = arith.constant 0 : i32
    %c0_i32_0 = arith.constant 0 : i32
    %c0_i32_1 = arith.constant 0 : i32
    return %c0_i32, %c0_i32_0 : i32, i32
  }
  func.func @transform_8(%arg0: i32) -> (i32, i32) {
    %c0_i32 = arith.constant 0 : i32
    %c0_i32_0 = arith.constant 0 : i32
    return %arg0, %c0_i32 : i32, i32
  }
}

module attributes {stable_mosaic.version = 14 : i64} {
  func.func @_tc_deginv_body(%arg0: i32, %arg1: memref<32x1024xf32, #tpu.memory_space<vmem>>, %arg2: memref<1024x8xf32, #tpu.memory_space<vmem>>) attributes {dimension_semantics = [#tpu.dimension_semantics<arbitrary>], iteration_bounds = array<i64: 10>, scalar_prefetch = 0 : i64, scratch_operands = 0 : i64, tpu.core_type = #tpu.core_type<tc>, window_params = [{transform_indices = @transform_0, window_bounds = array<i64: 32, 1024>}, {transform_indices = @transform_1, window_bounds = array<i64: 1024, 8>}]} {
    %get3A = arith.constant 0 : index
    %get3A_0 = arith.constant 0 : index
    %get3A_1 = vector.load %arg1[%get3A, %get3A_0] : memref<32x1024xf32, #tpu.memory_space<vmem>>, vector<32x1024xf32>
    %reduce_sum3A = arith.constant dense<0.000000e+00> : vector<1024xf32>
    %reduce_sum3A_2 = vector.multi_reduction <add>, %get3A_1, %reduce_sum3A [0] : vector<32x1024xf32> to vector<1024xf32>
    %max3A = arith.constant 1.000000e+00 : f32
    %max3A_3 = vector.broadcast %max3A : f32 to vector<1024xf32>
    %max3A_4 = arith.maximumf %reduce_sum3A_2, %max3A_3 : vector<1024xf32>
    %div3A = arith.constant 1.000000e+00 : f32
    %div3A_5 = vector.broadcast %div3A : f32 to vector<1024xf32>
    %div3A_6 = arith.divf %div3A_5, %max3A_4 : vector<1024xf32>
    %broadcast_in_dim3A = vector.shape_cast %div3A_6 : vector<1024xf32> to vector<1x1024xf32>
    %broadcast_in_dim3A_7 = vector.broadcast %broadcast_in_dim3A : vector<1x1024xf32> to vector<8x1024xf32>
    %transpose3A = tpu.transpose %broadcast_in_dim3A_7, [1, 0] : vector<8x1024xf32> -> vector<1024x8xf32>
    %swap3A = arith.constant 0 : index
    %swap3A_8 = arith.constant 0 : index
    %swap3A_9 = vector.load %arg2[%swap3A, %swap3A_8] : memref<1024x8xf32, #tpu.memory_space<vmem>>, vector<1024x8xf32>
    tpu.vector_store %arg2[%swap3A, %swap3A_8], %transpose3A {strides = array<i32>} : memref<1024x8xf32, #tpu.memory_space<vmem>>, vector<1024x8xf32>,
    return
  }
  func.func @transform_0(%arg0: i32) -> (i32, i32) {
    %c0_i32 = arith.constant 0 : i32
    %c0_i32_0 = arith.constant 0 : i32
    return %c0_i32, %arg0 : i32, i32
  }
  func.func @transform_1(%arg0: i32) -> (i32, i32) {
    %c0_i32 = arith.constant 0 : i32
    %c0_i32_0 = arith.constant 0 : i32
    return %arg0, %c0_i32 : i32, i32
  }
}

module attributes {stable_mosaic.version = 14 : i64} {
  func.func @_tc_layer_body(%arg0: i32, %arg1: memref<1x1000x128xf32, #tpu.memory_space<vmem>>, %arg2: memref<1000x8xf32, #tpu.memory_space<vmem>>, %arg3: memref<1000x128xf32, #tpu.memory_space<vmem>>, %arg4: memref<128x128xf32, #tpu.memory_space<vmem>>, %arg5: memref<1x128xf32, #tpu.memory_space<vmem>>, %arg6: memref<128x128xf32, #tpu.memory_space<vmem>>, %arg7: memref<1x128xf32, #tpu.memory_space<vmem>>, %arg8: memref<1x128xf32, #tpu.memory_space<vmem>>, %arg9: memref<128x128xf32, #tpu.memory_space<vmem>>, %arg10: memref<1x128xf32, #tpu.memory_space<vmem>>, %arg11: memref<1000x128xf32, #tpu.memory_space<vmem>>) attributes {dimension_semantics = [#tpu.dimension_semantics<arbitrary>], iteration_bounds = array<i64: 10>, scalar_prefetch = 0 : i64, scratch_operands = 0 : i64, tpu.core_type = #tpu.core_type<tc>, window_params = [{transform_indices = @transform_0, window_bounds = array<i64: 1, 1000, 128>}, {transform_indices = @transform_1, window_bounds = array<i64: 1000, 8>}, {transform_indices = @transform_2, window_bounds = array<i64: 1000, 128>}, {pipeline_mode = #tpu.pipeline_mode<synchronous>, transform_indices = @transform_3, window_bounds = array<i64: 128, 128>}, {pipeline_mode = #tpu.pipeline_mode<synchronous>, transform_indices = @transform_4, window_bounds = array<i64: 1, 128>}, {pipeline_mode = #tpu.pipeline_mode<synchronous>, transform_indices = @transform_5, window_bounds = array<i64: 128, 128>}, {pipeline_mode = #tpu.pipeline_mode<synchronous>, transform_indices = @transform_6, window_bounds = array<i64: 1, 128>}, {pipeline_mode = #tpu.pipeline_mode<synchronous>, transform_indices = @transform_7, window_bounds = array<i64: 1, 128>}, {pipeline_mode = #tpu.pipeline_mode<synchronous>, transform_indices = @transform_8, window_bounds = array<i64: 128, 128>}, {pipeline_mode = #tpu.pipeline_mode<synchronous>, transform_indices = @transform_9, window_bounds = array<i64: 1, 128>}, {transform_indices = @transform_10, window_bounds = array<i64: 1000, 128>}]} {
    %get3A = arith.constant 0 : index
    %get3A_0 = arith.constant 0 : index
    %get3A_1 = arith.constant 0 : index
    %get3A_2 = vector.load %arg1[%get3A, %get3A_0, %get3A_1] : memref<1x1000x128xf32, #tpu.memory_space<vmem>>, vector<1x1000x128xf32>
    %get3A_3 = vector.shape_cast %get3A_2 : vector<1x1000x128xf32> to vector<1000x128xf32>
    %get3A_4 = arith.constant 0 : index
    %get3A_5 = arith.constant 0 : index
    %get3A_6 = vector.load %arg2[%get3A_4, %get3A_5] : memref<1000x8xf32, #tpu.memory_space<vmem>>, vector<1000x1xf32>
    %mul3A = vector.broadcast %get3A_6 : vector<1000x1xf32> to vector<1000x128xf32>
    %mul3A_7 = arith.mulf %get3A_3, %mul3A : vector<1000x128xf32>
    %get3A_8 = arith.constant 0 : index
    %get3A_9 = arith.constant 0 : index
    %get3A_10 = vector.load %arg4[%get3A_8, %get3A_9] : memref<128x128xf32, #tpu.memory_space<vmem>>, vector<128x128xf32>
    %dot_general3A = arith.constant dense<0.000000e+00> : vector<1000x128xf32>
    %dot_general3A_11 = tpu.matmul %mul3A_7, %get3A_10, %dot_general3A {dimension_numbers = #tpu.dot_dimension_numbers<[1], [0], [0], [1], [0, 0, 1, 1], [], []>, transpose_lhs_hint = false} : vector<1000x128xf32>, vector<128x128xf32>, vector<1000x128xf32> -> vector<1000x128xf32>
    %get3A_12 = arith.constant 0 : index
    %get3A_13 = arith.constant 0 : index
    %get3A_14 = vector.load %arg3[%get3A_12, %get3A_13] : memref<1000x128xf32, #tpu.memory_space<vmem>>, vector<1000x128xf32>
    %get3A_15 = arith.constant 0 : index
    %get3A_16 = arith.constant 0 : index
    %get3A_17 = vector.load %arg6[%get3A_15, %get3A_16] : memref<128x128xf32, #tpu.memory_space<vmem>>, vector<128x128xf32>
    %dot_general3A_18 = arith.constant dense<0.000000e+00> : vector<1000x128xf32>
    %dot_general3A_19 = tpu.matmul %get3A_14, %get3A_17, %dot_general3A_18 {dimension_numbers = #tpu.dot_dimension_numbers<[1], [0], [0], [1], [0, 0, 1, 1], [], []>, transpose_lhs_hint = false} : vector<1000x128xf32>, vector<128x128xf32>, vector<1000x128xf32> -> vector<1000x128xf32>
    %add3A = arith.addf %dot_general3A_11, %dot_general3A_19 : vector<1000x128xf32>
    %get3A_20 = arith.constant 0 : index
    %get3A_21 = arith.constant 0 : index
    %get3A_22 = vector.load %arg5[%get3A_20, %get3A_21] : memref<1x128xf32, #tpu.memory_space<vmem>>, vector<1x128xf32>
    %add3A_23 = vector.broadcast %get3A_22 : vector<1x128xf32> to vector<1000x128xf32>
    %add3A_24 = arith.addf %add3A, %add3A_23 : vector<1000x128xf32>
    %reduce_sum3A = arith.constant dense<0.000000e+00> : vector<1000xf32>
    %reduce_sum3A_25 = vector.multi_reduction <add>, %add3A_24, %reduce_sum3A [1] : vector<1000x128xf32> to vector<1000xf32>
    %broadcast_in_dim3A = vector.shape_cast %reduce_sum3A_25 : vector<1000xf32> to vector<1000x1xf32>
    %div3A = arith.constant 1.280000e+02 : f32
    %div3A_26 = vector.broadcast %div3A : f32 to vector<1000x1xf32>
    %div3A_27 = arith.divf %broadcast_in_dim3A, %div3A_26 : vector<1000x1xf32>
    %sub3A = vector.broadcast %div3A_27 : vector<1000x1xf32> to vector<1000x128xf32>
    %sub3A_28 = arith.subf %add3A_24, %sub3A : vector<1000x128xf32>
    %integer_pow3A = arith.mulf %sub3A_28, %sub3A_28 : vector<1000x128xf32>
    %reduce_sum3A_29 = arith.constant dense<0.000000e+00> : vector<1000xf32>
    %reduce_sum3A_30 = vector.multi_reduction <add>, %integer_pow3A, %reduce_sum3A_29 [1] : vector<1000x128xf32> to vector<1000xf32>
    %broadcast_in_dim3A_31 = vector.shape_cast %reduce_sum3A_30 : vector<1000xf32> to vector<1000x1xf32>
    %div3A_32 = arith.constant 1.280000e+02 : f32
    %div3A_33 = vector.broadcast %div3A_32 : f32 to vector<1000x1xf32>
    %div3A_34 = arith.divf %broadcast_in_dim3A_31, %div3A_33 : vector<1000x1xf32>
    %sub3A_35 = vector.broadcast %div3A_27 : vector<1000x1xf32> to vector<1000x128xf32>
    %sub3A_36 = arith.subf %add3A_24, %sub3A_35 : vector<1000x128xf32>
    %add3A_37 = arith.constant 9.99999974E-6 : f32
    %add3A_38 = vector.broadcast %add3A_37 : f32 to vector<1000x1xf32>
    %add3A_39 = arith.addf %div3A_34, %add3A_38 : vector<1000x1xf32>
    %rsqrt3A = math.rsqrt %add3A_39 : vector<1000x1xf32>
    %mul3A_40 = vector.broadcast %rsqrt3A : vector<1000x1xf32> to vector<1000x128xf32>
    %mul3A_41 = arith.mulf %sub3A_36, %mul3A_40 : vector<1000x128xf32>
    %get3A_42 = arith.constant 0 : index
    %get3A_43 = arith.constant 0 : index
    %get3A_44 = vector.load %arg7[%get3A_42, %get3A_43] : memref<1x128xf32, #tpu.memory_space<vmem>>, vector<1x128xf32>
    %mul3A_45 = vector.broadcast %get3A_44 : vector<1x128xf32> to vector<1000x128xf32>
    %mul3A_46 = arith.mulf %mul3A_41, %mul3A_45 : vector<1000x128xf32>
    %get3A_47 = arith.constant 0 : index
    %get3A_48 = arith.constant 0 : index
    %get3A_49 = vector.load %arg8[%get3A_47, %get3A_48] : memref<1x128xf32, #tpu.memory_space<vmem>>, vector<1x128xf32>
    %add3A_50 = vector.broadcast %get3A_49 : vector<1x128xf32> to vector<1000x128xf32>
    %add3A_51 = arith.addf %mul3A_46, %add3A_50 : vector<1000x128xf32>
    %mul3A_52 = arith.constant 5.000000e-01 : f32
    %mul3A_53 = vector.broadcast %mul3A_52 : f32 to vector<1000x128xf32>
    %mul3A_54 = arith.mulf %mul3A_53, %add3A_51 : vector<1000x128xf32>
    %mul3A_55 = arith.constant 0.707106769 : f32
    %mul3A_56 = vector.broadcast %mul3A_55 : f32 to vector<1000x128xf32>
    %mul3A_57 = arith.mulf %add3A_51, %mul3A_56 : vector<1000x128xf32>
    %erf3A = math.erf %mul3A_57 : vector<1000x128xf32>
    %add3A_58 = arith.constant 1.000000e+00 : f32
    %add3A_59 = vector.broadcast %add3A_58 : f32 to vector<1000x128xf32>
    %add3A_60 = arith.addf %add3A_59, %erf3A : vector<1000x128xf32>
    %mul3A_61 = arith.mulf %mul3A_54, %add3A_60 : vector<1000x128xf32>
    %get3A_62 = arith.constant 0 : index
    %get3A_63 = arith.constant 0 : index
    %get3A_64 = vector.load %arg3[%get3A_62, %get3A_63] : memref<1000x128xf32, #tpu.memory_space<vmem>>, vector<1000x128xf32>
    %add3A_65 = arith.addf %mul3A_61, %get3A_64 : vector<1000x128xf32>
    %get3A_66 = arith.constant 0 : index
    %get3A_67 = arith.constant 0 : index
    %get3A_68 = vector.load %arg9[%get3A_66, %get3A_67] : memref<128x128xf32, #tpu.memory_space<vmem>>, vector<128x128xf32>
    %dot_general3A_69 = arith.constant dense<0.000000e+00> : vector<1000x128xf32>
    %dot_general3A_70 = tpu.matmul %add3A_65, %get3A_68, %dot_general3A_69 {dimension_numbers = #tpu.dot_dimension_numbers<[1], [0], [0], [1], [0, 0, 1, 1], [], []>, transpose_lhs_hint = false} : vector<1000x128xf32>, vector<128x128xf32>, vector<1000x128xf32> -> vector<1000x128xf32>
    %get3A_71 = arith.constant 0 : index
    %get3A_72 = arith.constant 0 : index
    %get3A_73 = vector.load %arg10[%get3A_71, %get3A_72] : memref<1x128xf32, #tpu.memory_space<vmem>>, vector<1x128xf32>
    %add3A_74 = vector.broadcast %get3A_73 : vector<1x128xf32> to vector<1000x128xf32>
    %add3A_75 = arith.addf %dot_general3A_70, %add3A_74 : vector<1000x128xf32>
    %swap3A = arith.constant 0 : index
    %swap3A_76 = arith.constant 0 : index
    %swap3A_77 = vector.load %arg11[%swap3A, %swap3A_76] : memref<1000x128xf32, #tpu.memory_space<vmem>>, vector<1000x128xf32>
    tpu.vector_store %arg11[%swap3A, %swap3A_76], %add3A_75 {strides = array<i32>} : memref<1000x128xf32, #tpu.memory_space<vmem>>, vector<1000x128xf32>,
    return
  }
  func.func @transform_0(%arg0: i32) -> (i32, i32, i32) {
    %jit3A = arith.constant 5 : i32
    %div3A = arith.divsi %arg0, %jit3A : i32
    %sign3A = arith.constant 0 : i32
    %sign3A_0 = arith.cmpi sgt, %arg0, %sign3A : i32
    %sign3A_1 = arith.extui %sign3A_0 : i1 to i32
    %sign3A_2 = arith.constant 0 : i32
    %sign3A_3 = arith.cmpi slt, %arg0, %sign3A_2 : i32
    %sign3A_4 = arith.extui %sign3A_3 : i1 to i32
    %sign3A_5 = arith.subi %sign3A_1, %sign3A_4 : i32
    %sign3A_6 = arith.constant 0 : i32
    %sign3A_7 = arith.cmpi sgt, %jit3A, %sign3A_6 : i32
    %sign3A_8 = arith.extui %sign3A_7 : i1 to i32
    %sign3A_9 = arith.constant 0 : i32
    %sign3A_10 = arith.cmpi slt, %jit3A, %sign3A_9 : i32
    %sign3A_11 = arith.extui %sign3A_10 : i1 to i32
    %sign3A_12 = arith.subi %sign3A_8, %sign3A_11 : i32
    %ne3A = arith.cmpi ne, %sign3A_5, %sign3A_12 : i32
    %rem3A = arith.remsi %arg0, %jit3A : i32
    %ne3A_13 = arith.constant 0 : i32
    %ne3A_14 = arith.cmpi ne, %rem3A, %ne3A_13 : i32
    %and3A = arith.andi %ne3A, %ne3A_14 : i1
    %sub3A = arith.constant 1 : i32
    %sub3A_15 = arith.subi %div3A, %sub3A : i32
    %select_n3A = arith.select %and3A, %sub3A_15, %div3A : i32
    %jit3A_16 = arith.constant 5 : i32
    %eq3A = arith.constant 0 : i32
    %eq3A_17 = arith.cmpi eq, %jit3A_16, %eq3A : i32
    %jit3A_18 = arith.constant 1 : i32
    %select_n3A_19 = arith.select %eq3A_17, %jit3A_18, %jit3A_16 : i32
    %rem3A_20 = arith.remsi %arg0, %select_n3A_19 : i32
    %ne3A_21 = arith.constant 0 : i32
    %ne3A_22 = arith.cmpi ne, %rem3A_20, %ne3A_21 : i32
    %lt3A = arith.constant 0 : i32
    %lt3A_23 = arith.cmpi slt, %rem3A_20, %lt3A : i32
    %lt3A_24 = arith.constant 0 : i32
    %lt3A_25 = arith.cmpi slt, %select_n3A_19, %lt3A_24 : i32
    %ne3A_26 = arith.xori %lt3A_23, %lt3A_25 : i1
    %and3A_27 = arith.andi %ne3A_26, %ne3A_22 : i1
    %add3A = arith.addi %rem3A_20, %select_n3A_19 : i32
    %select_n3A_28 = arith.select %and3A_27, %add3A, %rem3A_20 : i32
    %c0_i32 = arith.constant 0 : i32
    %c0_i32_29 = arith.constant 0 : i32
    return %select_n3A, %select_n3A_28, %c0_i32 : i32, i32, i32
  }
  func.func @transform_1(%arg0: i32) -> (i32, i32) {
    %c0_i32 = arith.constant 0 : i32
    %c0_i32_0 = arith.constant 0 : i32
    return %arg0, %c0_i32 : i32, i32
  }
  func.func @transform_2(%arg0: i32) -> (i32, i32) {
    %c0_i32 = arith.constant 0 : i32
    %c0_i32_0 = arith.constant 0 : i32
    return %arg0, %c0_i32 : i32, i32
  }
  func.func @transform_3(%arg0: i32) -> (i32, i32) {
    %c0_i32 = arith.constant 0 : i32
    %c0_i32_0 = arith.constant 0 : i32
    %c0_i32_1 = arith.constant 0 : i32
    return %c0_i32, %c0_i32_0 : i32, i32
  }
  func.func @transform_4(%arg0: i32) -> (i32, i32) {
    %c0_i32 = arith.constant 0 : i32
    %c0_i32_0 = arith.constant 0 : i32
    %c0_i32_1 = arith.constant 0 : i32
    return %c0_i32, %c0_i32_0 : i32, i32
  }
  func.func @transform_5(%arg0: i32) -> (i32, i32) {
    %c0_i32 = arith.constant 0 : i32
    %c0_i32_0 = arith.constant 0 : i32
    %c0_i32_1 = arith.constant 0 : i32
    return %c0_i32, %c0_i32_0 : i32, i32
  }
  func.func @transform_6(%arg0: i32) -> (i32, i32) {
    %c0_i32 = arith.constant 0 : i32
    %c0_i32_0 = arith.constant 0 : i32
    %c0_i32_1 = arith.constant 0 : i32
    return %c0_i32, %c0_i32_0 : i32, i32
  }
  func.func @transform_7(%arg0: i32) -> (i32, i32) {
    %c0_i32 = arith.constant 0 : i32
    %c0_i32_0 = arith.constant 0 : i32
    %c0_i32_1 = arith.constant 0 : i32
    return %c0_i32, %c0_i32_0 : i32, i32
  }
  func.func @transform_8(%arg0: i32) -> (i32, i32) {
    %c0_i32 = arith.constant 0 : i32
    %c0_i32_0 = arith.constant 0 : i32
    %c0_i32_1 = arith.constant 0 : i32
    return %c0_i32, %c0_i32_0 : i32, i32
  }
  func.func @transform_9(%arg0: i32) -> (i32, i32) {
    %c0_i32 = arith.constant 0 : i32
    %c0_i32_0 = arith.constant 0 : i32
    %c0_i32_1 = arith.constant 0 : i32
    return %c0_i32, %c0_i32_0 : i32, i32
  }
  func.func @transform_10(%arg0: i32) -> (i32, i32) {
    %c0_i32 = arith.constant 0 : i32
    %c0_i32_0 = arith.constant 0 : i32
    return %arg0, %c0_i32 : i32, i32
  }
}

</mosaic_0001>

<sc_bundles>
// kernel: sc_deg.3.cloned.1.call-start
scs
__scs_entry_jumppad:
0x0: {  	(pc) =	sbr.rel $0x88, $3  }
0x1: {  	(tag) =	ssettag $0x0;
	lr =	simm.s32 $0x1  }
0x2: {  	[smem:$0x3F8C] =	sst lr;
	_ =	strace $0xD0000000  }
0x3: {  	_ = 	snop  }
0x4: {  	_ = 	snop  }
0x5: {  	_ = 	snop  }
0x6: {  	_ = 	snop  }
0x7: {  	_ = 	snop  }
__scs_overlays_trampoline_lowered:
0x8: {  	[smem:$0x3F9B] =	sst s0  }
0x9: {  	[smem:$0x3F9C] =	sst s1  }
0xa: {  	[smem:$0x3F9D] =	sst s2  }
0xb: {  	[smem:$0x3F9E] =	sst s3  }
0xc: {  	[smem:$0x3F9F] =	sst s4  }
0xd: {  	[smem:$0x3FA0] =	sst s5  }
0xe: {  	[smem:$0x3FA1] =	sst s6  }
0xf: {  	[smem:$0x3FA2] =	sst s7  }
0x10: {  	[smem:$0x3FA3] =	sst s8  }
0x11: {  	[smem:$0x3FA4] =	sst s9;
	s0 =	simm.s32 @!p0 $0x0  }
0x12: {  	s1 =	sld [smem:$0x3F8A];
	s0 =	simm.s32 @p0 $0x1  }
0x13: {  	[smem:$0x3FA5] =	sst s0;
	s0 =	simm.s32 @!p1 $0x0  }
0x14: {  	s2 =	sld [smem:$0x3F89];
	s0 =	simm.s32 @p1 $0x1  }
0x15: {  	[smem:$0x3FA6] =	sst s0;
	s0 =	simm.s32 @!p2 $0x0  }
0x16: {  	s3 =	sld [smem:$0x3FDB];
	s0 =	simm.s32 @p2 $0x1  }
0x17: {  	s4 =	simm.s32 $0x1BF5;
	[smem:$0x3FA8] =	sst s0  }
0x18: {  	s0 =	sld [smem:$0x3F8B];
	_ =	swait.ge [sflag:s4], $0x0  }
0x19: {  	s7 =	sld [smem:$0x3F8C]  }
0x1a: {  	s8 =	sadd.s32 $0xFFFFE003, lr  }
0x1b: {  	s9 =	sadd.s32 $0xFFFFFEF7, lr;
	s5 =	simm.s32 $0xFFFFFFFF;
	p2 =	slt.u32 s8, $0xFFFFF086  }
0x1c: {  	p1 =	slt.u32 s9, $0xF7A;
	s5 =	simm.s32 @!p2 $0x0  }
0x1d: {  	s5 =	simm.s32 @p1 $0x1;
	p0 =	seq.s32 s7, s2  }
0x1e: {  	s7 =	smul.u32 @!p0 $0xF7A, s2;
	p2 =	seq.s32 @!p0 s5, $0x0  }
0x1f: {  	s9 =	smul.u32 $0xF7A, s1;
	s8 =	simm.s32 @!p0 $0x1BF5;
	p2 =	por !p2, p0  }
0x20: {  	[sflag:s8] =	ssyncset.s32 @!p0 $0xFFFFF086;
	s6 =	sadd.s32 @!p0 s3, s7;
	s7 =	simm.s32 @!p0 $0x108  }
0x21: {  	s3 =	sadd.s32 s3, s9;
	s6 =	sadd.s32 @!p0 $0x88, s6;
	s7 =	simm.s32 @p2 $0x1082  }
0x22: {  	[simem:s7], [sflag:s8] =	dma.local @!p0 [hbm:s6], $0xF7A  }
0x23: {  	s9 =	sor.u32 $0xD0000000, s2;
	s6 =	simm.s32 $0x108;
	_ =	swait.ge @!p0 [sflag:s8], $0x0  }
0x24: {  	s3 =	sadd.s32 $0x88, s3;
	s6 =	simm.s32 @!p1 $0x1082;
	[sflag:s4] =	ssyncset.s32 $0xFFFFF086  }
0x25: {  	[simem:s6], [sflag:s4] =	dma.local [hbm:s3], $0xF7A  }
0x26: {  	[smem:$0x3F8C] =	sst s1;
	(tag) =	ssettag s2;
	_ =	strace s9  }
0x27: {  	s1 =	sld [smem:$0x3F9C]  }
0x28: {  	s2 =	sld [smem:$0x3F9D]  }
0x29: {  	s4 =	sld [smem:$0x3F9F]  }
0x2a: {  	p0 =	seq.s32 s5, $0x0;
	s5 =	sld [smem:$0x3FA0]  }
0x2b: {  	s6 =	sld [smem:$0x3FA1]  }
0x2c: {  	s7 =	sld [smem:$0x3FA2]  }
0x2d: {  	s3 =	simm.s32 $0x108;
	s8 =	sld [smem:$0x3FA3]  }
0x2e: {  	s3 =	simm.s32 @!p0 $0x1082;
	s9 =	sld [smem:$0x3FA4]  }
0x2f: {  	lr =	sadd.s32 s0, s3;
	s0 =	sld [smem:$0x3F9B]  }
0x30: {  	s3 =	sld [smem:$0x3F9E]  }
0x31: {  	[smem:$0x3FA7] =	sst s10  }
0x32: {  	s10 =	sld [smem:$0x3FA5];
	_ =	sdelay $0x3  }
0x33: {  	p0 =	seq.s32 s10, $0x1;
	s10 =	sld [smem:$0x3FA7];
	_ =	sdelay $0x3  }
0x34: {  	[smem:$0x3FA7] =	sst s10  }
0x35: {  	s10 =	sld [smem:$0x3FA6];
	_ =	sdelay $0x3  }
0x36: {  	p1 =	seq.s32 s10, $0x1;
	s10 =	sld [smem:$0x3FA7];
	_ =	sdelay $0x3  }
0x37: {  	[smem:$0x3FA7] =	sst s10  }
0x38: {  	s10 =	sld [smem:$0x3FA8]  }
0x39: {  	_ = 	snop;
	(pc) =	sbr.ind lr, $3  }
0x3a: {  	_ = 	snop  }
0x3b: {  	_ = 	snop  }
0x3c: {  	p2 =	seq.s32 s10, $0x1;
	s10 =	sld [smem:$0x3FA7]  }
0x3d: {  	_ =	shalt  }
0x3e: {  	_ =	shalt  }
0x3f: {  	_ =	shalt  }
0x40: {  	_ =	shalt  }
0x41: {  	_ =	shalt  }
0x42: {  	_ =	shalt  }
0x43: {  	_ =	shalt  }
0x44: {  	_ =	shalt  }
0x45: {  	_ =	shalt  }
0x46: {  	_ =	shalt  }
0x47: {  	_ =	shalt  }
0x48: {  	_ =	shalt  }
0x49: {  	_ =	shalt  }
0x4a: {  	_ =	shalt  }
0x4b: {  	_ =	shalt  }
0x4c: {  	_ =	shalt  }
0x4d: {  	_ =	shalt  }
0x4e: {  	_ =	shalt  }
0x4f: {  	_ =	shalt  }
0x50: {  	_ =	shalt  }
0x51: {  	_ =	shalt  }
0x52: {  	_ =	shalt  }
0x53: {  	_ =	shalt  }
0x54: {  	_ =	shalt  }
0x55: {  	_ =	shalt  }
0x56: {  	_ =	shalt  }
0x57: {  	_ =	shalt  }
0x58: {  	_ =	shalt  }
0x59: {  	_ =	shalt  }
0x5a: {  	_ =	shalt  }
0x5b: {  	_ =	shalt  }
0x5c: {  	_ =	shalt  }
0x5d: {  	_ =	shalt  }
0x5e: {  	_ =	shalt  }
0x5f: {  	_ =	shalt  }
0x60: {  	_ =	shalt  }
0x61: {  	_ =	shalt  }
0x62: {  	_ =	shalt  }
0x63: {  	_ =	shalt  }
0x64: {  	_ =	shalt  }
0x65: {  	_ =	shalt  }
0x66: {  	_ =	shalt  }
0x67: {  	_ =	shalt  }
0x68: {  	_ =	shalt  }
0x69: {  	_ =	shalt  }
0x6a: {  	_ =	shalt  }
0x6b: {  	_ =	shalt  }
0x6c: {  	_ =	shalt  }
0x6d: {  	_ =	shalt  }
0x6e: {  	_ =	shalt  }
0x6f: {  	_ =	shalt  }
0x70: {  	_ =	shalt  }
0x71: {  	_ =	shalt  }
0x72: {  	_ =	shalt  }
0x73: {  	_ =	shalt  }
0x74: {  	_ =	shalt  }
0x75: {  	_ =	shalt  }
0x76: {  	_ =	shalt  }
0x77: {  	_ =	shalt  }
0x78: {  	_ =	shalt  }
0x79: {  	_ =	shalt  }
0x7a: {  	_ =	shalt  }
0x7b: {  	_ =	shalt  }
0x7c: {  	_ =	shalt  }
0x7d: {  	_ =	shalt  }
0x7e: {  	_ =	shalt  }
0x7f: {  	_ =	shalt  }
0x80: {  	_ =	shalt  }
0x81: {  	_ =	shalt  }
0x82: {  	_ =	shalt  }
0x83: {  	_ =	shalt  }
0x84: {  	_ =	shalt  }
0x85: {  	_ =	shalt  }
0x86: {  	_ =	shalt  }
0x87: {  	_ =	shalt  }
.Lfunc_end0:
.L_simem_size_0:
called_computation_lowered:
.L_overlay_start_0:
0x88: {  	s2 =	sld [smem:$0x3FD9]  }
0x89: {  	s3 =	sld [smem:$0x3FFE];
	_ =	sdelay $0x1  }
0x8a: {  	s1 =	srdreg.scid  }
0x8b: {  	s0 =	sand.u32 $0x1, s1  }
0x8c: {  	s16 =	sshll.u32 s0, $0xA;
	s2 =	sadd.s32 s3, s2  }
0x8d: {  	s2 =	sadd.s32 s2, s16  }
0x8e: {  	[smem:$0x3FB3] =	sst s2  }
0x8f: {  	_ = 	snop  }
0x90: {  	(tm) =	ssettm $0x1  }
0x91: {  	s17 =	sld [smem:$0x3FFB];
	_ =	sdelay $0x3  }
0x92: {  	_ =	strace s17  }
0x93: {  	s2 =	sld [smem:$0x3FFC];
	_ =	sdelay $0x3  }
0x94: {  	_ =	strace s2  }
0x95: {  	s2 =	sld [smem:$0x3FFD];
	_ =	sdelay $0x3  }
0x96: {  	_ =	strace s2  }
0x97: {  	_ =	strace $0x8FFFFFFF  }
0x98: {  	s18 =	sld [smem:$0x3FDB];
	_ =	sdelay $0x1  }
0x99: {  	s19 =	simm.s32 $_scs_section_size  }
0x9a: {  	s4 =	simm.s32 $_size__tile_overlayer_lowered;
	s5 =	simm.s32 $_tile_overlayer_lowered  }
0x9b: {  	s22 =	simm.s32 $0x1BFF;
	s21 =	sshll.u32 s5, $0x1;
	s2 =	sadd.s32 s19, s18  }
0x9c: {  	s6 =	simm.s32 $0x0;
	s20 =	sshll.u32 s4, $0x1;
	s4 =	sadd.s32 s21, s2  }
0x9d: {  	[timem:s6], [sflag:s22] =	dma.local [hbm:s4], s20  }
0x9e: {  	_ =	swait.ge [sflag:s22], s20  }
0x9f: {  	s3 =	ssub.s32 $0x0, s20;
	[sflag:s22] =	ssyncset.done $0x0  }
0xa0: {  	[sflag:s22] =	ssyncadd.s32 s3;
	_ =	sdelay $0x1  }
0xa1: {  	s23 =	simm.s32 $0x1B8B  }
0xa2: {  	_ =	swait.ge [sflag:s23], $0x1  }
0xa3: {  	[sflag:s23] =	ssyncset.done $0x0  }
0xa4: {  	s25 =	simm.s32 $0x1B8E;
	s24 =	sld [smem:$0x3FFE];
	[sflag:s23] =	ssyncadd.s32 $0xFFFFFFFF  }
0xa5: {  	s26 =	simm.s32 $execute0_lowered;
	[smem:$0x3FD2] =	sst s25  }
0xa6: {  	s4 =	sshll.u32 s26, $0x1;
	_ =	strace $0x80000046;
	[dreg:$0x1] =	wrdreg $0xFFFFFFFF  }
0xa7: {  	s28 =	simm.s32 $_size_execute0_lowered;
	s2 =	sadd.s32 s2, s4;
	[dreg:$0x0] =	wrdreg $0x0  }
0xa8: {  	s4 =	sshll.u32 s28, $0x1;
	[dreg:$0x2] =	wrdreg s2  }
0xa9: {  	[dreg:$0x3] =	wrdreg s4  }
0xaa: {  	[dreg:$0x4] =	wrdreg $0xC0  }
0xab: {  	_ =	task [dreg:s6], $0x5FFFF  }
0xac: {  	[dreg:$0x1] =	wrdreg $0xFFFFFFFF  }
0xad: {  	[dreg:$0x0] =	wrdreg $0x60  }
0xae: {  	[dreg:$0x2] =	wrdreg s24  }
0xaf: {  	[dreg:$0x3] =	wrdreg $0x9  }
0xb0: {  	_ =	task.clear_ibuf [dreg:s6], $0x4FFFF;
	_ =	strace $0x90000046  }
0xb1: {  	s29 =	simm.s32 $0x9;
	_ =	strace $0x80000048  }
0xb2: {  	_ =	swait.ge [sflag:s29], $0x1  }
0xb3: {  	[sflag:s29] =	ssyncadd.s32 $0xFFFFFFFF  }
0xb4: {  	_ =	strace $0x90000048  }
0xb5: {  	_ =	sfence  }
0xb6: {  	s30 =	sld [smem:$0x0];
	_ =	sdelay $0x2  }
0xb7: {  	s31 =	sshll.u32 s1, $0xD;
	s1 =	sshrl.u32 s1, $0x2  }
0xb8: {  	s3 =	sand.u32 $0x4000, s31;
	s1 =	sadd.s32 s1, s30  }
0xb9: {  	s0 =	sor.u32 s3, s0;
	s1 =	sshll.u32 s1, $0x11  }
0xba: {  	s0 =	sor.u32 s1, s0  }
0xbb: {  	s0 =	sadd.s32 $0x8F2B, s0  }
0xbc: {  	[sflag:s0] =	ssyncadd.remote.s32 $0x1  }
0xbd: {  	_ =	sfence.sel $0xFFFF  }
0xbe: {  	[dreg:$0x0] =	wrdreg $0xFFFFFFFF;
	(pc) =	sbr.abs _section_cstart, $3  }
0xbf: {  	[dreg:$0x1] =	wrdreg $0xFFFFFFFF  }
0xc0: {  	_ =	task.clear_ibuf [dreg:s6], $0x2FFFF;
	_ =	strace $0x9FFFFFFF  }
0xc1: {  	(tm) =	ssettm $0x7FFFFFFF  }
tec
execute0_lowered:
.L_overlay_start_1:
0x0: {  	(tag) =	ssettag $0x1  }
0x1: {  	s0 =	srdreg.scid  }
0x2: {  	s4 =	rddreg [dreg:$0x0];
	s2 =	simm.s32 $0x0;
	s3 =	sand.u32 $0x1, s0  }
0x3: {  	s8 =	simm.s32 $0x2800;
	s0 =	stileid.u32;
	s1 =	sshll.u32 s3, $0x4  }
0x4: {  	s9 =	simm.s32 $0x80;
	s10 =	simm.s32 $0x400;
	s5 =	sor.u32 s0, s1  }
0x5: {  	s11 =	simm.s32 $0x0;
	[smem:$0x7FF] =	sst s2;
	s6 =	sshrl.u32 s5, $0x3  }
0x6: {  	s7 =	sshll.u32 s0, $0x7;
	s30 =	ssub.s32 $0x2, s3;
	s6 =	smul.u32 $0x14000, s6  }
0x7: {  	s3 =	sadd.s32 $0xEA00, s4;
	s7 =	sand.u32 $0x380, s7;
	s5 =	smul.u32 $0x500, s5  }
0x8: {  	s1 =	rddreg [dreg:$0x1];
	_ =	strace $0x80000047;
	s6 =	sor.u32 s7, s6  }
0x9: {  	s31 =	sshrl.u32 s30, $0x1;
	s5 =	sadd.s32 s5, s4;
	s6 =	sshrl.u32 s6, $0x3  }
0xa: {  	s7 =	ssub.s32 s30, s31;
	s6 =	sadd.s32 s6, s4;
	s4 =	sadd.s32 $0x4A00, s5  }
0xb: {  	v0 =	vimm.f32 $1.000000000e+00;
	s5 =	sadd.s32 $0xF000, s6;
	s6 =	smax.u32 s7, $0x1;
	s7 =	simm.s32 $0x1  }
.LBB2_1:
0xc: {  	[tilespmem:s2], [sflag:$0x1] =	stream.linear.gather [hbm4b:s4+s2], $0x2780, $0x38;
	[tilespmem:$0x5000] =	vst v63  }
0xd: {  	_ =	swait.ge [sflag:s7], $0x2780  }
0xe: {  	[sflag:s7] =	ssyncset.done $0x0  }
0xf: {  	[sflag:s7] =	ssyncadd.s32 $0xFFFFD880  }
0x10: {  	[tilespmem:s8], [sflag:$0x1] =	stream.linear.gather [hbm4b:s3+s2], $0x2800, $0x38;
	[tilespmem:$0x5000] =	vst v63  }
0x11: {  	_ =	swait.ge [sflag:s7], $0x2800  }
0x12: {  	[sflag:s7] =	ssyncset.done $0x0  }
0x13: {  	s12 =	simm.s32 $0x0;
	[sflag:s7] =	ssyncadd.s32 $0xFFFFD800  }
.LBB2_2:
0x14: {  	s13 =	sshra.s32 s12, $0x2  }
0x15: {  	v1 =	vld [tilespmem:s13+$0x0];
	_ =	sdelay $0x7  }
0x16: {  	[tilespmem:v1+s8+$0x0] =	vst.idx.add.f32.msk $0xffff, v0  }
0x17: {  	v1 =	vld [tilespmem:s13+$0x10];
	_ =	sdelay $0x7  }
0x18: {  	[tilespmem:v1+s8+$0x0] =	vst.idx.add.f32.msk $0xffff, v0  }
0x19: {  	v1 =	vld [tilespmem:s13+$0x20];
	_ =	sdelay $0x7  }
0x1a: {  	[tilespmem:v1+s8+$0x0] =	vst.idx.add.f32.msk $0xffff, v0  }
0x1b: {  	v1 =	vld [tilespmem:s13+$0x30];
	_ =	sdelay $0x7  }
0x1c: {  	[tilespmem:v1+s8+$0x0] =	vst.idx.add.f32.msk $0xffff, v0  }
0x1d: {  	v1 =	vld [tilespmem:s13+$0x40];
	_ =	sdelay $0x7  }
0x1e: {  	[tilespmem:v1+s8+$0x0] =	vst.idx.add.f32.msk $0xffff, v0  }
0x1f: {  	v1 =	vld [tilespmem:s13+$0x50];
	_ =	sdelay $0x7  }
0x20: {  	[tilespmem:v1+s8+$0x0] =	vst.idx.add.f32.msk $0xffff, v0  }
0x21: {  	v1 =	vld [tilespmem:s13+$0x60];
	_ =	sdelay $0x7  }
0x22: {  	[tilespmem:v1+s8+$0x0] =	vst.idx.add.f32.msk $0xffff, v0  }
0x23: {  	v1 =	vld [tilespmem:s13+$0x70];
	_ =	sdelay $0x2  }
0x24: {  	p0 =	sne.s32 s12, $0x9C00  }
.Ltmp0:
0x25: {  	_ = 	snop;
	(pc) =	sbr.rel @p0 .LBB2_2-.Ltmp0, $2  }
0x26: {  	_ =	sdelay $0x2  }
0x27: {  	s12 =	sadd.s32 $0x200, s12;
	[tilespmem:v1+s8+$0x0] =	vst.idx.add.f32.msk $0xffff, v0  }
0x28: {  	s11 =	sadd.s32 $0x1, s11  }
0x29: {  	p0 =	sne.s32 s11, s6  }
.Ltmp1:
0x2a: {  	_ = 	snop;
	(pc) =	sbr.rel @p0 .LBB2_1-.Ltmp1, $4  }
0x2b: {  	[hbm4b:s5+s9] =	stream.strided.scatter [tilespmem:s8], [sflag:$0x1], $0x2800, s10, s9, $0x38;
	[tilespmem:$0x5000] =	vst v63  }
0x2c: {  	_ =	swait.ge [sflag:s7], $0x2800  }
0x2d: {  	[sflag:s7] =	ssyncset.done $0x0  }
0x2e: {  	[sflag:s7] =	ssyncadd.s32 $0xFFFFD800  }
0x2f: {  	_ =	sfence.sel $0x180000  }
0x30: {  	[bflag:$0x0] =	sbarrier.arrive $0xFFFF  }
0x31: {  	p0 =	sne.s32 s0, $0x0;
	_ =	strace $0x90000047  }
0x32: {  	s0 =	sadd.s32 @!p0 $0x100000, s1;
	[bflag:$0x2] =	sbarrier.arrive $0xFFFF  }
0x33: {  	[sflag:s0] =	ssyncadd.tile.s32 @!p0 $0x1;
	_ =	shalt  }
.Lfunc_end2:
_tile_overlayer_lowered:
.L_overlay_start_2:
0x34: {  	(tag) =	ssettag $0x2  }
0x35: {  	s0 =	rddreg [dreg:$0x0];
	s2 =	stileid.u32  }
0x36: {  	s1 =	rddreg [dreg:$0x1];
	p0 =	sne.s32 s2, $0x0  }
0x37: {  	s3 =	rddreg [dreg:$0x2];
	[bflag:$0x3] =	sbarrier.arrive $0xFFFF;
	s2 =	simm.s32 @!p0 $0x1C01  }
0x38: {  	[timem:s3], [sflag:s2] =	dma.local @!p0 [hbm:s0], s1  }
0x39: {  	s0 =	simm.s32 @!p0 $0x1  }
0x3a: {  	_ =	swait.ge @!p0 [sflag:s0], s1  }
0x3b: {  	s1 =	ssub.s32 @!p0 $0x0, s1;
	[sflag:s0] =	ssyncset.done @!p0 $0x0  }
0x3c: {  	[sflag:s0] =	ssyncadd.s32 @!p0 s1  }
0x3d: {  	[bflag:$0x3] =	sbarrier.arrive $0xFFFF  }
0x3e: {  	_ =	shalt  }

// kernel: sc_segsum.11.cloned.1.call-start
scs
__scs_entry_jumppad:
0x0: {  	(pc) =	sbr.rel $0x88, $3  }
0x1: {  	(tag) =	ssettag $0x0;
	lr =	simm.s32 $0x1  }
0x2: {  	[smem:$0x3F8C] =	sst lr;
	_ =	strace $0xD0000000  }
0x3: {  	_ = 	snop  }
0x4: {  	_ = 	snop  }
0x5: {  	_ = 	snop  }
0x6: {  	_ = 	snop  }
0x7: {  	_ = 	snop  }
__scs_overlays_trampoline_lowered:
0x8: {  	[smem:$0x3F9B] =	sst s0  }
0x9: {  	[smem:$0x3F9C] =	sst s1  }
0xa: {  	[smem:$0x3F9D] =	sst s2  }
0xb: {  	[smem:$0x3F9E] =	sst s3  }
0xc: {  	[smem:$0x3F9F] =	sst s4  }
0xd: {  	[smem:$0x3FA0] =	sst s5  }
0xe: {  	[smem:$0x3FA1] =	sst s6  }
0xf: {  	[smem:$0x3FA2] =	sst s7  }
0x10: {  	[smem:$0x3FA3] =	sst s8  }
0x11: {  	[smem:$0x3FA4] =	sst s9;
	s0 =	simm.s32 @!p0 $0x0  }
0x12: {  	s1 =	sld [smem:$0x3F8A];
	s0 =	simm.s32 @p0 $0x1  }
0x13: {  	[smem:$0x3FA5] =	sst s0;
	s0 =	simm.s32 @!p1 $0x0  }
0x14: {  	s2 =	sld [smem:$0x3F89];
	s0 =	simm.s32 @p1 $0x1  }
0x15: {  	[smem:$0x3FA6] =	sst s0;
	s0 =	simm.s32 @!p2 $0x0  }
0x16: {  	s3 =	sld [smem:$0x3FDB];
	s0 =	simm.s32 @p2 $0x1  }
0x17: {  	s4 =	simm.s32 $0x1BF5;
	[smem:$0x3FA8] =	sst s0  }
0x18: {  	s0 =	sld [smem:$0x3F8B];
	_ =	swait.ge [sflag:s4], $0x0  }
0x19: {  	s7 =	sld [smem:$0x3F8C]  }
0x1a: {  	s8 =	sadd.s32 $0xFFFFE003, lr  }
0x1b: {  	s9 =	sadd.s32 $0xFFFFFEF7, lr;
	s5 =	simm.s32 $0xFFFFFFFF;
	p2 =	slt.u32 s8, $0xFFFFF086  }
0x1c: {  	p1 =	slt.u32 s9, $0xF7A;
	s5 =	simm.s32 @!p2 $0x0  }
0x1d: {  	s5 =	simm.s32 @p1 $0x1;
	p0 =	seq.s32 s7, s2  }
0x1e: {  	s7 =	smul.u32 @!p0 $0xF7A, s2;
	p2 =	seq.s32 @!p0 s5, $0x0  }
0x1f: {  	s9 =	smul.u32 $0xF7A, s1;
	s8 =	simm.s32 @!p0 $0x1BF5;
	p2 =	por !p2, p0  }
0x20: {  	[sflag:s8] =	ssyncset.s32 @!p0 $0xFFFFF086;
	s6 =	sadd.s32 @!p0 s3, s7;
	s7 =	simm.s32 @!p0 $0x108  }
0x21: {  	s3 =	sadd.s32 s3, s9;
	s6 =	sadd.s32 @!p0 $0x88, s6;
	s7 =	simm.s32 @p2 $0x1082  }
0x22: {  	[simem:s7], [sflag:s8] =	dma.local @!p0 [hbm:s6], $0xF7A  }
0x23: {  	s9 =	sor.u32 $0xD0000000, s2;
	s6 =	simm.s32 $0x108;
	_ =	swait.ge @!p0 [sflag:s8], $0x0  }
0x24: {  	s3 =	sadd.s32 $0x88, s3;
	s6 =	simm.s32 @!p1 $0x1082;
	[sflag:s4] =	ssyncset.s32 $0xFFFFF086  }
0x25: {  	[simem:s6], [sflag:s4] =	dma.local [hbm:s3], $0xF7A  }
0x26: {  	[smem:$0x3F8C] =	sst s1;
	(tag) =	ssettag s2;
	_ =	strace s9  }
0x27: {  	s1 =	sld [smem:$0x3F9C]  }
0x28: {  	s2 =	sld [smem:$0x3F9D]  }
0x29: {  	s4 =	sld [smem:$0x3F9F]  }
0x2a: {  	p0 =	seq.s32 s5, $0x0;
	s5 =	sld [smem:$0x3FA0]  }
0x2b: {  	s6 =	sld [smem:$0x3FA1]  }
0x2c: {  	s7 =	sld [smem:$0x3FA2]  }
0x2d: {  	s3 =	simm.s32 $0x108;
	s8 =	sld [smem:$0x3FA3]  }
0x2e: {  	s3 =	simm.s32 @!p0 $0x1082;
	s9 =	sld [smem:$0x3FA4]  }
0x2f: {  	lr =	sadd.s32 s0, s3;
	s0 =	sld [smem:$0x3F9B]  }
0x30: {  	s3 =	sld [smem:$0x3F9E]  }
0x31: {  	[smem:$0x3FA7] =	sst s10  }
0x32: {  	s10 =	sld [smem:$0x3FA5];
	_ =	sdelay $0x3  }
0x33: {  	p0 =	seq.s32 s10, $0x1;
	s10 =	sld [smem:$0x3FA7];
	_ =	sdelay $0x3  }
0x34: {  	[smem:$0x3FA7] =	sst s10  }
0x35: {  	s10 =	sld [smem:$0x3FA6];
	_ =	sdelay $0x3  }
0x36: {  	p1 =	seq.s32 s10, $0x1;
	s10 =	sld [smem:$0x3FA7];
	_ =	sdelay $0x3  }
0x37: {  	[smem:$0x3FA7] =	sst s10  }
0x38: {  	s10 =	sld [smem:$0x3FA8]  }
0x39: {  	_ = 	snop;
	(pc) =	sbr.ind lr, $3  }
0x3a: {  	_ = 	snop  }
0x3b: {  	_ = 	snop  }
0x3c: {  	p2 =	seq.s32 s10, $0x1;
	s10 =	sld [smem:$0x3FA7]  }
0x3d: {  	_ =	shalt  }
0x3e: {  	_ =	shalt  }
0x3f: {  	_ =	shalt  }
0x40: {  	_ =	shalt  }
0x41: {  	_ =	shalt  }
0x42: {  	_ =	shalt  }
0x43: {  	_ =	shalt  }
0x44: {  	_ =	shalt  }
0x45: {  	_ =	shalt  }
0x46: {  	_ =	shalt  }
0x47: {  	_ =	shalt  }
0x48: {  	_ =	shalt  }
0x49: {  	_ =	shalt  }
0x4a: {  	_ =	shalt  }
0x4b: {  	_ =	shalt  }
0x4c: {  	_ =	shalt  }
0x4d: {  	_ =	shalt  }
0x4e: {  	_ =	shalt  }
0x4f: {  	_ =	shalt  }
0x50: {  	_ =	shalt  }
0x51: {  	_ =	shalt  }
0x52: {  	_ =	shalt  }
0x53: {  	_ =	shalt  }
0x54: {  	_ =	shalt  }
0x55: {  	_ =	shalt  }
0x56: {  	_ =	shalt  }
0x57: {  	_ =	shalt  }
0x58: {  	_ =	shalt  }
0x59: {  	_ =	shalt  }
0x5a: {  	_ =	shalt  }
0x5b: {  	_ =	shalt  }
0x5c: {  	_ =	shalt  }
0x5d: {  	_ =	shalt  }
0x5e: {  	_ =	shalt  }
0x5f: {  	_ =	shalt  }
0x60: {  	_ =	shalt  }
0x61: {  	_ =	shalt  }
0x62: {  	_ =	shalt  }
0x63: {  	_ =	shalt  }
0x64: {  	_ =	shalt  }
0x65: {  	_ =	shalt  }
0x66: {  	_ =	shalt  }
0x67: {  	_ =	shalt  }
0x68: {  	_ =	shalt  }
0x69: {  	_ =	shalt  }
0x6a: {  	_ =	shalt  }
0x6b: {  	_ =	shalt  }
0x6c: {  	_ =	shalt  }
0x6d: {  	_ =	shalt  }
0x6e: {  	_ =	shalt  }
0x6f: {  	_ =	shalt  }
0x70: {  	_ =	shalt  }
0x71: {  	_ =	shalt  }
0x72: {  	_ =	shalt  }
0x73: {  	_ =	shalt  }
0x74: {  	_ =	shalt  }
0x75: {  	_ =	shalt  }
0x76: {  	_ =	shalt  }
0x77: {  	_ =	shalt  }
0x78: {  	_ =	shalt  }
0x79: {  	_ =	shalt  }
0x7a: {  	_ =	shalt  }
0x7b: {  	_ =	shalt  }
0x7c: {  	_ =	shalt  }
0x7d: {  	_ =	shalt  }
0x7e: {  	_ =	shalt  }
0x7f: {  	_ =	shalt  }
0x80: {  	_ =	shalt  }
0x81: {  	_ =	shalt  }
0x82: {  	_ =	shalt  }
0x83: {  	_ =	shalt  }
0x84: {  	_ =	shalt  }
0x85: {  	_ =	shalt  }
0x86: {  	_ =	shalt  }
0x87: {  	_ =	shalt  }
.Lfunc_end0:
.L_simem_size_0:
called_computation.3_lowered:
.L_overlay_start_0:
0x88: {  	s2 =	sld [smem:$0x3FD9]  }
0x89: {  	s3 =	sld [smem:$0x3FFE];
	_ =	sdelay $0x1  }
0x8a: {  	s1 =	srdreg.scid  }
0x8b: {  	s0 =	sand.u32 $0x1, s1  }
0x8c: {  	s17 =	sshll.u32 s0, $0xA;
	s2 =	sadd.s32 s3, s2  }
0x8d: {  	s2 =	sadd.s32 s2, s17  }
0x8e: {  	[smem:$0x3FB3] =	sst s2  }
0x8f: {  	_ = 	snop  }
0x90: {  	s2 =	sld [smem:$0x3FD0];
	(tm) =	ssettm $0x1  }
0x91: {  	s18 =	sld [smem:$0x3FFB];
	_ =	sdelay $0x3  }
0x92: {  	_ =	strace s18  }
0x93: {  	s3 =	sld [smem:$0x3FFC];
	_ =	sdelay $0x3  }
0x94: {  	_ =	strace s3  }
0x95: {  	s3 =	sld [smem:$0x3FFD];
	_ =	sdelay $0x3  }
0x96: {  	_ =	strace s3  }
0x97: {  	_ =	strace $0x8FFFFFFF  }
0x98: {  	s19 =	sld [smem:$0x3FDB];
	_ =	sdelay $0x1  }
0x99: {  	s4 =	simm.s32 $_scs_section_size  }
0x9a: {  	s5 =	simm.s32 $_size__tile_overlayer_lowered;
	s6 =	simm.s32 $_tile_overlayer_lowered  }
0x9b: {  	s22 =	simm.s32 $0x1BFF;
	s21 =	sshll.u32 s6, $0x1;
	s3 =	sadd.s32 s4, s19  }
0x9c: {  	s7 =	simm.s32 $0x0;
	s20 =	sshll.u32 s5, $0x1;
	s5 =	sadd.s32 s21, s3  }
0x9d: {  	[timem:s7], [sflag:s22] =	dma.local [hbm:s5], s20  }
0x9e: {  	_ =	swait.ge [sflag:s22], s20  }
0x9f: {  	s4 =	ssub.s32 $0x0, s20;
	[sflag:s22] =	ssyncset.done $0x0  }
0xa0: {  	[sflag:s22] =	ssyncadd.s32 s4;
	_ =	sdelay $0x1  }
0xa1: {  	s23 =	simm.s32 $0x1B8B  }
0xa2: {  	_ =	swait.ge [sflag:s23], $0x1  }
0xa3: {  	[sflag:s23] =	ssyncset.done $0x0  }
0xa4: {  	s25 =	simm.s32 $0x1B8E;
	s24 =	sld [smem:$0x3FFE];
	[sflag:s23] =	ssyncadd.s32 $0xFFFFFFFF  }
0xa5: {  	s26 =	simm.s32 $execute0_lowered;
	[smem:$0x3FD2] =	sst s25  }
0xa6: {  	s5 =	sshll.u32 s26, $0x1;
	_ =	strace $0x8000004F;
	[dreg:$0x1] =	wrdreg $0xFFFFFFFF  }
0xa7: {  	s28 =	simm.s32 $_size_execute0_lowered;
	s3 =	sadd.s32 s3, s5;
	[dreg:$0x0] =	wrdreg $0x0  }
0xa8: {  	s5 =	sshll.u32 s28, $0x1;
	[dreg:$0x2] =	wrdreg s3  }
0xa9: {  	[dreg:$0x3] =	wrdreg s5  }
0xaa: {  	[dreg:$0x4] =	wrdreg $0xC0  }
0xab: {  	_ =	task [dreg:s7], $0x5FFFF  }
0xac: {  	[dreg:$0x1] =	wrdreg $0xFFFFFFFF  }
0xad: {  	[dreg:$0x0] =	wrdreg $0x60  }
0xae: {  	[dreg:$0x2] =	wrdreg s2  }
0xaf: {  	[dreg:$0x3] =	wrdreg s24  }
0xb0: {  	[dreg:$0x4] =	wrdreg $0x121000  }
0xb1: {  	[dreg:$0x5] =	wrdreg $0x9  }
0xb2: {  	_ =	task.clear_ibuf [dreg:s7], $0x6FFFF;
	_ =	strace $0x9000004F  }
0xb3: {  	s29 =	simm.s32 $0x9;
	_ =	strace $0x80000051  }
0xb4: {  	_ =	swait.ge [sflag:s29], $0x1  }
0xb5: {  	[sflag:s29] =	ssyncadd.s32 $0xFFFFFFFF  }
0xb6: {  	_ =	strace $0x90000051  }
0xb7: {  	_ =	sfence  }
0xb8: {  	s30 =	sld [smem:$0x0];
	_ =	sdelay $0x2  }
0xb9: {  	s31 =	sshll.u32 s1, $0xD;
	s1 =	sshrl.u32 s1, $0x2  }
0xba: {  	s3 =	sand.u32 $0x4000, s31;
	s1 =	sadd.s32 s1, s30  }
0xbb: {  	s0 =	sor.u32 s3, s0;
	s1 =	sshll.u32 s1, $0x11  }
0xbc: {  	s0 =	sor.u32 s1, s0  }
0xbd: {  	s0 =	sadd.s32 $0x8F2B, s0  }
0xbe: {  	[sflag:s0] =	ssyncadd.remote.s32 $0x1  }
0xbf: {  	_ =	sfence.sel $0xFFFF  }
0xc0: {  	[dreg:$0x0] =	wrdreg $0xFFFFFFFF;
	(pc) =	sbr.abs _section_cstart, $3  }
0xc1: {  	[dreg:$0x1] =	wrdreg $0xFFFFFFFF  }
0xc2: {  	_ =	task.clear_ibuf [dreg:s7], $0x2FFFF;
	_ =	strace $0x9FFFFFFF  }
0xc3: {  	(tm) =	ssettm $0x7FFFFFFF  }
tec
execute0_lowered:
.L_overlay_start_1:
0x0: {  	(tag) =	ssettag $0x1  }
0x1: {  	s2 =	rddreg [dreg:$0x0]  }
0x2: {  	s5 =	rddreg [dreg:$0x1]  }
0x3: {  	s3 =	rddreg [dreg:$0x2]  }
0x4: {  	s0 =	rddreg [dreg:$0x3]  }
0x5: {  	s1 =	stileid.u32;
	s7 =	srdreg.scid;
	s4 =	simm.s32 $0x0  }
0x6: {  	s14 =	simm.s32 $0xA100;
	s15 =	simm.s32 $0x80;
	s16 =	simm.s32 $0xE100  }
0x7: {  	s17 =	simm.s32 $0x1;
	s18 =	simm.s32 $0xA000;
	s6 =	smul.u32 $0xA00, s1  }
0x8: {  	s19 =	simm.s32 $0x3;
	s21 =	simm.s32 $0xA080;
	s8 =	smul.u32 $0xA000, s1  }
0x9: {  	s22 =	simm.s32 $0x0;
	s7 =	sand.u32 $0x1, s7;
	s12 =	smul.u32 $0x28000, s1  }
0xa: {  	[smem:$0x7FF] =	sst s4;
	s31 =	sshll.u32 s1, $0x6;
	s9 =	smul.u32 $0xA0000, s7  }
0xb: {  	_ =	strace $0x80000050;
	s29 =	ssub.s32 $0x2, s7;
	s20 =	smul.u32 $0x1388, s7  }
0xc: {  	s6 =	sadd.s32 s6, s5;
	s10 =	sshrl.u32 s8, $0x3;
	s11 =	sshrl.u32 s29, $0x1  }
0xd: {  	s30 =	sshrl.u32 s12, $0x2;
	s12 =	sor.u32 $0x1C05, s31;
	s10 =	sadd.s32 s10, s5  }
.Ltmp0:
0xe: {  	s8 =	sadd.s32 s8, s9;
	s9 =	ssub.s32 s29, s11;
	(pc) =	sbr.rel .LBB2_1-.Ltmp0, $4  }
0xf: {  	s13 =	sadd.s32 s30, s3;
	s11 =	simm.s32 $0x5000;
	v0 =	vmov s20;
	s20 =	simm.s32 $0x2  }
0x10: {  	s8 =	sshrl.u32 s8, $0x3;
	s7 =	sadd.s32 $0x2D000, s10;
	s9 =	smax.u32 s9, $0x1  }
0x11: {  	s10 =	simm.s32 $0x5;
	s13 =	sshrl.u32 s13, $0x3;
	s8 =	sadd.s32 s8, s5  }
0x12: {  	s5 =	sadd.s32 $0x19000, s6;
	s6 =	sadd.s32 $0x23000, s6;
	s8 =	sadd.s32 $0x41000, s8  }
.LBB2_6:
0x13: {  	_ =	swait.ge [sflag:s19], $0x4000  }
0x14: {  	s22 =	sadd.s32 $0x1, s22;
	[sflag:s19] =	ssyncset.done $0x0  }
0x15: {  	p0 =	sne.s32 s22, s9;
	[sflag:s19] =	ssyncadd.s32 $0xFFFFC000  }
.Ltmp1:
0x16: {  	[bflag:$0x0] =	sbarrier.arrive $0xFFFF;
	(pc) =	sbr.rel @!p0 .LBB2_7-.Ltmp1, $4  }
0x17: {  	[hbm:s8], [sflag:s12] =	dma.local [spmem:s13], $0x1400  }
0x18: {  	_ =	swait.ge [sflag:s10], $0x1400  }
0x19: {  	[sflag:s10] =	ssyncset.done $0x0  }
0x1a: {  	[sflag:s10] =	ssyncadd.s32 $0xFFFFEC00  }
.LBB2_1:
0x1b: {  	[tilespmem:s4], [sflag:$0x5] =	stream.linear.gather [hbm4b:s5+s4], $0x4E80, $0x38;
	[tilespmem:$0x1C100] =	vst v63  }
0x1c: {  	_ =	swait.ge [sflag:s10], $0x4E80  }
0x1d: {  	[sflag:s10] =	ssyncset.done $0x0  }
0x1e: {  	[sflag:s10] =	ssyncadd.s32 $0xFFFFB180  }
0x1f: {  	[tilespmem:s11], [sflag:$0x5] =	stream.linear.gather [hbm4b:s6+s4], $0x4E80, $0x38;
	[tilespmem:$0x1C100] =	vst v63  }
0x20: {  	_ =	swait.ge [sflag:s10], $0x4E80  }
0x21: {  	[sflag:s10] =	ssyncset.done $0x0  }
0x22: {  	[sflag:s10] =	ssyncadd.s32 $0xFFFFB180  }
0x23: {  	[spmem:s13], [sflag:s12] =	dma.local [hbm:s7], $0x1400  }
.Ltmp2:
0x24: {  	_ =	swait.ge [sflag:s10], $0x1400;
	(pc) =	sbr.rel .LBB2_2-.Ltmp2, $4  }
0x25: {  	[sflag:s10] =	ssyncset.done $0x0  }
0x26: {  	s23 =	simm.s32 $0x5040;
	[sflag:s10] =	ssyncadd.s32 $0xFFFFEC00  }
0x27: {  	s24 =	simm.s32 $0x80;
	s25 =	simm.s32 $0x0;
	[bflag:$0x0] =	sbarrier.arrive $0xFFFF  }
0x28: {  	[tilespmem:s14], [sflag:$0x1] =	stream.indirect.gather [hbm4b:s2+s15], $0x80, s4, s15, $0xb8;
	[tilespmem:$0x1C100] =	vst v63  }
.LBB2_4:
0x29: {  	_ =	swait.ge [sflag:s19], $0x4000;
	s26 =	sshll.u32 s25, $0x3  }
0x2a: {  	[sflag:s19] =	ssyncset.done $0x0;
	s28 =	sand.u32 $0xFFF8, s26  }
0x2b: {  	[sflag:s19] =	ssyncadd.s32 $0xFFFFC000;
	s28 =	smul.u32 $0xAAAB, s28  }
0x2c: {  	[tilespmem:s14], [sflag:$0x1] =	stream.indirect.gather [hbm4b:s2+s15], $0x80, s24, s15, $0xb8;
	[tilespmem:$0x1C100] =	vst v63  }
0x2d: {  	v1 =	vld [tilespmem:s23+$0xFFFFFFC0]  }
0x2e: {  	s28 =	sshrl.u32 s28, $0x15  }
0x2f: {  	s28 =	smul.u32 $0x30, s28;
	_ =	sdelay $0x1  }
0x30: {  	s28 =	ssub.s32 s26, s28  }
0x31: {  	s28 =	sadd.s32 $0x1388, s28;
	v1 =	vsub.s32 v1, v0  }
0x32: {  	s29 =	sor.u32 $0x1, s26;
	s28 =	sand.u32 $0xFFF8, s28;
	vm0 =	vlt.u32 v1, $0x1388  }
0x33: {  	s31 =	sand.u32 $0xFFF9, s29;
	v1 =	vnsel vm0, s28, v1  }
0x34: {  	s28 =	smul.u32 $0xAAAB, s31;
	[tilespmem:$0xA080] =	vst v1  }
0x35: {  	v1 =	vld [tilespmem:s23+$0xFFFFFFD0]  }
0x36: {  	s28 =	sshrl.u32 s28, $0x15  }
0x37: {  	s28 =	smul.u32 $0x30, s28;
	_ =	sdelay $0x1  }
0x38: {  	s28 =	ssub.s32 s29, s28  }
0x39: {  	s28 =	sadd.s32 $0x1388, s28;
	v1 =	vsub.s32 v1, v0  }
0x3a: {  	s30 =	sor.u32 $0x2, s26;
	s28 =	sand.u32 $0xFFF9, s28;
	vm9 =	vlt.u32 v1, $0x1388  }
0x3b: {  	s31 =	sand.u32 $0xFFFA, s30;
	v1 =	vnsel vm9, s28, v1  }
0x3c: {  	s28 =	smul.u32 $0xAAAB, s31;
	[tilespmem:$0xA090] =	vst v1  }
0x3d: {  	v1 =	vld [tilespmem:s23+$0xFFFFFFE0]  }
0x3e: {  	s28 =	sshrl.u32 s28, $0x15  }
0x3f: {  	s28 =	smul.u32 $0x30, s28;
	_ =	sdelay $0x1  }
0x40: {  	s28 =	ssub.s32 s30, s28  }
0x41: {  	s28 =	sadd.s32 $0x1388, s28;
	v1 =	vsub.s32 v1, v0  }
0x42: {  	s30 =	sor.u32 $0x3, s26;
	s28 =	sand.u32 $0xFFFA, s28;
	vm10 =	vlt.u32 v1, $0x1388  }
0x43: {  	s31 =	sand.u32 $0xFFFB, s30;
	v1 =	vnsel vm10, s28, v1  }
0x44: {  	s28 =	smul.u32 $0xAAAB, s31;
	[tilespmem:$0xA0A0] =	vst v1  }
0x45: {  	v1 =	vld [tilespmem:s23+$0xFFFFFFF0]  }
0x46: {  	s28 =	sshrl.u32 s28, $0x15  }
0x47: {  	s28 =	smul.u32 $0x30, s28;
	_ =	sdelay $0x1  }
0x48: {  	s28 =	ssub.s32 s30, s28  }
0x49: {  	s28 =	sadd.s32 $0x1388, s28;
	v1 =	vsub.s32 v1, v0  }
0x4a: {  	s30 =	sor.u32 $0x4, s26;
	s28 =	sand.u32 $0xFFFB, s28;
	vm11 =	vlt.u32 v1, $0x1388  }
0x4b: {  	s31 =	sand.u32 $0xFFFC, s30;
	v1 =	vnsel vm11, s28, v1  }
0x4c: {  	s28 =	smul.u32 $0xAAAB, s31;
	[tilespmem:$0xA0B0] =	vst v1  }
0x4d: {  	v1 =	vld [tilespmem:s23+$0x0]  }
0x4e: {  	s28 =	sshrl.u32 s28, $0x15  }
0x4f: {  	s28 =	smul.u32 $0x30, s28;
	_ =	sdelay $0x1  }
0x50: {  	s28 =	ssub.s32 s30, s28  }
0x51: {  	s28 =	sadd.s32 $0x1388, s28;
	v1 =	vsub.s32 v1, v0  }
0x52: {  	s30 =	sor.u32 $0x5, s26;
	s28 =	sand.u32 $0xFFFC, s28;
	vm12 =	vlt.u32 v1, $0x1388  }
0x53: {  	s31 =	sand.u32 $0xFFFD, s30;
	v1 =	vnsel vm12, s28, v1  }
0x54: {  	s28 =	smul.u32 $0xAAAB, s31;
	[tilespmem:$0xA0C0] =	vst v1  }
0x55: {  	v1 =	vld [tilespmem:s23+$0x10]  }
0x56: {  	s28 =	sshrl.u32 s28, $0x15  }
0x57: {  	s28 =	smul.u32 $0x30, s28;
	_ =	sdelay $0x1  }
0x58: {  	s28 =	ssub.s32 s30, s28  }
0x59: {  	s28 =	sadd.s32 $0x1388, s28;
	v1 =	vsub.s32 v1, v0  }
0x5a: {  	s26 =	sor.u32 $0x6, s26;
	s28 =	sand.u32 $0xFFFD, s28;
	vm13 =	vlt.u32 v1, $0x1388  }
0x5b: {  	s29 =	sand.u32 $0xFFFE, s26;
	v1 =	vnsel vm13, s28, v1  }
0x5c: {  	s28 =	smul.u32 $0xAAAB, s29;
	[tilespmem:$0xA0D0] =	vst v1  }
0x5d: {  	v1 =	vld [tilespmem:s23+$0x20]  }
0x5e: {  	s28 =	sshrl.u32 s28, $0x15  }
0x5f: {  	s28 =	smul.u32 $0x30, s28;
	_ =	sdelay $0x1  }
0x60: {  	s26 =	ssub.s32 s26, s28  }
0x61: {  	s26 =	sadd.s32 $0x1388, s26;
	v1 =	vsub.s32 v1, v0  }
0x62: {  	s30 =	sshllo.u32 s25, $0x3;
	s26 =	sand.u32 $0xFFFE, s26;
	vm14 =	vlt.u32 v1, $0x1388  }
0x63: {  	s31 =	sand.u32 $0xFFFF, s30;
	v1 =	vnsel vm14, s26, v1  }
0x64: {  	s26 =	smul.u32 $0xAAAB, s31;
	[tilespmem:$0xA0E0] =	vst v1  }
0x65: {  	v1 =	vld [tilespmem:s23+$0x30]  }
0x66: {  	s26 =	sshrl.u32 s26, $0x15  }
0x67: {  	s26 =	smul.u32 $0x30, s26;
	_ =	sdelay $0x1  }
0x68: {  	s26 =	ssub.s32 s30, s26  }
0x69: {  	s26 =	sadd.s32 $0x1388, s26;
	v1 =	vsub.s32 v1, v0  }
0x6a: {  	s26 =	sand.u32 $0xFFFF, s26;
	vm15 =	vlt.u32 v1, $0x1388  }
0x6b: {  	v1 =	vnsel vm15, s26, v1  }
0x6c: {  	[tilespmem:$0xA0F0] =	vst v1  }
0x6d: {  	_ =	swait.ge [sflag:s20], $0x4000  }
0x6e: {  	[sflag:s20] =	ssyncset.done $0x0  }
0x6f: {  	[sflag:s20] =	ssyncadd.s32 $0xFFFFC000  }
0x70: {  	[spmem:s3] =	stream.indirect.scatter.add.f32 [tilespmem:s16], [sflag:$0x4], $0x80, s21, s15, $0xb8;
	[tilespmem:$0x1C100] =	vst v63  }
.LBB2_5:
0x71: {  	s25 =	sadd.s32 $0x1, s25  }
0x72: {  	p0 =	sne.s32 s25, $0x9D  }
.Ltmp3:
0x73: {  	_ = 	snop;
	(pc) =	sbr.rel @!p0 .LBB2_6-.Ltmp3, $2  }
0x74: {  	_ =	sdelay $0x2  }
0x75: {  	s24 =	sadd.s32 $0x80, s24;
	s23 =	sadd.s32 $0x80, s23  }
.LBB2_2:
0x76: {  	s26 =	sand.u32 $0x1, s25  }
0x77: {  	p0 =	seq.s32 s26, $0x1  }
.Ltmp4:
0x78: {  	_ = 	snop;
	(pc) =	sbr.rel @p0 .LBB2_4-.Ltmp4, $1  }
0x79: {  	_ =	sdelay $0x3  }
0x7a: {  	p0 =	seq.s32 s25, $0x0  }
0x7b: {  	s26 =	simm.s32 @!p0 $0x4  }
0x7c: {  	s28 =	sadd.s32 @!p0 $0x1, s25;
	_ =	swait.ge @!p0 [sflag:s26], $0x4000  }
0x7d: {  	p1 =	sgt.u32 @!p0 s28, $0x9C;
	[sflag:s26] =	ssyncset.done @!p0 $0x0  }
0x7e: {  	p1 =	por p0, !p1;
	[sflag:s26] =	ssyncadd.s32 @!p0 $0xFFFFC000;
	s26 =	sshll.u32 s25, $0x3  }
0x7f: {  	[tilespmem:s16], [sflag:$0x2] =	stream.indirect.gather @p1 [hbm4b:s2+s15], $0x80, s24, s15, $0xb8;
	[tilespmem:$0x1C100] =	vst v63  }
0x80: {  	s30 =	sand.u32 $0xFFF8, s26  }
0x81: {  	s28 =	smul.u32 $0xAAAB, s30  }
0x82: {  	v1 =	vld [tilespmem:s23+$0xFFFFFFC0]  }
0x83: {  	s28 =	sshrl.u32 s28, $0x15  }
0x84: {  	s28 =	smul.u32 $0x30, s28;
	_ =	sdelay $0x1  }
0x85: {  	s28 =	ssub.s32 s26, s28  }
0x86: {  	v1 =	vsub.s32 v1, v0;
	s28 =	sor.u32 $0x1388, s28  }
0x87: {  	s29 =	sor.u32 $0x1, s26;
	vm0 =	vlt.u32 v1, $0x1388;
	s28 =	sand.u32 $0xFFF8, s28  }
0x88: {  	s31 =	sand.u32 $0xFFF9, s29;
	v1 =	vnsel vm0, s28, v1  }
0x89: {  	s28 =	smul.u32 $0xAAAB, s31;
	[tilespmem:$0xA000] =	vst v1  }
0x8a: {  	v1 =	vld [tilespmem:s23+$0xFFFFFFD0]  }
0x8b: {  	s28 =	sshrl.u32 s28, $0x15  }
0x8c: {  	s28 =	smul.u32 $0x30, s28;
	_ =	sdelay $0x1  }
0x8d: {  	s28 =	ssub.s32 s29, s28  }
0x8e: {  	s28 =	sor.u32 $0x1388, s28;
	v1 =	vsub.s32 v1, v0  }
0x8f: {  	s30 =	sor.u32 $0x2, s26;
	s28 =	sand.u32 $0xFFF9, s28;
	vm9 =	vlt.u32 v1, $0x1388  }
0x90: {  	s31 =	sand.u32 $0xFFFA, s30;
	v1 =	vnsel vm9, s28, v1  }
0x91: {  	s28 =	smul.u32 $0xAAAB, s31;
	[tilespmem:$0xA010] =	vst v1  }
0x92: {  	v1 =	vld [tilespmem:s23+$0xFFFFFFE0]  }
0x93: {  	s28 =	sshrl.u32 s28, $0x15  }
0x94: {  	s28 =	smul.u32 $0x30, s28;
	_ =	sdelay $0x1  }
0x95: {  	s28 =	ssub.s32 s30, s28  }
0x96: {  	s28 =	sor.u32 $0x1388, s28;
	v1 =	vsub.s32 v1, v0  }
0x97: {  	s30 =	sor.u32 $0x3, s26;
	s28 =	sand.u32 $0xFFFA, s28;
	vm10 =	vlt.u32 v1, $0x1388  }
0x98: {  	s31 =	sand.u32 $0xFFFB, s30;
	v1 =	vnsel vm10, s28, v1  }
0x99: {  	s28 =	smul.u32 $0xAAAB, s31;
	[tilespmem:$0xA020] =	vst v1  }
0x9a: {  	v1 =	vld [tilespmem:s23+$0xFFFFFFF0]  }
0x9b: {  	s28 =	sshrl.u32 s28, $0x15  }
0x9c: {  	s28 =	smul.u32 $0x30, s28;
	_ =	sdelay $0x1  }
0x9d: {  	s28 =	ssub.s32 s30, s28  }
0x9e: {  	s28 =	sor.u32 $0x1388, s28;
	v1 =	vsub.s32 v1, v0  }
0x9f: {  	s30 =	sor.u32 $0x4, s26;
	s28 =	sand.u32 $0xFFFB, s28;
	vm11 =	vlt.u32 v1, $0x1388  }
0xa0: {  	s31 =	sand.u32 $0xFFFC, s30;
	v1 =	vnsel vm11, s28, v1  }
0xa1: {  	s28 =	smul.u32 $0xAAAB, s31;
	[tilespmem:$0xA030] =	vst v1  }
0xa2: {  	v1 =	vld [tilespmem:s23+$0x0]  }
0xa3: {  	s28 =	sshrl.u32 s28, $0x15  }
0xa4: {  	s28 =	smul.u32 $0x30, s28;
	_ =	sdelay $0x1  }
0xa5: {  	s28 =	ssub.s32 s30, s28  }
0xa6: {  	s28 =	sor.u32 $0x1388, s28;
	v1 =	vsub.s32 v1, v0  }
0xa7: {  	s30 =	sor.u32 $0x5, s26;
	s28 =	sand.u32 $0xFFFC, s28;
	vm12 =	vlt.u32 v1, $0x1388  }
0xa8: {  	s31 =	sand.u32 $0xFFFD, s30;
	v1 =	vnsel vm12, s28, v1  }
0xa9: {  	s28 =	smul.u32 $0xAAAB, s31;
	[tilespmem:$0xA040] =	vst v1  }
0xaa: {  	v1 =	vld [tilespmem:s23+$0x10]  }
0xab: {  	s28 =	sshrl.u32 s28, $0x15  }
0xac: {  	s28 =	smul.u32 $0x30, s28;
	_ =	sdelay $0x1  }
0xad: {  	s28 =	ssub.s32 s30, s28  }
0xae: {  	s28 =	sor.u32 $0x1388, s28;
	v1 =	vsub.s32 v1, v0  }
0xaf: {  	s26 =	sor.u32 $0x6, s26;
	s28 =	sand.u32 $0xFFFD, s28;
	vm13 =	vlt.u32 v1, $0x1388  }
0xb0: {  	s29 =	sand.u32 $0xFFFE, s26;
	v1 =	vnsel vm13, s28, v1  }
0xb1: {  	s28 =	smul.u32 $0xAAAB, s29;
	[tilespmem:$0xA050] =	vst v1  }
0xb2: {  	v1 =	vld [tilespmem:s23+$0x20]  }
0xb3: {  	s28 =	sshrl.u32 s28, $0x15  }
0xb4: {  	s28 =	smul.u32 $0x30, s28;
	_ =	sdelay $0x1  }
0xb5: {  	s26 =	ssub.s32 s26, s28  }
0xb6: {  	s26 =	sor.u32 $0x1388, s26;
	v1 =	vsub.s32 v1, v0  }
0xb7: {  	s30 =	sshllo.u32 s25, $0x3;
	s26 =	sand.u32 $0xFFFE, s26;
	vm14 =	vlt.u32 v1, $0x1388  }
0xb8: {  	s31 =	sand.u32 $0xFFFF, s30;
	v1 =	vnsel vm14, s26, v1  }
0xb9: {  	s26 =	smul.u32 $0xAAAB, s31;
	[tilespmem:$0xA060] =	vst v1  }
0xba: {  	v1 =	vld [tilespmem:s23+$0x30]  }
0xbb: {  	s26 =	sshrl.u32 s26, $0x15  }
0xbc: {  	s26 =	smul.u32 $0x30, s26;
	_ =	sdelay $0x1  }
0xbd: {  	s26 =	ssub.s32 s30, s26  }
0xbe: {  	s26 =	sor.u32 $0x1388, s26;
	v1 =	vsub.s32 v1, v0  }
0xbf: {  	s26 =	sand.u32 $0xFFFF, s26;
	vm15 =	vlt.u32 v1, $0x1388  }
0xc0: {  	v1 =	vnsel vm15, s26, v1  }
.Ltmp5:
0xc1: {  	[tilespmem:$0xA070] =	vst v1;
	(pc) =	sbr.rel .LBB2_5-.Ltmp5, $4  }
0xc2: {  	_ =	swait.ge [sflag:s17], $0x4000  }
0xc3: {  	[sflag:s17] =	ssyncset.done $0x0  }
0xc4: {  	[sflag:s17] =	ssyncadd.s32 $0xFFFFC000  }
0xc5: {  	[spmem:s3] =	stream.indirect.scatter.add.f32 [tilespmem:s14], [sflag:$0x3], $0x80, s18, s15, $0xb8;
	[tilespmem:$0x1C100] =	vst v63  }
.LBB2_7:
0xc6: {  	_ =	sfence.sel $0x180000  }
0xc7: {  	[bflag:$0x0] =	sbarrier.arrive $0xFFFF  }
0xc8: {  	p0 =	sne.s32 s1, $0x0;
	_ =	strace $0x90000050  }
0xc9: {  	s0 =	sadd.s32 @!p0 $0x100000, s0;
	[bflag:$0x2] =	sbarrier.arrive $0xFFFF  }
0xca: {  	[sflag:s0] =	ssyncadd.tile.s32 @!p0 $0x1;
	_ =	shalt  }
.Lfunc_end2:
_tile_overlayer_lowered:
.L_overlay_start_2:
0xcb: {  	(tag) =	ssettag $0x2  }
0xcc: {  	s0 =	rddreg [dreg:$0x0];
	s2 =	stileid.u32  }
0xcd: {  	s1 =	rddreg [dreg:$0x1];
	p0 =	sne.s32 s2, $0x0  }
0xce: {  	s3 =	rddreg [dreg:$0x2];
	[bflag:$0x3] =	sbarrier.arrive $0xFFFF;
	s2 =	simm.s32 @!p0 $0x1C05  }
0xcf: {  	[timem:s3], [sflag:s2] =	dma.local @!p0 [hbm:s0], s1  }
0xd0: {  	s0 =	simm.s32 @!p0 $0x5  }
0xd1: {  	_ =	swait.ge @!p0 [sflag:s0], s1  }
0xd2: {  	s1 =	ssub.s32 @!p0 $0x0, s1;
	[sflag:s0] =	ssyncset.done @!p0 $0x0  }
0xd3: {  	[sflag:s0] =	ssyncadd.s32 @!p0 s1  }
0xd4: {  	[bflag:$0x3] =	sbarrier.arrive $0xFFFF  }
0xd5: {  	_ =	shalt  }

// kernel: sc_segsum.5.cloned.1.call-start
scs
__scs_entry_jumppad:
0x0: {  	(pc) =	sbr.rel $0x88, $3  }
0x1: {  	(tag) =	ssettag $0x0;
	lr =	simm.s32 $0x1  }
0x2: {  	[smem:$0x3F8C] =	sst lr;
	_ =	strace $0xD0000000  }
0x3: {  	_ = 	snop  }
0x4: {  	_ = 	snop  }
0x5: {  	_ = 	snop  }
0x6: {  	_ = 	snop  }
0x7: {  	_ = 	snop  }
__scs_overlays_trampoline_lowered:
0x8: {  	[smem:$0x3F9B] =	sst s0  }
0x9: {  	[smem:$0x3F9C] =	sst s1  }
0xa: {  	[smem:$0x3F9D] =	sst s2  }
0xb: {  	[smem:$0x3F9E] =	sst s3  }
0xc: {  	[smem:$0x3F9F] =	sst s4  }
0xd: {  	[smem:$0x3FA0] =	sst s5  }
0xe: {  	[smem:$0x3FA1] =	sst s6  }
0xf: {  	[smem:$0x3FA2] =	sst s7  }
0x10: {  	[smem:$0x3FA3] =	sst s8  }
0x11: {  	[smem:$0x3FA4] =	sst s9;
	s0 =	simm.s32 @!p0 $0x0  }
0x12: {  	s1 =	sld [smem:$0x3F8A];
	s0 =	simm.s32 @p0 $0x1  }
0x13: {  	[smem:$0x3FA5] =	sst s0;
	s0 =	simm.s32 @!p1 $0x0  }
0x14: {  	s2 =	sld [smem:$0x3F89];
	s0 =	simm.s32 @p1 $0x1  }
0x15: {  	[smem:$0x3FA6] =	sst s0;
	s0 =	simm.s32 @!p2 $0x0  }
0x16: {  	s3 =	sld [smem:$0x3FDB];
	s0 =	simm.s32 @p2 $0x1  }
0x17: {  	s4 =	simm.s32 $0x1BF5;
	[smem:$0x3FA8] =	sst s0  }
0x18: {  	s0 =	sld [smem:$0x3F8B];
	_ =	swait.ge [sflag:s4], $0x0  }
0x19: {  	s7 =	sld [smem:$0x3F8C]  }
0x1a: {  	s8 =	sadd.s32 $0xFFFFE003, lr  }
0x1b: {  	s9 =	sadd.s32 $0xFFFFFEF7, lr;
	s5 =	simm.s32 $0xFFFFFFFF;
	p2 =	slt.u32 s8, $0xFFFFF086  }
0x1c: {  	p1 =	slt.u32 s9, $0xF7A;
	s5 =	simm.s32 @!p2 $0x0  }
0x1d: {  	s5 =	simm.s32 @p1 $0x1;
	p0 =	seq.s32 s7, s2  }
0x1e: {  	s7 =	smul.u32 @!p0 $0xF7A, s2;
	p2 =	seq.s32 @!p0 s5, $0x0  }
0x1f: {  	s9 =	smul.u32 $0xF7A, s1;
	s8 =	simm.s32 @!p0 $0x1BF5;
	p2 =	por !p2, p0  }
0x20: {  	[sflag:s8] =	ssyncset.s32 @!p0 $0xFFFFF086;
	s6 =	sadd.s32 @!p0 s3, s7;
	s7 =	simm.s32 @!p0 $0x108  }
0x21: {  	s3 =	sadd.s32 s3, s9;
	s6 =	sadd.s32 @!p0 $0x88, s6;
	s7 =	simm.s32 @p2 $0x1082  }
0x22: {  	[simem:s7], [sflag:s8] =	dma.local @!p0 [hbm:s6], $0xF7A  }
0x23: {  	s9 =	sor.u32 $0xD0000000, s2;
	s6 =	simm.s32 $0x108;
	_ =	swait.ge @!p0 [sflag:s8], $0x0  }
0x24: {  	s3 =	sadd.s32 $0x88, s3;
	s6 =	simm.s32 @!p1 $0x1082;
	[sflag:s4] =	ssyncset.s32 $0xFFFFF086  }
0x25: {  	[simem:s6], [sflag:s4] =	dma.local [hbm:s3], $0xF7A  }
0x26: {  	[smem:$0x3F8C] =	sst s1;
	(tag) =	ssettag s2;
	_ =	strace s9  }
0x27: {  	s1 =	sld [smem:$0x3F9C]  }
0x28: {  	s2 =	sld [smem:$0x3F9D]  }
0x29: {  	s4 =	sld [smem:$0x3F9F]  }
0x2a: {  	p0 =	seq.s32 s5, $0x0;
	s5 =	sld [smem:$0x3FA0]  }
0x2b: {  	s6 =	sld [smem:$0x3FA1]  }
0x2c: {  	s7 =	sld [smem:$0x3FA2]  }
0x2d: {  	s3 =	simm.s32 $0x108;
	s8 =	sld [smem:$0x3FA3]  }
0x2e: {  	s3 =	simm.s32 @!p0 $0x1082;
	s9 =	sld [smem:$0x3FA4]  }
0x2f: {  	lr =	sadd.s32 s0, s3;
	s0 =	sld [smem:$0x3F9B]  }
0x30: {  	s3 =	sld [smem:$0x3F9E]  }
0x31: {  	[smem:$0x3FA7] =	sst s10  }
0x32: {  	s10 =	sld [smem:$0x3FA5];
	_ =	sdelay $0x3  }
0x33: {  	p0 =	seq.s32 s10, $0x1;
	s10 =	sld [smem:$0x3FA7];
	_ =	sdelay $0x3  }
0x34: {  	[smem:$0x3FA7] =	sst s10  }
0x35: {  	s10 =	sld [smem:$0x3FA6];
	_ =	sdelay $0x3  }
0x36: {  	p1 =	seq.s32 s10, $0x1;
	s10 =	sld [smem:$0x3FA7];
	_ =	sdelay $0x3  }
0x37: {  	[smem:$0x3FA7] =	sst s10  }
0x38: {  	s10 =	sld [smem:$0x3FA8]  }
0x39: {  	_ = 	snop;
	(pc) =	sbr.ind lr, $3  }
0x3a: {  	_ = 	snop  }
0x3b: {  	_ = 	snop  }
0x3c: {  	p2 =	seq.s32 s10, $0x1;
	s10 =	sld [smem:$0x3FA7]  }
0x3d: {  	_ =	shalt  }
0x3e: {  	_ =	shalt  }
0x3f: {  	_ =	shalt  }
0x40: {  	_ =	shalt  }
0x41: {  	_ =	shalt  }
0x42: {  	_ =	shalt  }
0x43: {  	_ =	shalt  }
0x44: {  	_ =	shalt  }
0x45: {  	_ =	shalt  }
0x46: {  	_ =	shalt  }
0x47: {  	_ =	shalt  }
0x48: {  	_ =	shalt  }
0x49: {  	_ =	shalt  }
0x4a: {  	_ =	shalt  }
0x4b: {  	_ =	shalt  }
0x4c: {  	_ =	shalt  }
0x4d: {  	_ =	shalt  }
0x4e: {  	_ =	shalt  }
0x4f: {  	_ =	shalt  }
0x50: {  	_ =	shalt  }
0x51: {  	_ =	shalt  }
0x52: {  	_ =	shalt  }
0x53: {  	_ =	shalt  }
0x54: {  	_ =	shalt  }
0x55: {  	_ =	shalt  }
0x56: {  	_ =	shalt  }
0x57: {  	_ =	shalt  }
0x58: {  	_ =	shalt  }
0x59: {  	_ =	shalt  }
0x5a: {  	_ =	shalt  }
0x5b: {  	_ =	shalt  }
0x5c: {  	_ =	shalt  }
0x5d: {  	_ =	shalt  }
0x5e: {  	_ =	shalt  }
0x5f: {  	_ =	shalt  }
0x60: {  	_ =	shalt  }
0x61: {  	_ =	shalt  }
0x62: {  	_ =	shalt  }
0x63: {  	_ =	shalt  }
0x64: {  	_ =	shalt  }
0x65: {  	_ =	shalt  }
0x66: {  	_ =	shalt  }
0x67: {  	_ =	shalt  }
0x68: {  	_ =	shalt  }
0x69: {  	_ =	shalt  }
0x6a: {  	_ =	shalt  }
0x6b: {  	_ =	shalt  }
0x6c: {  	_ =	shalt  }
0x6d: {  	_ =	shalt  }
0x6e: {  	_ =	shalt  }
0x6f: {  	_ =	shalt  }
0x70: {  	_ =	shalt  }
0x71: {  	_ =	shalt  }
0x72: {  	_ =	shalt  }
0x73: {  	_ =	shalt  }
0x74: {  	_ =	shalt  }
0x75: {  	_ =	shalt  }
0x76: {  	_ =	shalt  }
0x77: {  	_ =	shalt  }
0x78: {  	_ =	shalt  }
0x79: {  	_ =	shalt  }
0x7a: {  	_ =	shalt  }
0x7b: {  	_ =	shalt  }
0x7c: {  	_ =	shalt  }
0x7d: {  	_ =	shalt  }
0x7e: {  	_ =	shalt  }
0x7f: {  	_ =	shalt  }
0x80: {  	_ =	shalt  }
0x81: {  	_ =	shalt  }
0x82: {  	_ =	shalt  }
0x83: {  	_ =	shalt  }
0x84: {  	_ =	shalt  }
0x85: {  	_ =	shalt  }
0x86: {  	_ =	shalt  }
0x87: {  	_ =	shalt  }
.Lfunc_end0:
.L_simem_size_0:
called_computation.1_lowered:
.L_overlay_start_0:
0x88: {  	s2 =	sld [smem:$0x3FD9]  }
0x89: {  	s3 =	sld [smem:$0x3FFE];
	_ =	sdelay $0x1  }
0x8a: {  	s1 =	srdreg.scid  }
0x8b: {  	s0 =	sand.u32 $0x1, s1  }
0x8c: {  	s17 =	sshll.u32 s0, $0xA;
	s2 =	sadd.s32 s3, s2  }
0x8d: {  	s2 =	sadd.s32 s2, s17  }
0x8e: {  	[smem:$0x3FB3] =	sst s2  }
0x8f: {  	_ = 	snop  }
0x90: {  	s18 =	sld [smem:$0x3FD0];
	(tm) =	ssettm $0x1  }
0x91: {  	s19 =	sld [smem:$0x3FFB];
	_ =	sdelay $0x3  }
0x92: {  	_ =	strace s19  }
0x93: {  	s2 =	sld [smem:$0x3FFC];
	_ =	sdelay $0x3  }
0x94: {  	_ =	strace s2  }
0x95: {  	s2 =	sld [smem:$0x3FFD];
	_ =	sdelay $0x3  }
0x96: {  	_ =	strace s2  }
0x97: {  	_ =	strace $0x8FFFFFFF  }
0x98: {  	s20 =	sld [smem:$0x3FDB];
	_ =	sdelay $0x1  }
0x99: {  	s4 =	simm.s32 $_scs_section_size  }
0x9a: {  	s5 =	simm.s32 $_size__tile_overlayer_lowered;
	s6 =	simm.s32 $_tile_overlayer_lowered  }
0x9b: {  	s7 =	simm.s32 $0x1BFF;
	s21 =	sshll.u32 s6, $0x1;
	s4 =	sadd.s32 s4, s20  }
0x9c: {  	s22 =	simm.s32 $0x0;
	s5 =	sshll.u32 s5, $0x1;
	s6 =	sadd.s32 s21, s4  }
0x9d: {  	[timem:s22], [sflag:s7] =	dma.local [hbm:s6], s5  }
0x9e: {  	_ =	swait.ge [sflag:s7], s5  }
0x9f: {  	s5 =	ssub.s32 $0x0, s5;
	[sflag:s7] =	ssyncset.done $0x0  }
0xa0: {  	[sflag:s7] =	ssyncadd.s32 s5;
	_ =	sdelay $0x1  }
0xa1: {  	s23 =	simm.s32 $0x1B8B  }
0xa2: {  	_ =	swait.ge [sflag:s23], $0x1  }
0xa3: {  	[sflag:s23] =	ssyncset.done $0x0  }
0xa4: {  	[sflag:s23] =	ssyncadd.s32 $0xFFFFFFFF  }
0xa5: {  	s5 =	sld [smem:$0x0]  }
0xa6: {  	s6 =	sand.u32 $0xFFFFFFFE, s1  }
0xa7: {  	p0 =	sne.s32 s1, s6  }
0xa8: {  	s6 =	sshll.u32 @p0 s6, $0xE  }
0xa9: {  	s6 =	sadd.s32 @p0 $0x11B8D, s6;
	s7 =	sshll.u32 @p0 s5, $0x11  }
0xaa: {  	s6 =	sor.u32 @p0 s7, s6  }
0xab: {  	[sflag:s6] =	ssyncadd.remote.s32 @p0 $0x1;
	_ =	sdelay $0x1  }
0xac: {  	s6 =	simm.s32 @p0 $0x1B8D  }
0xad: {  	_ =	swait.eq @p0 [sflag:s6], $0x1  }
0xae: {  	[sflag:s6] =	ssyncadd.s32 @p0 $0xFFFFFFFF  }
0xaf: {  	s7 =	sshll.u32 @!p0 s1, $0xE  }
0xb0: {  	s7 =	sor.u32 @!p0 $0x4000, s7;
	s6 =	simm.s32 @!p0 $0x1B8D  }
0xb1: {  	s5 =	sshll.u32 @!p0 s5, $0x11;
	s7 =	sadd.s32 @!p0 $0x11B8D, s7;
	_ =	swait.eq @!p0 [sflag:s6], $0x1  }
0xb2: {  	s5 =	sor.u32 @!p0 s5, s7;
	[sflag:s6] =	ssyncadd.s32 @!p0 $0xFFFFFFFF  }
0xb3: {  	s25 =	simm.s32 $0x1B8E;
	s24 =	sld [smem:$0x3FFE];
	[sflag:s5] =	ssyncadd.remote.s32 @!p0 $0x1  }
0xb4: {  	s26 =	simm.s32 $execute0_lowered;
	[smem:$0x3FD2] =	sst s25  }
0xb5: {  	s6 =	sshll.u32 s26, $0x1;
	_ =	strace $0x80000049;
	[dreg:$0x1] =	wrdreg $0xFFFFFFFF  }
0xb6: {  	s28 =	simm.s32 $_size_execute0_lowered;
	s4 =	sadd.s32 s4, s6;
	[dreg:$0x0] =	wrdreg $0x0  }
0xb7: {  	s6 =	sshll.u32 s28, $0x1;
	[dreg:$0x2] =	wrdreg s4  }
0xb8: {  	[dreg:$0x3] =	wrdreg s6  }
0xb9: {  	[dreg:$0x4] =	wrdreg $0xC0  }
0xba: {  	_ =	task [dreg:s22], $0x5FFFF  }
0xbb: {  	[dreg:$0x1] =	wrdreg $0xFFFFFFFF  }
0xbc: {  	[dreg:$0x0] =	wrdreg $0x60  }
0xbd: {  	[dreg:$0x2] =	wrdreg s18  }
0xbe: {  	[dreg:$0x3] =	wrdreg s24  }
0xbf: {  	[dreg:$0x4] =	wrdreg $0x121000  }
0xc0: {  	[dreg:$0x5] =	wrdreg $0xA  }
0xc1: {  	_ =	task.clear_ibuf [dreg:s22], $0x6FFFF;
	_ =	strace $0x90000049  }
0xc2: {  	s29 =	simm.s32 $0xA;
	_ =	strace $0x8000004B  }
0xc3: {  	_ =	swait.ge [sflag:s29], $0x1  }
0xc4: {  	[sflag:s29] =	ssyncadd.s32 $0xFFFFFFFF  }
0xc5: {  	_ =	strace $0x9000004B  }
0xc6: {  	_ =	sfence  }
0xc7: {  	s30 =	sld [smem:$0x0];
	_ =	sdelay $0x2  }
0xc8: {  	s31 =	sshll.u32 s1, $0xD;
	s1 =	sshrl.u32 s1, $0x2  }
0xc9: {  	s4 =	sand.u32 $0x4000, s31;
	s1 =	sadd.s32 s1, s30  }
0xca: {  	s0 =	sor.u32 s4, s0;
	s1 =	sshll.u32 s1, $0x11  }
0xcb: {  	s0 =	sor.u32 s1, s0  }
0xcc: {  	s0 =	sadd.s32 $0x8F2B, s0  }
0xcd: {  	[sflag:s0] =	ssyncadd.remote.s32 $0x1  }
0xce: {  	_ =	sfence.sel $0xFFFF  }
0xcf: {  	[dreg:$0x0] =	wrdreg $0xFFFFFFFF;
	(pc) =	sbr.abs _section_cstart, $3  }
0xd0: {  	[dreg:$0x1] =	wrdreg $0xFFFFFFFF  }
0xd1: {  	_ =	task.clear_ibuf [dreg:s22], $0x2FFFF;
	_ =	strace $0x9FFFFFFF  }
0xd2: {  	(tm) =	ssettm $0x7FFFFFFF  }
0xd3: {  	_ =	shalt  }
tec
execute0_lowered:
.L_overlay_start_1:
0x0: {  	(tag) =	ssettag $0x1  }
0x1: {  	s2 =	rddreg [dreg:$0x0]  }
0x2: {  	s5 =	rddreg [dreg:$0x1]  }
0x3: {  	s3 =	rddreg [dreg:$0x2]  }
0x4: {  	s0 =	rddreg [dreg:$0x3]  }
0x5: {  	s1 =	stileid.u32;
	s7 =	srdreg.scid;
	s4 =	simm.s32 $0x0  }
0x6: {  	s14 =	simm.s32 $0xA100;
	s15 =	simm.s32 $0x80;
	s16 =	simm.s32 $0xE100  }
0x7: {  	s17 =	simm.s32 $0x1;
	s18 =	simm.s32 $0xA000;
	s6 =	smul.u32 $0xA00, s1  }
0x8: {  	s19 =	simm.s32 $0x3;
	s21 =	simm.s32 $0xA080;
	s8 =	smul.u32 $0xA000, s1  }
0x9: {  	s22 =	simm.s32 $0x0;
	s7 =	sand.u32 $0x1, s7;
	s12 =	smul.u32 $0x28000, s1  }
0xa: {  	[smem:$0x7FF] =	sst s4;
	s31 =	sshll.u32 s1, $0x6;
	s9 =	smul.u32 $0xA0000, s7  }
0xb: {  	_ =	strace $0x8000004A;
	s29 =	ssub.s32 $0x2, s7;
	s20 =	smul.u32 $0x1388, s7  }
0xc: {  	s6 =	sadd.s32 s6, s5;
	s10 =	sshrl.u32 s8, $0x3;
	s11 =	sshrl.u32 s29, $0x1  }
0xd: {  	s30 =	sshrl.u32 s12, $0x2;
	s12 =	sor.u32 $0x1C05, s31;
	s10 =	sadd.s32 s10, s5  }
.Ltmp0:
0xe: {  	s8 =	sadd.s32 s8, s9;
	s9 =	ssub.s32 s29, s11;
	(pc) =	sbr.rel .LBB2_1-.Ltmp0, $4  }
0xf: {  	s13 =	sadd.s32 s30, s3;
	s11 =	simm.s32 $0x5000;
	v0 =	vmov s20;
	s20 =	simm.s32 $0x2  }
0x10: {  	s8 =	sshrl.u32 s8, $0x3;
	s7 =	sadd.s32 $0x2D000, s10;
	s9 =	smax.u32 s9, $0x1  }
0x11: {  	s10 =	simm.s32 $0x5;
	s13 =	sshrl.u32 s13, $0x3;
	s8 =	sadd.s32 s8, s5  }
0x12: {  	s5 =	sadd.s32 $0x19000, s6;
	s6 =	sadd.s32 $0x23000, s6;
	s8 =	sadd.s32 $0x41000, s8  }
.LBB2_6:
0x13: {  	_ =	swait.ge [sflag:s19], $0x4000  }
0x14: {  	s22 =	sadd.s32 $0x1, s22;
	[sflag:s19] =	ssyncset.done $0x0  }
0x15: {  	p0 =	sne.s32 s22, s9;
	[sflag:s19] =	ssyncadd.s32 $0xFFFFC000  }
.Ltmp1:
0x16: {  	[bflag:$0x0] =	sbarrier.arrive $0xFFFF;
	(pc) =	sbr.rel @!p0 .LBB2_7-.Ltmp1, $4  }
0x17: {  	[hbm:s8], [sflag:s12] =	dma.local [spmem:s13], $0x1400  }
0x18: {  	_ =	swait.ge [sflag:s10], $0x1400  }
0x19: {  	[sflag:s10] =	ssyncset.done $0x0  }
0x1a: {  	[sflag:s10] =	ssyncadd.s32 $0xFFFFEC00  }
.LBB2_1:
0x1b: {  	[tilespmem:s4], [sflag:$0x5] =	stream.linear.gather [hbm4b:s5+s4], $0x4E80, $0x38;
	[tilespmem:$0x1C100] =	vst v63  }
0x1c: {  	_ =	swait.ge [sflag:s10], $0x4E80  }
0x1d: {  	[sflag:s10] =	ssyncset.done $0x0  }
0x1e: {  	[sflag:s10] =	ssyncadd.s32 $0xFFFFB180  }
0x1f: {  	[tilespmem:s11], [sflag:$0x5] =	stream.linear.gather [hbm4b:s6+s4], $0x4E80, $0x38;
	[tilespmem:$0x1C100] =	vst v63  }
0x20: {  	_ =	swait.ge [sflag:s10], $0x4E80  }
0x21: {  	[sflag:s10] =	ssyncset.done $0x0  }
0x22: {  	[sflag:s10] =	ssyncadd.s32 $0xFFFFB180  }
0x23: {  	[spmem:s13], [sflag:s12] =	dma.local [hbm:s7], $0x1400  }
.Ltmp2:
0x24: {  	_ =	swait.ge [sflag:s10], $0x1400;
	(pc) =	sbr.rel .LBB2_2-.Ltmp2, $4  }
0x25: {  	[sflag:s10] =	ssyncset.done $0x0  }
0x26: {  	s23 =	simm.s32 $0x5040;
	[sflag:s10] =	ssyncadd.s32 $0xFFFFEC00  }
0x27: {  	s24 =	simm.s32 $0x80;
	s25 =	simm.s32 $0x0;
	[bflag:$0x0] =	sbarrier.arrive $0xFFFF  }
0x28: {  	[tilespmem:s14], [sflag:$0x1] =	stream.indirect.gather [hbm4b:s2+s15], $0x80, s4, s15, $0xb8;
	[tilespmem:$0x1C100] =	vst v63  }
.LBB2_4:
0x29: {  	_ =	swait.ge [sflag:s19], $0x4000;
	s26 =	sshll.u32 s25, $0x3  }
0x2a: {  	[sflag:s19] =	ssyncset.done $0x0;
	s28 =	sand.u32 $0xFFF8, s26  }
0x2b: {  	[sflag:s19] =	ssyncadd.s32 $0xFFFFC000;
	s28 =	smul.u32 $0xAAAB, s28  }
0x2c: {  	[tilespmem:s14], [sflag:$0x1] =	stream.indirect.gather [hbm4b:s2+s15], $0x80, s24, s15, $0xb8;
	[tilespmem:$0x1C100] =	vst v63  }
0x2d: {  	v1 =	vld [tilespmem:s23+$0xFFFFFFC0]  }
0x2e: {  	s28 =	sshrl.u32 s28, $0x15  }
0x2f: {  	s28 =	smul.u32 $0x30, s28;
	_ =	sdelay $0x1  }
0x30: {  	s28 =	ssub.s32 s26, s28  }
0x31: {  	s28 =	sadd.s32 $0x1388, s28;
	v1 =	vsub.s32 v1, v0  }
0x32: {  	s29 =	sor.u32 $0x1, s26;
	s28 =	sand.u32 $0xFFF8, s28;
	vm0 =	vlt.u32 v1, $0x1388  }
0x33: {  	s31 =	sand.u32 $0xFFF9, s29;
	v1 =	vnsel vm0, s28, v1  }
0x34: {  	s28 =	smul.u32 $0xAAAB, s31;
	[tilespmem:$0xA080] =	vst v1  }
0x35: {  	v1 =	vld [tilespmem:s23+$0xFFFFFFD0]  }
0x36: {  	s28 =	sshrl.u32 s28, $0x15  }
0x37: {  	s28 =	smul.u32 $0x30, s28;
	_ =	sdelay $0x1  }
0x38: {  	s28 =	ssub.s32 s29, s28  }
0x39: {  	s28 =	sadd.s32 $0x1388, s28;
	v1 =	vsub.s32 v1, v0  }
0x3a: {  	s30 =	sor.u32 $0x2, s26;
	s28 =	sand.u32 $0xFFF9, s28;
	vm9 =	vlt.u32 v1, $0x1388  }
0x3b: {  	s31 =	sand.u32 $0xFFFA, s30;
	v1 =	vnsel vm9, s28, v1  }
0x3c: {  	s28 =	smul.u32 $0xAAAB, s31;
	[tilespmem:$0xA090] =	vst v1  }
0x3d: {  	v1 =	vld [tilespmem:s23+$0xFFFFFFE0]  }
0x3e: {  	s28 =	sshrl.u32 s28, $0x15  }
0x3f: {  	s28 =	smul.u32 $0x30, s28;
	_ =	sdelay $0x1  }
0x40: {  	s28 =	ssub.s32 s30, s28  }
0x41: {  	s28 =	sadd.s32 $0x1388, s28;
	v1 =	vsub.s32 v1, v0  }
0x42: {  	s30 =	sor.u32 $0x3, s26;
	s28 =	sand.u32 $0xFFFA, s28;
	vm10 =	vlt.u32 v1, $0x1388  }
0x43: {  	s31 =	sand.u32 $0xFFFB, s30;
	v1 =	vnsel vm10, s28, v1  }
0x44: {  	s28 =	smul.u32 $0xAAAB, s31;
	[tilespmem:$0xA0A0] =	vst v1  }
0x45: {  	v1 =	vld [tilespmem:s23+$0xFFFFFFF0]  }
0x46: {  	s28 =	sshrl.u32 s28, $0x15  }
0x47: {  	s28 =	smul.u32 $0x30, s28;
	_ =	sdelay $0x1  }
0x48: {  	s28 =	ssub.s32 s30, s28  }
0x49: {  	s28 =	sadd.s32 $0x1388, s28;
	v1 =	vsub.s32 v1, v0  }
0x4a: {  	s30 =	sor.u32 $0x4, s26;
	s28 =	sand.u32 $0xFFFB, s28;
	vm11 =	vlt.u32 v1, $0x1388  }
0x4b: {  	s31 =	sand.u32 $0xFFFC, s30;
	v1 =	vnsel vm11, s28, v1  }
0x4c: {  	s28 =	smul.u32 $0xAAAB, s31;
	[tilespmem:$0xA0B0] =	vst v1  }
0x4d: {  	v1 =	vld [tilespmem:s23+$0x0]  }
0x4e: {  	s28 =	sshrl.u32 s28, $0x15  }
0x4f: {  	s28 =	smul.u32 $0x30, s28;
	_ =	sdelay $0x1  }
0x50: {  	s28 =	ssub.s32 s30, s28  }
0x51: {  	s28 =	sadd.s32 $0x1388, s28;
	v1 =	vsub.s32 v1, v0  }
0x52: {  	s30 =	sor.u32 $0x5, s26;
	s28 =	sand.u32 $0xFFFC, s28;
	vm12 =	vlt.u32 v1, $0x1388  }
0x53: {  	s31 =	sand.u32 $0xFFFD, s30;
	v1 =	vnsel vm12, s28, v1  }
0x54: {  	s28 =	smul.u32 $0xAAAB, s31;
	[tilespmem:$0xA0C0] =	vst v1  }
0x55: {  	v1 =	vld [tilespmem:s23+$0x10]  }
0x56: {  	s28 =	sshrl.u32 s28, $0x15  }
0x57: {  	s28 =	smul.u32 $0x30, s28;
	_ =	sdelay $0x1  }
0x58: {  	s28 =	ssub.s32 s30, s28  }
0x59: {  	s28 =	sadd.s32 $0x1388, s28;
	v1 =	vsub.s32 v1, v0  }
0x5a: {  	s26 =	sor.u32 $0x6, s26;
	s28 =	sand.u32 $0xFFFD, s28;
	vm13 =	vlt.u32 v1, $0x1388  }
0x5b: {  	s29 =	sand.u32 $0xFFFE, s26;
	v1 =	vnsel vm13, s28, v1  }
0x5c: {  	s28 =	smul.u32 $0xAAAB, s29;
	[tilespmem:$0xA0D0] =	vst v1  }
0x5d: {  	v1 =	vld [tilespmem:s23+$0x20]  }
0x5e: {  	s28 =	sshrl.u32 s28, $0x15  }
0x5f: {  	s28 =	smul.u32 $0x30, s28;
	_ =	sdelay $0x1  }
0x60: {  	s26 =	ssub.s32 s26, s28  }
0x61: {  	s26 =	sadd.s32 $0x1388, s26;
	v1 =	vsub.s32 v1, v0  }
0x62: {  	s30 =	sshllo.u32 s25, $0x3;
	s26 =	sand.u32 $0xFFFE, s26;
	vm14 =	vlt.u32 v1, $0x1388  }
0x63: {  	s31 =	sand.u32 $0xFFFF, s30;
	v1 =	vnsel vm14, s26, v1  }
0x64: {  	s26 =	smul.u32 $0xAAAB, s31;
	[tilespmem:$0xA0E0] =	vst v1  }
0x65: {  	v1 =	vld [tilespmem:s23+$0x30]  }
0x66: {  	s26 =	sshrl.u32 s26, $0x15  }
0x67: {  	s26 =	smul.u32 $0x30, s26;
	_ =	sdelay $0x1  }
0x68: {  	s26 =	ssub.s32 s30, s26  }
0x69: {  	s26 =	sadd.s32 $0x1388, s26;
	v1 =	vsub.s32 v1, v0  }
0x6a: {  	s26 =	sand.u32 $0xFFFF, s26;
	vm15 =	vlt.u32 v1, $0x1388  }
0x6b: {  	v1 =	vnsel vm15, s26, v1  }
0x6c: {  	[tilespmem:$0xA0F0] =	vst v1  }
0x6d: {  	_ =	swait.ge [sflag:s20], $0x4000  }
0x6e: {  	[sflag:s20] =	ssyncset.done $0x0  }
0x6f: {  	[sflag:s20] =	ssyncadd.s32 $0xFFFFC000  }
0x70: {  	[spmem:s3] =	stream.indirect.scatter.add.f32 [tilespmem:s16], [sflag:$0x4], $0x80, s21, s15, $0xb8;
	[tilespmem:$0x1C100] =	vst v63  }
.LBB2_5:
0x71: {  	s25 =	sadd.s32 $0x1, s25  }
0x72: {  	p0 =	sne.s32 s25, $0x9D  }
.Ltmp3:
0x73: {  	_ = 	snop;
	(pc) =	sbr.rel @!p0 .LBB2_6-.Ltmp3, $2  }
0x74: {  	_ =	sdelay $0x2  }
0x75: {  	s24 =	sadd.s32 $0x80, s24;
	s23 =	sadd.s32 $0x80, s23  }
.LBB2_2:
0x76: {  	s26 =	sand.u32 $0x1, s25  }
0x77: {  	p0 =	seq.s32 s26, $0x1  }
.Ltmp4:
0x78: {  	_ = 	snop;
	(pc) =	sbr.rel @p0 .LBB2_4-.Ltmp4, $1  }
0x79: {  	_ =	sdelay $0x3  }
0x7a: {  	p0 =	seq.s32 s25, $0x0  }
0x7b: {  	s26 =	simm.s32 @!p0 $0x4  }
0x7c: {  	s28 =	sadd.s32 @!p0 $0x1, s25;
	_ =	swait.ge @!p0 [sflag:s26], $0x4000  }
0x7d: {  	p1 =	sgt.u32 @!p0 s28, $0x9C;
	[sflag:s26] =	ssyncset.done @!p0 $0x0  }
0x7e: {  	p1 =	por p0, !p1;
	[sflag:s26] =	ssyncadd.s32 @!p0 $0xFFFFC000;
	s26 =	sshll.u32 s25, $0x3  }
0x7f: {  	[tilespmem:s16], [sflag:$0x2] =	stream.indirect.gather @p1 [hbm4b:s2+s15], $0x80, s24, s15, $0xb8;
	[tilespmem:$0x1C100] =	vst v63  }
0x80: {  	s30 =	sand.u32 $0xFFF8, s26  }
0x81: {  	s28 =	smul.u32 $0xAAAB, s30  }
0x82: {  	v1 =	vld [tilespmem:s23+$0xFFFFFFC0]  }
0x83: {  	s28 =	sshrl.u32 s28, $0x15  }
0x84: {  	s28 =	smul.u32 $0x30, s28;
	_ =	sdelay $0x1  }
0x85: {  	s28 =	ssub.s32 s26, s28  }
0x86: {  	v1 =	vsub.s32 v1, v0;
	s28 =	sor.u32 $0x1388, s28  }
0x87: {  	s29 =	sor.u32 $0x1, s26;
	vm0 =	vlt.u32 v1, $0x1388;
	s28 =	sand.u32 $0xFFF8, s28  }
0x88: {  	s31 =	sand.u32 $0xFFF9, s29;
	v1 =	vnsel vm0, s28, v1  }
0x89: {  	s28 =	smul.u32 $0xAAAB, s31;
	[tilespmem:$0xA000] =	vst v1  }
0x8a: {  	v1 =	vld [tilespmem:s23+$0xFFFFFFD0]  }
0x8b: {  	s28 =	sshrl.u32 s28, $0x15  }
0x8c: {  	s28 =	smul.u32 $0x30, s28;
	_ =	sdelay $0x1  }
0x8d: {  	s28 =	ssub.s32 s29, s28  }
0x8e: {  	s28 =	sor.u32 $0x1388, s28;
	v1 =	vsub.s32 v1, v0  }
0x8f: {  	s30 =	sor.u32 $0x2, s26;
	s28 =	sand.u32 $0xFFF9, s28;
	vm9 =	vlt.u32 v1, $0x1388  }
0x90: {  	s31 =	sand.u32 $0xFFFA, s30;
	v1 =	vnsel vm9, s28, v1  }
0x91: {  	s28 =	smul.u32 $0xAAAB, s31;
	[tilespmem:$0xA010] =	vst v1  }
0x92: {  	v1 =	vld [tilespmem:s23+$0xFFFFFFE0]  }
0x93: {  	s28 =	sshrl.u32 s28, $0x15  }
0x94: {  	s28 =	smul.u32 $0x30, s28;
	_ =	sdelay $0x1  }
0x95: {  	s28 =	ssub.s32 s30, s28  }
0x96: {  	s28 =	sor.u32 $0x1388, s28;
	v1 =	vsub.s32 v1, v0  }
0x97: {  	s30 =	sor.u32 $0x3, s26;
	s28 =	sand.u32 $0xFFFA, s28;
	vm10 =	vlt.u32 v1, $0x1388  }
0x98: {  	s31 =	sand.u32 $0xFFFB, s30;
	v1 =	vnsel vm10, s28, v1  }
0x99: {  	s28 =	smul.u32 $0xAAAB, s31;
	[tilespmem:$0xA020] =	vst v1  }
0x9a: {  	v1 =	vld [tilespmem:s23+$0xFFFFFFF0]  }
0x9b: {  	s28 =	sshrl.u32 s28, $0x15  }
0x9c: {  	s28 =	smul.u32 $0x30, s28;
	_ =	sdelay $0x1  }
0x9d: {  	s28 =	ssub.s32 s30, s28  }
0x9e: {  	s28 =	sor.u32 $0x1388, s28;
	v1 =	vsub.s32 v1, v0  }
0x9f: {  	s30 =	sor.u32 $0x4, s26;
	s28 =	sand.u32 $0xFFFB, s28;
	vm11 =	vlt.u32 v1, $0x1388  }
0xa0: {  	s31 =	sand.u32 $0xFFFC, s30;
	v1 =	vnsel vm11, s28, v1  }
0xa1: {  	s28 =	smul.u32 $0xAAAB, s31;
	[tilespmem:$0xA030] =	vst v1  }
0xa2: {  	v1 =	vld [tilespmem:s23+$0x0]  }
0xa3: {  	s28 =	sshrl.u32 s28, $0x15  }
0xa4: {  	s28 =	smul.u32 $0x30, s28;
	_ =	sdelay $0x1  }
0xa5: {  	s28 =	ssub.s32 s30, s28  }
0xa6: {  	s28 =	sor.u32 $0x1388, s28;
	v1 =	vsub.s32 v1, v0  }
0xa7: {  	s30 =	sor.u32 $0x5, s26;
	s28 =	sand.u32 $0xFFFC, s28;
	vm12 =	vlt.u32 v1, $0x1388  }
0xa8: {  	s31 =	sand.u32 $0xFFFD, s30;
	v1 =	vnsel vm12, s28, v1  }
0xa9: {  	s28 =	smul.u32 $0xAAAB, s31;
	[tilespmem:$0xA040] =	vst v1  }
0xaa: {  	v1 =	vld [tilespmem:s23+$0x10]  }
0xab: {  	s28 =	sshrl.u32 s28, $0x15  }
0xac: {  	s28 =	smul.u32 $0x30, s28;
	_ =	sdelay $0x1  }
0xad: {  	s28 =	ssub.s32 s30, s28  }
0xae: {  	s28 =	sor.u32 $0x1388, s28;
	v1 =	vsub.s32 v1, v0  }
0xaf: {  	s26 =	sor.u32 $0x6, s26;
	s28 =	sand.u32 $0xFFFD, s28;
	vm13 =	vlt.u32 v1, $0x1388  }
0xb0: {  	s29 =	sand.u32 $0xFFFE, s26;
	v1 =	vnsel vm13, s28, v1  }
0xb1: {  	s28 =	smul.u32 $0xAAAB, s29;
	[tilespmem:$0xA050] =	vst v1  }
0xb2: {  	v1 =	vld [tilespmem:s23+$0x20]  }
0xb3: {  	s28 =	sshrl.u32 s28, $0x15  }
0xb4: {  	s28 =	smul.u32 $0x30, s28;
	_ =	sdelay $0x1  }
0xb5: {  	s26 =	ssub.s32 s26, s28  }
0xb6: {  	s26 =	sor.u32 $0x1388, s26;
	v1 =	vsub.s32 v1, v0  }
0xb7: {  	s30 =	sshllo.u32 s25, $0x3;
	s26 =	sand.u32 $0xFFFE, s26;
	vm14 =	vlt.u32 v1, $0x1388  }
0xb8: {  	s31 =	sand.u32 $0xFFFF, s30;
	v1 =	vnsel vm14, s26, v1  }
0xb9: {  	s26 =	smul.u32 $0xAAAB, s31;
	[tilespmem:$0xA060] =	vst v1  }
0xba: {  	v1 =	vld [tilespmem:s23+$0x30]  }
0xbb: {  	s26 =	sshrl.u32 s26, $0x15  }
0xbc: {  	s26 =	smul.u32 $0x30, s26;
	_ =	sdelay $0x1  }
0xbd: {  	s26 =	ssub.s32 s30, s26  }
0xbe: {  	s26 =	sor.u32 $0x1388, s26;
	v1 =	vsub.s32 v1, v0  }
0xbf: {  	s26 =	sand.u32 $0xFFFF, s26;
	vm15 =	vlt.u32 v1, $0x1388  }
0xc0: {  	v1 =	vnsel vm15, s26, v1  }
.Ltmp5:
0xc1: {  	[tilespmem:$0xA070] =	vst v1;
	(pc) =	sbr.rel .LBB2_5-.Ltmp5, $4  }
0xc2: {  	_ =	swait.ge [sflag:s17], $0x4000  }
0xc3: {  	[sflag:s17] =	ssyncset.done $0x0  }
0xc4: {  	[sflag:s17] =	ssyncadd.s32 $0xFFFFC000  }
0xc5: {  	[spmem:s3] =	stream.indirect.scatter.add.f32 [tilespmem:s14], [sflag:$0x3], $0x80, s18, s15, $0xb8;
	[tilespmem:$0x1C100] =	vst v63  }
.LBB2_7:
0xc6: {  	_ =	sfence.sel $0x180000  }
0xc7: {  	[bflag:$0x0] =	sbarrier.arrive $0xFFFF  }
0xc8: {  	p0 =	sne.s32 s1, $0x0;
	_ =	strace $0x9000004A  }
0xc9: {  	s0 =	sadd.s32 @!p0 $0x100000, s0;
	[bflag:$0x2] =	sbarrier.arrive $0xFFFF  }
0xca: {  	[sflag:s0] =	ssyncadd.tile.s32 @!p0 $0x1;
	_ =	shalt  }
.Lfunc_end2:
_tile_overlayer_lowered:
.L_overlay_start_2:
0xcb: {  	(tag) =	ssettag $0x2  }
0xcc: {  	s0 =	rddreg [dreg:$0x0];
	s2 =	stileid.u32  }
0xcd: {  	s1 =	rddreg [dreg:$0x1];
	p0 =	sne.s32 s2, $0x0  }
0xce: {  	s3 =	rddreg [dreg:$0x2];
	[bflag:$0x3] =	sbarrier.arrive $0xFFFF;
	s2 =	simm.s32 @!p0 $0x1C05  }
0xcf: {  	[timem:s3], [sflag:s2] =	dma.local @!p0 [hbm:s0], s1  }
0xd0: {  	s0 =	simm.s32 @!p0 $0x5  }
0xd1: {  	_ =	swait.ge @!p0 [sflag:s0], s1  }
0xd2: {  	s1 =	ssub.s32 @!p0 $0x0, s1;
	[sflag:s0] =	ssyncset.done @!p0 $0x0  }
0xd3: {  	[sflag:s0] =	ssyncadd.s32 @!p0 s1  }
0xd4: {  	[bflag:$0x3] =	sbarrier.arrive $0xFFFF  }
0xd5: {  	_ =	shalt  }

// kernel: sc_segsum.8.cloned.1.call-start
scs
__scs_entry_jumppad:
0x0: {  	(pc) =	sbr.rel $0x88, $3  }
0x1: {  	(tag) =	ssettag $0x0;
	lr =	simm.s32 $0x1  }
0x2: {  	[smem:$0x3F8C] =	sst lr;
	_ =	strace $0xD0000000  }
0x3: {  	_ = 	snop  }
0x4: {  	_ = 	snop  }
0x5: {  	_ = 	snop  }
0x6: {  	_ = 	snop  }
0x7: {  	_ = 	snop  }
__scs_overlays_trampoline_lowered:
0x8: {  	[smem:$0x3F9B] =	sst s0  }
0x9: {  	[smem:$0x3F9C] =	sst s1  }
0xa: {  	[smem:$0x3F9D] =	sst s2  }
0xb: {  	[smem:$0x3F9E] =	sst s3  }
0xc: {  	[smem:$0x3F9F] =	sst s4  }
0xd: {  	[smem:$0x3FA0] =	sst s5  }
0xe: {  	[smem:$0x3FA1] =	sst s6  }
0xf: {  	[smem:$0x3FA2] =	sst s7  }
0x10: {  	[smem:$0x3FA3] =	sst s8  }
0x11: {  	[smem:$0x3FA4] =	sst s9;
	s0 =	simm.s32 @!p0 $0x0  }
0x12: {  	s1 =	sld [smem:$0x3F8A];
	s0 =	simm.s32 @p0 $0x1  }
0x13: {  	[smem:$0x3FA5] =	sst s0;
	s0 =	simm.s32 @!p1 $0x0  }
0x14: {  	s2 =	sld [smem:$0x3F89];
	s0 =	simm.s32 @p1 $0x1  }
0x15: {  	[smem:$0x3FA6] =	sst s0;
	s0 =	simm.s32 @!p2 $0x0  }
0x16: {  	s3 =	sld [smem:$0x3FDB];
	s0 =	simm.s32 @p2 $0x1  }
0x17: {  	s4 =	simm.s32 $0x1BF5;
	[smem:$0x3FA8] =	sst s0  }
0x18: {  	s0 =	sld [smem:$0x3F8B];
	_ =	swait.ge [sflag:s4], $0x0  }
0x19: {  	s7 =	sld [smem:$0x3F8C]  }
0x1a: {  	s8 =	sadd.s32 $0xFFFFE003, lr  }
0x1b: {  	s9 =	sadd.s32 $0xFFFFFEF7, lr;
	s5 =	simm.s32 $0xFFFFFFFF;
	p2 =	slt.u32 s8, $0xFFFFF086  }
0x1c: {  	p1 =	slt.u32 s9, $0xF7A;
	s5 =	simm.s32 @!p2 $0x0  }
0x1d: {  	s5 =	simm.s32 @p1 $0x1;
	p0 =	seq.s32 s7, s2  }
0x1e: {  	s7 =	smul.u32 @!p0 $0xF7A, s2;
	p2 =	seq.s32 @!p0 s5, $0x0  }
0x1f: {  	s9 =	smul.u32 $0xF7A, s1;
	s8 =	simm.s32 @!p0 $0x1BF5;
	p2 =	por !p2, p0  }
0x20: {  	[sflag:s8] =	ssyncset.s32 @!p0 $0xFFFFF086;
	s6 =	sadd.s32 @!p0 s3, s7;
	s7 =	simm.s32 @!p0 $0x108  }
0x21: {  	s3 =	sadd.s32 s3, s9;
	s6 =	sadd.s32 @!p0 $0x88, s6;
	s7 =	simm.s32 @p2 $0x1082  }
0x22: {  	[simem:s7], [sflag:s8] =	dma.local @!p0 [hbm:s6], $0xF7A  }
0x23: {  	s9 =	sor.u32 $0xD0000000, s2;
	s6 =	simm.s32 $0x108;
	_ =	swait.ge @!p0 [sflag:s8], $0x0  }
0x24: {  	s3 =	sadd.s32 $0x88, s3;
	s6 =	simm.s32 @!p1 $0x1082;
	[sflag:s4] =	ssyncset.s32 $0xFFFFF086  }
0x25: {  	[simem:s6], [sflag:s4] =	dma.local [hbm:s3], $0xF7A  }
0x26: {  	[smem:$0x3F8C] =	sst s1;
	(tag) =	ssettag s2;
	_ =	strace s9  }
0x27: {  	s1 =	sld [smem:$0x3F9C]  }
0x28: {  	s2 =	sld [smem:$0x3F9D]  }
0x29: {  	s4 =	sld [smem:$0x3F9F]  }
0x2a: {  	p0 =	seq.s32 s5, $0x0;
	s5 =	sld [smem:$0x3FA0]  }
0x2b: {  	s6 =	sld [smem:$0x3FA1]  }
0x2c: {  	s7 =	sld [smem:$0x3FA2]  }
0x2d: {  	s3 =	simm.s32 $0x108;
	s8 =	sld [smem:$0x3FA3]  }
0x2e: {  	s3 =	simm.s32 @!p0 $0x1082;
	s9 =	sld [smem:$0x3FA4]  }
0x2f: {  	lr =	sadd.s32 s0, s3;
	s0 =	sld [smem:$0x3F9B]  }
0x30: {  	s3 =	sld [smem:$0x3F9E]  }
0x31: {  	[smem:$0x3FA7] =	sst s10  }
0x32: {  	s10 =	sld [smem:$0x3FA5];
	_ =	sdelay $0x3  }
0x33: {  	p0 =	seq.s32 s10, $0x1;
	s10 =	sld [smem:$0x3FA7];
	_ =	sdelay $0x3  }
0x34: {  	[smem:$0x3FA7] =	sst s10  }
0x35: {  	s10 =	sld [smem:$0x3FA6];
	_ =	sdelay $0x3  }
0x36: {  	p1 =	seq.s32 s10, $0x1;
	s10 =	sld [smem:$0x3FA7];
	_ =	sdelay $0x3  }
0x37: {  	[smem:$0x3FA7] =	sst s10  }
0x38: {  	s10 =	sld [smem:$0x3FA8]  }
0x39: {  	_ = 	snop;
	(pc) =	sbr.ind lr, $3  }
0x3a: {  	_ = 	snop  }
0x3b: {  	_ = 	snop  }
0x3c: {  	p2 =	seq.s32 s10, $0x1;
	s10 =	sld [smem:$0x3FA7]  }
0x3d: {  	_ =	shalt  }
0x3e: {  	_ =	shalt  }
0x3f: {  	_ =	shalt  }
0x40: {  	_ =	shalt  }
0x41: {  	_ =	shalt  }
0x42: {  	_ =	shalt  }
0x43: {  	_ =	shalt  }
0x44: {  	_ =	shalt  }
0x45: {  	_ =	shalt  }
0x46: {  	_ =	shalt  }
0x47: {  	_ =	shalt  }
0x48: {  	_ =	shalt  }
0x49: {  	_ =	shalt  }
0x4a: {  	_ =	shalt  }
0x4b: {  	_ =	shalt  }
0x4c: {  	_ =	shalt  }
0x4d: {  	_ =	shalt  }
0x4e: {  	_ =	shalt  }
0x4f: {  	_ =	shalt  }
0x50: {  	_ =	shalt  }
0x51: {  	_ =	shalt  }
0x52: {  	_ =	shalt  }
0x53: {  	_ =	shalt  }
0x54: {  	_ =	shalt  }
0x55: {  	_ =	shalt  }
0x56: {  	_ =	shalt  }
0x57: {  	_ =	shalt  }
0x58: {  	_ =	shalt  }
0x59: {  	_ =	shalt  }
0x5a: {  	_ =	shalt  }
0x5b: {  	_ =	shalt  }
0x5c: {  	_ =	shalt  }
0x5d: {  	_ =	shalt  }
0x5e: {  	_ =	shalt  }
0x5f: {  	_ =	shalt  }
0x60: {  	_ =	shalt  }
0x61: {  	_ =	shalt  }
0x62: {  	_ =	shalt  }
0x63: {  	_ =	shalt  }
0x64: {  	_ =	shalt  }
0x65: {  	_ =	shalt  }
0x66: {  	_ =	shalt  }
0x67: {  	_ =	shalt  }
0x68: {  	_ =	shalt  }
0x69: {  	_ =	shalt  }
0x6a: {  	_ =	shalt  }
0x6b: {  	_ =	shalt  }
0x6c: {  	_ =	shalt  }
0x6d: {  	_ =	shalt  }
0x6e: {  	_ =	shalt  }
0x6f: {  	_ =	shalt  }
0x70: {  	_ =	shalt  }
0x71: {  	_ =	shalt  }
0x72: {  	_ =	shalt  }
0x73: {  	_ =	shalt  }
0x74: {  	_ =	shalt  }
0x75: {  	_ =	shalt  }
0x76: {  	_ =	shalt  }
0x77: {  	_ =	shalt  }
0x78: {  	_ =	shalt  }
0x79: {  	_ =	shalt  }
0x7a: {  	_ =	shalt  }
0x7b: {  	_ =	shalt  }
0x7c: {  	_ =	shalt  }
0x7d: {  	_ =	shalt  }
0x7e: {  	_ =	shalt  }
0x7f: {  	_ =	shalt  }
0x80: {  	_ =	shalt  }
0x81: {  	_ =	shalt  }
0x82: {  	_ =	shalt  }
0x83: {  	_ =	shalt  }
0x84: {  	_ =	shalt  }
0x85: {  	_ =	shalt  }
0x86: {  	_ =	shalt  }
0x87: {  	_ =	shalt  }
.Lfunc_end0:
.L_simem_size_0:
called_computation.2_lowered:
.L_overlay_start_0:
0x88: {  	s2 =	sld [smem:$0x3FD9]  }
0x89: {  	s3 =	sld [smem:$0x3FFE];
	_ =	sdelay $0x1  }
0x8a: {  	s1 =	srdreg.scid  }
0x8b: {  	s0 =	sand.u32 $0x1, s1  }
0x8c: {  	s17 =	sshll.u32 s0, $0xA;
	s2 =	sadd.s32 s3, s2  }
0x8d: {  	s2 =	sadd.s32 s2, s17  }
0x8e: {  	[smem:$0x3FB3] =	sst s2  }
0x8f: {  	_ = 	snop  }
0x90: {  	s2 =	sld [smem:$0x3FD0];
	(tm) =	ssettm $0x1  }
0x91: {  	s18 =	sld [smem:$0x3FFB];
	_ =	sdelay $0x3  }
0x92: {  	_ =	strace s18  }
0x93: {  	s3 =	sld [smem:$0x3FFC];
	_ =	sdelay $0x3  }
0x94: {  	_ =	strace s3  }
0x95: {  	s3 =	sld [smem:$0x3FFD];
	_ =	sdelay $0x3  }
0x96: {  	_ =	strace s3  }
0x97: {  	_ =	strace $0x8FFFFFFF  }
0x98: {  	s19 =	sld [smem:$0x3FDB];
	_ =	sdelay $0x1  }
0x99: {  	s4 =	simm.s32 $_scs_section_size  }
0x9a: {  	s5 =	simm.s32 $_size__tile_overlayer_lowered;
	s6 =	simm.s32 $_tile_overlayer_lowered  }
0x9b: {  	s22 =	simm.s32 $0x1BFF;
	s21 =	sshll.u32 s6, $0x1;
	s3 =	sadd.s32 s4, s19  }
0x9c: {  	s7 =	simm.s32 $0x0;
	s20 =	sshll.u32 s5, $0x1;
	s5 =	sadd.s32 s21, s3  }
0x9d: {  	[timem:s7], [sflag:s22] =	dma.local [hbm:s5], s20  }
0x9e: {  	_ =	swait.ge [sflag:s22], s20  }
0x9f: {  	s4 =	ssub.s32 $0x0, s20;
	[sflag:s22] =	ssyncset.done $0x0  }
0xa0: {  	[sflag:s22] =	ssyncadd.s32 s4;
	_ =	sdelay $0x1  }
0xa1: {  	s23 =	simm.s32 $0x1B8B  }
0xa2: {  	_ =	swait.ge [sflag:s23], $0x1  }
0xa3: {  	[sflag:s23] =	ssyncset.done $0x0  }
0xa4: {  	s25 =	simm.s32 $0x1B8E;
	s24 =	sld [smem:$0x3FFE];
	[sflag:s23] =	ssyncadd.s32 $0xFFFFFFFF  }
0xa5: {  	s26 =	simm.s32 $execute0_lowered;
	[smem:$0x3FD2] =	sst s25  }
0xa6: {  	s5 =	sshll.u32 s26, $0x1;
	_ =	strace $0x8000004C;
	[dreg:$0x1] =	wrdreg $0xFFFFFFFF  }
0xa7: {  	s28 =	simm.s32 $_size_execute0_lowered;
	s3 =	sadd.s32 s3, s5;
	[dreg:$0x0] =	wrdreg $0x0  }
0xa8: {  	s5 =	sshll.u32 s28, $0x1;
	[dreg:$0x2] =	wrdreg s3  }
0xa9: {  	[dreg:$0x3] =	wrdreg s5  }
0xaa: {  	[dreg:$0x4] =	wrdreg $0xC0  }
0xab: {  	_ =	task [dreg:s7], $0x5FFFF  }
0xac: {  	[dreg:$0x1] =	wrdreg $0xFFFFFFFF  }
0xad: {  	[dreg:$0x0] =	wrdreg $0x60  }
0xae: {  	[dreg:$0x2] =	wrdreg s2  }
0xaf: {  	[dreg:$0x3] =	wrdreg s24  }
0xb0: {  	[dreg:$0x4] =	wrdreg $0x121000  }
0xb1: {  	[dreg:$0x5] =	wrdreg $0x9  }
0xb2: {  	_ =	task.clear_ibuf [dreg:s7], $0x6FFFF;
	_ =	strace $0x9000004C  }
0xb3: {  	s29 =	simm.s32 $0x9;
	_ =	strace $0x8000004E  }
0xb4: {  	_ =	swait.ge [sflag:s29], $0x1  }
0xb5: {  	[sflag:s29] =	ssyncadd.s32 $0xFFFFFFFF  }
0xb6: {  	_ =	strace $0x9000004E  }
0xb7: {  	_ =	sfence  }
0xb8: {  	s30 =	sld [smem:$0x0];
	_ =	sdelay $0x2  }
0xb9: {  	s31 =	sshll.u32 s1, $0xD;
	s1 =	sshrl.u32 s1, $0x2  }
0xba: {  	s3 =	sand.u32 $0x4000, s31;
	s1 =	sadd.s32 s1, s30  }
0xbb: {  	s0 =	sor.u32 s3, s0;
	s1 =	sshll.u32 s1, $0x11  }
0xbc: {  	s0 =	sor.u32 s1, s0  }
0xbd: {  	s0 =	sadd.s32 $0x8F2B, s0  }
0xbe: {  	[sflag:s0] =	ssyncadd.remote.s32 $0x1  }
0xbf: {  	_ =	sfence.sel $0xFFFF  }
0xc0: {  	[dreg:$0x0] =	wrdreg $0xFFFFFFFF;
	(pc) =	sbr.abs _section_cstart, $3  }
0xc1: {  	[dreg:$0x1] =	wrdreg $0xFFFFFFFF  }
0xc2: {  	_ =	task.clear_ibuf [dreg:s7], $0x2FFFF;
	_ =	strace $0x9FFFFFFF  }
0xc3: {  	(tm) =	ssettm $0x7FFFFFFF  }
tec
execute0_lowered:
.L_overlay_start_1:
0x0: {  	(tag) =	ssettag $0x1  }
0x1: {  	s2 =	rddreg [dreg:$0x0]  }
0x2: {  	s5 =	rddreg [dreg:$0x1]  }
0x3: {  	s3 =	rddreg [dreg:$0x2]  }
0x4: {  	s0 =	rddreg [dreg:$0x3]  }
0x5: {  	s1 =	stileid.u32;
	s7 =	srdreg.scid;
	s4 =	simm.s32 $0x0  }
0x6: {  	s14 =	simm.s32 $0xA100;
	s15 =	simm.s32 $0x80;
	s16 =	simm.s32 $0xE100  }
0x7: {  	s17 =	simm.s32 $0x1;
	s18 =	simm.s32 $0xA000;
	s6 =	smul.u32 $0xA00, s1  }
0x8: {  	s19 =	simm.s32 $0x3;
	s21 =	simm.s32 $0xA080;
	s8 =	smul.u32 $0xA000, s1  }
0x9: {  	s22 =	simm.s32 $0x0;
	s7 =	sand.u32 $0x1, s7;
	s12 =	smul.u32 $0x28000, s1  }
0xa: {  	[smem:$0x7FF] =	sst s4;
	s31 =	sshll.u32 s1, $0x6;
	s9 =	smul.u32 $0xA0000, s7  }
0xb: {  	_ =	strace $0x8000004D;
	s29 =	ssub.s32 $0x2, s7;
	s20 =	smul.u32 $0x1388, s7  }
0xc: {  	s6 =	sadd.s32 s6, s5;
	s10 =	sshrl.u32 s8, $0x3;
	s11 =	sshrl.u32 s29, $0x1  }
0xd: {  	s30 =	sshrl.u32 s12, $0x2;
	s12 =	sor.u32 $0x1C05, s31;
	s10 =	sadd.s32 s10, s5  }
.Ltmp0:
0xe: {  	s8 =	sadd.s32 s8, s9;
	s9 =	ssub.s32 s29, s11;
	(pc) =	sbr.rel .LBB2_1-.Ltmp0, $4  }
0xf: {  	s13 =	sadd.s32 s30, s3;
	s11 =	simm.s32 $0x5000;
	v0 =	vmov s20;
	s20 =	simm.s32 $0x2  }
0x10: {  	s8 =	sshrl.u32 s8, $0x3;
	s7 =	sadd.s32 $0x2D000, s10;
	s9 =	smax.u32 s9, $0x1  }
0x11: {  	s10 =	simm.s32 $0x5;
	s13 =	sshrl.u32 s13, $0x3;
	s8 =	sadd.s32 s8, s5  }
0x12: {  	s5 =	sadd.s32 $0x19000, s6;
	s6 =	sadd.s32 $0x23000, s6;
	s8 =	sadd.s32 $0x41000, s8  }
.LBB2_6:
0x13: {  	_ =	swait.ge [sflag:s19], $0x4000  }
0x14: {  	s22 =	sadd.s32 $0x1, s22;
	[sflag:s19] =	ssyncset.done $0x0  }
0x15: {  	p0 =	sne.s32 s22, s9;
	[sflag:s19] =	ssyncadd.s32 $0xFFFFC000  }
.Ltmp1:
0x16: {  	[bflag:$0x0] =	sbarrier.arrive $0xFFFF;
	(pc) =	sbr.rel @!p0 .LBB2_7-.Ltmp1, $4  }
0x17: {  	[hbm:s8], [sflag:s12] =	dma.local [spmem:s13], $0x1400  }
0x18: {  	_ =	swait.ge [sflag:s10], $0x1400  }
0x19: {  	[sflag:s10] =	ssyncset.done $0x0  }
0x1a: {  	[sflag:s10] =	ssyncadd.s32 $0xFFFFEC00  }
.LBB2_1:
0x1b: {  	[tilespmem:s4], [sflag:$0x5] =	stream.linear.gather [hbm4b:s5+s4], $0x4E80, $0x38;
	[tilespmem:$0x1C100] =	vst v63  }
0x1c: {  	_ =	swait.ge [sflag:s10], $0x4E80  }
0x1d: {  	[sflag:s10] =	ssyncset.done $0x0  }
0x1e: {  	[sflag:s10] =	ssyncadd.s32 $0xFFFFB180  }
0x1f: {  	[tilespmem:s11], [sflag:$0x5] =	stream.linear.gather [hbm4b:s6+s4], $0x4E80, $0x38;
	[tilespmem:$0x1C100] =	vst v63  }
0x20: {  	_ =	swait.ge [sflag:s10], $0x4E80  }
0x21: {  	[sflag:s10] =	ssyncset.done $0x0  }
0x22: {  	[sflag:s10] =	ssyncadd.s32 $0xFFFFB180  }
0x23: {  	[spmem:s13], [sflag:s12] =	dma.local [hbm:s7], $0x1400  }
.Ltmp2:
0x24: {  	_ =	swait.ge [sflag:s10], $0x1400;
	(pc) =	sbr.rel .LBB2_2-.Ltmp2, $4  }
0x25: {  	[sflag:s10] =	ssyncset.done $0x0  }
0x26: {  	s23 =	simm.s32 $0x5040;
	[sflag:s10] =	ssyncadd.s32 $0xFFFFEC00  }
0x27: {  	s24 =	simm.s32 $0x80;
	s25 =	simm.s32 $0x0;
	[bflag:$0x0] =	sbarrier.arrive $0xFFFF  }
0x28: {  	[tilespmem:s14], [sflag:$0x1] =	stream.indirect.gather [hbm4b:s2+s15], $0x80, s4, s15, $0xb8;
	[tilespmem:$0x1C100] =	vst v63  }
.LBB2_4:
0x29: {  	_ =	swait.ge [sflag:s19], $0x4000;
	s26 =	sshll.u32 s25, $0x3  }
0x2a: {  	[sflag:s19] =	ssyncset.done $0x0;
	s28 =	sand.u32 $0xFFF8, s26  }
0x2b: {  	[sflag:s19] =	ssyncadd.s32 $0xFFFFC000;
	s28 =	smul.u32 $0xAAAB, s28  }
0x2c: {  	[tilespmem:s14], [sflag:$0x1] =	stream.indirect.gather [hbm4b:s2+s15], $0x80, s24, s15, $0xb8;
	[tilespmem:$0x1C100] =	vst v63  }
0x2d: {  	v1 =	vld [tilespmem:s23+$0xFFFFFFC0]  }
0x2e: {  	s28 =	sshrl.u32 s28, $0x15  }
0x2f: {  	s28 =	smul.u32 $0x30, s28;
	_ =	sdelay $0x1  }
0x30: {  	s28 =	ssub.s32 s26, s28  }
0x31: {  	s28 =	sadd.s32 $0x1388, s28;
	v1 =	vsub.s32 v1, v0  }
0x32: {  	s29 =	sor.u32 $0x1, s26;
	s28 =	sand.u32 $0xFFF8, s28;
	vm0 =	vlt.u32 v1, $0x1388  }
0x33: {  	s31 =	sand.u32 $0xFFF9, s29;
	v1 =	vnsel vm0, s28, v1  }
0x34: {  	s28 =	smul.u32 $0xAAAB, s31;
	[tilespmem:$0xA080] =	vst v1  }
0x35: {  	v1 =	vld [tilespmem:s23+$0xFFFFFFD0]  }
0x36: {  	s28 =	sshrl.u32 s28, $0x15  }
0x37: {  	s28 =	smul.u32 $0x30, s28;
	_ =	sdelay $0x1  }
0x38: {  	s28 =	ssub.s32 s29, s28  }
0x39: {  	s28 =	sadd.s32 $0x1388, s28;
	v1 =	vsub.s32 v1, v0  }
0x3a: {  	s30 =	sor.u32 $0x2, s26;
	s28 =	sand.u32 $0xFFF9, s28;
	vm9 =	vlt.u32 v1, $0x1388  }
0x3b: {  	s31 =	sand.u32 $0xFFFA, s30;
	v1 =	vnsel vm9, s28, v1  }
0x3c: {  	s28 =	smul.u32 $0xAAAB, s31;
	[tilespmem:$0xA090] =	vst v1  }
0x3d: {  	v1 =	vld [tilespmem:s23+$0xFFFFFFE0]  }
0x3e: {  	s28 =	sshrl.u32 s28, $0x15  }
0x3f: {  	s28 =	smul.u32 $0x30, s28;
	_ =	sdelay $0x1  }
0x40: {  	s28 =	ssub.s32 s30, s28  }
0x41: {  	s28 =	sadd.s32 $0x1388, s28;
	v1 =	vsub.s32 v1, v0  }
0x42: {  	s30 =	sor.u32 $0x3, s26;
	s28 =	sand.u32 $0xFFFA, s28;
	vm10 =	vlt.u32 v1, $0x1388  }
0x43: {  	s31 =	sand.u32 $0xFFFB, s30;
	v1 =	vnsel vm10, s28, v1  }
0x44: {  	s28 =	smul.u32 $0xAAAB, s31;
	[tilespmem:$0xA0A0] =	vst v1  }
0x45: {  	v1 =	vld [tilespmem:s23+$0xFFFFFFF0]  }
0x46: {  	s28 =	sshrl.u32 s28, $0x15  }
0x47: {  	s28 =	smul.u32 $0x30, s28;
	_ =	sdelay $0x1  }
0x48: {  	s28 =	ssub.s32 s30, s28  }
0x49: {  	s28 =	sadd.s32 $0x1388, s28;
	v1 =	vsub.s32 v1, v0  }
0x4a: {  	s30 =	sor.u32 $0x4, s26;
	s28 =	sand.u32 $0xFFFB, s28;
	vm11 =	vlt.u32 v1, $0x1388  }
0x4b: {  	s31 =	sand.u32 $0xFFFC, s30;
	v1 =	vnsel vm11, s28, v1  }
0x4c: {  	s28 =	smul.u32 $0xAAAB, s31;
	[tilespmem:$0xA0B0] =	vst v1  }
0x4d: {  	v1 =	vld [tilespmem:s23+$0x0]  }
0x4e: {  	s28 =	sshrl.u32 s28, $0x15  }
0x4f: {  	s28 =	smul.u32 $0x30, s28;
	_ =	sdelay $0x1  }
0x50: {  	s28 =	ssub.s32 s30, s28  }
0x51: {  	s28 =	sadd.s32 $0x1388, s28;
	v1 =	vsub.s32 v1, v0  }
0x52: {  	s30 =	sor.u32 $0x5, s26;
	s28 =	sand.u32 $0xFFFC, s28;
	vm12 =	vlt.u32 v1, $0x1388  }
0x53: {  	s31 =	sand.u32 $0xFFFD, s30;
	v1 =	vnsel vm12, s28, v1  }
0x54: {  	s28 =	smul.u32 $0xAAAB, s31;
	[tilespmem:$0xA0C0] =	vst v1  }
0x55: {  	v1 =	vld [tilespmem:s23+$0x10]  }
0x56: {  	s28 =	sshrl.u32 s28, $0x15  }
0x57: {  	s28 =	smul.u32 $0x30, s28;
	_ =	sdelay $0x1  }
0x58: {  	s28 =	ssub.s32 s30, s28  }
0x59: {  	s28 =	sadd.s32 $0x1388, s28;
	v1 =	vsub.s32 v1, v0  }
0x5a: {  	s26 =	sor.u32 $0x6, s26;
	s28 =	sand.u32 $0xFFFD, s28;
	vm13 =	vlt.u32 v1, $0x1388  }
0x5b: {  	s29 =	sand.u32 $0xFFFE, s26;
	v1 =	vnsel vm13, s28, v1  }
0x5c: {  	s28 =	smul.u32 $0xAAAB, s29;
	[tilespmem:$0xA0D0] =	vst v1  }
0x5d: {  	v1 =	vld [tilespmem:s23+$0x20]  }
0x5e: {  	s28 =	sshrl.u32 s28, $0x15  }
0x5f: {  	s28 =	smul.u32 $0x30, s28;
	_ =	sdelay $0x1  }
0x60: {  	s26 =	ssub.s32 s26, s28  }
0x61: {  	s26 =	sadd.s32 $0x1388, s26;
	v1 =	vsub.s32 v1, v0  }
0x62: {  	s30 =	sshllo.u32 s25, $0x3;
	s26 =	sand.u32 $0xFFFE, s26;
	vm14 =	vlt.u32 v1, $0x1388  }
0x63: {  	s31 =	sand.u32 $0xFFFF, s30;
	v1 =	vnsel vm14, s26, v1  }
0x64: {  	s26 =	smul.u32 $0xAAAB, s31;
	[tilespmem:$0xA0E0] =	vst v1  }
0x65: {  	v1 =	vld [tilespmem:s23+$0x30]  }
0x66: {  	s26 =	sshrl.u32 s26, $0x15  }
0x67: {  	s26 =	smul.u32 $0x30, s26;
	_ =	sdelay $0x1  }
0x68: {  	s26 =	ssub.s32 s30, s26  }
0x69: {  	s26 =	sadd.s32 $0x1388, s26;
	v1 =	vsub.s32 v1, v0  }
0x6a: {  	s26 =	sand.u32 $0xFFFF, s26;
	vm15 =	vlt.u32 v1, $0x1388  }
0x6b: {  	v1 =	vnsel vm15, s26, v1  }
0x6c: {  	[tilespmem:$0xA0F0] =	vst v1  }
0x6d: {  	_ =	swait.ge [sflag:s20], $0x4000  }
0x6e: {  	[sflag:s20] =	ssyncset.done $0x0  }
0x6f: {  	[sflag:s20] =	ssyncadd.s32 $0xFFFFC000  }
0x70: {  	[spmem:s3] =	stream.indirect.scatter.add.f32 [tilespmem:s16], [sflag:$0x4], $0x80, s21, s15, $0xb8;
	[tilespmem:$0x1C100] =	vst v63  }
.LBB2_5:
0x71: {  	s25 =	sadd.s32 $0x1, s25  }
0x72: {  	p0 =	sne.s32 s25, $0x9D  }
.Ltmp3:
0x73: {  	_ = 	snop;
	(pc) =	sbr.rel @!p0 .LBB2_6-.Ltmp3, $2  }
0x74: {  	_ =	sdelay $0x2  }
0x75: {  	s24 =	sadd.s32 $0x80, s24;
	s23 =	sadd.s32 $0x80, s23  }
.LBB2_2:
0x76: {  	s26 =	sand.u32 $0x1, s25  }
0x77: {  	p0 =	seq.s32 s26, $0x1  }
.Ltmp4:
0x78: {  	_ = 	snop;
	(pc) =	sbr.rel @p0 .LBB2_4-.Ltmp4, $1  }
0x79: {  	_ =	sdelay $0x3  }
0x7a: {  	p0 =	seq.s32 s25, $0x0  }
0x7b: {  	s26 =	simm.s32 @!p0 $0x4  }
0x7c: {  	s28 =	sadd.s32 @!p0 $0x1, s25;
	_ =	swait.ge @!p0 [sflag:s26], $0x4000  }
0x7d: {  	p1 =	sgt.u32 @!p0 s28, $0x9C;
	[sflag:s26] =	ssyncset.done @!p0 $0x0  }
0x7e: {  	p1 =	por p0, !p1;
	[sflag:s26] =	ssyncadd.s32 @!p0 $0xFFFFC000;
	s26 =	sshll.u32 s25, $0x3  }
0x7f: {  	[tilespmem:s16], [sflag:$0x2] =	stream.indirect.gather @p1 [hbm4b:s2+s15], $0x80, s24, s15, $0xb8;
	[tilespmem:$0x1C100] =	vst v63  }
0x80: {  	s30 =	sand.u32 $0xFFF8, s26  }
0x81: {  	s28 =	smul.u32 $0xAAAB, s30  }
0x82: {  	v1 =	vld [tilespmem:s23+$0xFFFFFFC0]  }
0x83: {  	s28 =	sshrl.u32 s28, $0x15  }
0x84: {  	s28 =	smul.u32 $0x30, s28;
	_ =	sdelay $0x1  }
0x85: {  	s28 =	ssub.s32 s26, s28  }
0x86: {  	v1 =	vsub.s32 v1, v0;
	s28 =	sor.u32 $0x1388, s28  }
0x87: {  	s29 =	sor.u32 $0x1, s26;
	vm0 =	vlt.u32 v1, $0x1388;
	s28 =	sand.u32 $0xFFF8, s28  }
0x88: {  	s31 =	sand.u32 $0xFFF9, s29;
	v1 =	vnsel vm0, s28, v1  }
0x89: {  	s28 =	smul.u32 $0xAAAB, s31;
	[tilespmem:$0xA000] =	vst v1  }
0x8a: {  	v1 =	vld [tilespmem:s23+$0xFFFFFFD0]  }
0x8b: {  	s28 =	sshrl.u32 s28, $0x15  }
0x8c: {  	s28 =	smul.u32 $0x30, s28;
	_ =	sdelay $0x1  }
0x8d: {  	s28 =	ssub.s32 s29, s28  }
0x8e: {  	s28 =	sor.u32 $0x1388, s28;
	v1 =	vsub.s32 v1, v0  }
0x8f: {  	s30 =	sor.u32 $0x2, s26;
	s28 =	sand.u32 $0xFFF9, s28;
	vm9 =	vlt.u32 v1, $0x1388  }
0x90: {  	s31 =	sand.u32 $0xFFFA, s30;
	v1 =	vnsel vm9, s28, v1  }
0x91: {  	s28 =	smul.u32 $0xAAAB, s31;
	[tilespmem:$0xA010] =	vst v1  }
0x92: {  	v1 =	vld [tilespmem:s23+$0xFFFFFFE0]  }
0x93: {  	s28 =	sshrl.u32 s28, $0x15  }
0x94: {  	s28 =	smul.u32 $0x30, s28;
	_ =	sdelay $0x1  }
0x95: {  	s28 =	ssub.s32 s30, s28  }
0x96: {  	s28 =	sor.u32 $0x1388, s28;
	v1 =	vsub.s32 v1, v0  }
0x97: {  	s30 =	sor.u32 $0x3, s26;
	s28 =	sand.u32 $0xFFFA, s28;
	vm10 =	vlt.u32 v1, $0x1388  }
0x98: {  	s31 =	sand.u32 $0xFFFB, s30;
	v1 =	vnsel vm10, s28, v1  }
0x99: {  	s28 =	smul.u32 $0xAAAB, s31;
	[tilespmem:$0xA020] =	vst v1  }
0x9a: {  	v1 =	vld [tilespmem:s23+$0xFFFFFFF0]  }
0x9b: {  	s28 =	sshrl.u32 s28, $0x15  }
0x9c: {  	s28 =	smul.u32 $0x30, s28;
	_ =	sdelay $0x1  }
0x9d: {  	s28 =	ssub.s32 s30, s28  }
0x9e: {  	s28 =	sor.u32 $0x1388, s28;
	v1 =	vsub.s32 v1, v0  }
0x9f: {  	s30 =	sor.u32 $0x4, s26;
	s28 =	sand.u32 $0xFFFB, s28;
	vm11 =	vlt.u32 v1, $0x1388  }
0xa0: {  	s31 =	sand.u32 $0xFFFC, s30;
	v1 =	vnsel vm11, s28, v1  }
0xa1: {  	s28 =	smul.u32 $0xAAAB, s31;
	[tilespmem:$0xA030] =	vst v1  }
0xa2: {  	v1 =	vld [tilespmem:s23+$0x0]  }
0xa3: {  	s28 =	sshrl.u32 s28, $0x15  }
0xa4: {  	s28 =	smul.u32 $0x30, s28;
	_ =	sdelay $0x1  }
0xa5: {  	s28 =	ssub.s32 s30, s28  }
0xa6: {  	s28 =	sor.u32 $0x1388, s28;
	v1 =	vsub.s32 v1, v0  }
0xa7: {  	s30 =	sor.u32 $0x5, s26;
	s28 =	sand.u32 $0xFFFC, s28;
	vm12 =	vlt.u32 v1, $0x1388  }
0xa8: {  	s31 =	sand.u32 $0xFFFD, s30;
	v1 =	vnsel vm12, s28, v1  }
0xa9: {  	s28 =	smul.u32 $0xAAAB, s31;
	[tilespmem:$0xA040] =	vst v1  }
0xaa: {  	v1 =	vld [tilespmem:s23+$0x10]  }
0xab: {  	s28 =	sshrl.u32 s28, $0x15  }
0xac: {  	s28 =	smul.u32 $0x30, s28;
	_ =	sdelay $0x1  }
0xad: {  	s28 =	ssub.s32 s30, s28  }
0xae: {  	s28 =	sor.u32 $0x1388, s28;
	v1 =	vsub.s32 v1, v0  }
0xaf: {  	s26 =	sor.u32 $0x6, s26;
	s28 =	sand.u32 $0xFFFD, s28;
	vm13 =	vlt.u32 v1, $0x1388  }
0xb0: {  	s29 =	sand.u32 $0xFFFE, s26;
	v1 =	vnsel vm13, s28, v1  }
0xb1: {  	s28 =	smul.u32 $0xAAAB, s29;
	[tilespmem:$0xA050] =	vst v1  }
0xb2: {  	v1 =	vld [tilespmem:s23+$0x20]  }
0xb3: {  	s28 =	sshrl.u32 s28, $0x15  }
0xb4: {  	s28 =	smul.u32 $0x30, s28;
	_ =	sdelay $0x1  }
0xb5: {  	s26 =	ssub.s32 s26, s28  }
0xb6: {  	s26 =	sor.u32 $0x1388, s26;
	v1 =	vsub.s32 v1, v0  }
0xb7: {  	s30 =	sshllo.u32 s25, $0x3;
	s26 =	sand.u32 $0xFFFE, s26;
	vm14 =	vlt.u32 v1, $0x1388  }
0xb8: {  	s31 =	sand.u32 $0xFFFF, s30;
	v1 =	vnsel vm14, s26, v1  }
0xb9: {  	s26 =	smul.u32 $0xAAAB, s31;
	[tilespmem:$0xA060] =	vst v1  }
0xba: {  	v1 =	vld [tilespmem:s23+$0x30]  }
0xbb: {  	s26 =	sshrl.u32 s26, $0x15  }
0xbc: {  	s26 =	smul.u32 $0x30, s26;
	_ =	sdelay $0x1  }
0xbd: {  	s26 =	ssub.s32 s30, s26  }
0xbe: {  	s26 =	sor.u32 $0x1388, s26;
	v1 =	vsub.s32 v1, v0  }
0xbf: {  	s26 =	sand.u32 $0xFFFF, s26;
	vm15 =	vlt.u32 v1, $0x1388  }
0xc0: {  	v1 =	vnsel vm15, s26, v1  }
.Ltmp5:
0xc1: {  	[tilespmem:$0xA070] =	vst v1;
	(pc) =	sbr.rel .LBB2_5-.Ltmp5, $4  }
0xc2: {  	_ =	swait.ge [sflag:s17], $0x4000  }
0xc3: {  	[sflag:s17] =	ssyncset.done $0x0  }
0xc4: {  	[sflag:s17] =	ssyncadd.s32 $0xFFFFC000  }
0xc5: {  	[spmem:s3] =	stream.indirect.scatter.add.f32 [tilespmem:s14], [sflag:$0x3], $0x80, s18, s15, $0xb8;
	[tilespmem:$0x1C100] =	vst v63  }
.LBB2_7:
0xc6: {  	_ =	sfence.sel $0x180000  }
0xc7: {  	[bflag:$0x0] =	sbarrier.arrive $0xFFFF  }
0xc8: {  	p0 =	sne.s32 s1, $0x0;
	_ =	strace $0x9000004D  }
0xc9: {  	s0 =	sadd.s32 @!p0 $0x100000, s0;
	[bflag:$0x2] =	sbarrier.arrive $0xFFFF  }
0xca: {  	[sflag:s0] =	ssyncadd.tile.s32 @!p0 $0x1;
	_ =	shalt  }
.Lfunc_end2:
_tile_overlayer_lowered:
.L_overlay_start_2:
0xcb: {  	(tag) =	ssettag $0x2  }
0xcc: {  	s0 =	rddreg [dreg:$0x0];
	s2 =	stileid.u32  }
0xcd: {  	s1 =	rddreg [dreg:$0x1];
	p0 =	sne.s32 s2, $0x0  }
0xce: {  	s3 =	rddreg [dreg:$0x2];
	[bflag:$0x3] =	sbarrier.arrive $0xFFFF;
	s2 =	simm.s32 @!p0 $0x1C05  }
0xcf: {  	[timem:s3], [sflag:s2] =	dma.local @!p0 [hbm:s0], s1  }
0xd0: {  	s0 =	simm.s32 @!p0 $0x5  }
0xd1: {  	_ =	swait.ge @!p0 [sflag:s0], s1  }
0xd2: {  	s1 =	ssub.s32 @!p0 $0x0, s1;
	[sflag:s0] =	ssyncset.done @!p0 $0x0  }
0xd3: {  	[sflag:s0] =	ssyncadd.s32 @!p0 s1  }
0xd4: {  	[bflag:$0x3] =	sbarrier.arrive $0xFFFF  }
0xd5: {  	_ =	shalt  }

</sc_bundles>
